<compile_context>
chip_gen: v7x
topology: tpu7x:2x2x1
jax: 0.10.2.dev20260603
libtpu: 0.0.44.dev20260713+nightly
codegen_flags: <defaults>
</compile_context>

<pallas_src>
import functools

import jax
import jax.numpy as jnp
from jax import lax
from jax.experimental import pallas as pl
from jax.experimental.pallas import tpu as pltpu
from jax.experimental.pallas import tpu_sc as plsc

NTOKEN = 1000000
NINP = 64
NC = 2
NS = 16
NW = NC * NS
CH = 128
NBUF = 4
KAHEAD = NBUF - 1
TBLK = 256
NFULL = NTOKEN // TBLK
NTAIL = NTOKEN - NFULL * TBLK


def _pack_body(wt_hbm, tail_hbm, w4_hbm, f0, f1, t0, t1, tlb,
               fs0, fs1, ts0, ts1):
    fbufs, tbufs = (f0, f1), (t0, t1)
    fsems, tsems = (fs0, fs1), (ts0, ts1)
    wid = lax.axis_index("s") * NC + lax.axis_index("c")
    per = NFULL // NW
    ext = NFULL - per * NW
    start = wid * per + jnp.minimum(wid, ext)
    cnt = per + jnp.where(wid < ext, 1, 0)

    rows = [lax.iota(jnp.int32, 16) + d0 for d0 in range(0, NINP, 16)]
    diag = [
        lax.rem(lax.iota(jnp.int32, 16) + s, jnp.full((16,), 16, jnp.int32))
        for s in range(16)
    ]

    def fire(c, b):
        pltpu.async_copy(
            wt_hbm.at[:, pl.ds((start + c) * TBLK, TBLK)], fbufs[b],
            fsems[b])

    def wait_in(c, b):
        pltpu.make_async_copy(
            wt_hbm.at[:, pl.ds((start + c) * TBLK, TBLK)], fbufs[b],
            fsems[b]).wait()

    def put(c, b):
        pltpu.async_copy(
            tbufs[b], w4_hbm.at[pl.ds((start + c) * TBLK, TBLK)], tsems[b])

    def wait_put(c, b):
        pltpu.make_async_copy(
            tbufs[b], w4_hbm.at[pl.ds((start + c) * TBLK, TBLK)],
            tsems[b]).wait()

    def transpose(b):
        fb, tb = fbufs[b], tbufs[b]

        def grp(g, carry):
            j0 = 16 * g
            for s in range(16):
                cols = j0 + diag[s]
                for i in range(NINP // 16):
                    v = plsc.load_gather(fb, [rows[i], cols])
                    plsc.store_scatter(tb, [cols, rows[i]], v)
            return carry
        lax.fori_loop(0, TBLK // 16, grp, None)

    for b in range(2):
        pl.when(b < cnt)(functools.partial(fire, b, b))

    def step(c, carry):
        b0 = lax.rem(c, 2)

        def do(b):
            wait_in(c, b)
            pl.when(c >= 2)(functools.partial(wait_put, c - 2, b))
            transpose(b)
            put(c, b)
            pl.when(c + 2 < cnt)(functools.partial(fire, c + 2, b))
        pl.when(b0 == 0)(functools.partial(do, 0))
        pl.when(b0 == 1)(functools.partial(do, 1))
        return carry

    lax.fori_loop(0, cnt, step, None)
    for b in range(2):
        pl.when((cnt >= 2) & (lax.rem(cnt - 2, 2) == b))(
            functools.partial(wait_put, cnt - 2, b))
        pl.when((cnt >= 1) & (lax.rem(cnt - 1, 2) == b))(
            functools.partial(wait_put, cnt - 1, b))

    @pl.when(wid == NW - 1)
    def _():
        pltpu.sync_copy(tail_hbm, tlb)

        def tok(jj, carry):
            for i in range(NINP // 16):
                t0[jj, pl.ds(16 * i, 16)] = tlb[jj, pl.ds(16 * i, 16)]
            return carry
        lax.fori_loop(0, NTAIL, tok, None)
        pltpu.sync_copy(
            t0.at[pl.ds(0, NTAIL)], w4_hbm.at[pl.ds(NFULL * TBLK, NTAIL)])


def _embed_body(w4_hbm, p_hbm, out_hbm, p_v, *rest):
    n = p_hbm.shape[0] // NW
    nch = n // CH
    bufs = rest[:NBUF]
    cbufs = rest[NBUF:NBUF + 2]
    gsems = rest[NBUF + 2:2 * NBUF + 2]
    wsems = rest[2 * NBUF + 2:]

    wid = lax.axis_index("s") * NC + lax.axis_index("c")
    base = wid * n
    pltpu.sync_copy(p_hbm.at[pl.ds(base, n)], p_v)

    def fire(j, b):
        pltpu.async_copy(
            w4_hbm.at[p_v.at[pl.ds(j * CH, CH)]], bufs[b], gsems[b])

    def wait_gather(j, b):
        pltpu.make_async_copy(
            w4_hbm.at[p_v.at[pl.ds(j * CH, CH)]], bufs[b], gsems[b]).wait()

    def compact(b, cb):
        def row(r, carry):
            for i in range(NINP // 16):
                cbufs[cb][r, pl.ds(16 * i, 16)] = (
                    bufs[b][r, pl.ds(16 * i, 16)])
            return carry
        lax.fori_loop(0, CH, row, None)

    def put(j, cb):
        pltpu.async_copy(
            cbufs[cb], out_hbm.at[pl.ds((wid * nch + j) * CH, CH)],
            wsems[cb])

    def wait_put(j, cb):
        pltpu.make_async_copy(
            cbufs[cb], out_hbm.at[pl.ds((wid * nch + j) * CH, CH)],
            wsems[cb]).wait()

    for c in range(KAHEAD):
        fire(c, c)

    def group(g, carry):
        for bb in range(NBUF):
            j = g * NBUF + bb
            cb = bb % 2
            wait_gather(j, bb)
            pl.when(j >= 2)(lambda: wait_put(j - 2, cb))
            compact(bb, cb)
            put(j, cb)
            sl = (bb + KAHEAD) % NBUF
            pl.when(j + KAHEAD < nch)(lambda: fire(j + KAHEAD, sl))
        return carry

    lax.fori_loop(0, nch // NBUF, group, None)

    wait_put(nch - 2, (nch - 2) % 2)
    wait_put(nch - 1, (nch - 1) % 2)


_MESH = dict(core_axis_name="c", subcore_axis_name="s",
             num_cores=NC, num_subcores=NS)


def _make_pack():
    scratch = [pltpu.VMEM((NINP, TBLK), jnp.float32) for _ in range(2)]
    scratch += [pltpu.VMEM((TBLK, 128), jnp.float32) for _ in range(2)]
    scratch += [pltpu.VMEM((NTAIL, 128), jnp.float32)]
    scratch += [pltpu.SemaphoreType.DMA for _ in range(4)]
    return pl.kernel(
        _pack_body,
        out_type=jax.ShapeDtypeStruct((NTOKEN, 128), jnp.float32),
        mesh=plsc.VectorSubcoreMesh(**_MESH),
        scratch_types=scratch,
        compiler_params=pltpu.CompilerParams(
            use_tc_tiling_on_sc=True, needs_layout_passes=False),
    )


def _make_gather(n_total):
    per_w = n_total // NW
    scratch = [pltpu.VMEM((per_w,), jnp.int32)]
    scratch += [pltpu.VMEM((CH, 128), jnp.float32) for _ in range(NBUF)]
    scratch += [pltpu.VMEM((CH, NINP), jnp.float32) for _ in range(2)]
    scratch += [pltpu.SemaphoreType.DMA for _ in range(NBUF)]
    scratch += [pltpu.SemaphoreType.DMA for _ in range(2)]
    return pl.kernel(
        _embed_body,
        out_type=jax.ShapeDtypeStruct((n_total, NINP), jnp.float32),
        mesh=plsc.VectorSubcoreMesh(**_MESH),
        scratch_types=scratch,
        compiler_params=pltpu.CompilerParams(use_tc_tiling_on_sc=True),
    )


@jax.jit
def kernel(input, weight):
    b, l = input.shape
    n_total = b * l
    flat = input.reshape(n_total).astype(jnp.int32)
    tail = jnp.pad(weight[NFULL * TBLK:], ((0, 0), (0, 128 - NINP)))
    w4 = _make_pack()(weight.T, tail)
    out = _make_gather(n_total)(w4, flat)
    return out.reshape(b, l, NINP)

# --- scband reference (transcript-rebuilt; emitter-appended) ---
"""Pipeline reference for scband-encoder-66065186947303 (READ-ONLY COPY).

The authoritative reference and input builder live on the scoring server;
editing this copy changes nothing except your own understanding.
"""

import jax, jax.numpy as jnp
import numpy as np

NTOKEN = 1000000
NINP = 64
B = 4096
L = 200

def setup_inputs(seed: int = 0) -> dict:
    key = jax.random.key(seed)
    k_idx, k_w = jax.random.split(key)
    input_ids = jax.random.randint(k_idx, (B, L), 0, NTOKEN, dtype=jnp.int64)
    # encoder.weight.data.uniform_(-0.1, 0.1)
    weight = jax.random.uniform(k_w, (NTOKEN, NINP), dtype=jnp.float32, minval=-0.1, maxval=0.1)
    return {"input": input_ids, "weight": weight}

def reference(input, weight):
    # Encoder.forward: self.drop(self.encoder(input))
    # Dropout is identity in eval mode; embedding is a row gather.
    emb = jnp.take(weight, input, axis=0)  # [B, L, NINP]
    return emb

if __name__ == "__main__":
    import jax
    _d = setup_inputs()
    print(jax.jit(kernel)(*tuple(_d.values())))

</pallas_src>

<mosaic_0001>
#map = affine_map<(d0, d1) -> (0, 0)>
#map1 = affine_map<(d0, d1) -> (0)>
module attributes {stable_mosaic.version = 14 : i64} {
  func.func @_embed_body(%arg0: i32, %arg1: i32, %arg2: memref<1000000x128xf32, #tpu.memory_space<hbm>>, %arg3: memref<819200xi32, #tpu.memory_space<hbm>>, %arg4: memref<819200x64xf32, #tpu.memory_space<hbm>>, %arg5: memref<25600xi32, #tpu.memory_space<vmem>>, %arg6: memref<128x128xf32, #tpu.memory_space<vmem>>, %arg7: memref<128x128xf32, #tpu.memory_space<vmem>>, %arg8: memref<128x128xf32, #tpu.memory_space<vmem>>, %arg9: memref<128x128xf32, #tpu.memory_space<vmem>>, %arg10: memref<128x64xf32, #tpu.memory_space<vmem>>, %arg11: memref<128x64xf32, #tpu.memory_space<vmem>>, %arg12: memref<!tpu.dma_semaphore, #tpu.memory_space<semaphore_mem>>, %arg13: memref<!tpu.dma_semaphore, #tpu.memory_space<semaphore_mem>>, %arg14: memref<!tpu.dma_semaphore, #tpu.memory_space<semaphore_mem>>, %arg15: memref<!tpu.dma_semaphore, #tpu.memory_space<semaphore_mem>>, %arg16: memref<!tpu.dma_semaphore, #tpu.memory_space<semaphore_mem>>, %arg17: memref<!tpu.dma_semaphore, #tpu.memory_space<semaphore_mem>>) attributes {dimension_semantics = [#tpu.dimension_semantics<core_parallel>, #tpu.dimension_semantics<subcore_parallel>], iteration_bounds = array<i64: 2, 16>, scalar_prefetch = 0 : i64, scratch_operands = 13 : i64, tpu.core_type = #tpu.core_type<sc_vector_subcore>, window_params = [{transform_indices = #map}, {transform_indices = #map1}, {transform_indices = #map}]} {
    %mul3A = arith.constant 2 : i32
    %mul3A_0 = arith.muli %arg1, %mul3A : i32
    %add3A = arith.addi %mul3A_0, %arg0 : i32
    %mul3A_1 = arith.constant 25600 : i32
    %mul3A_2 = arith.muli %add3A, %mul3A_1 : i32
    "tpu.region"() ({
      %run_scoped3A = tpu.sem_alloc : memref<!tpu.dma_semaphore, #tpu.memory_space<semaphore_mem>>
      %dma_start3A_40 = tpu.memref_slice %arg3[%mul3A_2] : memref<819200xi32, #tpu.memory_space<hbm>> -> memref<25600xi32, #tpu.memory_space<hbm>>
      %dma_start3A_41 = tpu.memref_slice %arg3[%mul3A_2] : memref<819200xi32, #tpu.memory_space<hbm>> -> memref<25600xi32, #tpu.memory_space<hbm>>
      tpu.enqueue_dma source(%dma_start3A_41 : memref<25600xi32, #tpu.memory_space<hbm>>) target(%arg5 : memref<25600xi32, #tpu.memory_space<vmem>>) target_semaphore(%run_scoped3A : memref<!tpu.dma_semaphore, #tpu.memory_space<semaphore_mem>>)
      %dma_wait3A_42 = tpu.memref_slice %arg3[%mul3A_2] : memref<819200xi32, #tpu.memory_space<hbm>> -> memref<25600xi32, #tpu.memory_space<hbm>>
      %dma_wait3A_43 = tpu.memref_slice %arg3[%mul3A_2] : memref<819200xi32, #tpu.memory_space<hbm>> -> memref<25600xi32, #tpu.memory_space<hbm>>
      tpu.wait_dma2 semaphore(%run_scoped3A : memref<!tpu.dma_semaphore, #tpu.memory_space<semaphore_mem>>) src(%dma_wait3A_43 : memref<25600xi32, #tpu.memory_space<hbm>>) dst(%arg5 : memref<25600xi32, #tpu.memory_space<vmem>>)
      tpu.yield
    }) : () -> ()
    %dma_start3A = arith.constant 0 : i32
    %dma_start3A_3 = tpu.memref_slice %arg5[%dma_start3A] : memref<25600xi32, #tpu.memory_space<vmem>> -> memref<128xi32, #tpu.memory_space<vmem>>
    %dma_start3A_4 = arith.constant 0 : i32
    %dma_start3A_5 = arith.constant 0 : i32
    %dma_start3A_6 = tpu.memref_slice %arg2[%dma_start3A_4, %dma_start3A_5] : memref<1000000x128xf32, #tpu.memory_space<hbm>> -> memref<1000000x128xf32, #tpu.memory_space<hbm>>
    tpu.enqueue_indirect_dma source(%dma_start3A_6 : memref<1000000x128xf32, #tpu.memory_space<hbm>>) target(%arg6 : memref<128x128xf32, #tpu.memory_space<vmem>>) offsets(%dma_start3A_3 : memref<128xi32, #tpu.memory_space<vmem>>) semaphore(%arg12 : memref<!tpu.dma_semaphore, #tpu.memory_space<semaphore_mem>>)
    %dma_start3A_7 = arith.constant 128 : i32
    %dma_start3A_8 = tpu.memref_slice %arg5[%dma_start3A_7] : memref<25600xi32, #tpu.memory_space<vmem>> -> memref<128xi32, #tpu.memory_space<vmem>>
    %dma_start3A_9 = arith.constant 0 : i32
    %dma_start3A_10 = arith.constant 0 : i32
    %dma_start3A_11 = tpu.memref_slice %arg2[%dma_start3A_9, %dma_start3A_10] : memref<1000000x128xf32, #tpu.memory_space<hbm>> -> memref<1000000x128xf32, #tpu.memory_space<hbm>>
    tpu.enqueue_indirect_dma source(%dma_start3A_11 : memref<1000000x128xf32, #tpu.memory_space<hbm>>) target(%arg7 : memref<128x128xf32, #tpu.memory_space<vmem>>) offsets(%dma_start3A_8 : memref<128xi32, #tpu.memory_space<vmem>>) semaphore(%arg13 : memref<!tpu.dma_semaphore, #tpu.memory_space<semaphore_mem>>)
    %dma_start3A_12 = arith.constant 256 : i32
    %dma_start3A_13 = tpu.memref_slice %arg5[%dma_start3A_12] : memref<25600xi32, #tpu.memory_space<vmem>> -> memref<128xi32, #tpu.memory_space<vmem>>
    %dma_start3A_14 = arith.constant 0 : i32
    %dma_start3A_15 = arith.constant 0 : i32
    %dma_start3A_16 = tpu.memref_slice %arg2[%dma_start3A_14, %dma_start3A_15] : memref<1000000x128xf32, #tpu.memory_space<hbm>> -> memref<1000000x128xf32, #tpu.memory_space<hbm>>
    tpu.enqueue_indirect_dma source(%dma_start3A_16 : memref<1000000x128xf32, #tpu.memory_space<hbm>>) target(%arg8 : memref<128x128xf32, #tpu.memory_space<vmem>>) offsets(%dma_start3A_13 : memref<128xi32, #tpu.memory_space<vmem>>) semaphore(%arg14 : memref<!tpu.dma_semaphore, #tpu.memory_space<semaphore_mem>>)
    %scan3A = arith.constant 0 : i32
    %scan3A_17 = arith.constant 50 : i32
    %scan3A_18 = arith.addi %scan3A, %scan3A_17 : i32
    %scan3A_19 = arith.constant 1 : i32
    scf.for %scan3A_40 = %scan3A to %scan3A_18 step %scan3A_19  : i32 {
      %mul3A_41 = arith.constant 4 : i32
      %mul3A_42 = arith.muli %scan3A_40, %mul3A_41 : i32
      %add3A_43 = arith.constant 0 : i32
      %add3A_44 = arith.addi %mul3A_42, %add3A_43 : i32
      %mul3A_45 = arith.constant 128 : i32
      %mul3A_46 = arith.muli %add3A_44, %mul3A_45 : i32
      %dma_wait3A_47 = tpu.memref_slice %arg5[%mul3A_46] : memref<25600xi32, #tpu.memory_space<vmem>> -> memref<128xi32, #tpu.memory_space<vmem>>
      %dma_wait3A_48 = arith.constant 0 : i32
      %dma_wait3A_49 = arith.constant 0 : i32
      %dma_wait3A_50 = tpu.memref_slice %arg2[%dma_wait3A_48, %dma_wait3A_49] : memref<1000000x128xf32, #tpu.memory_space<hbm>> -> memref<1000000x128xf32, #tpu.memory_space<hbm>>
      tpu.wait_indirect_dma semaphore(%arg12 : memref<!tpu.dma_semaphore, #tpu.memory_space<semaphore_mem>>) src(%dma_wait3A_50 : memref<1000000x128xf32, #tpu.memory_space<hbm>>) dst(%arg6 : memref<128x128xf32, #tpu.memory_space<vmem>>)
      %ge3A = arith.constant 2 : i32
      %ge3A_51 = arith.cmpi sge, %add3A_44, %ge3A : i32
      %convert_element_type3A = arith.extui %ge3A_51 : i1 to i32
      %cond3A = arith.constant 0 : i32
      %cond3A_52 = arith.cmpi ne, %convert_element_type3A, %cond3A : i32
      scf.if %cond3A_52 {
        %sub3A = arith.constant 2 : i32
        %sub3A_181 = arith.subi %add3A_44, %sub3A : i32
        %mul3A_182 = arith.constant 200 : i32
        %mul3A_183 = arith.muli %add3A, %mul3A_182 : i32
        %add3A_184 = arith.addi %mul3A_183, %sub3A_181 : i32
        %mul3A_185 = arith.constant 128 : i32
        %mul3A_186 = arith.muli %add3A_184, %mul3A_185 : i32
        %dma_wait3A_187 = arith.constant 0 : i32
        %dma_wait3A_188 = tpu.memref_slice %arg4[%mul3A_186, %dma_wait3A_187] : memref<819200x64xf32, #tpu.memory_space<hbm>> -> memref<128x64xf32, #tpu.memory_space<hbm>>
        %dma_wait3A_189 = arith.constant 0 : i32
        %dma_wait3A_190 = tpu.memref_slice %arg4[%mul3A_186, %dma_wait3A_189] : memref<819200x64xf32, #tpu.memory_space<hbm>> -> memref<128x64xf32, #tpu.memory_space<hbm>>
        tpu.wait_dma2 semaphore(%arg16 : memref<!tpu.dma_semaphore, #tpu.memory_space<semaphore_mem>>) src(%arg10 : memref<128x64xf32, #tpu.memory_space<vmem>>) dst(%dma_wait3A_190 : memref<128x64xf32, #tpu.memory_space<hbm>>)
      } else {
      }
      %scan3A_53 = arith.constant 0 : i32
      %scan3A_54 = arith.constant 128 : i32
      %scan3A_55 = arith.addi %scan3A_53, %scan3A_54 : i32
      %scan3A_56 = arith.constant 1 : i32
      scf.for %scan3A_181 = %scan3A_53 to %scan3A_55 step %scan3A_56  : i32 {
        %get3A = arith.index_cast %scan3A_181 : i32 to index
        %get3A_182 = arith.constant 0 : index
        %get3A_183 = tpu.vector_load %arg6[%get3A, %get3A_182] {strides = array<i32>} : memref<128x128xf32, #tpu.memory_space<vmem>>, vector<1x16xf32>,
        %get3A_184 = vector.shape_cast %get3A_183 : vector<1x16xf32> to vector<16xf32>
        %swap3A = arith.index_cast %scan3A_181 : i32 to index
        %swap3A_185 = arith.constant 0 : index
        %swap3A_186 = tpu.vector_load %arg10[%swap3A, %swap3A_185] {strides = array<i32>} : memref<128x64xf32, #tpu.memory_space<vmem>>, vector<1x16xf32>,
        %swap3A_187 = vector.shape_cast %swap3A_186 : vector<1x16xf32> to vector<16xf32>
        %swap3A_188 = vector.shape_cast %get3A_184 : vector<16xf32> to vector<1x16xf32>
        tpu.vector_store %arg10[%swap3A, %swap3A_185], %swap3A_188 {strides = array<i32>} : memref<128x64xf32, #tpu.memory_space<vmem>>, vector<1x16xf32>,
        %get3A_189 = arith.index_cast %scan3A_181 : i32 to index
        %get3A_190 = arith.constant 16 : index
        %get3A_191 = tpu.vector_load %arg6[%get3A_189, %get3A_190] {strides = array<i32>} : memref<128x128xf32, #tpu.memory_space<vmem>>, vector<1x16xf32>,
        %get3A_192 = vector.shape_cast %get3A_191 : vector<1x16xf32> to vector<16xf32>
        %swap3A_193 = arith.index_cast %scan3A_181 : i32 to index
        %swap3A_194 = arith.constant 16 : index
        %swap3A_195 = tpu.vector_load %arg10[%swap3A_193, %swap3A_194] {strides = array<i32>} : memref<128x64xf32, #tpu.memory_space<vmem>>, vector<1x16xf32>,
        %swap3A_196 = vector.shape_cast %swap3A_195 : vector<1x16xf32> to vector<16xf32>
        %swap3A_197 = vector.shape_cast %get3A_192 : vector<16xf32> to vector<1x16xf32>
        tpu.vector_store %arg10[%swap3A_193, %swap3A_194], %swap3A_197 {strides = array<i32>} : memref<128x64xf32, #tpu.memory_space<vmem>>, vector<1x16xf32>,
        %get3A_198 = arith.index_cast %scan3A_181 : i32 to index
        %get3A_199 = arith.constant 32 : index
        %get3A_200 = tpu.vector_load %arg6[%get3A_198, %get3A_199] {strides = array<i32>} : memref<128x128xf32, #tpu.memory_space<vmem>>, vector<1x16xf32>,
        %get3A_201 = vector.shape_cast %get3A_200 : vector<1x16xf32> to vector<16xf32>
        %swap3A_202 = arith.index_cast %scan3A_181 : i32 to index
        %swap3A_203 = arith.constant 32 : index
        %swap3A_204 = tpu.vector_load %arg10[%swap3A_202, %swap3A_203] {strides = array<i32>} : memref<128x64xf32, #tpu.memory_space<vmem>>, vector<1x16xf32>,
        %swap3A_205 = vector.shape_cast %swap3A_204 : vector<1x16xf32> to vector<16xf32>
        %swap3A_206 = vector.shape_cast %get3A_201 : vector<16xf32> to vector<1x16xf32>
        tpu.vector_store %arg10[%swap3A_202, %swap3A_203], %swap3A_206 {strides = array<i32>} : memref<128x64xf32, #tpu.memory_space<vmem>>, vector<1x16xf32>,
        %get3A_207 = arith.index_cast %scan3A_181 : i32 to index
        %get3A_208 = arith.constant 48 : index
        %get3A_209 = tpu.vector_load %arg6[%get3A_207, %get3A_208] {strides = array<i32>} : memref<128x128xf32, #tpu.memory_space<vmem>>, vector<1x16xf32>,
        %get3A_210 = vector.shape_cast %get3A_209 : vector<1x16xf32> to vector<16xf32>
        %swap3A_211 = arith.index_cast %scan3A_181 : i32 to index
        %swap3A_212 = arith.constant 48 : index
        %swap3A_213 = tpu.vector_load %arg10[%swap3A_211, %swap3A_212] {strides = array<i32>} : memref<128x64xf32, #tpu.memory_space<vmem>>, vector<1x16xf32>,
        %swap3A_214 = vector.shape_cast %swap3A_213 : vector<1x16xf32> to vector<16xf32>
        %swap3A_215 = vector.shape_cast %get3A_210 : vector<16xf32> to vector<1x16xf32>
        tpu.vector_store %arg10[%swap3A_211, %swap3A_212], %swap3A_215 {strides = array<i32>} : memref<128x64xf32, #tpu.memory_space<vmem>>, vector<1x16xf32>,
      }
      %scan3A_57 = arith.constant 128 : i32
      %mul3A_58 = arith.constant 200 : i32
      %mul3A_59 = arith.muli %add3A, %mul3A_58 : i32
      %add3A_60 = arith.addi %mul3A_59, %add3A_44 : i32
      %mul3A_61 = arith.constant 128 : i32
      %mul3A_62 = arith.muli %add3A_60, %mul3A_61 : i32
      %dma_start3A_63 = arith.constant 0 : i32
      %dma_start3A_64 = tpu.memref_slice %arg4[%mul3A_62, %dma_start3A_63] : memref<819200x64xf32, #tpu.memory_space<hbm>> -> memref<128x64xf32, #tpu.memory_space<hbm>>
      %dma_start3A_65 = arith.constant 0 : i32
      %dma_start3A_66 = tpu.memref_slice %arg4[%mul3A_62, %dma_start3A_65] : memref<819200x64xf32, #tpu.memory_space<hbm>> -> memref<128x64xf32, #tpu.memory_space<hbm>>
      tpu.enqueue_dma source(%arg10 : memref<128x64xf32, #tpu.memory_space<vmem>>) target(%dma_start3A_66 : memref<128x64xf32, #tpu.memory_space<hbm>>) target_semaphore(%arg16 : memref<!tpu.dma_semaphore, #tpu.memory_space<semaphore_mem>>)
      %add3A_67 = arith.constant 3 : i32
      %add3A_68 = arith.addi %add3A_44, %add3A_67 : i32
      %lt3A = arith.constant 200 : i32
      %lt3A_69 = arith.cmpi slt, %add3A_68, %lt3A : i32
      %convert_element_type3A_70 = arith.extui %lt3A_69 : i1 to i32
      %cond3A_71 = arith.constant 0 : i32
      %cond3A_72 = arith.cmpi ne, %convert_element_type3A_70, %cond3A_71 : i32
      scf.if %cond3A_72 {
        %add3A_181 = arith.constant 3 : i32
        %add3A_182 = arith.addi %add3A_44, %add3A_181 : i32
        %mul3A_183 = arith.constant 128 : i32
        %mul3A_184 = arith.muli %add3A_182, %mul3A_183 : i32
        %dma_start3A_185 = tpu.memref_slice %arg5[%mul3A_184] : memref<25600xi32, #tpu.memory_space<vmem>> -> memref<128xi32, #tpu.memory_space<vmem>>
        %dma_start3A_186 = arith.constant 0 : i32
        %dma_start3A_187 = arith.constant 0 : i32
        %dma_start3A_188 = tpu.memref_slice %arg2[%dma_start3A_186, %dma_start3A_187] : memref<1000000x128xf32, #tpu.memory_space<hbm>> -> memref<1000000x128xf32, #tpu.memory_space<hbm>>
        tpu.enqueue_indirect_dma source(%dma_start3A_188 : memref<1000000x128xf32, #tpu.memory_space<hbm>>) target(%arg9 : memref<128x128xf32, #tpu.memory_space<vmem>>) offsets(%dma_start3A_185 : memref<128xi32, #tpu.memory_space<vmem>>) semaphore(%arg15 : memref<!tpu.dma_semaphore, #tpu.memory_space<semaphore_mem>>)
      } else {
      }
      %mul3A_73 = arith.constant 4 : i32
      %mul3A_74 = arith.muli %scan3A_40, %mul3A_73 : i32
      %add3A_75 = arith.constant 1 : i32
      %add3A_76 = arith.addi %mul3A_74, %add3A_75 : i32
      %mul3A_77 = arith.constant 128 : i32
      %mul3A_78 = arith.muli %add3A_76, %mul3A_77 : i32
      %dma_wait3A_79 = tpu.memref_slice %arg5[%mul3A_78] : memref<25600xi32, #tpu.memory_space<vmem>> -> memref<128xi32, #tpu.memory_space<vmem>>
      %dma_wait3A_80 = arith.constant 0 : i32
      %dma_wait3A_81 = arith.constant 0 : i32
      %dma_wait3A_82 = tpu.memref_slice %arg2[%dma_wait3A_80, %dma_wait3A_81] : memref<1000000x128xf32, #tpu.memory_space<hbm>> -> memref<1000000x128xf32, #tpu.memory_space<hbm>>
      tpu.wait_indirect_dma semaphore(%arg13 : memref<!tpu.dma_semaphore, #tpu.memory_space<semaphore_mem>>) src(%dma_wait3A_82 : memref<1000000x128xf32, #tpu.memory_space<hbm>>) dst(%arg7 : memref<128x128xf32, #tpu.memory_space<vmem>>)
      %ge3A_83 = arith.constant 2 : i32
      %ge3A_84 = arith.cmpi sge, %add3A_76, %ge3A_83 : i32
      %convert_element_type3A_85 = arith.extui %ge3A_84 : i1 to i32
      %cond3A_86 = arith.constant 0 : i32
      %cond3A_87 = arith.cmpi ne, %convert_element_type3A_85, %cond3A_86 : i32
      scf.if %cond3A_87 {
        %sub3A = arith.constant 2 : i32
        %sub3A_181 = arith.subi %add3A_76, %sub3A : i32
        %mul3A_182 = arith.constant 200 : i32
        %mul3A_183 = arith.muli %add3A, %mul3A_182 : i32
        %add3A_184 = arith.addi %mul3A_183, %sub3A_181 : i32
        %mul3A_185 = arith.constant 128 : i32
        %mul3A_186 = arith.muli %add3A_184, %mul3A_185 : i32
        %dma_wait3A_187 = arith.constant 0 : i32
        %dma_wait3A_188 = tpu.memref_slice %arg4[%mul3A_186, %dma_wait3A_187] : memref<819200x64xf32, #tpu.memory_space<hbm>> -> memref<128x64xf32, #tpu.memory_space<hbm>>
        %dma_wait3A_189 = arith.constant 0 : i32
        %dma_wait3A_190 = tpu.memref_slice %arg4[%mul3A_186, %dma_wait3A_189] : memref<819200x64xf32, #tpu.memory_space<hbm>> -> memref<128x64xf32, #tpu.memory_space<hbm>>
        tpu.wait_dma2 semaphore(%arg17 : memref<!tpu.dma_semaphore, #tpu.memory_space<semaphore_mem>>) src(%arg11 : memref<128x64xf32, #tpu.memory_space<vmem>>) dst(%dma_wait3A_190 : memref<128x64xf32, #tpu.memory_space<hbm>>)
      } else {
      }
      %scan3A_88 = arith.constant 0 : i32
      %scan3A_89 = arith.constant 128 : i32
      %scan3A_90 = arith.addi %scan3A_88, %scan3A_89 : i32
      %scan3A_91 = arith.constant 1 : i32
      scf.for %scan3A_181 = %scan3A_88 to %scan3A_90 step %scan3A_91  : i32 {
        %get3A = arith.index_cast %scan3A_181 : i32 to index
        %get3A_182 = arith.constant 0 : index
        %get3A_183 = tpu.vector_load %arg7[%get3A, %get3A_182] {strides = array<i32>} : memref<128x128xf32, #tpu.memory_space<vmem>>, vector<1x16xf32>,
        %get3A_184 = vector.shape_cast %get3A_183 : vector<1x16xf32> to vector<16xf32>
        %swap3A = arith.index_cast %scan3A_181 : i32 to index
        %swap3A_185 = arith.constant 0 : index
        %swap3A_186 = tpu.vector_load %arg11[%swap3A, %swap3A_185] {strides = array<i32>} : memref<128x64xf32, #tpu.memory_space<vmem>>, vector<1x16xf32>,
        %swap3A_187 = vector.shape_cast %swap3A_186 : vector<1x16xf32> to vector<16xf32>
        %swap3A_188 = vector.shape_cast %get3A_184 : vector<16xf32> to vector<1x16xf32>
        tpu.vector_store %arg11[%swap3A, %swap3A_185], %swap3A_188 {strides = array<i32>} : memref<128x64xf32, #tpu.memory_space<vmem>>, vector<1x16xf32>,
        %get3A_189 = arith.index_cast %scan3A_181 : i32 to index
        %get3A_190 = arith.constant 16 : index
        %get3A_191 = tpu.vector_load %arg7[%get3A_189, %get3A_190] {strides = array<i32>} : memref<128x128xf32, #tpu.memory_space<vmem>>, vector<1x16xf32>,
        %get3A_192 = vector.shape_cast %get3A_191 : vector<1x16xf32> to vector<16xf32>
        %swap3A_193 = arith.index_cast %scan3A_181 : i32 to index
        %swap3A_194 = arith.constant 16 : index
        %swap3A_195 = tpu.vector_load %arg11[%swap3A_193, %swap3A_194] {strides = array<i32>} : memref<128x64xf32, #tpu.memory_space<vmem>>, vector<1x16xf32>,
        %swap3A_196 = vector.shape_cast %swap3A_195 : vector<1x16xf32> to vector<16xf32>
        %swap3A_197 = vector.shape_cast %get3A_192 : vector<16xf32> to vector<1x16xf32>
        tpu.vector_store %arg11[%swap3A_193, %swap3A_194], %swap3A_197 {strides = array<i32>} : memref<128x64xf32, #tpu.memory_space<vmem>>, vector<1x16xf32>,
        %get3A_198 = arith.index_cast %scan3A_181 : i32 to index
        %get3A_199 = arith.constant 32 : index
        %get3A_200 = tpu.vector_load %arg7[%get3A_198, %get3A_199] {strides = array<i32>} : memref<128x128xf32, #tpu.memory_space<vmem>>, vector<1x16xf32>,
        %get3A_201 = vector.shape_cast %get3A_200 : vector<1x16xf32> to vector<16xf32>
        %swap3A_202 = arith.index_cast %scan3A_181 : i32 to index
        %swap3A_203 = arith.constant 32 : index
        %swap3A_204 = tpu.vector_load %arg11[%swap3A_202, %swap3A_203] {strides = array<i32>} : memref<128x64xf32, #tpu.memory_space<vmem>>, vector<1x16xf32>,
        %swap3A_205 = vector.shape_cast %swap3A_204 : vector<1x16xf32> to vector<16xf32>
        %swap3A_206 = vector.shape_cast %get3A_201 : vector<16xf32> to vector<1x16xf32>
        tpu.vector_store %arg11[%swap3A_202, %swap3A_203], %swap3A_206 {strides = array<i32>} : memref<128x64xf32, #tpu.memory_space<vmem>>, vector<1x16xf32>,
        %get3A_207 = arith.index_cast %scan3A_181 : i32 to index
        %get3A_208 = arith.constant 48 : index
        %get3A_209 = tpu.vector_load %arg7[%get3A_207, %get3A_208] {strides = array<i32>} : memref<128x128xf32, #tpu.memory_space<vmem>>, vector<1x16xf32>,
        %get3A_210 = vector.shape_cast %get3A_209 : vector<1x16xf32> to vector<16xf32>
        %swap3A_211 = arith.index_cast %scan3A_181 : i32 to index
        %swap3A_212 = arith.constant 48 : index
        %swap3A_213 = tpu.vector_load %arg11[%swap3A_211, %swap3A_212] {strides = array<i32>} : memref<128x64xf32, #tpu.memory_space<vmem>>, vector<1x16xf32>,
        %swap3A_214 = vector.shape_cast %swap3A_213 : vector<1x16xf32> to vector<16xf32>
        %swap3A_215 = vector.shape_cast %get3A_210 : vector<16xf32> to vector<1x16xf32>
        tpu.vector_store %arg11[%swap3A_211, %swap3A_212], %swap3A_215 {strides = array<i32>} : memref<128x64xf32, #tpu.memory_space<vmem>>, vector<1x16xf32>,
      }
      %scan3A_92 = arith.constant 128 : i32
      %mul3A_93 = arith.constant 200 : i32
      %mul3A_94 = arith.muli %add3A, %mul3A_93 : i32
      %add3A_95 = arith.addi %mul3A_94, %add3A_76 : i32
      %mul3A_96 = arith.constant 128 : i32
      %mul3A_97 = arith.muli %add3A_95, %mul3A_96 : i32
      %dma_start3A_98 = arith.constant 0 : i32
      %dma_start3A_99 = tpu.memref_slice %arg4[%mul3A_97, %dma_start3A_98] : memref<819200x64xf32, #tpu.memory_space<hbm>> -> memref<128x64xf32, #tpu.memory_space<hbm>>
      %dma_start3A_100 = arith.constant 0 : i32
      %dma_start3A_101 = tpu.memref_slice %arg4[%mul3A_97, %dma_start3A_100] : memref<819200x64xf32, #tpu.memory_space<hbm>> -> memref<128x64xf32, #tpu.memory_space<hbm>>
      tpu.enqueue_dma source(%arg11 : memref<128x64xf32, #tpu.memory_space<vmem>>) target(%dma_start3A_101 : memref<128x64xf32, #tpu.memory_space<hbm>>) target_semaphore(%arg17 : memref<!tpu.dma_semaphore, #tpu.memory_space<semaphore_mem>>)
      %add3A_102 = arith.constant 3 : i32
      %add3A_103 = arith.addi %add3A_76, %add3A_102 : i32
      %lt3A_104 = arith.constant 200 : i32
      %lt3A_105 = arith.cmpi slt, %add3A_103, %lt3A_104 : i32
      %convert_element_type3A_106 = arith.extui %lt3A_105 : i1 to i32
      %cond3A_107 = arith.constant 0 : i32
      %cond3A_108 = arith.cmpi ne, %convert_element_type3A_106, %cond3A_107 : i32
      scf.if %cond3A_108 {
        %add3A_181 = arith.constant 3 : i32
        %add3A_182 = arith.addi %add3A_76, %add3A_181 : i32
        %mul3A_183 = arith.constant 128 : i32
        %mul3A_184 = arith.muli %add3A_182, %mul3A_183 : i32
        %dma_start3A_185 = tpu.memref_slice %arg5[%mul3A_184] : memref<25600xi32, #tpu.memory_space<vmem>> -> memref<128xi32, #tpu.memory_space<vmem>>
        %dma_start3A_186 = arith.constant 0 : i32
        %dma_start3A_187 = arith.constant 0 : i32
        %dma_start3A_188 = tpu.memref_slice %arg2[%dma_start3A_186, %dma_start3A_187] : memref<1000000x128xf32, #tpu.memory_space<hbm>> -> memref<1000000x128xf32, #tpu.memory_space<hbm>>
        tpu.enqueue_indirect_dma source(%dma_start3A_188 : memref<1000000x128xf32, #tpu.memory_space<hbm>>) target(%arg6 : memref<128x128xf32, #tpu.memory_space<vmem>>) offsets(%dma_start3A_185 : memref<128xi32, #tpu.memory_space<vmem>>) semaphore(%arg12 : memref<!tpu.dma_semaphore, #tpu.memory_space<semaphore_mem>>)
      } else {
      }
      %mul3A_109 = arith.constant 4 : i32
      %mul3A_110 = arith.muli %scan3A_40, %mul3A_109 : i32
      %add3A_111 = arith.constant 2 : i32
      %add3A_112 = arith.addi %mul3A_110, %add3A_111 : i32
      %mul3A_113 = arith.constant 128 : i32
      %mul3A_114 = arith.muli %add3A_112, %mul3A_113 : i32
      %dma_wait3A_115 = tpu.memref_slice %arg5[%mul3A_114] : memref<25600xi32, #tpu.memory_space<vmem>> -> memref<128xi32, #tpu.memory_space<vmem>>
      %dma_wait3A_116 = arith.constant 0 : i32
      %dma_wait3A_117 = arith.constant 0 : i32
      %dma_wait3A_118 = tpu.memref_slice %arg2[%dma_wait3A_116, %dma_wait3A_117] : memref<1000000x128xf32, #tpu.memory_space<hbm>> -> memref<1000000x128xf32, #tpu.memory_space<hbm>>
      tpu.wait_indirect_dma semaphore(%arg14 : memref<!tpu.dma_semaphore, #tpu.memory_space<semaphore_mem>>) src(%dma_wait3A_118 : memref<1000000x128xf32, #tpu.memory_space<hbm>>) dst(%arg8 : memref<128x128xf32, #tpu.memory_space<vmem>>)
      %ge3A_119 = arith.constant 2 : i32
      %ge3A_120 = arith.cmpi sge, %add3A_112, %ge3A_119 : i32
      %convert_element_type3A_121 = arith.extui %ge3A_120 : i1 to i32
      %cond3A_122 = arith.constant 0 : i32
      %cond3A_123 = arith.cmpi ne, %convert_element_type3A_121, %cond3A_122 : i32
      scf.if %cond3A_123 {
        %sub3A = arith.constant 2 : i32
        %sub3A_181 = arith.subi %add3A_112, %sub3A : i32
        %mul3A_182 = arith.constant 200 : i32
        %mul3A_183 = arith.muli %add3A, %mul3A_182 : i32
        %add3A_184 = arith.addi %mul3A_183, %sub3A_181 : i32
        %mul3A_185 = arith.constant 128 : i32
        %mul3A_186 = arith.muli %add3A_184, %mul3A_185 : i32
        %dma_wait3A_187 = arith.constant 0 : i32
        %dma_wait3A_188 = tpu.memref_slice %arg4[%mul3A_186, %dma_wait3A_187] : memref<819200x64xf32, #tpu.memory_space<hbm>> -> memref<128x64xf32, #tpu.memory_space<hbm>>
        %dma_wait3A_189 = arith.constant 0 : i32
        %dma_wait3A_190 = tpu.memref_slice %arg4[%mul3A_186, %dma_wait3A_189] : memref<819200x64xf32, #tpu.memory_space<hbm>> -> memref<128x64xf32, #tpu.memory_space<hbm>>
        tpu.wait_dma2 semaphore(%arg16 : memref<!tpu.dma_semaphore, #tpu.memory_space<semaphore_mem>>) src(%arg10 : memref<128x64xf32, #tpu.memory_space<vmem>>) dst(%dma_wait3A_190 : memref<128x64xf32, #tpu.memory_space<hbm>>)
      } else {
      }
      %scan3A_124 = arith.constant 0 : i32
      %scan3A_125 = arith.constant 128 : i32
      %scan3A_126 = arith.addi %scan3A_124, %scan3A_125 : i32
      %scan3A_127 = arith.constant 1 : i32
      scf.for %scan3A_181 = %scan3A_124 to %scan3A_126 step %scan3A_127  : i32 {
        %get3A = arith.index_cast %scan3A_181 : i32 to index
        %get3A_182 = arith.constant 0 : index
        %get3A_183 = tpu.vector_load %arg8[%get3A, %get3A_182] {strides = array<i32>} : memref<128x128xf32, #tpu.memory_space<vmem>>, vector<1x16xf32>,
        %get3A_184 = vector.shape_cast %get3A_183 : vector<1x16xf32> to vector<16xf32>
        %swap3A = arith.index_cast %scan3A_181 : i32 to index
        %swap3A_185 = arith.constant 0 : index
        %swap3A_186 = tpu.vector_load %arg10[%swap3A, %swap3A_185] {strides = array<i32>} : memref<128x64xf32, #tpu.memory_space<vmem>>, vector<1x16xf32>,
        %swap3A_187 = vector.shape_cast %swap3A_186 : vector<1x16xf32> to vector<16xf32>
        %swap3A_188 = vector.shape_cast %get3A_184 : vector<16xf32> to vector<1x16xf32>
        tpu.vector_store %arg10[%swap3A, %swap3A_185], %swap3A_188 {strides = array<i32>} : memref<128x64xf32, #tpu.memory_space<vmem>>, vector<1x16xf32>,
        %get3A_189 = arith.index_cast %scan3A_181 : i32 to index
        %get3A_190 = arith.constant 16 : index
        %get3A_191 = tpu.vector_load %arg8[%get3A_189, %get3A_190] {strides = array<i32>} : memref<128x128xf32, #tpu.memory_space<vmem>>, vector<1x16xf32>,
        %get3A_192 = vector.shape_cast %get3A_191 : vector<1x16xf32> to vector<16xf32>
        %swap3A_193 = arith.index_cast %scan3A_181 : i32 to index
        %swap3A_194 = arith.constant 16 : index
        %swap3A_195 = tpu.vector_load %arg10[%swap3A_193, %swap3A_194] {strides = array<i32>} : memref<128x64xf32, #tpu.memory_space<vmem>>, vector<1x16xf32>,
        %swap3A_196 = vector.shape_cast %swap3A_195 : vector<1x16xf32> to vector<16xf32>
        %swap3A_197 = vector.shape_cast %get3A_192 : vector<16xf32> to vector<1x16xf32>
        tpu.vector_store %arg10[%swap3A_193, %swap3A_194], %swap3A_197 {strides = array<i32>} : memref<128x64xf32, #tpu.memory_space<vmem>>, vector<1x16xf32>,
        %get3A_198 = arith.index_cast %scan3A_181 : i32 to index
        %get3A_199 = arith.constant 32 : index
        %get3A_200 = tpu.vector_load %arg8[%get3A_198, %get3A_199] {strides = array<i32>} : memref<128x128xf32, #tpu.memory_space<vmem>>, vector<1x16xf32>,
        %get3A_201 = vector.shape_cast %get3A_200 : vector<1x16xf32> to vector<16xf32>
        %swap3A_202 = arith.index_cast %scan3A_181 : i32 to index
        %swap3A_203 = arith.constant 32 : index
        %swap3A_204 = tpu.vector_load %arg10[%swap3A_202, %swap3A_203] {strides = array<i32>} : memref<128x64xf32, #tpu.memory_space<vmem>>, vector<1x16xf32>,
        %swap3A_205 = vector.shape_cast %swap3A_204 : vector<1x16xf32> to vector<16xf32>
        %swap3A_206 = vector.shape_cast %get3A_201 : vector<16xf32> to vector<1x16xf32>
        tpu.vector_store %arg10[%swap3A_202, %swap3A_203], %swap3A_206 {strides = array<i32>} : memref<128x64xf32, #tpu.memory_space<vmem>>, vector<1x16xf32>,
        %get3A_207 = arith.index_cast %scan3A_181 : i32 to index
        %get3A_208 = arith.constant 48 : index
        %get3A_209 = tpu.vector_load %arg8[%get3A_207, %get3A_208] {strides = array<i32>} : memref<128x128xf32, #tpu.memory_space<vmem>>, vector<1x16xf32>,
        %get3A_210 = vector.shape_cast %get3A_209 : vector<1x16xf32> to vector<16xf32>
        %swap3A_211 = arith.index_cast %scan3A_181 : i32 to index
        %swap3A_212 = arith.constant 48 : index
        %swap3A_213 = tpu.vector_load %arg10[%swap3A_211, %swap3A_212] {strides = array<i32>} : memref<128x64xf32, #tpu.memory_space<vmem>>, vector<1x16xf32>,
        %swap3A_214 = vector.shape_cast %swap3A_213 : vector<1x16xf32> to vector<16xf32>
        %swap3A_215 = vector.shape_cast %get3A_210 : vector<16xf32> to vector<1x16xf32>
        tpu.vector_store %arg10[%swap3A_211, %swap3A_212], %swap3A_215 {strides = array<i32>} : memref<128x64xf32, #tpu.memory_space<vmem>>, vector<1x16xf32>,
      }
      %scan3A_128 = arith.constant 128 : i32
      %mul3A_129 = arith.constant 200 : i32
      %mul3A_130 = arith.muli %add3A, %mul3A_129 : i32
      %add3A_131 = arith.addi %mul3A_130, %add3A_112 : i32
      %mul3A_132 = arith.constant 128 : i32
      %mul3A_133 = arith.muli %add3A_131, %mul3A_132 : i32
      %dma_start3A_134 = arith.constant 0 : i32
      %dma_start3A_135 = tpu.memref_slice %arg4[%mul3A_133, %dma_start3A_134] : memref<819200x64xf32, #tpu.memory_space<hbm>> -> memref<128x64xf32, #tpu.memory_space<hbm>>
      %dma_start3A_136 = arith.constant 0 : i32
      %dma_start3A_137 = tpu.memref_slice %arg4[%mul3A_133, %dma_start3A_136] : memref<819200x64xf32, #tpu.memory_space<hbm>> -> memref<128x64xf32, #tpu.memory_space<hbm>>
      tpu.enqueue_dma source(%arg10 : memref<128x64xf32, #tpu.memory_space<vmem>>) target(%dma_start3A_137 : memref<128x64xf32, #tpu.memory_space<hbm>>) target_semaphore(%arg16 : memref<!tpu.dma_semaphore, #tpu.memory_space<semaphore_mem>>)
      %add3A_138 = arith.constant 3 : i32
      %add3A_139 = arith.addi %add3A_112, %add3A_138 : i32
      %lt3A_140 = arith.constant 200 : i32
      %lt3A_141 = arith.cmpi slt, %add3A_139, %lt3A_140 : i32
      %convert_element_type3A_142 = arith.extui %lt3A_141 : i1 to i32
      %cond3A_143 = arith.constant 0 : i32
      %cond3A_144 = arith.cmpi ne, %convert_element_type3A_142, %cond3A_143 : i32
      scf.if %cond3A_144 {
        %add3A_181 = arith.constant 3 : i32
        %add3A_182 = arith.addi %add3A_112, %add3A_181 : i32
        %mul3A_183 = arith.constant 128 : i32
        %mul3A_184 = arith.muli %add3A_182, %mul3A_183 : i32
        %dma_start3A_185 = tpu.memref_slice %arg5[%mul3A_184] : memref<25600xi32, #tpu.memory_space<vmem>> -> memref<128xi32, #tpu.memory_space<vmem>>
        %dma_start3A_186 = arith.constant 0 : i32
        %dma_start3A_187 = arith.constant 0 : i32
        %dma_start3A_188 = tpu.memref_slice %arg2[%dma_start3A_186, %dma_start3A_187] : memref<1000000x128xf32, #tpu.memory_space<hbm>> -> memref<1000000x128xf32, #tpu.memory_space<hbm>>
        tpu.enqueue_indirect_dma source(%dma_start3A_188 : memref<1000000x128xf32, #tpu.memory_space<hbm>>) target(%arg7 : memref<128x128xf32, #tpu.memory_space<vmem>>) offsets(%dma_start3A_185 : memref<128xi32, #tpu.memory_space<vmem>>) semaphore(%arg13 : memref<!tpu.dma_semaphore, #tpu.memory_space<semaphore_mem>>)
      } else {
      }
      %mul3A_145 = arith.constant 4 : i32
      %mul3A_146 = arith.muli %scan3A_40, %mul3A_145 : i32
      %add3A_147 = arith.constant 3 : i32
      %add3A_148 = arith.addi %mul3A_146, %add3A_147 : i32
      %mul3A_149 = arith.constant 128 : i32
      %mul3A_150 = arith.muli %add3A_148, %mul3A_149 : i32
      %dma_wait3A_151 = tpu.memref_slice %arg5[%mul3A_150] : memref<25600xi32, #tpu.memory_space<vmem>> -> memref<128xi32, #tpu.memory_space<vmem>>
      %dma_wait3A_152 = arith.constant 0 : i32
      %dma_wait3A_153 = arith.constant 0 : i32
      %dma_wait3A_154 = tpu.memref_slice %arg2[%dma_wait3A_152, %dma_wait3A_153] : memref<1000000x128xf32, #tpu.memory_space<hbm>> -> memref<1000000x128xf32, #tpu.memory_space<hbm>>
      tpu.wait_indirect_dma semaphore(%arg15 : memref<!tpu.dma_semaphore, #tpu.memory_space<semaphore_mem>>) src(%dma_wait3A_154 : memref<1000000x128xf32, #tpu.memory_space<hbm>>) dst(%arg9 : memref<128x128xf32, #tpu.memory_space<vmem>>)
      %ge3A_155 = arith.constant 2 : i32
      %ge3A_156 = arith.cmpi sge, %add3A_148, %ge3A_155 : i32
      %convert_element_type3A_157 = arith.extui %ge3A_156 : i1 to i32
      %cond3A_158 = arith.constant 0 : i32
      %cond3A_159 = arith.cmpi ne, %convert_element_type3A_157, %cond3A_158 : i32
      scf.if %cond3A_159 {
        %sub3A = arith.constant 2 : i32
        %sub3A_181 = arith.subi %add3A_148, %sub3A : i32
        %mul3A_182 = arith.constant 200 : i32
        %mul3A_183 = arith.muli %add3A, %mul3A_182 : i32
        %add3A_184 = arith.addi %mul3A_183, %sub3A_181 : i32
        %mul3A_185 = arith.constant 128 : i32
        %mul3A_186 = arith.muli %add3A_184, %mul3A_185 : i32
        %dma_wait3A_187 = arith.constant 0 : i32
        %dma_wait3A_188 = tpu.memref_slice %arg4[%mul3A_186, %dma_wait3A_187] : memref<819200x64xf32, #tpu.memory_space<hbm>> -> memref<128x64xf32, #tpu.memory_space<hbm>>
        %dma_wait3A_189 = arith.constant 0 : i32
        %dma_wait3A_190 = tpu.memref_slice %arg4[%mul3A_186, %dma_wait3A_189] : memref<819200x64xf32, #tpu.memory_space<hbm>> -> memref<128x64xf32, #tpu.memory_space<hbm>>
        tpu.wait_dma2 semaphore(%arg17 : memref<!tpu.dma_semaphore, #tpu.memory_space<semaphore_mem>>) src(%arg11 : memref<128x64xf32, #tpu.memory_space<vmem>>) dst(%dma_wait3A_190 : memref<128x64xf32, #tpu.memory_space<hbm>>)
      } else {
      }
      %scan3A_160 = arith.constant 0 : i32
      %scan3A_161 = arith.constant 128 : i32
      %scan3A_162 = arith.addi %scan3A_160, %scan3A_161 : i32
      %scan3A_163 = arith.constant 1 : i32
      scf.for %scan3A_181 = %scan3A_160 to %scan3A_162 step %scan3A_163  : i32 {
        %get3A = arith.index_cast %scan3A_181 : i32 to index
        %get3A_182 = arith.constant 0 : index
        %get3A_183 = tpu.vector_load %arg9[%get3A, %get3A_182] {strides = array<i32>} : memref<128x128xf32, #tpu.memory_space<vmem>>, vector<1x16xf32>,
        %get3A_184 = vector.shape_cast %get3A_183 : vector<1x16xf32> to vector<16xf32>
        %swap3A = arith.index_cast %scan3A_181 : i32 to index
        %swap3A_185 = arith.constant 0 : index
        %swap3A_186 = tpu.vector_load %arg11[%swap3A, %swap3A_185] {strides = array<i32>} : memref<128x64xf32, #tpu.memory_space<vmem>>, vector<1x16xf32>,
        %swap3A_187 = vector.shape_cast %swap3A_186 : vector<1x16xf32> to vector<16xf32>
        %swap3A_188 = vector.shape_cast %get3A_184 : vector<16xf32> to vector<1x16xf32>
        tpu.vector_store %arg11[%swap3A, %swap3A_185], %swap3A_188 {strides = array<i32>} : memref<128x64xf32, #tpu.memory_space<vmem>>, vector<1x16xf32>,
        %get3A_189 = arith.index_cast %scan3A_181 : i32 to index
        %get3A_190 = arith.constant 16 : index
        %get3A_191 = tpu.vector_load %arg9[%get3A_189, %get3A_190] {strides = array<i32>} : memref<128x128xf32, #tpu.memory_space<vmem>>, vector<1x16xf32>,
        %get3A_192 = vector.shape_cast %get3A_191 : vector<1x16xf32> to vector<16xf32>
        %swap3A_193 = arith.index_cast %scan3A_181 : i32 to index
        %swap3A_194 = arith.constant 16 : index
        %swap3A_195 = tpu.vector_load %arg11[%swap3A_193, %swap3A_194] {strides = array<i32>} : memref<128x64xf32, #tpu.memory_space<vmem>>, vector<1x16xf32>,
        %swap3A_196 = vector.shape_cast %swap3A_195 : vector<1x16xf32> to vector<16xf32>
        %swap3A_197 = vector.shape_cast %get3A_192 : vector<16xf32> to vector<1x16xf32>
        tpu.vector_store %arg11[%swap3A_193, %swap3A_194], %swap3A_197 {strides = array<i32>} : memref<128x64xf32, #tpu.memory_space<vmem>>, vector<1x16xf32>,
        %get3A_198 = arith.index_cast %scan3A_181 : i32 to index
        %get3A_199 = arith.constant 32 : index
        %get3A_200 = tpu.vector_load %arg9[%get3A_198, %get3A_199] {strides = array<i32>} : memref<128x128xf32, #tpu.memory_space<vmem>>, vector<1x16xf32>,
        %get3A_201 = vector.shape_cast %get3A_200 : vector<1x16xf32> to vector<16xf32>
        %swap3A_202 = arith.index_cast %scan3A_181 : i32 to index
        %swap3A_203 = arith.constant 32 : index
        %swap3A_204 = tpu.vector_load %arg11[%swap3A_202, %swap3A_203] {strides = array<i32>} : memref<128x64xf32, #tpu.memory_space<vmem>>, vector<1x16xf32>,
        %swap3A_205 = vector.shape_cast %swap3A_204 : vector<1x16xf32> to vector<16xf32>
        %swap3A_206 = vector.shape_cast %get3A_201 : vector<16xf32> to vector<1x16xf32>
        tpu.vector_store %arg11[%swap3A_202, %swap3A_203], %swap3A_206 {strides = array<i32>} : memref<128x64xf32, #tpu.memory_space<vmem>>, vector<1x16xf32>,
        %get3A_207 = arith.index_cast %scan3A_181 : i32 to index
        %get3A_208 = arith.constant 48 : index
        %get3A_209 = tpu.vector_load %arg9[%get3A_207, %get3A_208] {strides = array<i32>} : memref<128x128xf32, #tpu.memory_space<vmem>>, vector<1x16xf32>,
        %get3A_210 = vector.shape_cast %get3A_209 : vector<1x16xf32> to vector<16xf32>
        %swap3A_211 = arith.index_cast %scan3A_181 : i32 to index
        %swap3A_212 = arith.constant 48 : index
        %swap3A_213 = tpu.vector_load %arg11[%swap3A_211, %swap3A_212] {strides = array<i32>} : memref<128x64xf32, #tpu.memory_space<vmem>>, vector<1x16xf32>,
        %swap3A_214 = vector.shape_cast %swap3A_213 : vector<1x16xf32> to vector<16xf32>
        %swap3A_215 = vector.shape_cast %get3A_210 : vector<16xf32> to vector<1x16xf32>
        tpu.vector_store %arg11[%swap3A_211, %swap3A_212], %swap3A_215 {strides = array<i32>} : memref<128x64xf32, #tpu.memory_space<vmem>>, vector<1x16xf32>,
      }
      %scan3A_164 = arith.constant 128 : i32
      %mul3A_165 = arith.constant 200 : i32
      %mul3A_166 = arith.muli %add3A, %mul3A_165 : i32
      %add3A_167 = arith.addi %mul3A_166, %add3A_148 : i32
      %mul3A_168 = arith.constant 128 : i32
      %mul3A_169 = arith.muli %add3A_167, %mul3A_168 : i32
      %dma_start3A_170 = arith.constant 0 : i32
      %dma_start3A_171 = tpu.memref_slice %arg4[%mul3A_169, %dma_start3A_170] : memref<819200x64xf32, #tpu.memory_space<hbm>> -> memref<128x64xf32, #tpu.memory_space<hbm>>
      %dma_start3A_172 = arith.constant 0 : i32
      %dma_start3A_173 = tpu.memref_slice %arg4[%mul3A_169, %dma_start3A_172] : memref<819200x64xf32, #tpu.memory_space<hbm>> -> memref<128x64xf32, #tpu.memory_space<hbm>>
      tpu.enqueue_dma source(%arg11 : memref<128x64xf32, #tpu.memory_space<vmem>>) target(%dma_start3A_173 : memref<128x64xf32, #tpu.memory_space<hbm>>) target_semaphore(%arg17 : memref<!tpu.dma_semaphore, #tpu.memory_space<semaphore_mem>>)
      %add3A_174 = arith.constant 3 : i32
      %add3A_175 = arith.addi %add3A_148, %add3A_174 : i32
      %lt3A_176 = arith.constant 200 : i32
      %lt3A_177 = arith.cmpi slt, %add3A_175, %lt3A_176 : i32
      %convert_element_type3A_178 = arith.extui %lt3A_177 : i1 to i32
      %cond3A_179 = arith.constant 0 : i32
      %cond3A_180 = arith.cmpi ne, %convert_element_type3A_178, %cond3A_179 : i32
      scf.if %cond3A_180 {
        %add3A_181 = arith.constant 3 : i32
        %add3A_182 = arith.addi %add3A_148, %add3A_181 : i32
        %mul3A_183 = arith.constant 128 : i32
        %mul3A_184 = arith.muli %add3A_182, %mul3A_183 : i32
        %dma_start3A_185 = tpu.memref_slice %arg5[%mul3A_184] : memref<25600xi32, #tpu.memory_space<vmem>> -> memref<128xi32, #tpu.memory_space<vmem>>
        %dma_start3A_186 = arith.constant 0 : i32
        %dma_start3A_187 = arith.constant 0 : i32
        %dma_start3A_188 = tpu.memref_slice %arg2[%dma_start3A_186, %dma_start3A_187] : memref<1000000x128xf32, #tpu.memory_space<hbm>> -> memref<1000000x128xf32, #tpu.memory_space<hbm>>
        tpu.enqueue_indirect_dma source(%dma_start3A_188 : memref<1000000x128xf32, #tpu.memory_space<hbm>>) target(%arg8 : memref<128x128xf32, #tpu.memory_space<vmem>>) offsets(%dma_start3A_185 : memref<128xi32, #tpu.memory_space<vmem>>) semaphore(%arg14 : memref<!tpu.dma_semaphore, #tpu.memory_space<semaphore_mem>>)
      } else {
      }
    }
    %scan3A_20 = arith.constant 50 : i32
    %mul3A_21 = arith.constant 200 : i32
    %mul3A_22 = arith.muli %add3A, %mul3A_21 : i32
    %add3A_23 = arith.constant 198 : i32
    %add3A_24 = arith.addi %mul3A_22, %add3A_23 : i32
    %mul3A_25 = arith.constant 128 : i32
    %mul3A_26 = arith.muli %add3A_24, %mul3A_25 : i32
    %dma_wait3A = arith.constant 0 : i32
    %dma_wait3A_27 = tpu.memref_slice %arg4[%mul3A_26, %dma_wait3A] : memref<819200x64xf32, #tpu.memory_space<hbm>> -> memref<128x64xf32, #tpu.memory_space<hbm>>
    %dma_wait3A_28 = arith.constant 0 : i32
    %dma_wait3A_29 = tpu.memref_slice %arg4[%mul3A_26, %dma_wait3A_28] : memref<819200x64xf32, #tpu.memory_space<hbm>> -> memref<128x64xf32, #tpu.memory_space<hbm>>
    tpu.wait_dma2 semaphore(%arg16 : memref<!tpu.dma_semaphore, #tpu.memory_space<semaphore_mem>>) src(%arg10 : memref<128x64xf32, #tpu.memory_space<vmem>>) dst(%dma_wait3A_29 : memref<128x64xf32, #tpu.memory_space<hbm>>)
    %mul3A_30 = arith.constant 200 : i32
    %mul3A_31 = arith.muli %add3A, %mul3A_30 : i32
    %add3A_32 = arith.constant 199 : i32
    %add3A_33 = arith.addi %mul3A_31, %add3A_32 : i32
    %mul3A_34 = arith.constant 128 : i32
    %mul3A_35 = arith.muli %add3A_33, %mul3A_34 : i32
    %dma_wait3A_36 = arith.constant 0 : i32
    %dma_wait3A_37 = tpu.memref_slice %arg4[%mul3A_35, %dma_wait3A_36] : memref<819200x64xf32, #tpu.memory_space<hbm>> -> memref<128x64xf32, #tpu.memory_space<hbm>>
    %dma_wait3A_38 = arith.constant 0 : i32
    %dma_wait3A_39 = tpu.memref_slice %arg4[%mul3A_35, %dma_wait3A_38] : memref<819200x64xf32, #tpu.memory_space<hbm>> -> memref<128x64xf32, #tpu.memory_space<hbm>>
    tpu.wait_dma2 semaphore(%arg17 : memref<!tpu.dma_semaphore, #tpu.memory_space<semaphore_mem>>) src(%arg11 : memref<128x64xf32, #tpu.memory_space<vmem>>) dst(%dma_wait3A_39 : memref<128x64xf32, #tpu.memory_space<hbm>>)
    return
  }
}

#map = affine_map<(d0, d1) -> (0, 0)>
module attributes {stable_mosaic.version = 14 : i64} {
  func.func @_pack_body(%arg0: i32, %arg1: i32, %arg2: memref<64x1000000xf32, #tpu.memory_space<hbm>>, %arg3: memref<64x128xf32, #tpu.memory_space<hbm>>, %arg4: memref<1000000x128xf32, #tpu.memory_space<hbm>>, %arg5: memref<64x256xf32, #tpu.memory_space<vmem>>, %arg6: memref<64x256xf32, #tpu.memory_space<vmem>>, %arg7: memref<256x128xf32, #tpu.memory_space<vmem>>, %arg8: memref<256x128xf32, #tpu.memory_space<vmem>>, %arg9: memref<64x128xf32, #tpu.memory_space<vmem>>, %arg10: memref<!tpu.dma_semaphore, #tpu.memory_space<semaphore_mem>>, %arg11: memref<!tpu.dma_semaphore, #tpu.memory_space<semaphore_mem>>, %arg12: memref<!tpu.dma_semaphore, #tpu.memory_space<semaphore_mem>>, %arg13: memref<!tpu.dma_semaphore, #tpu.memory_space<semaphore_mem>>) attributes {dimension_semantics = [#tpu.dimension_semantics<core_parallel>, #tpu.dimension_semantics<subcore_parallel>], iteration_bounds = array<i64: 2, 16>, scalar_prefetch = 0 : i64, scratch_operands = 9 : i64, tpu.core_type = #tpu.core_type<sc_vector_subcore>, window_params = [{transform_indices = #map}, {transform_indices = #map}, {transform_indices = #map}]} {
    %mul3A = arith.constant 2 : i32
    %mul3A_0 = arith.muli %arg1, %mul3A : i32
    %add3A = arith.addi %mul3A_0, %arg0 : i32
    %mul3A_1 = arith.constant 122 : i32
    %mul3A_2 = arith.muli %add3A, %mul3A_1 : i32
    %min3A = arith.constant 2 : i32
    %min3A_3 = arith.minsi %add3A, %min3A : i32
    %add3A_4 = arith.addi %mul3A_2, %min3A_3 : i32
    %lt3A = arith.constant 2 : i32
    %lt3A_5 = arith.cmpi slt, %add3A, %lt3A : i32
    %jit3A = arith.constant 1 : i32
    %jit3A_6 = arith.constant 0 : i32
    %select_n3A = arith.select %lt3A_5, %jit3A, %jit3A_6 : i32
    %add3A_7 = arith.constant 122 : i32
    %add3A_8 = arith.addi %add3A_7, %select_n3A : i32
    %iota3A = tpu.iota {dimensions = array<i32: 0>} : vector<16xi32>
    %add3A_9 = arith.constant 0 : i32
    %add3A_10 = vector.broadcast %add3A_9 : i32 to vector<16xi32>
    %add3A_11 = arith.addi %iota3A, %add3A_10 : vector<16xi32>
    %iota3A_12 = tpu.iota {dimensions = array<i32: 0>} : vector<16xi32>
    %add3A_13 = arith.constant 16 : i32
    %add3A_14 = vector.broadcast %add3A_13 : i32 to vector<16xi32>
    %add3A_15 = arith.addi %iota3A_12, %add3A_14 : vector<16xi32>
    %iota3A_16 = tpu.iota {dimensions = array<i32: 0>} : vector<16xi32>
    %add3A_17 = arith.constant 32 : i32
    %add3A_18 = vector.broadcast %add3A_17 : i32 to vector<16xi32>
    %add3A_19 = arith.addi %iota3A_16, %add3A_18 : vector<16xi32>
    %iota3A_20 = tpu.iota {dimensions = array<i32: 0>} : vector<16xi32>
    %add3A_21 = arith.constant 48 : i32
    %add3A_22 = vector.broadcast %add3A_21 : i32 to vector<16xi32>
    %add3A_23 = arith.addi %iota3A_20, %add3A_22 : vector<16xi32>
    %iota3A_24 = tpu.iota {dimensions = array<i32: 0>} : vector<16xi32>
    %add3A_25 = arith.constant 0 : i32
    %add3A_26 = vector.broadcast %add3A_25 : i32 to vector<16xi32>
    %add3A_27 = arith.addi %iota3A_24, %add3A_26 : vector<16xi32>
    %broadcast_in_dim3A = arith.constant 16 : i32
    %broadcast_in_dim3A_28 = vector.broadcast %broadcast_in_dim3A : i32 to vector<16xi32>
    %rem3A = arith.remsi %add3A_27, %broadcast_in_dim3A_28 : vector<16xi32>
    %iota3A_29 = tpu.iota {dimensions = array<i32: 0>} : vector<16xi32>
    %add3A_30 = arith.constant 1 : i32
    %add3A_31 = vector.broadcast %add3A_30 : i32 to vector<16xi32>
    %add3A_32 = arith.addi %iota3A_29, %add3A_31 : vector<16xi32>
    %broadcast_in_dim3A_33 = arith.constant 16 : i32
    %broadcast_in_dim3A_34 = vector.broadcast %broadcast_in_dim3A_33 : i32 to vector<16xi32>
    %rem3A_35 = arith.remsi %add3A_32, %broadcast_in_dim3A_34 : vector<16xi32>
    %iota3A_36 = tpu.iota {dimensions = array<i32: 0>} : vector<16xi32>
    %add3A_37 = arith.constant 2 : i32
    %add3A_38 = vector.broadcast %add3A_37 : i32 to vector<16xi32>
    %add3A_39 = arith.addi %iota3A_36, %add3A_38 : vector<16xi32>
    %broadcast_in_dim3A_40 = arith.constant 16 : i32
    %broadcast_in_dim3A_41 = vector.broadcast %broadcast_in_dim3A_40 : i32 to vector<16xi32>
    %rem3A_42 = arith.remsi %add3A_39, %broadcast_in_dim3A_41 : vector<16xi32>
    %iota3A_43 = tpu.iota {dimensions = array<i32: 0>} : vector<16xi32>
    %add3A_44 = arith.constant 3 : i32
    %add3A_45 = vector.broadcast %add3A_44 : i32 to vector<16xi32>
    %add3A_46 = arith.addi %iota3A_43, %add3A_45 : vector<16xi32>
    %broadcast_in_dim3A_47 = arith.constant 16 : i32
    %broadcast_in_dim3A_48 = vector.broadcast %broadcast_in_dim3A_47 : i32 to vector<16xi32>
    %rem3A_49 = arith.remsi %add3A_46, %broadcast_in_dim3A_48 : vector<16xi32>
    %iota3A_50 = tpu.iota {dimensions = array<i32: 0>} : vector<16xi32>
    %add3A_51 = arith.constant 4 : i32
    %add3A_52 = vector.broadcast %add3A_51 : i32 to vector<16xi32>
    %add3A_53 = arith.addi %iota3A_50, %add3A_52 : vector<16xi32>
    %broadcast_in_dim3A_54 = arith.constant 16 : i32
    %broadcast_in_dim3A_55 = vector.broadcast %broadcast_in_dim3A_54 : i32 to vector<16xi32>
    %rem3A_56 = arith.remsi %add3A_53, %broadcast_in_dim3A_55 : vector<16xi32>
    %iota3A_57 = tpu.iota {dimensions = array<i32: 0>} : vector<16xi32>
    %add3A_58 = arith.constant 5 : i32
    %add3A_59 = vector.broadcast %add3A_58 : i32 to vector<16xi32>
    %add3A_60 = arith.addi %iota3A_57, %add3A_59 : vector<16xi32>
    %broadcast_in_dim3A_61 = arith.constant 16 : i32
    %broadcast_in_dim3A_62 = vector.broadcast %broadcast_in_dim3A_61 : i32 to vector<16xi32>
    %rem3A_63 = arith.remsi %add3A_60, %broadcast_in_dim3A_62 : vector<16xi32>
    %iota3A_64 = tpu.iota {dimensions = array<i32: 0>} : vector<16xi32>
    %add3A_65 = arith.constant 6 : i32
    %add3A_66 = vector.broadcast %add3A_65 : i32 to vector<16xi32>
    %add3A_67 = arith.addi %iota3A_64, %add3A_66 : vector<16xi32>
    %broadcast_in_dim3A_68 = arith.constant 16 : i32
    %broadcast_in_dim3A_69 = vector.broadcast %broadcast_in_dim3A_68 : i32 to vector<16xi32>
    %rem3A_70 = arith.remsi %add3A_67, %broadcast_in_dim3A_69 : vector<16xi32>
    %iota3A_71 = tpu.iota {dimensions = array<i32: 0>} : vector<16xi32>
    %add3A_72 = arith.constant 7 : i32
    %add3A_73 = vector.broadcast %add3A_72 : i32 to vector<16xi32>
    %add3A_74 = arith.addi %iota3A_71, %add3A_73 : vector<16xi32>
    %broadcast_in_dim3A_75 = arith.constant 16 : i32
    %broadcast_in_dim3A_76 = vector.broadcast %broadcast_in_dim3A_75 : i32 to vector<16xi32>
    %rem3A_77 = arith.remsi %add3A_74, %broadcast_in_dim3A_76 : vector<16xi32>
    %iota3A_78 = tpu.iota {dimensions = array<i32: 0>} : vector<16xi32>
    %add3A_79 = arith.constant 8 : i32
    %add3A_80 = vector.broadcast %add3A_79 : i32 to vector<16xi32>
    %add3A_81 = arith.addi %iota3A_78, %add3A_80 : vector<16xi32>
    %broadcast_in_dim3A_82 = arith.constant 16 : i32
    %broadcast_in_dim3A_83 = vector.broadcast %broadcast_in_dim3A_82 : i32 to vector<16xi32>
    %rem3A_84 = arith.remsi %add3A_81, %broadcast_in_dim3A_83 : vector<16xi32>
    %iota3A_85 = tpu.iota {dimensions = array<i32: 0>} : vector<16xi32>
    %add3A_86 = arith.constant 9 : i32
    %add3A_87 = vector.broadcast %add3A_86 : i32 to vector<16xi32>
    %add3A_88 = arith.addi %iota3A_85, %add3A_87 : vector<16xi32>
    %broadcast_in_dim3A_89 = arith.constant 16 : i32
    %broadcast_in_dim3A_90 = vector.broadcast %broadcast_in_dim3A_89 : i32 to vector<16xi32>
    %rem3A_91 = arith.remsi %add3A_88, %broadcast_in_dim3A_90 : vector<16xi32>
    %iota3A_92 = tpu.iota {dimensions = array<i32: 0>} : vector<16xi32>
    %add3A_93 = arith.constant 10 : i32
    %add3A_94 = vector.broadcast %add3A_93 : i32 to vector<16xi32>
    %add3A_95 = arith.addi %iota3A_92, %add3A_94 : vector<16xi32>
    %broadcast_in_dim3A_96 = arith.constant 16 : i32
    %broadcast_in_dim3A_97 = vector.broadcast %broadcast_in_dim3A_96 : i32 to vector<16xi32>
    %rem3A_98 = arith.remsi %add3A_95, %broadcast_in_dim3A_97 : vector<16xi32>
    %iota3A_99 = tpu.iota {dimensions = array<i32: 0>} : vector<16xi32>
    %add3A_100 = arith.constant 11 : i32
    %add3A_101 = vector.broadcast %add3A_100 : i32 to vector<16xi32>
    %add3A_102 = arith.addi %iota3A_99, %add3A_101 : vector<16xi32>
    %broadcast_in_dim3A_103 = arith.constant 16 : i32
    %broadcast_in_dim3A_104 = vector.broadcast %broadcast_in_dim3A_103 : i32 to vector<16xi32>
    %rem3A_105 = arith.remsi %add3A_102, %broadcast_in_dim3A_104 : vector<16xi32>
    %iota3A_106 = tpu.iota {dimensions = array<i32: 0>} : vector<16xi32>
    %add3A_107 = arith.constant 12 : i32
    %add3A_108 = vector.broadcast %add3A_107 : i32 to vector<16xi32>
    %add3A_109 = arith.addi %iota3A_106, %add3A_108 : vector<16xi32>
    %broadcast_in_dim3A_110 = arith.constant 16 : i32
    %broadcast_in_dim3A_111 = vector.broadcast %broadcast_in_dim3A_110 : i32 to vector<16xi32>
    %rem3A_112 = arith.remsi %add3A_109, %broadcast_in_dim3A_111 : vector<16xi32>
    %iota3A_113 = tpu.iota {dimensions = array<i32: 0>} : vector<16xi32>
    %add3A_114 = arith.constant 13 : i32
    %add3A_115 = vector.broadcast %add3A_114 : i32 to vector<16xi32>
    %add3A_116 = arith.addi %iota3A_113, %add3A_115 : vector<16xi32>
    %broadcast_in_dim3A_117 = arith.constant 16 : i32
    %broadcast_in_dim3A_118 = vector.broadcast %broadcast_in_dim3A_117 : i32 to vector<16xi32>
    %rem3A_119 = arith.remsi %add3A_116, %broadcast_in_dim3A_118 : vector<16xi32>
    %iota3A_120 = tpu.iota {dimensions = array<i32: 0>} : vector<16xi32>
    %add3A_121 = arith.constant 14 : i32
    %add3A_122 = vector.broadcast %add3A_121 : i32 to vector<16xi32>
    %add3A_123 = arith.addi %iota3A_120, %add3A_122 : vector<16xi32>
    %broadcast_in_dim3A_124 = arith.constant 16 : i32
    %broadcast_in_dim3A_125 = vector.broadcast %broadcast_in_dim3A_124 : i32 to vector<16xi32>
    %rem3A_126 = arith.remsi %add3A_123, %broadcast_in_dim3A_125 : vector<16xi32>
    %iota3A_127 = tpu.iota {dimensions = array<i32: 0>} : vector<16xi32>
    %add3A_128 = arith.constant 15 : i32
    %add3A_129 = vector.broadcast %add3A_128 : i32 to vector<16xi32>
    %add3A_130 = arith.addi %iota3A_127, %add3A_129 : vector<16xi32>
    %broadcast_in_dim3A_131 = arith.constant 16 : i32
    %broadcast_in_dim3A_132 = vector.broadcast %broadcast_in_dim3A_131 : i32 to vector<16xi32>
    %rem3A_133 = arith.remsi %add3A_130, %broadcast_in_dim3A_132 : vector<16xi32>
    %gt3A = arith.constant 0 : i32
    %gt3A_134 = arith.cmpi sgt, %add3A_8, %gt3A : i32
    %convert_element_type3A = arith.extui %gt3A_134 : i1 to i32
    %cond3A = arith.constant 0 : i32
    %cond3A_135 = arith.cmpi ne, %convert_element_type3A, %cond3A : i32
    scf.if %cond3A_135 {
      %add3A_206 = arith.constant 0 : i32
      %add3A_207 = arith.addi %add3A_4, %add3A_206 : i32
      %mul3A_208 = arith.constant 256 : i32
      %mul3A_209 = arith.muli %add3A_207, %mul3A_208 : i32
      %dma_start3A = arith.constant 0 : i32
      %dma_start3A_210 = tpu.memref_slice %arg2[%dma_start3A, %mul3A_209] : memref<64x1000000xf32, #tpu.memory_space<hbm>> -> memref<64x256xf32, #tpu.memory_space<hbm>>
      %dma_start3A_211 = arith.constant 0 : i32
      %dma_start3A_212 = tpu.memref_slice %arg2[%dma_start3A_211, %mul3A_209] : memref<64x1000000xf32, #tpu.memory_space<hbm>> -> memref<64x256xf32, #tpu.memory_space<hbm>>
      tpu.enqueue_dma source(%dma_start3A_212 : memref<64x256xf32, #tpu.memory_space<hbm>>) target(%arg5 : memref<64x256xf32, #tpu.memory_space<vmem>>) target_semaphore(%arg10 : memref<!tpu.dma_semaphore, #tpu.memory_space<semaphore_mem>>)
    } else {
    }
    %gt3A_136 = arith.constant 1 : i32
    %gt3A_137 = arith.cmpi sgt, %add3A_8, %gt3A_136 : i32
    %convert_element_type3A_138 = arith.extui %gt3A_137 : i1 to i32
    %cond3A_139 = arith.constant 0 : i32
    %cond3A_140 = arith.cmpi ne, %convert_element_type3A_138, %cond3A_139 : i32
    scf.if %cond3A_140 {
      %add3A_206 = arith.constant 1 : i32
      %add3A_207 = arith.addi %add3A_4, %add3A_206 : i32
      %mul3A_208 = arith.constant 256 : i32
      %mul3A_209 = arith.muli %add3A_207, %mul3A_208 : i32
      %dma_start3A = arith.constant 0 : i32
      %dma_start3A_210 = tpu.memref_slice %arg2[%dma_start3A, %mul3A_209] : memref<64x1000000xf32, #tpu.memory_space<hbm>> -> memref<64x256xf32, #tpu.memory_space<hbm>>
      %dma_start3A_211 = arith.constant 0 : i32
      %dma_start3A_212 = tpu.memref_slice %arg2[%dma_start3A_211, %mul3A_209] : memref<64x1000000xf32, #tpu.memory_space<hbm>> -> memref<64x256xf32, #tpu.memory_space<hbm>>
      tpu.enqueue_dma source(%dma_start3A_212 : memref<64x256xf32, #tpu.memory_space<hbm>>) target(%arg6 : memref<64x256xf32, #tpu.memory_space<vmem>>) target_semaphore(%arg11 : memref<!tpu.dma_semaphore, #tpu.memory_space<semaphore_mem>>)
    } else {
    }
    %while3A = arith.constant 0 : i32
    %while3A_141 = arith.subi %add3A_8, %while3A : i32
    %while3A_142 = arith.addi %while3A, %while3A_141 : i32
    %while3A_143 = arith.constant 1 : i32
    %while3A_144 = arith.divsi %while3A_141, %while3A_143 : i32
    %while3A_145 = arith.muli %while3A_144, %while3A_143 : i32
    %while3A_146 = arith.addi %while3A, %while3A_145 : i32
    %while3A_147 = arith.constant 1 : i32
    scf.for %while3A_206 = %while3A to %while3A_146 step %while3A_147  : i32 {
      %rem3A_207 = arith.constant 2 : i32
      %rem3A_208 = arith.remsi %while3A_206, %rem3A_207 : i32
      %eq3A_209 = arith.constant 0 : i32
      %eq3A_210 = arith.cmpi eq, %rem3A_208, %eq3A_209 : i32
      %convert_element_type3A_211 = arith.extui %eq3A_210 : i1 to i32
      %cond3A_212 = arith.constant 0 : i32
      %cond3A_213 = arith.cmpi ne, %convert_element_type3A_211, %cond3A_212 : i32
      scf.if %cond3A_213 {
        %add3A_219 = arith.addi %add3A_4, %while3A_206 : i32
        %mul3A_220 = arith.constant 256 : i32
        %mul3A_221 = arith.muli %add3A_219, %mul3A_220 : i32
        %dma_wait3A = arith.constant 0 : i32
        %dma_wait3A_222 = tpu.memref_slice %arg2[%dma_wait3A, %mul3A_221] : memref<64x1000000xf32, #tpu.memory_space<hbm>> -> memref<64x256xf32, #tpu.memory_space<hbm>>
        %dma_wait3A_223 = arith.constant 0 : i32
        %dma_wait3A_224 = tpu.memref_slice %arg2[%dma_wait3A_223, %mul3A_221] : memref<64x1000000xf32, #tpu.memory_space<hbm>> -> memref<64x256xf32, #tpu.memory_space<hbm>>
        tpu.wait_dma2 semaphore(%arg10 : memref<!tpu.dma_semaphore, #tpu.memory_space<semaphore_mem>>) src(%dma_wait3A_224 : memref<64x256xf32, #tpu.memory_space<hbm>>) dst(%arg5 : memref<64x256xf32, #tpu.memory_space<vmem>>)
        %ge3A_225 = arith.constant 2 : i32
        %ge3A_226 = arith.cmpi sge, %while3A_206, %ge3A_225 : i32
        %sub3A_227 = arith.constant 2 : i32
        %sub3A_228 = arith.subi %while3A_206, %sub3A_227 : i32
        %convert_element_type3A_229 = arith.extui %ge3A_226 : i1 to i32
        %cond3A_230 = arith.constant 0 : i32
        %cond3A_231 = arith.cmpi ne, %convert_element_type3A_229, %cond3A_230 : i32
        scf.if %cond3A_231 {
          %add3A_250 = arith.addi %add3A_4, %sub3A_228 : i32
          %mul3A_251 = arith.constant 256 : i32
          %mul3A_252 = arith.muli %add3A_250, %mul3A_251 : i32
          %dma_wait3A_253 = arith.constant 0 : i32
          %dma_wait3A_254 = tpu.memref_slice %arg4[%mul3A_252, %dma_wait3A_253] : memref<1000000x128xf32, #tpu.memory_space<hbm>> -> memref<256x128xf32, #tpu.memory_space<hbm>>
          %dma_wait3A_255 = arith.constant 0 : i32
          %dma_wait3A_256 = tpu.memref_slice %arg4[%mul3A_252, %dma_wait3A_255] : memref<1000000x128xf32, #tpu.memory_space<hbm>> -> memref<256x128xf32, #tpu.memory_space<hbm>>
          tpu.wait_dma2 semaphore(%arg12 : memref<!tpu.dma_semaphore, #tpu.memory_space<semaphore_mem>>) src(%arg7 : memref<256x128xf32, #tpu.memory_space<vmem>>) dst(%dma_wait3A_256 : memref<256x128xf32, #tpu.memory_space<hbm>>)
        } else {
        }
        %scan3A = arith.constant 0 : i32
        %scan3A_232 = arith.constant 16 : i32
        %scan3A_233 = arith.addi %scan3A, %scan3A_232 : i32
        %scan3A_234 = arith.constant 1 : i32
        scf.for %scan3A_250 = %scan3A to %scan3A_233 step %scan3A_234  : i32 {
          %mul3A_251 = arith.constant 16 : i32
          %mul3A_252 = arith.muli %mul3A_251, %scan3A_250 : i32
          %add3A_253 = vector.broadcast %mul3A_252 : i32 to vector<16xi32>
          %add3A_254 = arith.addi %add3A_253, %rem3A : vector<16xi32>
          %gather3A = tpu.vector_load_idx %arg5[%add3A_11, %add3A_254] : memref<64x256xf32, #tpu.memory_space<vmem>>[vector<16xi32>, vector<16xi32>], vector<16xf32>,
          tpu.vector_store_idx %arg7[%add3A_254, %add3A_11], %gather3A : memref<256x128xf32, #tpu.memory_space<vmem>>[vector<16xi32>, vector<16xi32>], vector<16xf32>,
          %gather3A_255 = tpu.vector_load_idx %arg5[%add3A_15, %add3A_254] : memref<64x256xf32, #tpu.memory_space<vmem>>[vector<16xi32>, vector<16xi32>], vector<16xf32>,
          tpu.vector_store_idx %arg7[%add3A_254, %add3A_15], %gather3A_255 : memref<256x128xf32, #tpu.memory_space<vmem>>[vector<16xi32>, vector<16xi32>], vector<16xf32>,
          %gather3A_256 = tpu.vector_load_idx %arg5[%add3A_19, %add3A_254] : memref<64x256xf32, #tpu.memory_space<vmem>>[vector<16xi32>, vector<16xi32>], vector<16xf32>,
          tpu.vector_store_idx %arg7[%add3A_254, %add3A_19], %gather3A_256 : memref<256x128xf32, #tpu.memory_space<vmem>>[vector<16xi32>, vector<16xi32>], vector<16xf32>,
          %gather3A_257 = tpu.vector_load_idx %arg5[%add3A_23, %add3A_254] : memref<64x256xf32, #tpu.memory_space<vmem>>[vector<16xi32>, vector<16xi32>], vector<16xf32>,
          tpu.vector_store_idx %arg7[%add3A_254, %add3A_23], %gather3A_257 : memref<256x128xf32, #tpu.memory_space<vmem>>[vector<16xi32>, vector<16xi32>], vector<16xf32>,
          %add3A_258 = vector.broadcast %mul3A_252 : i32 to vector<16xi32>
          %add3A_259 = arith.addi %add3A_258, %rem3A_35 : vector<16xi32>
          %gather3A_260 = tpu.vector_load_idx %arg5[%add3A_11, %add3A_259] : memref<64x256xf32, #tpu.memory_space<vmem>>[vector<16xi32>, vector<16xi32>], vector<16xf32>,
          tpu.vector_store_idx %arg7[%add3A_259, %add3A_11], %gather3A_260 : memref<256x128xf32, #tpu.memory_space<vmem>>[vector<16xi32>, vector<16xi32>], vector<16xf32>,
          %gather3A_261 = tpu.vector_load_idx %arg5[%add3A_15, %add3A_259] : memref<64x256xf32, #tpu.memory_space<vmem>>[vector<16xi32>, vector<16xi32>], vector<16xf32>,
          tpu.vector_store_idx %arg7[%add3A_259, %add3A_15], %gather3A_261 : memref<256x128xf32, #tpu.memory_space<vmem>>[vector<16xi32>, vector<16xi32>], vector<16xf32>,
          %gather3A_262 = tpu.vector_load_idx %arg5[%add3A_19, %add3A_259] : memref<64x256xf32, #tpu.memory_space<vmem>>[vector<16xi32>, vector<16xi32>], vector<16xf32>,
          tpu.vector_store_idx %arg7[%add3A_259, %add3A_19], %gather3A_262 : memref<256x128xf32, #tpu.memory_space<vmem>>[vector<16xi32>, vector<16xi32>], vector<16xf32>,
          %gather3A_263 = tpu.vector_load_idx %arg5[%add3A_23, %add3A_259] : memref<64x256xf32, #tpu.memory_space<vmem>>[vector<16xi32>, vector<16xi32>], vector<16xf32>,
          tpu.vector_store_idx %arg7[%add3A_259, %add3A_23], %gather3A_263 : memref<256x128xf32, #tpu.memory_space<vmem>>[vector<16xi32>, vector<16xi32>], vector<16xf32>,
          %add3A_264 = vector.broadcast %mul3A_252 : i32 to vector<16xi32>
          %add3A_265 = arith.addi %add3A_264, %rem3A_42 : vector<16xi32>
          %gather3A_266 = tpu.vector_load_idx %arg5[%add3A_11, %add3A_265] : memref<64x256xf32, #tpu.memory_space<vmem>>[vector<16xi32>, vector<16xi32>], vector<16xf32>,
          tpu.vector_store_idx %arg7[%add3A_265, %add3A_11], %gather3A_266 : memref<256x128xf32, #tpu.memory_space<vmem>>[vector<16xi32>, vector<16xi32>], vector<16xf32>,
          %gather3A_267 = tpu.vector_load_idx %arg5[%add3A_15, %add3A_265] : memref<64x256xf32, #tpu.memory_space<vmem>>[vector<16xi32>, vector<16xi32>], vector<16xf32>,
          tpu.vector_store_idx %arg7[%add3A_265, %add3A_15], %gather3A_267 : memref<256x128xf32, #tpu.memory_space<vmem>>[vector<16xi32>, vector<16xi32>], vector<16xf32>,
          %gather3A_268 = tpu.vector_load_idx %arg5[%add3A_19, %add3A_265] : memref<64x256xf32, #tpu.memory_space<vmem>>[vector<16xi32>, vector<16xi32>], vector<16xf32>,
          tpu.vector_store_idx %arg7[%add3A_265, %add3A_19], %gather3A_268 : memref<256x128xf32, #tpu.memory_space<vmem>>[vector<16xi32>, vector<16xi32>], vector<16xf32>,
          %gather3A_269 = tpu.vector_load_idx %arg5[%add3A_23, %add3A_265] : memref<64x256xf32, #tpu.memory_space<vmem>>[vector<16xi32>, vector<16xi32>], vector<16xf32>,
          tpu.vector_store_idx %arg7[%add3A_265, %add3A_23], %gather3A_269 : memref<256x128xf32, #tpu.memory_space<vmem>>[vector<16xi32>, vector<16xi32>], vector<16xf32>,
          %add3A_270 = vector.broadcast %mul3A_252 : i32 to vector<16xi32>
          %add3A_271 = arith.addi %add3A_270, %rem3A_49 : vector<16xi32>
          %gather3A_272 = tpu.vector_load_idx %arg5[%add3A_11, %add3A_271] : memref<64x256xf32, #tpu.memory_space<vmem>>[vector<16xi32>, vector<16xi32>], vector<16xf32>,
          tpu.vector_store_idx %arg7[%add3A_271, %add3A_11], %gather3A_272 : memref<256x128xf32, #tpu.memory_space<vmem>>[vector<16xi32>, vector<16xi32>], vector<16xf32>,
          %gather3A_273 = tpu.vector_load_idx %arg5[%add3A_15, %add3A_271] : memref<64x256xf32, #tpu.memory_space<vmem>>[vector<16xi32>, vector<16xi32>], vector<16xf32>,
          tpu.vector_store_idx %arg7[%add3A_271, %add3A_15], %gather3A_273 : memref<256x128xf32, #tpu.memory_space<vmem>>[vector<16xi32>, vector<16xi32>], vector<16xf32>,
          %gather3A_274 = tpu.vector_load_idx %arg5[%add3A_19, %add3A_271] : memref<64x256xf32, #tpu.memory_space<vmem>>[vector<16xi32>, vector<16xi32>], vector<16xf32>,
          tpu.vector_store_idx %arg7[%add3A_271, %add3A_19], %gather3A_274 : memref<256x128xf32, #tpu.memory_space<vmem>>[vector<16xi32>, vector<16xi32>], vector<16xf32>,
          %gather3A_275 = tpu.vector_load_idx %arg5[%add3A_23, %add3A_271] : memref<64x256xf32, #tpu.memory_space<vmem>>[vector<16xi32>, vector<16xi32>], vector<16xf32>,
          tpu.vector_store_idx %arg7[%add3A_271, %add3A_23], %gather3A_275 : memref<256x128xf32, #tpu.memory_space<vmem>>[vector<16xi32>, vector<16xi32>], vector<16xf32>,
          %add3A_276 = vector.broadcast %mul3A_252 : i32 to vector<16xi32>
          %add3A_277 = arith.addi %add3A_276, %rem3A_56 : vector<16xi32>
          %gather3A_278 = tpu.vector_load_idx %arg5[%add3A_11, %add3A_277] : memref<64x256xf32, #tpu.memory_space<vmem>>[vector<16xi32>, vector<16xi32>], vector<16xf32>,
          tpu.vector_store_idx %arg7[%add3A_277, %add3A_11], %gather3A_278 : memref<256x128xf32, #tpu.memory_space<vmem>>[vector<16xi32>, vector<16xi32>], vector<16xf32>,
          %gather3A_279 = tpu.vector_load_idx %arg5[%add3A_15, %add3A_277] : memref<64x256xf32, #tpu.memory_space<vmem>>[vector<16xi32>, vector<16xi32>], vector<16xf32>,
          tpu.vector_store_idx %arg7[%add3A_277, %add3A_15], %gather3A_279 : memref<256x128xf32, #tpu.memory_space<vmem>>[vector<16xi32>, vector<16xi32>], vector<16xf32>,
          %gather3A_280 = tpu.vector_load_idx %arg5[%add3A_19, %add3A_277] : memref<64x256xf32, #tpu.memory_space<vmem>>[vector<16xi32>, vector<16xi32>], vector<16xf32>,
          tpu.vector_store_idx %arg7[%add3A_277, %add3A_19], %gather3A_280 : memref<256x128xf32, #tpu.memory_space<vmem>>[vector<16xi32>, vector<16xi32>], vector<16xf32>,
          %gather3A_281 = tpu.vector_load_idx %arg5[%add3A_23, %add3A_277] : memref<64x256xf32, #tpu.memory_space<vmem>>[vector<16xi32>, vector<16xi32>], vector<16xf32>,
          tpu.vector_store_idx %arg7[%add3A_277, %add3A_23], %gather3A_281 : memref<256x128xf32, #tpu.memory_space<vmem>>[vector<16xi32>, vector<16xi32>], vector<16xf32>,
          %add3A_282 = vector.broadcast %mul3A_252 : i32 to vector<16xi32>
          %add3A_283 = arith.addi %add3A_282, %rem3A_63 : vector<16xi32>
          %gather3A_284 = tpu.vector_load_idx %arg5[%add3A_11, %add3A_283] : memref<64x256xf32, #tpu.memory_space<vmem>>[vector<16xi32>, vector<16xi32>], vector<16xf32>,
          tpu.vector_store_idx %arg7[%add3A_283, %add3A_11], %gather3A_284 : memref<256x128xf32, #tpu.memory_space<vmem>>[vector<16xi32>, vector<16xi32>], vector<16xf32>,
          %gather3A_285 = tpu.vector_load_idx %arg5[%add3A_15, %add3A_283] : memref<64x256xf32, #tpu.memory_space<vmem>>[vector<16xi32>, vector<16xi32>], vector<16xf32>,
          tpu.vector_store_idx %arg7[%add3A_283, %add3A_15], %gather3A_285 : memref<256x128xf32, #tpu.memory_space<vmem>>[vector<16xi32>, vector<16xi32>], vector<16xf32>,
          %gather3A_286 = tpu.vector_load_idx %arg5[%add3A_19, %add3A_283] : memref<64x256xf32, #tpu.memory_space<vmem>>[vector<16xi32>, vector<16xi32>], vector<16xf32>,
          tpu.vector_store_idx %arg7[%add3A_283, %add3A_19], %gather3A_286 : memref<256x128xf32, #tpu.memory_space<vmem>>[vector<16xi32>, vector<16xi32>], vector<16xf32>,
          %gather3A_287 = tpu.vector_load_idx %arg5[%add3A_23, %add3A_283] : memref<64x256xf32, #tpu.memory_space<vmem>>[vector<16xi32>, vector<16xi32>], vector<16xf32>,
          tpu.vector_store_idx %arg7[%add3A_283, %add3A_23], %gather3A_287 : memref<256x128xf32, #tpu.memory_space<vmem>>[vector<16xi32>, vector<16xi32>], vector<16xf32>,
          %add3A_288 = vector.broadcast %mul3A_252 : i32 to vector<16xi32>
          %add3A_289 = arith.addi %add3A_288, %rem3A_70 : vector<16xi32>
          %gather3A_290 = tpu.vector_load_idx %arg5[%add3A_11, %add3A_289] : memref<64x256xf32, #tpu.memory_space<vmem>>[vector<16xi32>, vector<16xi32>], vector<16xf32>,
          tpu.vector_store_idx %arg7[%add3A_289, %add3A_11], %gather3A_290 : memref<256x128xf32, #tpu.memory_space<vmem>>[vector<16xi32>, vector<16xi32>], vector<16xf32>,
          %gather3A_291 = tpu.vector_load_idx %arg5[%add3A_15, %add3A_289] : memref<64x256xf32, #tpu.memory_space<vmem>>[vector<16xi32>, vector<16xi32>], vector<16xf32>,
          tpu.vector_store_idx %arg7[%add3A_289, %add3A_15], %gather3A_291 : memref<256x128xf32, #tpu.memory_space<vmem>>[vector<16xi32>, vector<16xi32>], vector<16xf32>,
          %gather3A_292 = tpu.vector_load_idx %arg5[%add3A_19, %add3A_289] : memref<64x256xf32, #tpu.memory_space<vmem>>[vector<16xi32>, vector<16xi32>], vector<16xf32>,
          tpu.vector_store_idx %arg7[%add3A_289, %add3A_19], %gather3A_292 : memref<256x128xf32, #tpu.memory_space<vmem>>[vector<16xi32>, vector<16xi32>], vector<16xf32>,
          %gather3A_293 = tpu.vector_load_idx %arg5[%add3A_23, %add3A_289] : memref<64x256xf32, #tpu.memory_space<vmem>>[vector<16xi32>, vector<16xi32>], vector<16xf32>,
          tpu.vector_store_idx %arg7[%add3A_289, %add3A_23], %gather3A_293 : memref<256x128xf32, #tpu.memory_space<vmem>>[vector<16xi32>, vector<16xi32>], vector<16xf32>,
          %add3A_294 = vector.broadcast %mul3A_252 : i32 to vector<16xi32>
          %add3A_295 = arith.addi %add3A_294, %rem3A_77 : vector<16xi32>
          %gather3A_296 = tpu.vector_load_idx %arg5[%add3A_11, %add3A_295] : memref<64x256xf32, #tpu.memory_space<vmem>>[vector<16xi32>, vector<16xi32>], vector<16xf32>,
          tpu.vector_store_idx %arg7[%add3A_295, %add3A_11], %gather3A_296 : memref<256x128xf32, #tpu.memory_space<vmem>>[vector<16xi32>, vector<16xi32>], vector<16xf32>,
          %gather3A_297 = tpu.vector_load_idx %arg5[%add3A_15, %add3A_295] : memref<64x256xf32, #tpu.memory_space<vmem>>[vector<16xi32>, vector<16xi32>], vector<16xf32>,
          tpu.vector_store_idx %arg7[%add3A_295, %add3A_15], %gather3A_297 : memref<256x128xf32, #tpu.memory_space<vmem>>[vector<16xi32>, vector<16xi32>], vector<16xf32>,
          %gather3A_298 = tpu.vector_load_idx %arg5[%add3A_19, %add3A_295] : memref<64x256xf32, #tpu.memory_space<vmem>>[vector<16xi32>, vector<16xi32>], vector<16xf32>,
          tpu.vector_store_idx %arg7[%add3A_295, %add3A_19], %gather3A_298 : memref<256x128xf32, #tpu.memory_space<vmem>>[vector<16xi32>, vector<16xi32>], vector<16xf32>,
          %gather3A_299 = tpu.vector_load_idx %arg5[%add3A_23, %add3A_295] : memref<64x256xf32, #tpu.memory_space<vmem>>[vector<16xi32>, vector<16xi32>], vector<16xf32>,
          tpu.vector_store_idx %arg7[%add3A_295, %add3A_23], %gather3A_299 : memref<256x128xf32, #tpu.memory_space<vmem>>[vector<16xi32>, vector<16xi32>], vector<16xf32>,
          %add3A_300 = vector.broadcast %mul3A_252 : i32 to vector<16xi32>
          %add3A_301 = arith.addi %add3A_300, %rem3A_84 : vector<16xi32>
          %gather3A_302 = tpu.vector_load_idx %arg5[%add3A_11, %add3A_301] : memref<64x256xf32, #tpu.memory_space<vmem>>[vector<16xi32>, vector<16xi32>], vector<16xf32>,
          tpu.vector_store_idx %arg7[%add3A_301, %add3A_11], %gather3A_302 : memref<256x128xf32, #tpu.memory_space<vmem>>[vector<16xi32>, vector<16xi32>], vector<16xf32>,
          %gather3A_303 = tpu.vector_load_idx %arg5[%add3A_15, %add3A_301] : memref<64x256xf32, #tpu.memory_space<vmem>>[vector<16xi32>, vector<16xi32>], vector<16xf32>,
          tpu.vector_store_idx %arg7[%add3A_301, %add3A_15], %gather3A_303 : memref<256x128xf32, #tpu.memory_space<vmem>>[vector<16xi32>, vector<16xi32>], vector<16xf32>,
          %gather3A_304 = tpu.vector_load_idx %arg5[%add3A_19, %add3A_301] : memref<64x256xf32, #tpu.memory_space<vmem>>[vector<16xi32>, vector<16xi32>], vector<16xf32>,
          tpu.vector_store_idx %arg7[%add3A_301, %add3A_19], %gather3A_304 : memref<256x128xf32, #tpu.memory_space<vmem>>[vector<16xi32>, vector<16xi32>], vector<16xf32>,
          %gather3A_305 = tpu.vector_load_idx %arg5[%add3A_23, %add3A_301] : memref<64x256xf32, #tpu.memory_space<vmem>>[vector<16xi32>, vector<16xi32>], vector<16xf32>,
          tpu.vector_store_idx %arg7[%add3A_301, %add3A_23], %gather3A_305 : memref<256x128xf32, #tpu.memory_space<vmem>>[vector<16xi32>, vector<16xi32>], vector<16xf32>,
          %add3A_306 = vector.broadcast %mul3A_252 : i32 to vector<16xi32>
          %add3A_307 = arith.addi %add3A_306, %rem3A_91 : vector<16xi32>
          %gather3A_308 = tpu.vector_load_idx %arg5[%add3A_11, %add3A_307] : memref<64x256xf32, #tpu.memory_space<vmem>>[vector<16xi32>, vector<16xi32>], vector<16xf32>,
          tpu.vector_store_idx %arg7[%add3A_307, %add3A_11], %gather3A_308 : memref<256x128xf32, #tpu.memory_space<vmem>>[vector<16xi32>, vector<16xi32>], vector<16xf32>,
          %gather3A_309 = tpu.vector_load_idx %arg5[%add3A_15, %add3A_307] : memref<64x256xf32, #tpu.memory_space<vmem>>[vector<16xi32>, vector<16xi32>], vector<16xf32>,
          tpu.vector_store_idx %arg7[%add3A_307, %add3A_15], %gather3A_309 : memref<256x128xf32, #tpu.memory_space<vmem>>[vector<16xi32>, vector<16xi32>], vector<16xf32>,
          %gather3A_310 = tpu.vector_load_idx %arg5[%add3A_19, %add3A_307] : memref<64x256xf32, #tpu.memory_space<vmem>>[vector<16xi32>, vector<16xi32>], vector<16xf32>,
          tpu.vector_store_idx %arg7[%add3A_307, %add3A_19], %gather3A_310 : memref<256x128xf32, #tpu.memory_space<vmem>>[vector<16xi32>, vector<16xi32>], vector<16xf32>,
          %gather3A_311 = tpu.vector_load_idx %arg5[%add3A_23, %add3A_307] : memref<64x256xf32, #tpu.memory_space<vmem>>[vector<16xi32>, vector<16xi32>], vector<16xf32>,
          tpu.vector_store_idx %arg7[%add3A_307, %add3A_23], %gather3A_311 : memref<256x128xf32, #tpu.memory_space<vmem>>[vector<16xi32>, vector<16xi32>], vector<16xf32>,
          %add3A_312 = vector.broadcast %mul3A_252 : i32 to vector<16xi32>
          %add3A_313 = arith.addi %add3A_312, %rem3A_98 : vector<16xi32>
          %gather3A_314 = tpu.vector_load_idx %arg5[%add3A_11, %add3A_313] : memref<64x256xf32, #tpu.memory_space<vmem>>[vector<16xi32>, vector<16xi32>], vector<16xf32>,
          tpu.vector_store_idx %arg7[%add3A_313, %add3A_11], %gather3A_314 : memref<256x128xf32, #tpu.memory_space<vmem>>[vector<16xi32>, vector<16xi32>], vector<16xf32>,
          %gather3A_315 = tpu.vector_load_idx %arg5[%add3A_15, %add3A_313] : memref<64x256xf32, #tpu.memory_space<vmem>>[vector<16xi32>, vector<16xi32>], vector<16xf32>,
          tpu.vector_store_idx %arg7[%add3A_313, %add3A_15], %gather3A_315 : memref<256x128xf32, #tpu.memory_space<vmem>>[vector<16xi32>, vector<16xi32>], vector<16xf32>,
          %gather3A_316 = tpu.vector_load_idx %arg5[%add3A_19, %add3A_313] : memref<64x256xf32, #tpu.memory_space<vmem>>[vector<16xi32>, vector<16xi32>], vector<16xf32>,
          tpu.vector_store_idx %arg7[%add3A_313, %add3A_19], %gather3A_316 : memref<256x128xf32, #tpu.memory_space<vmem>>[vector<16xi32>, vector<16xi32>], vector<16xf32>,
          %gather3A_317 = tpu.vector_load_idx %arg5[%add3A_23, %add3A_313] : memref<64x256xf32, #tpu.memory_space<vmem>>[vector<16xi32>, vector<16xi32>], vector<16xf32>,
          tpu.vector_store_idx %arg7[%add3A_313, %add3A_23], %gather3A_317 : memref<256x128xf32, #tpu.memory_space<vmem>>[vector<16xi32>, vector<16xi32>], vector<16xf32>,
          %add3A_318 = vector.broadcast %mul3A_252 : i32 to vector<16xi32>
          %add3A_319 = arith.addi %add3A_318, %rem3A_105 : vector<16xi32>
          %gather3A_320 = tpu.vector_load_idx %arg5[%add3A_11, %add3A_319] : memref<64x256xf32, #tpu.memory_space<vmem>>[vector<16xi32>, vector<16xi32>], vector<16xf32>,
          tpu.vector_store_idx %arg7[%add3A_319, %add3A_11], %gather3A_320 : memref<256x128xf32, #tpu.memory_space<vmem>>[vector<16xi32>, vector<16xi32>], vector<16xf32>,
          %gather3A_321 = tpu.vector_load_idx %arg5[%add3A_15, %add3A_319] : memref<64x256xf32, #tpu.memory_space<vmem>>[vector<16xi32>, vector<16xi32>], vector<16xf32>,
          tpu.vector_store_idx %arg7[%add3A_319, %add3A_15], %gather3A_321 : memref<256x128xf32, #tpu.memory_space<vmem>>[vector<16xi32>, vector<16xi32>], vector<16xf32>,
          %gather3A_322 = tpu.vector_load_idx %arg5[%add3A_19, %add3A_319] : memref<64x256xf32, #tpu.memory_space<vmem>>[vector<16xi32>, vector<16xi32>], vector<16xf32>,
          tpu.vector_store_idx %arg7[%add3A_319, %add3A_19], %gather3A_322 : memref<256x128xf32, #tpu.memory_space<vmem>>[vector<16xi32>, vector<16xi32>], vector<16xf32>,
          %gather3A_323 = tpu.vector_load_idx %arg5[%add3A_23, %add3A_319] : memref<64x256xf32, #tpu.memory_space<vmem>>[vector<16xi32>, vector<16xi32>], vector<16xf32>,
          tpu.vector_store_idx %arg7[%add3A_319, %add3A_23], %gather3A_323 : memref<256x128xf32, #tpu.memory_space<vmem>>[vector<16xi32>, vector<16xi32>], vector<16xf32>,
          %add3A_324 = vector.broadcast %mul3A_252 : i32 to vector<16xi32>
          %add3A_325 = arith.addi %add3A_324, %rem3A_112 : vector<16xi32>
          %gather3A_326 = tpu.vector_load_idx %arg5[%add3A_11, %add3A_325] : memref<64x256xf32, #tpu.memory_space<vmem>>[vector<16xi32>, vector<16xi32>], vector<16xf32>,
          tpu.vector_store_idx %arg7[%add3A_325, %add3A_11], %gather3A_326 : memref<256x128xf32, #tpu.memory_space<vmem>>[vector<16xi32>, vector<16xi32>], vector<16xf32>,
          %gather3A_327 = tpu.vector_load_idx %arg5[%add3A_15, %add3A_325] : memref<64x256xf32, #tpu.memory_space<vmem>>[vector<16xi32>, vector<16xi32>], vector<16xf32>,
          tpu.vector_store_idx %arg7[%add3A_325, %add3A_15], %gather3A_327 : memref<256x128xf32, #tpu.memory_space<vmem>>[vector<16xi32>, vector<16xi32>], vector<16xf32>,
          %gather3A_328 = tpu.vector_load_idx %arg5[%add3A_19, %add3A_325] : memref<64x256xf32, #tpu.memory_space<vmem>>[vector<16xi32>, vector<16xi32>], vector<16xf32>,
          tpu.vector_store_idx %arg7[%add3A_325, %add3A_19], %gather3A_328 : memref<256x128xf32, #tpu.memory_space<vmem>>[vector<16xi32>, vector<16xi32>], vector<16xf32>,
          %gather3A_329 = tpu.vector_load_idx %arg5[%add3A_23, %add3A_325] : memref<64x256xf32, #tpu.memory_space<vmem>>[vector<16xi32>, vector<16xi32>], vector<16xf32>,
          tpu.vector_store_idx %arg7[%add3A_325, %add3A_23], %gather3A_329 : memref<256x128xf32, #tpu.memory_space<vmem>>[vector<16xi32>, vector<16xi32>], vector<16xf32>,
          %add3A_330 = vector.broadcast %mul3A_252 : i32 to vector<16xi32>
          %add3A_331 = arith.addi %add3A_330, %rem3A_119 : vector<16xi32>
          %gather3A_332 = tpu.vector_load_idx %arg5[%add3A_11, %add3A_331] : memref<64x256xf32, #tpu.memory_space<vmem>>[vector<16xi32>, vector<16xi32>], vector<16xf32>,
          tpu.vector_store_idx %arg7[%add3A_331, %add3A_11], %gather3A_332 : memref<256x128xf32, #tpu.memory_space<vmem>>[vector<16xi32>, vector<16xi32>], vector<16xf32>,
          %gather3A_333 = tpu.vector_load_idx %arg5[%add3A_15, %add3A_331] : memref<64x256xf32, #tpu.memory_space<vmem>>[vector<16xi32>, vector<16xi32>], vector<16xf32>,
          tpu.vector_store_idx %arg7[%add3A_331, %add3A_15], %gather3A_333 : memref<256x128xf32, #tpu.memory_space<vmem>>[vector<16xi32>, vector<16xi32>], vector<16xf32>,
          %gather3A_334 = tpu.vector_load_idx %arg5[%add3A_19, %add3A_331] : memref<64x256xf32, #tpu.memory_space<vmem>>[vector<16xi32>, vector<16xi32>], vector<16xf32>,
          tpu.vector_store_idx %arg7[%add3A_331, %add3A_19], %gather3A_334 : memref<256x128xf32, #tpu.memory_space<vmem>>[vector<16xi32>, vector<16xi32>], vector<16xf32>,
          %gather3A_335 = tpu.vector_load_idx %arg5[%add3A_23, %add3A_331] : memref<64x256xf32, #tpu.memory_space<vmem>>[vector<16xi32>, vector<16xi32>], vector<16xf32>,
          tpu.vector_store_idx %arg7[%add3A_331, %add3A_23], %gather3A_335 : memref<256x128xf32, #tpu.memory_space<vmem>>[vector<16xi32>, vector<16xi32>], vector<16xf32>,
          %add3A_336 = vector.broadcast %mul3A_252 : i32 to vector<16xi32>
          %add3A_337 = arith.addi %add3A_336, %rem3A_126 : vector<16xi32>
          %gather3A_338 = tpu.vector_load_idx %arg5[%add3A_11, %add3A_337] : memref<64x256xf32, #tpu.memory_space<vmem>>[vector<16xi32>, vector<16xi32>], vector<16xf32>,
          tpu.vector_store_idx %arg7[%add3A_337, %add3A_11], %gather3A_338 : memref<256x128xf32, #tpu.memory_space<vmem>>[vector<16xi32>, vector<16xi32>], vector<16xf32>,
          %gather3A_339 = tpu.vector_load_idx %arg5[%add3A_15, %add3A_337] : memref<64x256xf32, #tpu.memory_space<vmem>>[vector<16xi32>, vector<16xi32>], vector<16xf32>,
          tpu.vector_store_idx %arg7[%add3A_337, %add3A_15], %gather3A_339 : memref<256x128xf32, #tpu.memory_space<vmem>>[vector<16xi32>, vector<16xi32>], vector<16xf32>,
          %gather3A_340 = tpu.vector_load_idx %arg5[%add3A_19, %add3A_337] : memref<64x256xf32, #tpu.memory_space<vmem>>[vector<16xi32>, vector<16xi32>], vector<16xf32>,
          tpu.vector_store_idx %arg7[%add3A_337, %add3A_19], %gather3A_340 : memref<256x128xf32, #tpu.memory_space<vmem>>[vector<16xi32>, vector<16xi32>], vector<16xf32>,
          %gather3A_341 = tpu.vector_load_idx %arg5[%add3A_23, %add3A_337] : memref<64x256xf32, #tpu.memory_space<vmem>>[vector<16xi32>, vector<16xi32>], vector<16xf32>,
          tpu.vector_store_idx %arg7[%add3A_337, %add3A_23], %gather3A_341 : memref<256x128xf32, #tpu.memory_space<vmem>>[vector<16xi32>, vector<16xi32>], vector<16xf32>,
          %add3A_342 = vector.broadcast %mul3A_252 : i32 to vector<16xi32>
          %add3A_343 = arith.addi %add3A_342, %rem3A_133 : vector<16xi32>
          %gather3A_344 = tpu.vector_load_idx %arg5[%add3A_11, %add3A_343] : memref<64x256xf32, #tpu.memory_space<vmem>>[vector<16xi32>, vector<16xi32>], vector<16xf32>,
          tpu.vector_store_idx %arg7[%add3A_343, %add3A_11], %gather3A_344 : memref<256x128xf32, #tpu.memory_space<vmem>>[vector<16xi32>, vector<16xi32>], vector<16xf32>,
          %gather3A_345 = tpu.vector_load_idx %arg5[%add3A_15, %add3A_343] : memref<64x256xf32, #tpu.memory_space<vmem>>[vector<16xi32>, vector<16xi32>], vector<16xf32>,
          tpu.vector_store_idx %arg7[%add3A_343, %add3A_15], %gather3A_345 : memref<256x128xf32, #tpu.memory_space<vmem>>[vector<16xi32>, vector<16xi32>], vector<16xf32>,
          %gather3A_346 = tpu.vector_load_idx %arg5[%add3A_19, %add3A_343] : memref<64x256xf32, #tpu.memory_space<vmem>>[vector<16xi32>, vector<16xi32>], vector<16xf32>,
          tpu.vector_store_idx %arg7[%add3A_343, %add3A_19], %gather3A_346 : memref<256x128xf32, #tpu.memory_space<vmem>>[vector<16xi32>, vector<16xi32>], vector<16xf32>,
          %gather3A_347 = tpu.vector_load_idx %arg5[%add3A_23, %add3A_343] : memref<64x256xf32, #tpu.memory_space<vmem>>[vector<16xi32>, vector<16xi32>], vector<16xf32>,
          tpu.vector_store_idx %arg7[%add3A_343, %add3A_23], %gather3A_347 : memref<256x128xf32, #tpu.memory_space<vmem>>[vector<16xi32>, vector<16xi32>], vector<16xf32>,
        }
        %scan3A_235 = arith.constant 16 : i32
        %add3A_236 = arith.addi %add3A_4, %while3A_206 : i32
        %mul3A_237 = arith.constant 256 : i32
        %mul3A_238 = arith.muli %add3A_236, %mul3A_237 : i32
        %dma_start3A = arith.constant 0 : i32
        %dma_start3A_239 = tpu.memref_slice %arg4[%mul3A_238, %dma_start3A] : memref<1000000x128xf32, #tpu.memory_space<hbm>> -> memref<256x128xf32, #tpu.memory_space<hbm>>
        %dma_start3A_240 = arith.constant 0 : i32
        %dma_start3A_241 = tpu.memref_slice %arg4[%mul3A_238, %dma_start3A_240] : memref<1000000x128xf32, #tpu.memory_space<hbm>> -> memref<256x128xf32, #tpu.memory_space<hbm>>
        tpu.enqueue_dma source(%arg7 : memref<256x128xf32, #tpu.memory_space<vmem>>) target(%dma_start3A_241 : memref<256x128xf32, #tpu.memory_space<hbm>>) target_semaphore(%arg12 : memref<!tpu.dma_semaphore, #tpu.memory_space<semaphore_mem>>)
        %add3A_242 = arith.constant 2 : i32
        %add3A_243 = arith.addi %while3A_206, %add3A_242 : i32
        %lt3A_244 = arith.cmpi slt, %add3A_243, %add3A_8 : i32
        %add3A_245 = arith.constant 2 : i32
        %add3A_246 = arith.addi %while3A_206, %add3A_245 : i32
        %convert_element_type3A_247 = arith.extui %lt3A_244 : i1 to i32
        %cond3A_248 = arith.constant 0 : i32
        %cond3A_249 = arith.cmpi ne, %convert_element_type3A_247, %cond3A_248 : i32
        scf.if %cond3A_249 {
          %add3A_250 = arith.addi %add3A_4, %add3A_246 : i32
          %mul3A_251 = arith.constant 256 : i32
          %mul3A_252 = arith.muli %add3A_250, %mul3A_251 : i32
          %dma_start3A_253 = arith.constant 0 : i32
          %dma_start3A_254 = tpu.memref_slice %arg2[%dma_start3A_253, %mul3A_252] : memref<64x1000000xf32, #tpu.memory_space<hbm>> -> memref<64x256xf32, #tpu.memory_space<hbm>>
          %dma_start3A_255 = arith.constant 0 : i32
          %dma_start3A_256 = tpu.memref_slice %arg2[%dma_start3A_255, %mul3A_252] : memref<64x1000000xf32, #tpu.memory_space<hbm>> -> memref<64x256xf32, #tpu.memory_space<hbm>>
          tpu.enqueue_dma source(%dma_start3A_256 : memref<64x256xf32, #tpu.memory_space<hbm>>) target(%arg5 : memref<64x256xf32, #tpu.memory_space<vmem>>) target_semaphore(%arg10 : memref<!tpu.dma_semaphore, #tpu.memory_space<semaphore_mem>>)
        } else {
        }
      } else {
      }
      %eq3A_214 = arith.constant 1 : i32
      %eq3A_215 = arith.cmpi eq, %rem3A_208, %eq3A_214 : i32
      %convert_element_type3A_216 = arith.extui %eq3A_215 : i1 to i32
      %cond3A_217 = arith.constant 0 : i32
      %cond3A_218 = arith.cmpi ne, %convert_element_type3A_216, %cond3A_217 : i32
      scf.if %cond3A_218 {
        %add3A_219 = arith.addi %add3A_4, %while3A_206 : i32
        %mul3A_220 = arith.constant 256 : i32
        %mul3A_221 = arith.muli %add3A_219, %mul3A_220 : i32
        %dma_wait3A = arith.constant 0 : i32
        %dma_wait3A_222 = tpu.memref_slice %arg2[%dma_wait3A, %mul3A_221] : memref<64x1000000xf32, #tpu.memory_space<hbm>> -> memref<64x256xf32, #tpu.memory_space<hbm>>
        %dma_wait3A_223 = arith.constant 0 : i32
        %dma_wait3A_224 = tpu.memref_slice %arg2[%dma_wait3A_223, %mul3A_221] : memref<64x1000000xf32, #tpu.memory_space<hbm>> -> memref<64x256xf32, #tpu.memory_space<hbm>>
        tpu.wait_dma2 semaphore(%arg11 : memref<!tpu.dma_semaphore, #tpu.memory_space<semaphore_mem>>) src(%dma_wait3A_224 : memref<64x256xf32, #tpu.memory_space<hbm>>) dst(%arg6 : memref<64x256xf32, #tpu.memory_space<vmem>>)
        %ge3A_225 = arith.constant 2 : i32
        %ge3A_226 = arith.cmpi sge, %while3A_206, %ge3A_225 : i32
        %sub3A_227 = arith.constant 2 : i32
        %sub3A_228 = arith.subi %while3A_206, %sub3A_227 : i32
        %convert_element_type3A_229 = arith.extui %ge3A_226 : i1 to i32
        %cond3A_230 = arith.constant 0 : i32
        %cond3A_231 = arith.cmpi ne, %convert_element_type3A_229, %cond3A_230 : i32
        scf.if %cond3A_231 {
          %add3A_250 = arith.addi %add3A_4, %sub3A_228 : i32
          %mul3A_251 = arith.constant 256 : i32
          %mul3A_252 = arith.muli %add3A_250, %mul3A_251 : i32
          %dma_wait3A_253 = arith.constant 0 : i32
          %dma_wait3A_254 = tpu.memref_slice %arg4[%mul3A_252, %dma_wait3A_253] : memref<1000000x128xf32, #tpu.memory_space<hbm>> -> memref<256x128xf32, #tpu.memory_space<hbm>>
          %dma_wait3A_255 = arith.constant 0 : i32
          %dma_wait3A_256 = tpu.memref_slice %arg4[%mul3A_252, %dma_wait3A_255] : memref<1000000x128xf32, #tpu.memory_space<hbm>> -> memref<256x128xf32, #tpu.memory_space<hbm>>
          tpu.wait_dma2 semaphore(%arg13 : memref<!tpu.dma_semaphore, #tpu.memory_space<semaphore_mem>>) src(%arg8 : memref<256x128xf32, #tpu.memory_space<vmem>>) dst(%dma_wait3A_256 : memref<256x128xf32, #tpu.memory_space<hbm>>)
        } else {
        }
        %scan3A = arith.constant 0 : i32
        %scan3A_232 = arith.constant 16 : i32
        %scan3A_233 = arith.addi %scan3A, %scan3A_232 : i32
        %scan3A_234 = arith.constant 1 : i32
        scf.for %scan3A_250 = %scan3A to %scan3A_233 step %scan3A_234  : i32 {
          %mul3A_251 = arith.constant 16 : i32
          %mul3A_252 = arith.muli %mul3A_251, %scan3A_250 : i32
          %add3A_253 = vector.broadcast %mul3A_252 : i32 to vector<16xi32>
          %add3A_254 = arith.addi %add3A_253, %rem3A : vector<16xi32>
          %gather3A = tpu.vector_load_idx %arg6[%add3A_11, %add3A_254] : memref<64x256xf32, #tpu.memory_space<vmem>>[vector<16xi32>, vector<16xi32>], vector<16xf32>,
          tpu.vector_store_idx %arg8[%add3A_254, %add3A_11], %gather3A : memref<256x128xf32, #tpu.memory_space<vmem>>[vector<16xi32>, vector<16xi32>], vector<16xf32>,
          %gather3A_255 = tpu.vector_load_idx %arg6[%add3A_15, %add3A_254] : memref<64x256xf32, #tpu.memory_space<vmem>>[vector<16xi32>, vector<16xi32>], vector<16xf32>,
          tpu.vector_store_idx %arg8[%add3A_254, %add3A_15], %gather3A_255 : memref<256x128xf32, #tpu.memory_space<vmem>>[vector<16xi32>, vector<16xi32>], vector<16xf32>,
          %gather3A_256 = tpu.vector_load_idx %arg6[%add3A_19, %add3A_254] : memref<64x256xf32, #tpu.memory_space<vmem>>[vector<16xi32>, vector<16xi32>], vector<16xf32>,
          tpu.vector_store_idx %arg8[%add3A_254, %add3A_19], %gather3A_256 : memref<256x128xf32, #tpu.memory_space<vmem>>[vector<16xi32>, vector<16xi32>], vector<16xf32>,
          %gather3A_257 = tpu.vector_load_idx %arg6[%add3A_23, %add3A_254] : memref<64x256xf32, #tpu.memory_space<vmem>>[vector<16xi32>, vector<16xi32>], vector<16xf32>,
          tpu.vector_store_idx %arg8[%add3A_254, %add3A_23], %gather3A_257 : memref<256x128xf32, #tpu.memory_space<vmem>>[vector<16xi32>, vector<16xi32>], vector<16xf32>,
          %add3A_258 = vector.broadcast %mul3A_252 : i32 to vector<16xi32>
          %add3A_259 = arith.addi %add3A_258, %rem3A_35 : vector<16xi32>
          %gather3A_260 = tpu.vector_load_idx %arg6[%add3A_11, %add3A_259] : memref<64x256xf32, #tpu.memory_space<vmem>>[vector<16xi32>, vector<16xi32>], vector<16xf32>,
          tpu.vector_store_idx %arg8[%add3A_259, %add3A_11], %gather3A_260 : memref<256x128xf32, #tpu.memory_space<vmem>>[vector<16xi32>, vector<16xi32>], vector<16xf32>,
          %gather3A_261 = tpu.vector_load_idx %arg6[%add3A_15, %add3A_259] : memref<64x256xf32, #tpu.memory_space<vmem>>[vector<16xi32>, vector<16xi32>], vector<16xf32>,
          tpu.vector_store_idx %arg8[%add3A_259, %add3A_15], %gather3A_261 : memref<256x128xf32, #tpu.memory_space<vmem>>[vector<16xi32>, vector<16xi32>], vector<16xf32>,
          %gather3A_262 = tpu.vector_load_idx %arg6[%add3A_19, %add3A_259] : memref<64x256xf32, #tpu.memory_space<vmem>>[vector<16xi32>, vector<16xi32>], vector<16xf32>,
          tpu.vector_store_idx %arg8[%add3A_259, %add3A_19], %gather3A_262 : memref<256x128xf32, #tpu.memory_space<vmem>>[vector<16xi32>, vector<16xi32>], vector<16xf32>,
          %gather3A_263 = tpu.vector_load_idx %arg6[%add3A_23, %add3A_259] : memref<64x256xf32, #tpu.memory_space<vmem>>[vector<16xi32>, vector<16xi32>], vector<16xf32>,
          tpu.vector_store_idx %arg8[%add3A_259, %add3A_23], %gather3A_263 : memref<256x128xf32, #tpu.memory_space<vmem>>[vector<16xi32>, vector<16xi32>], vector<16xf32>,
          %add3A_264 = vector.broadcast %mul3A_252 : i32 to vector<16xi32>
          %add3A_265 = arith.addi %add3A_264, %rem3A_42 : vector<16xi32>
          %gather3A_266 = tpu.vector_load_idx %arg6[%add3A_11, %add3A_265] : memref<64x256xf32, #tpu.memory_space<vmem>>[vector<16xi32>, vector<16xi32>], vector<16xf32>,
          tpu.vector_store_idx %arg8[%add3A_265, %add3A_11], %gather3A_266 : memref<256x128xf32, #tpu.memory_space<vmem>>[vector<16xi32>, vector<16xi32>], vector<16xf32>,
          %gather3A_267 = tpu.vector_load_idx %arg6[%add3A_15, %add3A_265] : memref<64x256xf32, #tpu.memory_space<vmem>>[vector<16xi32>, vector<16xi32>], vector<16xf32>,
          tpu.vector_store_idx %arg8[%add3A_265, %add3A_15], %gather3A_267 : memref<256x128xf32, #tpu.memory_space<vmem>>[vector<16xi32>, vector<16xi32>], vector<16xf32>,
          %gather3A_268 = tpu.vector_load_idx %arg6[%add3A_19, %add3A_265] : memref<64x256xf32, #tpu.memory_space<vmem>>[vector<16xi32>, vector<16xi32>], vector<16xf32>,
          tpu.vector_store_idx %arg8[%add3A_265, %add3A_19], %gather3A_268 : memref<256x128xf32, #tpu.memory_space<vmem>>[vector<16xi32>, vector<16xi32>], vector<16xf32>,
          %gather3A_269 = tpu.vector_load_idx %arg6[%add3A_23, %add3A_265] : memref<64x256xf32, #tpu.memory_space<vmem>>[vector<16xi32>, vector<16xi32>], vector<16xf32>,
          tpu.vector_store_idx %arg8[%add3A_265, %add3A_23], %gather3A_269 : memref<256x128xf32, #tpu.memory_space<vmem>>[vector<16xi32>, vector<16xi32>], vector<16xf32>,
          %add3A_270 = vector.broadcast %mul3A_252 : i32 to vector<16xi32>
          %add3A_271 = arith.addi %add3A_270, %rem3A_49 : vector<16xi32>
          %gather3A_272 = tpu.vector_load_idx %arg6[%add3A_11, %add3A_271] : memref<64x256xf32, #tpu.memory_space<vmem>>[vector<16xi32>, vector<16xi32>], vector<16xf32>,
          tpu.vector_store_idx %arg8[%add3A_271, %add3A_11], %gather3A_272 : memref<256x128xf32, #tpu.memory_space<vmem>>[vector<16xi32>, vector<16xi32>], vector<16xf32>,
          %gather3A_273 = tpu.vector_load_idx %arg6[%add3A_15, %add3A_271] : memref<64x256xf32, #tpu.memory_space<vmem>>[vector<16xi32>, vector<16xi32>], vector<16xf32>,
          tpu.vector_store_idx %arg8[%add3A_271, %add3A_15], %gather3A_273 : memref<256x128xf32, #tpu.memory_space<vmem>>[vector<16xi32>, vector<16xi32>], vector<16xf32>,
          %gather3A_274 = tpu.vector_load_idx %arg6[%add3A_19, %add3A_271] : memref<64x256xf32, #tpu.memory_space<vmem>>[vector<16xi32>, vector<16xi32>], vector<16xf32>,
          tpu.vector_store_idx %arg8[%add3A_271, %add3A_19], %gather3A_274 : memref<256x128xf32, #tpu.memory_space<vmem>>[vector<16xi32>, vector<16xi32>], vector<16xf32>,
          %gather3A_275 = tpu.vector_load_idx %arg6[%add3A_23, %add3A_271] : memref<64x256xf32, #tpu.memory_space<vmem>>[vector<16xi32>, vector<16xi32>], vector<16xf32>,
          tpu.vector_store_idx %arg8[%add3A_271, %add3A_23], %gather3A_275 : memref<256x128xf32, #tpu.memory_space<vmem>>[vector<16xi32>, vector<16xi32>], vector<16xf32>,
          %add3A_276 = vector.broadcast %mul3A_252 : i32 to vector<16xi32>
          %add3A_277 = arith.addi %add3A_276, %rem3A_56 : vector<16xi32>
          %gather3A_278 = tpu.vector_load_idx %arg6[%add3A_11, %add3A_277] : memref<64x256xf32, #tpu.memory_space<vmem>>[vector<16xi32>, vector<16xi32>], vector<16xf32>,
          tpu.vector_store_idx %arg8[%add3A_277, %add3A_11], %gather3A_278 : memref<256x128xf32, #tpu.memory_space<vmem>>[vector<16xi32>, vector<16xi32>], vector<16xf32>,
          %gather3A_279 = tpu.vector_load_idx %arg6[%add3A_15, %add3A_277] : memref<64x256xf32, #tpu.memory_space<vmem>>[vector<16xi32>, vector<16xi32>], vector<16xf32>,
          tpu.vector_store_idx %arg8[%add3A_277, %add3A_15], %gather3A_279 : memref<256x128xf32, #tpu.memory_space<vmem>>[vector<16xi32>, vector<16xi32>], vector<16xf32>,
          %gather3A_280 = tpu.vector_load_idx %arg6[%add3A_19, %add3A_277] : memref<64x256xf32, #tpu.memory_space<vmem>>[vector<16xi32>, vector<16xi32>], vector<16xf32>,
          tpu.vector_store_idx %arg8[%add3A_277, %add3A_19], %gather3A_280 : memref<256x128xf32, #tpu.memory_space<vmem>>[vector<16xi32>, vector<16xi32>], vector<16xf32>,
          %gather3A_281 = tpu.vector_load_idx %arg6[%add3A_23, %add3A_277] : memref<64x256xf32, #tpu.memory_space<vmem>>[vector<16xi32>, vector<16xi32>], vector<16xf32>,
          tpu.vector_store_idx %arg8[%add3A_277, %add3A_23], %gather3A_281 : memref<256x128xf32, #tpu.memory_space<vmem>>[vector<16xi32>, vector<16xi32>], vector<16xf32>,
          %add3A_282 = vector.broadcast %mul3A_252 : i32 to vector<16xi32>
          %add3A_283 = arith.addi %add3A_282, %rem3A_63 : vector<16xi32>
          %gather3A_284 = tpu.vector_load_idx %arg6[%add3A_11, %add3A_283] : memref<64x256xf32, #tpu.memory_space<vmem>>[vector<16xi32>, vector<16xi32>], vector<16xf32>,
          tpu.vector_store_idx %arg8[%add3A_283, %add3A_11], %gather3A_284 : memref<256x128xf32, #tpu.memory_space<vmem>>[vector<16xi32>, vector<16xi32>], vector<16xf32>,
          %gather3A_285 = tpu.vector_load_idx %arg6[%add3A_15, %add3A_283] : memref<64x256xf32, #tpu.memory_space<vmem>>[vector<16xi32>, vector<16xi32>], vector<16xf32>,
          tpu.vector_store_idx %arg8[%add3A_283, %add3A_15], %gather3A_285 : memref<256x128xf32, #tpu.memory_space<vmem>>[vector<16xi32>, vector<16xi32>], vector<16xf32>,
          %gather3A_286 = tpu.vector_load_idx %arg6[%add3A_19, %add3A_283] : memref<64x256xf32, #tpu.memory_space<vmem>>[vector<16xi32>, vector<16xi32>], vector<16xf32>,
          tpu.vector_store_idx %arg8[%add3A_283, %add3A_19], %gather3A_286 : memref<256x128xf32, #tpu.memory_space<vmem>>[vector<16xi32>, vector<16xi32>], vector<16xf32>,
          %gather3A_287 = tpu.vector_load_idx %arg6[%add3A_23, %add3A_283] : memref<64x256xf32, #tpu.memory_space<vmem>>[vector<16xi32>, vector<16xi32>], vector<16xf32>,
          tpu.vector_store_idx %arg8[%add3A_283, %add3A_23], %gather3A_287 : memref<256x128xf32, #tpu.memory_space<vmem>>[vector<16xi32>, vector<16xi32>], vector<16xf32>,
          %add3A_288 = vector.broadcast %mul3A_252 : i32 to vector<16xi32>
          %add3A_289 = arith.addi %add3A_288, %rem3A_70 : vector<16xi32>
          %gather3A_290 = tpu.vector_load_idx %arg6[%add3A_11, %add3A_289] : memref<64x256xf32, #tpu.memory_space<vmem>>[vector<16xi32>, vector<16xi32>], vector<16xf32>,
          tpu.vector_store_idx %arg8[%add3A_289, %add3A_11], %gather3A_290 : memref<256x128xf32, #tpu.memory_space<vmem>>[vector<16xi32>, vector<16xi32>], vector<16xf32>,
          %gather3A_291 = tpu.vector_load_idx %arg6[%add3A_15, %add3A_289] : memref<64x256xf32, #tpu.memory_space<vmem>>[vector<16xi32>, vector<16xi32>], vector<16xf32>,
          tpu.vector_store_idx %arg8[%add3A_289, %add3A_15], %gather3A_291 : memref<256x128xf32, #tpu.memory_space<vmem>>[vector<16xi32>, vector<16xi32>], vector<16xf32>,
          %gather3A_292 = tpu.vector_load_idx %arg6[%add3A_19, %add3A_289] : memref<64x256xf32, #tpu.memory_space<vmem>>[vector<16xi32>, vector<16xi32>], vector<16xf32>,
          tpu.vector_store_idx %arg8[%add3A_289, %add3A_19], %gather3A_292 : memref<256x128xf32, #tpu.memory_space<vmem>>[vector<16xi32>, vector<16xi32>], vector<16xf32>,
          %gather3A_293 = tpu.vector_load_idx %arg6[%add3A_23, %add3A_289] : memref<64x256xf32, #tpu.memory_space<vmem>>[vector<16xi32>, vector<16xi32>], vector<16xf32>,
          tpu.vector_store_idx %arg8[%add3A_289, %add3A_23], %gather3A_293 : memref<256x128xf32, #tpu.memory_space<vmem>>[vector<16xi32>, vector<16xi32>], vector<16xf32>,
          %add3A_294 = vector.broadcast %mul3A_252 : i32 to vector<16xi32>
          %add3A_295 = arith.addi %add3A_294, %rem3A_77 : vector<16xi32>
          %gather3A_296 = tpu.vector_load_idx %arg6[%add3A_11, %add3A_295] : memref<64x256xf32, #tpu.memory_space<vmem>>[vector<16xi32>, vector<16xi32>], vector<16xf32>,
          tpu.vector_store_idx %arg8[%add3A_295, %add3A_11], %gather3A_296 : memref<256x128xf32, #tpu.memory_space<vmem>>[vector<16xi32>, vector<16xi32>], vector<16xf32>,
          %gather3A_297 = tpu.vector_load_idx %arg6[%add3A_15, %add3A_295] : memref<64x256xf32, #tpu.memory_space<vmem>>[vector<16xi32>, vector<16xi32>], vector<16xf32>,
          tpu.vector_store_idx %arg8[%add3A_295, %add3A_15], %gather3A_297 : memref<256x128xf32, #tpu.memory_space<vmem>>[vector<16xi32>, vector<16xi32>], vector<16xf32>,
          %gather3A_298 = tpu.vector_load_idx %arg6[%add3A_19, %add3A_295] : memref<64x256xf32, #tpu.memory_space<vmem>>[vector<16xi32>, vector<16xi32>], vector<16xf32>,
          tpu.vector_store_idx %arg8[%add3A_295, %add3A_19], %gather3A_298 : memref<256x128xf32, #tpu.memory_space<vmem>>[vector<16xi32>, vector<16xi32>], vector<16xf32>,
          %gather3A_299 = tpu.vector_load_idx %arg6[%add3A_23, %add3A_295] : memref<64x256xf32, #tpu.memory_space<vmem>>[vector<16xi32>, vector<16xi32>], vector<16xf32>,
          tpu.vector_store_idx %arg8[%add3A_295, %add3A_23], %gather3A_299 : memref<256x128xf32, #tpu.memory_space<vmem>>[vector<16xi32>, vector<16xi32>], vector<16xf32>,
          %add3A_300 = vector.broadcast %mul3A_252 : i32 to vector<16xi32>
          %add3A_301 = arith.addi %add3A_300, %rem3A_84 : vector<16xi32>
          %gather3A_302 = tpu.vector_load_idx %arg6[%add3A_11, %add3A_301] : memref<64x256xf32, #tpu.memory_space<vmem>>[vector<16xi32>, vector<16xi32>], vector<16xf32>,
          tpu.vector_store_idx %arg8[%add3A_301, %add3A_11], %gather3A_302 : memref<256x128xf32, #tpu.memory_space<vmem>>[vector<16xi32>, vector<16xi32>], vector<16xf32>,
          %gather3A_303 = tpu.vector_load_idx %arg6[%add3A_15, %add3A_301] : memref<64x256xf32, #tpu.memory_space<vmem>>[vector<16xi32>, vector<16xi32>], vector<16xf32>,
          tpu.vector_store_idx %arg8[%add3A_301, %add3A_15], %gather3A_303 : memref<256x128xf32, #tpu.memory_space<vmem>>[vector<16xi32>, vector<16xi32>], vector<16xf32>,
          %gather3A_304 = tpu.vector_load_idx %arg6[%add3A_19, %add3A_301] : memref<64x256xf32, #tpu.memory_space<vmem>>[vector<16xi32>, vector<16xi32>], vector<16xf32>,
          tpu.vector_store_idx %arg8[%add3A_301, %add3A_19], %gather3A_304 : memref<256x128xf32, #tpu.memory_space<vmem>>[vector<16xi32>, vector<16xi32>], vector<16xf32>,
          %gather3A_305 = tpu.vector_load_idx %arg6[%add3A_23, %add3A_301] : memref<64x256xf32, #tpu.memory_space<vmem>>[vector<16xi32>, vector<16xi32>], vector<16xf32>,
          tpu.vector_store_idx %arg8[%add3A_301, %add3A_23], %gather3A_305 : memref<256x128xf32, #tpu.memory_space<vmem>>[vector<16xi32>, vector<16xi32>], vector<16xf32>,
          %add3A_306 = vector.broadcast %mul3A_252 : i32 to vector<16xi32>
          %add3A_307 = arith.addi %add3A_306, %rem3A_91 : vector<16xi32>
          %gather3A_308 = tpu.vector_load_idx %arg6[%add3A_11, %add3A_307] : memref<64x256xf32, #tpu.memory_space<vmem>>[vector<16xi32>, vector<16xi32>], vector<16xf32>,
          tpu.vector_store_idx %arg8[%add3A_307, %add3A_11], %gather3A_308 : memref<256x128xf32, #tpu.memory_space<vmem>>[vector<16xi32>, vector<16xi32>], vector<16xf32>,
          %gather3A_309 = tpu.vector_load_idx %arg6[%add3A_15, %add3A_307] : memref<64x256xf32, #tpu.memory_space<vmem>>[vector<16xi32>, vector<16xi32>], vector<16xf32>,
          tpu.vector_store_idx %arg8[%add3A_307, %add3A_15], %gather3A_309 : memref<256x128xf32, #tpu.memory_space<vmem>>[vector<16xi32>, vector<16xi32>], vector<16xf32>,
          %gather3A_310 = tpu.vector_load_idx %arg6[%add3A_19, %add3A_307] : memref<64x256xf32, #tpu.memory_space<vmem>>[vector<16xi32>, vector<16xi32>], vector<16xf32>,
          tpu.vector_store_idx %arg8[%add3A_307, %add3A_19], %gather3A_310 : memref<256x128xf32, #tpu.memory_space<vmem>>[vector<16xi32>, vector<16xi32>], vector<16xf32>,
          %gather3A_311 = tpu.vector_load_idx %arg6[%add3A_23, %add3A_307] : memref<64x256xf32, #tpu.memory_space<vmem>>[vector<16xi32>, vector<16xi32>], vector<16xf32>,
          tpu.vector_store_idx %arg8[%add3A_307, %add3A_23], %gather3A_311 : memref<256x128xf32, #tpu.memory_space<vmem>>[vector<16xi32>, vector<16xi32>], vector<16xf32>,
          %add3A_312 = vector.broadcast %mul3A_252 : i32 to vector<16xi32>
          %add3A_313 = arith.addi %add3A_312, %rem3A_98 : vector<16xi32>
          %gather3A_314 = tpu.vector_load_idx %arg6[%add3A_11, %add3A_313] : memref<64x256xf32, #tpu.memory_space<vmem>>[vector<16xi32>, vector<16xi32>], vector<16xf32>,
          tpu.vector_store_idx %arg8[%add3A_313, %add3A_11], %gather3A_314 : memref<256x128xf32, #tpu.memory_space<vmem>>[vector<16xi32>, vector<16xi32>], vector<16xf32>,
          %gather3A_315 = tpu.vector_load_idx %arg6[%add3A_15, %add3A_313] : memref<64x256xf32, #tpu.memory_space<vmem>>[vector<16xi32>, vector<16xi32>], vector<16xf32>,
          tpu.vector_store_idx %arg8[%add3A_313, %add3A_15], %gather3A_315 : memref<256x128xf32, #tpu.memory_space<vmem>>[vector<16xi32>, vector<16xi32>], vector<16xf32>,
          %gather3A_316 = tpu.vector_load_idx %arg6[%add3A_19, %add3A_313] : memref<64x256xf32, #tpu.memory_space<vmem>>[vector<16xi32>, vector<16xi32>], vector<16xf32>,
          tpu.vector_store_idx %arg8[%add3A_313, %add3A_19], %gather3A_316 : memref<256x128xf32, #tpu.memory_space<vmem>>[vector<16xi32>, vector<16xi32>], vector<16xf32>,
          %gather3A_317 = tpu.vector_load_idx %arg6[%add3A_23, %add3A_313] : memref<64x256xf32, #tpu.memory_space<vmem>>[vector<16xi32>, vector<16xi32>], vector<16xf32>,
          tpu.vector_store_idx %arg8[%add3A_313, %add3A_23], %gather3A_317 : memref<256x128xf32, #tpu.memory_space<vmem>>[vector<16xi32>, vector<16xi32>], vector<16xf32>,
          %add3A_318 = vector.broadcast %mul3A_252 : i32 to vector<16xi32>
          %add3A_319 = arith.addi %add3A_318, %rem3A_105 : vector<16xi32>
          %gather3A_320 = tpu.vector_load_idx %arg6[%add3A_11, %add3A_319] : memref<64x256xf32, #tpu.memory_space<vmem>>[vector<16xi32>, vector<16xi32>], vector<16xf32>,
          tpu.vector_store_idx %arg8[%add3A_319, %add3A_11], %gather3A_320 : memref<256x128xf32, #tpu.memory_space<vmem>>[vector<16xi32>, vector<16xi32>], vector<16xf32>,
          %gather3A_321 = tpu.vector_load_idx %arg6[%add3A_15, %add3A_319] : memref<64x256xf32, #tpu.memory_space<vmem>>[vector<16xi32>, vector<16xi32>], vector<16xf32>,
          tpu.vector_store_idx %arg8[%add3A_319, %add3A_15], %gather3A_321 : memref<256x128xf32, #tpu.memory_space<vmem>>[vector<16xi32>, vector<16xi32>], vector<16xf32>,
          %gather3A_322 = tpu.vector_load_idx %arg6[%add3A_19, %add3A_319] : memref<64x256xf32, #tpu.memory_space<vmem>>[vector<16xi32>, vector<16xi32>], vector<16xf32>,
          tpu.vector_store_idx %arg8[%add3A_319, %add3A_19], %gather3A_322 : memref<256x128xf32, #tpu.memory_space<vmem>>[vector<16xi32>, vector<16xi32>], vector<16xf32>,
          %gather3A_323 = tpu.vector_load_idx %arg6[%add3A_23, %add3A_319] : memref<64x256xf32, #tpu.memory_space<vmem>>[vector<16xi32>, vector<16xi32>], vector<16xf32>,
          tpu.vector_store_idx %arg8[%add3A_319, %add3A_23], %gather3A_323 : memref<256x128xf32, #tpu.memory_space<vmem>>[vector<16xi32>, vector<16xi32>], vector<16xf32>,
          %add3A_324 = vector.broadcast %mul3A_252 : i32 to vector<16xi32>
          %add3A_325 = arith.addi %add3A_324, %rem3A_112 : vector<16xi32>
          %gather3A_326 = tpu.vector_load_idx %arg6[%add3A_11, %add3A_325] : memref<64x256xf32, #tpu.memory_space<vmem>>[vector<16xi32>, vector<16xi32>], vector<16xf32>,
          tpu.vector_store_idx %arg8[%add3A_325, %add3A_11], %gather3A_326 : memref<256x128xf32, #tpu.memory_space<vmem>>[vector<16xi32>, vector<16xi32>], vector<16xf32>,
          %gather3A_327 = tpu.vector_load_idx %arg6[%add3A_15, %add3A_325] : memref<64x256xf32, #tpu.memory_space<vmem>>[vector<16xi32>, vector<16xi32>], vector<16xf32>,
          tpu.vector_store_idx %arg8[%add3A_325, %add3A_15], %gather3A_327 : memref<256x128xf32, #tpu.memory_space<vmem>>[vector<16xi32>, vector<16xi32>], vector<16xf32>,
          %gather3A_328 = tpu.vector_load_idx %arg6[%add3A_19, %add3A_325] : memref<64x256xf32, #tpu.memory_space<vmem>>[vector<16xi32>, vector<16xi32>], vector<16xf32>,
          tpu.vector_store_idx %arg8[%add3A_325, %add3A_19], %gather3A_328 : memref<256x128xf32, #tpu.memory_space<vmem>>[vector<16xi32>, vector<16xi32>], vector<16xf32>,
          %gather3A_329 = tpu.vector_load_idx %arg6[%add3A_23, %add3A_325] : memref<64x256xf32, #tpu.memory_space<vmem>>[vector<16xi32>, vector<16xi32>], vector<16xf32>,
          tpu.vector_store_idx %arg8[%add3A_325, %add3A_23], %gather3A_329 : memref<256x128xf32, #tpu.memory_space<vmem>>[vector<16xi32>, vector<16xi32>], vector<16xf32>,
          %add3A_330 = vector.broadcast %mul3A_252 : i32 to vector<16xi32>
          %add3A_331 = arith.addi %add3A_330, %rem3A_119 : vector<16xi32>
          %gather3A_332 = tpu.vector_load_idx %arg6[%add3A_11, %add3A_331] : memref<64x256xf32, #tpu.memory_space<vmem>>[vector<16xi32>, vector<16xi32>], vector<16xf32>,
          tpu.vector_store_idx %arg8[%add3A_331, %add3A_11], %gather3A_332 : memref<256x128xf32, #tpu.memory_space<vmem>>[vector<16xi32>, vector<16xi32>], vector<16xf32>,
          %gather3A_333 = tpu.vector_load_idx %arg6[%add3A_15, %add3A_331] : memref<64x256xf32, #tpu.memory_space<vmem>>[vector<16xi32>, vector<16xi32>], vector<16xf32>,
          tpu.vector_store_idx %arg8[%add3A_331, %add3A_15], %gather3A_333 : memref<256x128xf32, #tpu.memory_space<vmem>>[vector<16xi32>, vector<16xi32>], vector<16xf32>,
          %gather3A_334 = tpu.vector_load_idx %arg6[%add3A_19, %add3A_331] : memref<64x256xf32, #tpu.memory_space<vmem>>[vector<16xi32>, vector<16xi32>], vector<16xf32>,
          tpu.vector_store_idx %arg8[%add3A_331, %add3A_19], %gather3A_334 : memref<256x128xf32, #tpu.memory_space<vmem>>[vector<16xi32>, vector<16xi32>], vector<16xf32>,
          %gather3A_335 = tpu.vector_load_idx %arg6[%add3A_23, %add3A_331] : memref<64x256xf32, #tpu.memory_space<vmem>>[vector<16xi32>, vector<16xi32>], vector<16xf32>,
          tpu.vector_store_idx %arg8[%add3A_331, %add3A_23], %gather3A_335 : memref<256x128xf32, #tpu.memory_space<vmem>>[vector<16xi32>, vector<16xi32>], vector<16xf32>,
          %add3A_336 = vector.broadcast %mul3A_252 : i32 to vector<16xi32>
          %add3A_337 = arith.addi %add3A_336, %rem3A_126 : vector<16xi32>
          %gather3A_338 = tpu.vector_load_idx %arg6[%add3A_11, %add3A_337] : memref<64x256xf32, #tpu.memory_space<vmem>>[vector<16xi32>, vector<16xi32>], vector<16xf32>,
          tpu.vector_store_idx %arg8[%add3A_337, %add3A_11], %gather3A_338 : memref<256x128xf32, #tpu.memory_space<vmem>>[vector<16xi32>, vector<16xi32>], vector<16xf32>,
          %gather3A_339 = tpu.vector_load_idx %arg6[%add3A_15, %add3A_337] : memref<64x256xf32, #tpu.memory_space<vmem>>[vector<16xi32>, vector<16xi32>], vector<16xf32>,
          tpu.vector_store_idx %arg8[%add3A_337, %add3A_15], %gather3A_339 : memref<256x128xf32, #tpu.memory_space<vmem>>[vector<16xi32>, vector<16xi32>], vector<16xf32>,
          %gather3A_340 = tpu.vector_load_idx %arg6[%add3A_19, %add3A_337] : memref<64x256xf32, #tpu.memory_space<vmem>>[vector<16xi32>, vector<16xi32>], vector<16xf32>,
          tpu.vector_store_idx %arg8[%add3A_337, %add3A_19], %gather3A_340 : memref<256x128xf32, #tpu.memory_space<vmem>>[vector<16xi32>, vector<16xi32>], vector<16xf32>,
          %gather3A_341 = tpu.vector_load_idx %arg6[%add3A_23, %add3A_337] : memref<64x256xf32, #tpu.memory_space<vmem>>[vector<16xi32>, vector<16xi32>], vector<16xf32>,
          tpu.vector_store_idx %arg8[%add3A_337, %add3A_23], %gather3A_341 : memref<256x128xf32, #tpu.memory_space<vmem>>[vector<16xi32>, vector<16xi32>], vector<16xf32>,
          %add3A_342 = vector.broadcast %mul3A_252 : i32 to vector<16xi32>
          %add3A_343 = arith.addi %add3A_342, %rem3A_133 : vector<16xi32>
          %gather3A_344 = tpu.vector_load_idx %arg6[%add3A_11, %add3A_343] : memref<64x256xf32, #tpu.memory_space<vmem>>[vector<16xi32>, vector<16xi32>], vector<16xf32>,
          tpu.vector_store_idx %arg8[%add3A_343, %add3A_11], %gather3A_344 : memref<256x128xf32, #tpu.memory_space<vmem>>[vector<16xi32>, vector<16xi32>], vector<16xf32>,
          %gather3A_345 = tpu.vector_load_idx %arg6[%add3A_15, %add3A_343] : memref<64x256xf32, #tpu.memory_space<vmem>>[vector<16xi32>, vector<16xi32>], vector<16xf32>,
          tpu.vector_store_idx %arg8[%add3A_343, %add3A_15], %gather3A_345 : memref<256x128xf32, #tpu.memory_space<vmem>>[vector<16xi32>, vector<16xi32>], vector<16xf32>,
          %gather3A_346 = tpu.vector_load_idx %arg6[%add3A_19, %add3A_343] : memref<64x256xf32, #tpu.memory_space<vmem>>[vector<16xi32>, vector<16xi32>], vector<16xf32>,
          tpu.vector_store_idx %arg8[%add3A_343, %add3A_19], %gather3A_346 : memref<256x128xf32, #tpu.memory_space<vmem>>[vector<16xi32>, vector<16xi32>], vector<16xf32>,
          %gather3A_347 = tpu.vector_load_idx %arg6[%add3A_23, %add3A_343] : memref<64x256xf32, #tpu.memory_space<vmem>>[vector<16xi32>, vector<16xi32>], vector<16xf32>,
          tpu.vector_store_idx %arg8[%add3A_343, %add3A_23], %gather3A_347 : memref<256x128xf32, #tpu.memory_space<vmem>>[vector<16xi32>, vector<16xi32>], vector<16xf32>,
        }
        %scan3A_235 = arith.constant 16 : i32
        %add3A_236 = arith.addi %add3A_4, %while3A_206 : i32
        %mul3A_237 = arith.constant 256 : i32
        %mul3A_238 = arith.muli %add3A_236, %mul3A_237 : i32
        %dma_start3A = arith.constant 0 : i32
        %dma_start3A_239 = tpu.memref_slice %arg4[%mul3A_238, %dma_start3A] : memref<1000000x128xf32, #tpu.memory_space<hbm>> -> memref<256x128xf32, #tpu.memory_space<hbm>>
        %dma_start3A_240 = arith.constant 0 : i32
        %dma_start3A_241 = tpu.memref_slice %arg4[%mul3A_238, %dma_start3A_240] : memref<1000000x128xf32, #tpu.memory_space<hbm>> -> memref<256x128xf32, #tpu.memory_space<hbm>>
        tpu.enqueue_dma source(%arg8 : memref<256x128xf32, #tpu.memory_space<vmem>>) target(%dma_start3A_241 : memref<256x128xf32, #tpu.memory_space<hbm>>) target_semaphore(%arg13 : memref<!tpu.dma_semaphore, #tpu.memory_space<semaphore_mem>>)
        %add3A_242 = arith.constant 2 : i32
        %add3A_243 = arith.addi %while3A_206, %add3A_242 : i32
        %lt3A_244 = arith.cmpi slt, %add3A_243, %add3A_8 : i32
        %add3A_245 = arith.constant 2 : i32
        %add3A_246 = arith.addi %while3A_206, %add3A_245 : i32
        %convert_element_type3A_247 = arith.extui %lt3A_244 : i1 to i32
        %cond3A_248 = arith.constant 0 : i32
        %cond3A_249 = arith.cmpi ne, %convert_element_type3A_247, %cond3A_248 : i32
        scf.if %cond3A_249 {
          %add3A_250 = arith.addi %add3A_4, %add3A_246 : i32
          %mul3A_251 = arith.constant 256 : i32
          %mul3A_252 = arith.muli %add3A_250, %mul3A_251 : i32
          %dma_start3A_253 = arith.constant 0 : i32
          %dma_start3A_254 = tpu.memref_slice %arg2[%dma_start3A_253, %mul3A_252] : memref<64x1000000xf32, #tpu.memory_space<hbm>> -> memref<64x256xf32, #tpu.memory_space<hbm>>
          %dma_start3A_255 = arith.constant 0 : i32
          %dma_start3A_256 = tpu.memref_slice %arg2[%dma_start3A_255, %mul3A_252] : memref<64x1000000xf32, #tpu.memory_space<hbm>> -> memref<64x256xf32, #tpu.memory_space<hbm>>
          tpu.enqueue_dma source(%dma_start3A_256 : memref<64x256xf32, #tpu.memory_space<hbm>>) target(%arg6 : memref<64x256xf32, #tpu.memory_space<vmem>>) target_semaphore(%arg11 : memref<!tpu.dma_semaphore, #tpu.memory_space<semaphore_mem>>)
        } else {
        }
      } else {
      }
    }
    %while3A_148 = arith.constant 1 : i32
    scf.for %while3A_206 = %while3A_146 to %while3A_142 step %while3A_148  : i32 {
      %rem3A_207 = arith.constant 2 : i32
      %rem3A_208 = arith.remsi %while3A_206, %rem3A_207 : i32
      %eq3A_209 = arith.constant 0 : i32
      %eq3A_210 = arith.cmpi eq, %rem3A_208, %eq3A_209 : i32
      %convert_element_type3A_211 = arith.extui %eq3A_210 : i1 to i32
      %cond3A_212 = arith.constant 0 : i32
      %cond3A_213 = arith.cmpi ne, %convert_element_type3A_211, %cond3A_212 : i32
      scf.if %cond3A_213 {
        %add3A_219 = arith.addi %add3A_4, %while3A_206 : i32
        %mul3A_220 = arith.constant 256 : i32
        %mul3A_221 = arith.muli %add3A_219, %mul3A_220 : i32
        %dma_wait3A = arith.constant 0 : i32
        %dma_wait3A_222 = tpu.memref_slice %arg2[%dma_wait3A, %mul3A_221] : memref<64x1000000xf32, #tpu.memory_space<hbm>> -> memref<64x256xf32, #tpu.memory_space<hbm>>
        %dma_wait3A_223 = arith.constant 0 : i32
        %dma_wait3A_224 = tpu.memref_slice %arg2[%dma_wait3A_223, %mul3A_221] : memref<64x1000000xf32, #tpu.memory_space<hbm>> -> memref<64x256xf32, #tpu.memory_space<hbm>>
        tpu.wait_dma2 semaphore(%arg10 : memref<!tpu.dma_semaphore, #tpu.memory_space<semaphore_mem>>) src(%dma_wait3A_224 : memref<64x256xf32, #tpu.memory_space<hbm>>) dst(%arg5 : memref<64x256xf32, #tpu.memory_space<vmem>>)
        %ge3A_225 = arith.constant 2 : i32
        %ge3A_226 = arith.cmpi sge, %while3A_206, %ge3A_225 : i32
        %sub3A_227 = arith.constant 2 : i32
        %sub3A_228 = arith.subi %while3A_206, %sub3A_227 : i32
        %convert_element_type3A_229 = arith.extui %ge3A_226 : i1 to i32
        %cond3A_230 = arith.constant 0 : i32
        %cond3A_231 = arith.cmpi ne, %convert_element_type3A_229, %cond3A_230 : i32
        scf.if %cond3A_231 {
          %add3A_250 = arith.addi %add3A_4, %sub3A_228 : i32
          %mul3A_251 = arith.constant 256 : i32
          %mul3A_252 = arith.muli %add3A_250, %mul3A_251 : i32
          %dma_wait3A_253 = arith.constant 0 : i32
          %dma_wait3A_254 = tpu.memref_slice %arg4[%mul3A_252, %dma_wait3A_253] : memref<1000000x128xf32, #tpu.memory_space<hbm>> -> memref<256x128xf32, #tpu.memory_space<hbm>>
          %dma_wait3A_255 = arith.constant 0 : i32
          %dma_wait3A_256 = tpu.memref_slice %arg4[%mul3A_252, %dma_wait3A_255] : memref<1000000x128xf32, #tpu.memory_space<hbm>> -> memref<256x128xf32, #tpu.memory_space<hbm>>
          tpu.wait_dma2 semaphore(%arg12 : memref<!tpu.dma_semaphore, #tpu.memory_space<semaphore_mem>>) src(%arg7 : memref<256x128xf32, #tpu.memory_space<vmem>>) dst(%dma_wait3A_256 : memref<256x128xf32, #tpu.memory_space<hbm>>)
        } else {
        }
        %scan3A = arith.constant 0 : i32
        %scan3A_232 = arith.constant 16 : i32
        %scan3A_233 = arith.addi %scan3A, %scan3A_232 : i32
        %scan3A_234 = arith.constant 1 : i32
        scf.for %scan3A_250 = %scan3A to %scan3A_233 step %scan3A_234  : i32 {
          %mul3A_251 = arith.constant 16 : i32
          %mul3A_252 = arith.muli %mul3A_251, %scan3A_250 : i32
          %add3A_253 = vector.broadcast %mul3A_252 : i32 to vector<16xi32>
          %add3A_254 = arith.addi %add3A_253, %rem3A : vector<16xi32>
          %gather3A = tpu.vector_load_idx %arg5[%add3A_11, %add3A_254] : memref<64x256xf32, #tpu.memory_space<vmem>>[vector<16xi32>, vector<16xi32>], vector<16xf32>,
          tpu.vector_store_idx %arg7[%add3A_254, %add3A_11], %gather3A : memref<256x128xf32, #tpu.memory_space<vmem>>[vector<16xi32>, vector<16xi32>], vector<16xf32>,
          %gather3A_255 = tpu.vector_load_idx %arg5[%add3A_15, %add3A_254] : memref<64x256xf32, #tpu.memory_space<vmem>>[vector<16xi32>, vector<16xi32>], vector<16xf32>,
          tpu.vector_store_idx %arg7[%add3A_254, %add3A_15], %gather3A_255 : memref<256x128xf32, #tpu.memory_space<vmem>>[vector<16xi32>, vector<16xi32>], vector<16xf32>,
          %gather3A_256 = tpu.vector_load_idx %arg5[%add3A_19, %add3A_254] : memref<64x256xf32, #tpu.memory_space<vmem>>[vector<16xi32>, vector<16xi32>], vector<16xf32>,
          tpu.vector_store_idx %arg7[%add3A_254, %add3A_19], %gather3A_256 : memref<256x128xf32, #tpu.memory_space<vmem>>[vector<16xi32>, vector<16xi32>], vector<16xf32>,
          %gather3A_257 = tpu.vector_load_idx %arg5[%add3A_23, %add3A_254] : memref<64x256xf32, #tpu.memory_space<vmem>>[vector<16xi32>, vector<16xi32>], vector<16xf32>,
          tpu.vector_store_idx %arg7[%add3A_254, %add3A_23], %gather3A_257 : memref<256x128xf32, #tpu.memory_space<vmem>>[vector<16xi32>, vector<16xi32>], vector<16xf32>,
          %add3A_258 = vector.broadcast %mul3A_252 : i32 to vector<16xi32>
          %add3A_259 = arith.addi %add3A_258, %rem3A_35 : vector<16xi32>
          %gather3A_260 = tpu.vector_load_idx %arg5[%add3A_11, %add3A_259] : memref<64x256xf32, #tpu.memory_space<vmem>>[vector<16xi32>, vector<16xi32>], vector<16xf32>,
          tpu.vector_store_idx %arg7[%add3A_259, %add3A_11], %gather3A_260 : memref<256x128xf32, #tpu.memory_space<vmem>>[vector<16xi32>, vector<16xi32>], vector<16xf32>,
          %gather3A_261 = tpu.vector_load_idx %arg5[%add3A_15, %add3A_259] : memref<64x256xf32, #tpu.memory_space<vmem>>[vector<16xi32>, vector<16xi32>], vector<16xf32>,
          tpu.vector_store_idx %arg7[%add3A_259, %add3A_15], %gather3A_261 : memref<256x128xf32, #tpu.memory_space<vmem>>[vector<16xi32>, vector<16xi32>], vector<16xf32>,
          %gather3A_262 = tpu.vector_load_idx %arg5[%add3A_19, %add3A_259] : memref<64x256xf32, #tpu.memory_space<vmem>>[vector<16xi32>, vector<16xi32>], vector<16xf32>,
          tpu.vector_store_idx %arg7[%add3A_259, %add3A_19], %gather3A_262 : memref<256x128xf32, #tpu.memory_space<vmem>>[vector<16xi32>, vector<16xi32>], vector<16xf32>,
          %gather3A_263 = tpu.vector_load_idx %arg5[%add3A_23, %add3A_259] : memref<64x256xf32, #tpu.memory_space<vmem>>[vector<16xi32>, vector<16xi32>], vector<16xf32>,
          tpu.vector_store_idx %arg7[%add3A_259, %add3A_23], %gather3A_263 : memref<256x128xf32, #tpu.memory_space<vmem>>[vector<16xi32>, vector<16xi32>], vector<16xf32>,
          %add3A_264 = vector.broadcast %mul3A_252 : i32 to vector<16xi32>
          %add3A_265 = arith.addi %add3A_264, %rem3A_42 : vector<16xi32>
          %gather3A_266 = tpu.vector_load_idx %arg5[%add3A_11, %add3A_265] : memref<64x256xf32, #tpu.memory_space<vmem>>[vector<16xi32>, vector<16xi32>], vector<16xf32>,
          tpu.vector_store_idx %arg7[%add3A_265, %add3A_11], %gather3A_266 : memref<256x128xf32, #tpu.memory_space<vmem>>[vector<16xi32>, vector<16xi32>], vector<16xf32>,
          %gather3A_267 = tpu.vector_load_idx %arg5[%add3A_15, %add3A_265] : memref<64x256xf32, #tpu.memory_space<vmem>>[vector<16xi32>, vector<16xi32>], vector<16xf32>,
          tpu.vector_store_idx %arg7[%add3A_265, %add3A_15], %gather3A_267 : memref<256x128xf32, #tpu.memory_space<vmem>>[vector<16xi32>, vector<16xi32>], vector<16xf32>,
          %gather3A_268 = tpu.vector_load_idx %arg5[%add3A_19, %add3A_265] : memref<64x256xf32, #tpu.memory_space<vmem>>[vector<16xi32>, vector<16xi32>], vector<16xf32>,
          tpu.vector_store_idx %arg7[%add3A_265, %add3A_19], %gather3A_268 : memref<256x128xf32, #tpu.memory_space<vmem>>[vector<16xi32>, vector<16xi32>], vector<16xf32>,
          %gather3A_269 = tpu.vector_load_idx %arg5[%add3A_23, %add3A_265] : memref<64x256xf32, #tpu.memory_space<vmem>>[vector<16xi32>, vector<16xi32>], vector<16xf32>,
          tpu.vector_store_idx %arg7[%add3A_265, %add3A_23], %gather3A_269 : memref<256x128xf32, #tpu.memory_space<vmem>>[vector<16xi32>, vector<16xi32>], vector<16xf32>,
          %add3A_270 = vector.broadcast %mul3A_252 : i32 to vector<16xi32>
          %add3A_271 = arith.addi %add3A_270, %rem3A_49 : vector<16xi32>
          %gather3A_272 = tpu.vector_load_idx %arg5[%add3A_11, %add3A_271] : memref<64x256xf32, #tpu.memory_space<vmem>>[vector<16xi32>, vector<16xi32>], vector<16xf32>,
          tpu.vector_store_idx %arg7[%add3A_271, %add3A_11], %gather3A_272 : memref<256x128xf32, #tpu.memory_space<vmem>>[vector<16xi32>, vector<16xi32>], vector<16xf32>,
          %gather3A_273 = tpu.vector_load_idx %arg5[%add3A_15, %add3A_271] : memref<64x256xf32, #tpu.memory_space<vmem>>[vector<16xi32>, vector<16xi32>], vector<16xf32>,
          tpu.vector_store_idx %arg7[%add3A_271, %add3A_15], %gather3A_273 : memref<256x128xf32, #tpu.memory_space<vmem>>[vector<16xi32>, vector<16xi32>], vector<16xf32>,
          %gather3A_274 = tpu.vector_load_idx %arg5[%add3A_19, %add3A_271] : memref<64x256xf32, #tpu.memory_space<vmem>>[vector<16xi32>, vector<16xi32>], vector<16xf32>,
          tpu.vector_store_idx %arg7[%add3A_271, %add3A_19], %gather3A_274 : memref<256x128xf32, #tpu.memory_space<vmem>>[vector<16xi32>, vector<16xi32>], vector<16xf32>,
          %gather3A_275 = tpu.vector_load_idx %arg5[%add3A_23, %add3A_271] : memref<64x256xf32, #tpu.memory_space<vmem>>[vector<16xi32>, vector<16xi32>], vector<16xf32>,
          tpu.vector_store_idx %arg7[%add3A_271, %add3A_23], %gather3A_275 : memref<256x128xf32, #tpu.memory_space<vmem>>[vector<16xi32>, vector<16xi32>], vector<16xf32>,
          %add3A_276 = vector.broadcast %mul3A_252 : i32 to vector<16xi32>
          %add3A_277 = arith.addi %add3A_276, %rem3A_56 : vector<16xi32>
          %gather3A_278 = tpu.vector_load_idx %arg5[%add3A_11, %add3A_277] : memref<64x256xf32, #tpu.memory_space<vmem>>[vector<16xi32>, vector<16xi32>], vector<16xf32>,
          tpu.vector_store_idx %arg7[%add3A_277, %add3A_11], %gather3A_278 : memref<256x128xf32, #tpu.memory_space<vmem>>[vector<16xi32>, vector<16xi32>], vector<16xf32>,
          %gather3A_279 = tpu.vector_load_idx %arg5[%add3A_15, %add3A_277] : memref<64x256xf32, #tpu.memory_space<vmem>>[vector<16xi32>, vector<16xi32>], vector<16xf32>,
          tpu.vector_store_idx %arg7[%add3A_277, %add3A_15], %gather3A_279 : memref<256x128xf32, #tpu.memory_space<vmem>>[vector<16xi32>, vector<16xi32>], vector<16xf32>,
          %gather3A_280 = tpu.vector_load_idx %arg5[%add3A_19, %add3A_277] : memref<64x256xf32, #tpu.memory_space<vmem>>[vector<16xi32>, vector<16xi32>], vector<16xf32>,
          tpu.vector_store_idx %arg7[%add3A_277, %add3A_19], %gather3A_280 : memref<256x128xf32, #tpu.memory_space<vmem>>[vector<16xi32>, vector<16xi32>], vector<16xf32>,
          %gather3A_281 = tpu.vector_load_idx %arg5[%add3A_23, %add3A_277] : memref<64x256xf32, #tpu.memory_space<vmem>>[vector<16xi32>, vector<16xi32>], vector<16xf32>,
          tpu.vector_store_idx %arg7[%add3A_277, %add3A_23], %gather3A_281 : memref<256x128xf32, #tpu.memory_space<vmem>>[vector<16xi32>, vector<16xi32>], vector<16xf32>,
          %add3A_282 = vector.broadcast %mul3A_252 : i32 to vector<16xi32>
          %add3A_283 = arith.addi %add3A_282, %rem3A_63 : vector<16xi32>
          %gather3A_284 = tpu.vector_load_idx %arg5[%add3A_11, %add3A_283] : memref<64x256xf32, #tpu.memory_space<vmem>>[vector<16xi32>, vector<16xi32>], vector<16xf32>,
          tpu.vector_store_idx %arg7[%add3A_283, %add3A_11], %gather3A_284 : memref<256x128xf32, #tpu.memory_space<vmem>>[vector<16xi32>, vector<16xi32>], vector<16xf32>,
          %gather3A_285 = tpu.vector_load_idx %arg5[%add3A_15, %add3A_283] : memref<64x256xf32, #tpu.memory_space<vmem>>[vector<16xi32>, vector<16xi32>], vector<16xf32>,
          tpu.vector_store_idx %arg7[%add3A_283, %add3A_15], %gather3A_285 : memref<256x128xf32, #tpu.memory_space<vmem>>[vector<16xi32>, vector<16xi32>], vector<16xf32>,
          %gather3A_286 = tpu.vector_load_idx %arg5[%add3A_19, %add3A_283] : memref<64x256xf32, #tpu.memory_space<vmem>>[vector<16xi32>, vector<16xi32>], vector<16xf32>,
          tpu.vector_store_idx %arg7[%add3A_283, %add3A_19], %gather3A_286 : memref<256x128xf32, #tpu.memory_space<vmem>>[vector<16xi32>, vector<16xi32>], vector<16xf32>,
          %gather3A_287 = tpu.vector_load_idx %arg5[%add3A_23, %add3A_283] : memref<64x256xf32, #tpu.memory_space<vmem>>[vector<16xi32>, vector<16xi32>], vector<16xf32>,
          tpu.vector_store_idx %arg7[%add3A_283, %add3A_23], %gather3A_287 : memref<256x128xf32, #tpu.memory_space<vmem>>[vector<16xi32>, vector<16xi32>], vector<16xf32>,
          %add3A_288 = vector.broadcast %mul3A_252 : i32 to vector<16xi32>
          %add3A_289 = arith.addi %add3A_288, %rem3A_70 : vector<16xi32>
          %gather3A_290 = tpu.vector_load_idx %arg5[%add3A_11, %add3A_289] : memref<64x256xf32, #tpu.memory_space<vmem>>[vector<16xi32>, vector<16xi32>], vector<16xf32>,
          tpu.vector_store_idx %arg7[%add3A_289, %add3A_11], %gather3A_290 : memref<256x128xf32, #tpu.memory_space<vmem>>[vector<16xi32>, vector<16xi32>], vector<16xf32>,
          %gather3A_291 = tpu.vector_load_idx %arg5[%add3A_15, %add3A_289] : memref<64x256xf32, #tpu.memory_space<vmem>>[vector<16xi32>, vector<16xi32>], vector<16xf32>,
          tpu.vector_store_idx %arg7[%add3A_289, %add3A_15], %gather3A_291 : memref<256x128xf32, #tpu.memory_space<vmem>>[vector<16xi32>, vector<16xi32>], vector<16xf32>,
          %gather3A_292 = tpu.vector_load_idx %arg5[%add3A_19, %add3A_289] : memref<64x256xf32, #tpu.memory_space<vmem>>[vector<16xi32>, vector<16xi32>], vector<16xf32>,
          tpu.vector_store_idx %arg7[%add3A_289, %add3A_19], %gather3A_292 : memref<256x128xf32, #tpu.memory_space<vmem>>[vector<16xi32>, vector<16xi32>], vector<16xf32>,
          %gather3A_293 = tpu.vector_load_idx %arg5[%add3A_23, %add3A_289] : memref<64x256xf32, #tpu.memory_space<vmem>>[vector<16xi32>, vector<16xi32>], vector<16xf32>,
          tpu.vector_store_idx %arg7[%add3A_289, %add3A_23], %gather3A_293 : memref<256x128xf32, #tpu.memory_space<vmem>>[vector<16xi32>, vector<16xi32>], vector<16xf32>,
          %add3A_294 = vector.broadcast %mul3A_252 : i32 to vector<16xi32>
          %add3A_295 = arith.addi %add3A_294, %rem3A_77 : vector<16xi32>
          %gather3A_296 = tpu.vector_load_idx %arg5[%add3A_11, %add3A_295] : memref<64x256xf32, #tpu.memory_space<vmem>>[vector<16xi32>, vector<16xi32>], vector<16xf32>,
          tpu.vector_store_idx %arg7[%add3A_295, %add3A_11], %gather3A_296 : memref<256x128xf32, #tpu.memory_space<vmem>>[vector<16xi32>, vector<16xi32>], vector<16xf32>,
          %gather3A_297 = tpu.vector_load_idx %arg5[%add3A_15, %add3A_295] : memref<64x256xf32, #tpu.memory_space<vmem>>[vector<16xi32>, vector<16xi32>], vector<16xf32>,
          tpu.vector_store_idx %arg7[%add3A_295, %add3A_15], %gather3A_297 : memref<256x128xf32, #tpu.memory_space<vmem>>[vector<16xi32>, vector<16xi32>], vector<16xf32>,
          %gather3A_298 = tpu.vector_load_idx %arg5[%add3A_19, %add3A_295] : memref<64x256xf32, #tpu.memory_space<vmem>>[vector<16xi32>, vector<16xi32>], vector<16xf32>,
          tpu.vector_store_idx %arg7[%add3A_295, %add3A_19], %gather3A_298 : memref<256x128xf32, #tpu.memory_space<vmem>>[vector<16xi32>, vector<16xi32>], vector<16xf32>,
          %gather3A_299 = tpu.vector_load_idx %arg5[%add3A_23, %add3A_295] : memref<64x256xf32, #tpu.memory_space<vmem>>[vector<16xi32>, vector<16xi32>], vector<16xf32>,
          tpu.vector_store_idx %arg7[%add3A_295, %add3A_23], %gather3A_299 : memref<256x128xf32, #tpu.memory_space<vmem>>[vector<16xi32>, vector<16xi32>], vector<16xf32>,
          %add3A_300 = vector.broadcast %mul3A_252 : i32 to vector<16xi32>
          %add3A_301 = arith.addi %add3A_300, %rem3A_84 : vector<16xi32>
          %gather3A_302 = tpu.vector_load_idx %arg5[%add3A_11, %add3A_301] : memref<64x256xf32, #tpu.memory_space<vmem>>[vector<16xi32>, vector<16xi32>], vector<16xf32>,
          tpu.vector_store_idx %arg7[%add3A_301, %add3A_11], %gather3A_302 : memref<256x128xf32, #tpu.memory_space<vmem>>[vector<16xi32>, vector<16xi32>], vector<16xf32>,
          %gather3A_303 = tpu.vector_load_idx %arg5[%add3A_15, %add3A_301] : memref<64x256xf32, #tpu.memory_space<vmem>>[vector<16xi32>, vector<16xi32>], vector<16xf32>,
          tpu.vector_store_idx %arg7[%add3A_301, %add3A_15], %gather3A_303 : memref<256x128xf32, #tpu.memory_space<vmem>>[vector<16xi32>, vector<16xi32>], vector<16xf32>,
          %gather3A_304 = tpu.vector_load_idx %arg5[%add3A_19, %add3A_301] : memref<64x256xf32, #tpu.memory_space<vmem>>[vector<16xi32>, vector<16xi32>], vector<16xf32>,
          tpu.vector_store_idx %arg7[%add3A_301, %add3A_19], %gather3A_304 : memref<256x128xf32, #tpu.memory_space<vmem>>[vector<16xi32>, vector<16xi32>], vector<16xf32>,
          %gather3A_305 = tpu.vector_load_idx %arg5[%add3A_23, %add3A_301] : memref<64x256xf32, #tpu.memory_space<vmem>>[vector<16xi32>, vector<16xi32>], vector<16xf32>,
          tpu.vector_store_idx %arg7[%add3A_301, %add3A_23], %gather3A_305 : memref<256x128xf32, #tpu.memory_space<vmem>>[vector<16xi32>, vector<16xi32>], vector<16xf32>,
          %add3A_306 = vector.broadcast %mul3A_252 : i32 to vector<16xi32>
          %add3A_307 = arith.addi %add3A_306, %rem3A_91 : vector<16xi32>
          %gather3A_308 = tpu.vector_load_idx %arg5[%add3A_11, %add3A_307] : memref<64x256xf32, #tpu.memory_space<vmem>>[vector<16xi32>, vector<16xi32>], vector<16xf32>,
          tpu.vector_store_idx %arg7[%add3A_307, %add3A_11], %gather3A_308 : memref<256x128xf32, #tpu.memory_space<vmem>>[vector<16xi32>, vector<16xi32>], vector<16xf32>,
          %gather3A_309 = tpu.vector_load_idx %arg5[%add3A_15, %add3A_307] : memref<64x256xf32, #tpu.memory_space<vmem>>[vector<16xi32>, vector<16xi32>], vector<16xf32>,
          tpu.vector_store_idx %arg7[%add3A_307, %add3A_15], %gather3A_309 : memref<256x128xf32, #tpu.memory_space<vmem>>[vector<16xi32>, vector<16xi32>], vector<16xf32>,
          %gather3A_310 = tpu.vector_load_idx %arg5[%add3A_19, %add3A_307] : memref<64x256xf32, #tpu.memory_space<vmem>>[vector<16xi32>, vector<16xi32>], vector<16xf32>,
          tpu.vector_store_idx %arg7[%add3A_307, %add3A_19], %gather3A_310 : memref<256x128xf32, #tpu.memory_space<vmem>>[vector<16xi32>, vector<16xi32>], vector<16xf32>,
          %gather3A_311 = tpu.vector_load_idx %arg5[%add3A_23, %add3A_307] : memref<64x256xf32, #tpu.memory_space<vmem>>[vector<16xi32>, vector<16xi32>], vector<16xf32>,
          tpu.vector_store_idx %arg7[%add3A_307, %add3A_23], %gather3A_311 : memref<256x128xf32, #tpu.memory_space<vmem>>[vector<16xi32>, vector<16xi32>], vector<16xf32>,
          %add3A_312 = vector.broadcast %mul3A_252 : i32 to vector<16xi32>
          %add3A_313 = arith.addi %add3A_312, %rem3A_98 : vector<16xi32>
          %gather3A_314 = tpu.vector_load_idx %arg5[%add3A_11, %add3A_313] : memref<64x256xf32, #tpu.memory_space<vmem>>[vector<16xi32>, vector<16xi32>], vector<16xf32>,
          tpu.vector_store_idx %arg7[%add3A_313, %add3A_11], %gather3A_314 : memref<256x128xf32, #tpu.memory_space<vmem>>[vector<16xi32>, vector<16xi32>], vector<16xf32>,
          %gather3A_315 = tpu.vector_load_idx %arg5[%add3A_15, %add3A_313] : memref<64x256xf32, #tpu.memory_space<vmem>>[vector<16xi32>, vector<16xi32>], vector<16xf32>,
          tpu.vector_store_idx %arg7[%add3A_313, %add3A_15], %gather3A_315 : memref<256x128xf32, #tpu.memory_space<vmem>>[vector<16xi32>, vector<16xi32>], vector<16xf32>,
          %gather3A_316 = tpu.vector_load_idx %arg5[%add3A_19, %add3A_313] : memref<64x256xf32, #tpu.memory_space<vmem>>[vector<16xi32>, vector<16xi32>], vector<16xf32>,
          tpu.vector_store_idx %arg7[%add3A_313, %add3A_19], %gather3A_316 : memref<256x128xf32, #tpu.memory_space<vmem>>[vector<16xi32>, vector<16xi32>], vector<16xf32>,
          %gather3A_317 = tpu.vector_load_idx %arg5[%add3A_23, %add3A_313] : memref<64x256xf32, #tpu.memory_space<vmem>>[vector<16xi32>, vector<16xi32>], vector<16xf32>,
          tpu.vector_store_idx %arg7[%add3A_313, %add3A_23], %gather3A_317 : memref<256x128xf32, #tpu.memory_space<vmem>>[vector<16xi32>, vector<16xi32>], vector<16xf32>,
          %add3A_318 = vector.broadcast %mul3A_252 : i32 to vector<16xi32>
          %add3A_319 = arith.addi %add3A_318, %rem3A_105 : vector<16xi32>
          %gather3A_320 = tpu.vector_load_idx %arg5[%add3A_11, %add3A_319] : memref<64x256xf32, #tpu.memory_space<vmem>>[vector<16xi32>, vector<16xi32>], vector<16xf32>,
          tpu.vector_store_idx %arg7[%add3A_319, %add3A_11], %gather3A_320 : memref<256x128xf32, #tpu.memory_space<vmem>>[vector<16xi32>, vector<16xi32>], vector<16xf32>,
          %gather3A_321 = tpu.vector_load_idx %arg5[%add3A_15, %add3A_319] : memref<64x256xf32, #tpu.memory_space<vmem>>[vector<16xi32>, vector<16xi32>], vector<16xf32>,
          tpu.vector_store_idx %arg7[%add3A_319, %add3A_15], %gather3A_321 : memref<256x128xf32, #tpu.memory_space<vmem>>[vector<16xi32>, vector<16xi32>], vector<16xf32>,
          %gather3A_322 = tpu.vector_load_idx %arg5[%add3A_19, %add3A_319] : memref<64x256xf32, #tpu.memory_space<vmem>>[vector<16xi32>, vector<16xi32>], vector<16xf32>,
          tpu.vector_store_idx %arg7[%add3A_319, %add3A_19], %gather3A_322 : memref<256x128xf32, #tpu.memory_space<vmem>>[vector<16xi32>, vector<16xi32>], vector<16xf32>,
          %gather3A_323 = tpu.vector_load_idx %arg5[%add3A_23, %add3A_319] : memref<64x256xf32, #tpu.memory_space<vmem>>[vector<16xi32>, vector<16xi32>], vector<16xf32>,
          tpu.vector_store_idx %arg7[%add3A_319, %add3A_23], %gather3A_323 : memref<256x128xf32, #tpu.memory_space<vmem>>[vector<16xi32>, vector<16xi32>], vector<16xf32>,
          %add3A_324 = vector.broadcast %mul3A_252 : i32 to vector<16xi32>
          %add3A_325 = arith.addi %add3A_324, %rem3A_112 : vector<16xi32>
          %gather3A_326 = tpu.vector_load_idx %arg5[%add3A_11, %add3A_325] : memref<64x256xf32, #tpu.memory_space<vmem>>[vector<16xi32>, vector<16xi32>], vector<16xf32>,
          tpu.vector_store_idx %arg7[%add3A_325, %add3A_11], %gather3A_326 : memref<256x128xf32, #tpu.memory_space<vmem>>[vector<16xi32>, vector<16xi32>], vector<16xf32>,
          %gather3A_327 = tpu.vector_load_idx %arg5[%add3A_15, %add3A_325] : memref<64x256xf32, #tpu.memory_space<vmem>>[vector<16xi32>, vector<16xi32>], vector<16xf32>,
          tpu.vector_store_idx %arg7[%add3A_325, %add3A_15], %gather3A_327 : memref<256x128xf32, #tpu.memory_space<vmem>>[vector<16xi32>, vector<16xi32>], vector<16xf32>,
          %gather3A_328 = tpu.vector_load_idx %arg5[%add3A_19, %add3A_325] : memref<64x256xf32, #tpu.memory_space<vmem>>[vector<16xi32>, vector<16xi32>], vector<16xf32>,
          tpu.vector_store_idx %arg7[%add3A_325, %add3A_19], %gather3A_328 : memref<256x128xf32, #tpu.memory_space<vmem>>[vector<16xi32>, vector<16xi32>], vector<16xf32>,
          %gather3A_329 = tpu.vector_load_idx %arg5[%add3A_23, %add3A_325] : memref<64x256xf32, #tpu.memory_space<vmem>>[vector<16xi32>, vector<16xi32>], vector<16xf32>,
          tpu.vector_store_idx %arg7[%add3A_325, %add3A_23], %gather3A_329 : memref<256x128xf32, #tpu.memory_space<vmem>>[vector<16xi32>, vector<16xi32>], vector<16xf32>,
          %add3A_330 = vector.broadcast %mul3A_252 : i32 to vector<16xi32>
          %add3A_331 = arith.addi %add3A_330, %rem3A_119 : vector<16xi32>
          %gather3A_332 = tpu.vector_load_idx %arg5[%add3A_11, %add3A_331] : memref<64x256xf32, #tpu.memory_space<vmem>>[vector<16xi32>, vector<16xi32>], vector<16xf32>,
          tpu.vector_store_idx %arg7[%add3A_331, %add3A_11], %gather3A_332 : memref<256x128xf32, #tpu.memory_space<vmem>>[vector<16xi32>, vector<16xi32>], vector<16xf32>,
          %gather3A_333 = tpu.vector_load_idx %arg5[%add3A_15, %add3A_331] : memref<64x256xf32, #tpu.memory_space<vmem>>[vector<16xi32>, vector<16xi32>], vector<16xf32>,
          tpu.vector_store_idx %arg7[%add3A_331, %add3A_15], %gather3A_333 : memref<256x128xf32, #tpu.memory_space<vmem>>[vector<16xi32>, vector<16xi32>], vector<16xf32>,
          %gather3A_334 = tpu.vector_load_idx %arg5[%add3A_19, %add3A_331] : memref<64x256xf32, #tpu.memory_space<vmem>>[vector<16xi32>, vector<16xi32>], vector<16xf32>,
          tpu.vector_store_idx %arg7[%add3A_331, %add3A_19], %gather3A_334 : memref<256x128xf32, #tpu.memory_space<vmem>>[vector<16xi32>, vector<16xi32>], vector<16xf32>,
          %gather3A_335 = tpu.vector_load_idx %arg5[%add3A_23, %add3A_331] : memref<64x256xf32, #tpu.memory_space<vmem>>[vector<16xi32>, vector<16xi32>], vector<16xf32>,
          tpu.vector_store_idx %arg7[%add3A_331, %add3A_23], %gather3A_335 : memref<256x128xf32, #tpu.memory_space<vmem>>[vector<16xi32>, vector<16xi32>], vector<16xf32>,
          %add3A_336 = vector.broadcast %mul3A_252 : i32 to vector<16xi32>
          %add3A_337 = arith.addi %add3A_336, %rem3A_126 : vector<16xi32>
          %gather3A_338 = tpu.vector_load_idx %arg5[%add3A_11, %add3A_337] : memref<64x256xf32, #tpu.memory_space<vmem>>[vector<16xi32>, vector<16xi32>], vector<16xf32>,
          tpu.vector_store_idx %arg7[%add3A_337, %add3A_11], %gather3A_338 : memref<256x128xf32, #tpu.memory_space<vmem>>[vector<16xi32>, vector<16xi32>], vector<16xf32>,
          %gather3A_339 = tpu.vector_load_idx %arg5[%add3A_15, %add3A_337] : memref<64x256xf32, #tpu.memory_space<vmem>>[vector<16xi32>, vector<16xi32>], vector<16xf32>,
          tpu.vector_store_idx %arg7[%add3A_337, %add3A_15], %gather3A_339 : memref<256x128xf32, #tpu.memory_space<vmem>>[vector<16xi32>, vector<16xi32>], vector<16xf32>,
          %gather3A_340 = tpu.vector_load_idx %arg5[%add3A_19, %add3A_337] : memref<64x256xf32, #tpu.memory_space<vmem>>[vector<16xi32>, vector<16xi32>], vector<16xf32>,
          tpu.vector_store_idx %arg7[%add3A_337, %add3A_19], %gather3A_340 : memref<256x128xf32, #tpu.memory_space<vmem>>[vector<16xi32>, vector<16xi32>], vector<16xf32>,
          %gather3A_341 = tpu.vector_load_idx %arg5[%add3A_23, %add3A_337] : memref<64x256xf32, #tpu.memory_space<vmem>>[vector<16xi32>, vector<16xi32>], vector<16xf32>,
          tpu.vector_store_idx %arg7[%add3A_337, %add3A_23], %gather3A_341 : memref<256x128xf32, #tpu.memory_space<vmem>>[vector<16xi32>, vector<16xi32>], vector<16xf32>,
          %add3A_342 = vector.broadcast %mul3A_252 : i32 to vector<16xi32>
          %add3A_343 = arith.addi %add3A_342, %rem3A_133 : vector<16xi32>
          %gather3A_344 = tpu.vector_load_idx %arg5[%add3A_11, %add3A_343] : memref<64x256xf32, #tpu.memory_space<vmem>>[vector<16xi32>, vector<16xi32>], vector<16xf32>,
          tpu.vector_store_idx %arg7[%add3A_343, %add3A_11], %gather3A_344 : memref<256x128xf32, #tpu.memory_space<vmem>>[vector<16xi32>, vector<16xi32>], vector<16xf32>,
          %gather3A_345 = tpu.vector_load_idx %arg5[%add3A_15, %add3A_343] : memref<64x256xf32, #tpu.memory_space<vmem>>[vector<16xi32>, vector<16xi32>], vector<16xf32>,
          tpu.vector_store_idx %arg7[%add3A_343, %add3A_15], %gather3A_345 : memref<256x128xf32, #tpu.memory_space<vmem>>[vector<16xi32>, vector<16xi32>], vector<16xf32>,
          %gather3A_346 = tpu.vector_load_idx %arg5[%add3A_19, %add3A_343] : memref<64x256xf32, #tpu.memory_space<vmem>>[vector<16xi32>, vector<16xi32>], vector<16xf32>,
          tpu.vector_store_idx %arg7[%add3A_343, %add3A_19], %gather3A_346 : memref<256x128xf32, #tpu.memory_space<vmem>>[vector<16xi32>, vector<16xi32>], vector<16xf32>,
          %gather3A_347 = tpu.vector_load_idx %arg5[%add3A_23, %add3A_343] : memref<64x256xf32, #tpu.memory_space<vmem>>[vector<16xi32>, vector<16xi32>], vector<16xf32>,
          tpu.vector_store_idx %arg7[%add3A_343, %add3A_23], %gather3A_347 : memref<256x128xf32, #tpu.memory_space<vmem>>[vector<16xi32>, vector<16xi32>], vector<16xf32>,
        }
        %scan3A_235 = arith.constant 16 : i32
        %add3A_236 = arith.addi %add3A_4, %while3A_206 : i32
        %mul3A_237 = arith.constant 256 : i32
        %mul3A_238 = arith.muli %add3A_236, %mul3A_237 : i32
        %dma_start3A = arith.constant 0 : i32
        %dma_start3A_239 = tpu.memref_slice %arg4[%mul3A_238, %dma_start3A] : memref<1000000x128xf32, #tpu.memory_space<hbm>> -> memref<256x128xf32, #tpu.memory_space<hbm>>
        %dma_start3A_240 = arith.constant 0 : i32
        %dma_start3A_241 = tpu.memref_slice %arg4[%mul3A_238, %dma_start3A_240] : memref<1000000x128xf32, #tpu.memory_space<hbm>> -> memref<256x128xf32, #tpu.memory_space<hbm>>
        tpu.enqueue_dma source(%arg7 : memref<256x128xf32, #tpu.memory_space<vmem>>) target(%dma_start3A_241 : memref<256x128xf32, #tpu.memory_space<hbm>>) target_semaphore(%arg12 : memref<!tpu.dma_semaphore, #tpu.memory_space<semaphore_mem>>)
        %add3A_242 = arith.constant 2 : i32
        %add3A_243 = arith.addi %while3A_206, %add3A_242 : i32
        %lt3A_244 = arith.cmpi slt, %add3A_243, %add3A_8 : i32
        %add3A_245 = arith.constant 2 : i32
        %add3A_246 = arith.addi %while3A_206, %add3A_245 : i32
        %convert_element_type3A_247 = arith.extui %lt3A_244 : i1 to i32
        %cond3A_248 = arith.constant 0 : i32
        %cond3A_249 = arith.cmpi ne, %convert_element_type3A_247, %cond3A_248 : i32
        scf.if %cond3A_249 {
          %add3A_250 = arith.addi %add3A_4, %add3A_246 : i32
          %mul3A_251 = arith.constant 256 : i32
          %mul3A_252 = arith.muli %add3A_250, %mul3A_251 : i32
          %dma_start3A_253 = arith.constant 0 : i32
          %dma_start3A_254 = tpu.memref_slice %arg2[%dma_start3A_253, %mul3A_252] : memref<64x1000000xf32, #tpu.memory_space<hbm>> -> memref<64x256xf32, #tpu.memory_space<hbm>>
          %dma_start3A_255 = arith.constant 0 : i32
          %dma_start3A_256 = tpu.memref_slice %arg2[%dma_start3A_255, %mul3A_252] : memref<64x1000000xf32, #tpu.memory_space<hbm>> -> memref<64x256xf32, #tpu.memory_space<hbm>>
          tpu.enqueue_dma source(%dma_start3A_256 : memref<64x256xf32, #tpu.memory_space<hbm>>) target(%arg5 : memref<64x256xf32, #tpu.memory_space<vmem>>) target_semaphore(%arg10 : memref<!tpu.dma_semaphore, #tpu.memory_space<semaphore_mem>>)
        } else {
        }
      } else {
      }
      %eq3A_214 = arith.constant 1 : i32
      %eq3A_215 = arith.cmpi eq, %rem3A_208, %eq3A_214 : i32
      %convert_element_type3A_216 = arith.extui %eq3A_215 : i1 to i32
      %cond3A_217 = arith.constant 0 : i32
      %cond3A_218 = arith.cmpi ne, %convert_element_type3A_216, %cond3A_217 : i32
      scf.if %cond3A_218 {
        %add3A_219 = arith.addi %add3A_4, %while3A_206 : i32
        %mul3A_220 = arith.constant 256 : i32
        %mul3A_221 = arith.muli %add3A_219, %mul3A_220 : i32
        %dma_wait3A = arith.constant 0 : i32
        %dma_wait3A_222 = tpu.memref_slice %arg2[%dma_wait3A, %mul3A_221] : memref<64x1000000xf32, #tpu.memory_space<hbm>> -> memref<64x256xf32, #tpu.memory_space<hbm>>
        %dma_wait3A_223 = arith.constant 0 : i32
        %dma_wait3A_224 = tpu.memref_slice %arg2[%dma_wait3A_223, %mul3A_221] : memref<64x1000000xf32, #tpu.memory_space<hbm>> -> memref<64x256xf32, #tpu.memory_space<hbm>>
        tpu.wait_dma2 semaphore(%arg11 : memref<!tpu.dma_semaphore, #tpu.memory_space<semaphore_mem>>) src(%dma_wait3A_224 : memref<64x256xf32, #tpu.memory_space<hbm>>) dst(%arg6 : memref<64x256xf32, #tpu.memory_space<vmem>>)
        %ge3A_225 = arith.constant 2 : i32
        %ge3A_226 = arith.cmpi sge, %while3A_206, %ge3A_225 : i32
        %sub3A_227 = arith.constant 2 : i32
        %sub3A_228 = arith.subi %while3A_206, %sub3A_227 : i32
        %convert_element_type3A_229 = arith.extui %ge3A_226 : i1 to i32
        %cond3A_230 = arith.constant 0 : i32
        %cond3A_231 = arith.cmpi ne, %convert_element_type3A_229, %cond3A_230 : i32
        scf.if %cond3A_231 {
          %add3A_250 = arith.addi %add3A_4, %sub3A_228 : i32
          %mul3A_251 = arith.constant 256 : i32
          %mul3A_252 = arith.muli %add3A_250, %mul3A_251 : i32
          %dma_wait3A_253 = arith.constant 0 : i32
          %dma_wait3A_254 = tpu.memref_slice %arg4[%mul3A_252, %dma_wait3A_253] : memref<1000000x128xf32, #tpu.memory_space<hbm>> -> memref<256x128xf32, #tpu.memory_space<hbm>>
          %dma_wait3A_255 = arith.constant 0 : i32
          %dma_wait3A_256 = tpu.memref_slice %arg4[%mul3A_252, %dma_wait3A_255] : memref<1000000x128xf32, #tpu.memory_space<hbm>> -> memref<256x128xf32, #tpu.memory_space<hbm>>
          tpu.wait_dma2 semaphore(%arg13 : memref<!tpu.dma_semaphore, #tpu.memory_space<semaphore_mem>>) src(%arg8 : memref<256x128xf32, #tpu.memory_space<vmem>>) dst(%dma_wait3A_256 : memref<256x128xf32, #tpu.memory_space<hbm>>)
        } else {
        }
        %scan3A = arith.constant 0 : i32
        %scan3A_232 = arith.constant 16 : i32
        %scan3A_233 = arith.addi %scan3A, %scan3A_232 : i32
        %scan3A_234 = arith.constant 1 : i32
        scf.for %scan3A_250 = %scan3A to %scan3A_233 step %scan3A_234  : i32 {
          %mul3A_251 = arith.constant 16 : i32
          %mul3A_252 = arith.muli %mul3A_251, %scan3A_250 : i32
          %add3A_253 = vector.broadcast %mul3A_252 : i32 to vector<16xi32>
          %add3A_254 = arith.addi %add3A_253, %rem3A : vector<16xi32>
          %gather3A = tpu.vector_load_idx %arg6[%add3A_11, %add3A_254] : memref<64x256xf32, #tpu.memory_space<vmem>>[vector<16xi32>, vector<16xi32>], vector<16xf32>,
          tpu.vector_store_idx %arg8[%add3A_254, %add3A_11], %gather3A : memref<256x128xf32, #tpu.memory_space<vmem>>[vector<16xi32>, vector<16xi32>], vector<16xf32>,
          %gather3A_255 = tpu.vector_load_idx %arg6[%add3A_15, %add3A_254] : memref<64x256xf32, #tpu.memory_space<vmem>>[vector<16xi32>, vector<16xi32>], vector<16xf32>,
          tpu.vector_store_idx %arg8[%add3A_254, %add3A_15], %gather3A_255 : memref<256x128xf32, #tpu.memory_space<vmem>>[vector<16xi32>, vector<16xi32>], vector<16xf32>,
          %gather3A_256 = tpu.vector_load_idx %arg6[%add3A_19, %add3A_254] : memref<64x256xf32, #tpu.memory_space<vmem>>[vector<16xi32>, vector<16xi32>], vector<16xf32>,
          tpu.vector_store_idx %arg8[%add3A_254, %add3A_19], %gather3A_256 : memref<256x128xf32, #tpu.memory_space<vmem>>[vector<16xi32>, vector<16xi32>], vector<16xf32>,
          %gather3A_257 = tpu.vector_load_idx %arg6[%add3A_23, %add3A_254] : memref<64x256xf32, #tpu.memory_space<vmem>>[vector<16xi32>, vector<16xi32>], vector<16xf32>,
          tpu.vector_store_idx %arg8[%add3A_254, %add3A_23], %gather3A_257 : memref<256x128xf32, #tpu.memory_space<vmem>>[vector<16xi32>, vector<16xi32>], vector<16xf32>,
          %add3A_258 = vector.broadcast %mul3A_252 : i32 to vector<16xi32>
          %add3A_259 = arith.addi %add3A_258, %rem3A_35 : vector<16xi32>
          %gather3A_260 = tpu.vector_load_idx %arg6[%add3A_11, %add3A_259] : memref<64x256xf32, #tpu.memory_space<vmem>>[vector<16xi32>, vector<16xi32>], vector<16xf32>,
          tpu.vector_store_idx %arg8[%add3A_259, %add3A_11], %gather3A_260 : memref<256x128xf32, #tpu.memory_space<vmem>>[vector<16xi32>, vector<16xi32>], vector<16xf32>,
          %gather3A_261 = tpu.vector_load_idx %arg6[%add3A_15, %add3A_259] : memref<64x256xf32, #tpu.memory_space<vmem>>[vector<16xi32>, vector<16xi32>], vector<16xf32>,
          tpu.vector_store_idx %arg8[%add3A_259, %add3A_15], %gather3A_261 : memref<256x128xf32, #tpu.memory_space<vmem>>[vector<16xi32>, vector<16xi32>], vector<16xf32>,
          %gather3A_262 = tpu.vector_load_idx %arg6[%add3A_19, %add3A_259] : memref<64x256xf32, #tpu.memory_space<vmem>>[vector<16xi32>, vector<16xi32>], vector<16xf32>,
          tpu.vector_store_idx %arg8[%add3A_259, %add3A_19], %gather3A_262 : memref<256x128xf32, #tpu.memory_space<vmem>>[vector<16xi32>, vector<16xi32>], vector<16xf32>,
          %gather3A_263 = tpu.vector_load_idx %arg6[%add3A_23, %add3A_259] : memref<64x256xf32, #tpu.memory_space<vmem>>[vector<16xi32>, vector<16xi32>], vector<16xf32>,
          tpu.vector_store_idx %arg8[%add3A_259, %add3A_23], %gather3A_263 : memref<256x128xf32, #tpu.memory_space<vmem>>[vector<16xi32>, vector<16xi32>], vector<16xf32>,
          %add3A_264 = vector.broadcast %mul3A_252 : i32 to vector<16xi32>
          %add3A_265 = arith.addi %add3A_264, %rem3A_42 : vector<16xi32>
          %gather3A_266 = tpu.vector_load_idx %arg6[%add3A_11, %add3A_265] : memref<64x256xf32, #tpu.memory_space<vmem>>[vector<16xi32>, vector<16xi32>], vector<16xf32>,
          tpu.vector_store_idx %arg8[%add3A_265, %add3A_11], %gather3A_266 : memref<256x128xf32, #tpu.memory_space<vmem>>[vector<16xi32>, vector<16xi32>], vector<16xf32>,
          %gather3A_267 = tpu.vector_load_idx %arg6[%add3A_15, %add3A_265] : memref<64x256xf32, #tpu.memory_space<vmem>>[vector<16xi32>, vector<16xi32>], vector<16xf32>,
          tpu.vector_store_idx %arg8[%add3A_265, %add3A_15], %gather3A_267 : memref<256x128xf32, #tpu.memory_space<vmem>>[vector<16xi32>, vector<16xi32>], vector<16xf32>,
          %gather3A_268 = tpu.vector_load_idx %arg6[%add3A_19, %add3A_265] : memref<64x256xf32, #tpu.memory_space<vmem>>[vector<16xi32>, vector<16xi32>], vector<16xf32>,
          tpu.vector_store_idx %arg8[%add3A_265, %add3A_19], %gather3A_268 : memref<256x128xf32, #tpu.memory_space<vmem>>[vector<16xi32>, vector<16xi32>], vector<16xf32>,
          %gather3A_269 = tpu.vector_load_idx %arg6[%add3A_23, %add3A_265] : memref<64x256xf32, #tpu.memory_space<vmem>>[vector<16xi32>, vector<16xi32>], vector<16xf32>,
          tpu.vector_store_idx %arg8[%add3A_265, %add3A_23], %gather3A_269 : memref<256x128xf32, #tpu.memory_space<vmem>>[vector<16xi32>, vector<16xi32>], vector<16xf32>,
          %add3A_270 = vector.broadcast %mul3A_252 : i32 to vector<16xi32>
          %add3A_271 = arith.addi %add3A_270, %rem3A_49 : vector<16xi32>
          %gather3A_272 = tpu.vector_load_idx %arg6[%add3A_11, %add3A_271] : memref<64x256xf32, #tpu.memory_space<vmem>>[vector<16xi32>, vector<16xi32>], vector<16xf32>,
          tpu.vector_store_idx %arg8[%add3A_271, %add3A_11], %gather3A_272 : memref<256x128xf32, #tpu.memory_space<vmem>>[vector<16xi32>, vector<16xi32>], vector<16xf32>,
          %gather3A_273 = tpu.vector_load_idx %arg6[%add3A_15, %add3A_271] : memref<64x256xf32, #tpu.memory_space<vmem>>[vector<16xi32>, vector<16xi32>], vector<16xf32>,
          tpu.vector_store_idx %arg8[%add3A_271, %add3A_15], %gather3A_273 : memref<256x128xf32, #tpu.memory_space<vmem>>[vector<16xi32>, vector<16xi32>], vector<16xf32>,
          %gather3A_274 = tpu.vector_load_idx %arg6[%add3A_19, %add3A_271] : memref<64x256xf32, #tpu.memory_space<vmem>>[vector<16xi32>, vector<16xi32>], vector<16xf32>,
          tpu.vector_store_idx %arg8[%add3A_271, %add3A_19], %gather3A_274 : memref<256x128xf32, #tpu.memory_space<vmem>>[vector<16xi32>, vector<16xi32>], vector<16xf32>,
          %gather3A_275 = tpu.vector_load_idx %arg6[%add3A_23, %add3A_271] : memref<64x256xf32, #tpu.memory_space<vmem>>[vector<16xi32>, vector<16xi32>], vector<16xf32>,
          tpu.vector_store_idx %arg8[%add3A_271, %add3A_23], %gather3A_275 : memref<256x128xf32, #tpu.memory_space<vmem>>[vector<16xi32>, vector<16xi32>], vector<16xf32>,
          %add3A_276 = vector.broadcast %mul3A_252 : i32 to vector<16xi32>
          %add3A_277 = arith.addi %add3A_276, %rem3A_56 : vector<16xi32>
          %gather3A_278 = tpu.vector_load_idx %arg6[%add3A_11, %add3A_277] : memref<64x256xf32, #tpu.memory_space<vmem>>[vector<16xi32>, vector<16xi32>], vector<16xf32>,
          tpu.vector_store_idx %arg8[%add3A_277, %add3A_11], %gather3A_278 : memref<256x128xf32, #tpu.memory_space<vmem>>[vector<16xi32>, vector<16xi32>], vector<16xf32>,
          %gather3A_279 = tpu.vector_load_idx %arg6[%add3A_15, %add3A_277] : memref<64x256xf32, #tpu.memory_space<vmem>>[vector<16xi32>, vector<16xi32>], vector<16xf32>,
          tpu.vector_store_idx %arg8[%add3A_277, %add3A_15], %gather3A_279 : memref<256x128xf32, #tpu.memory_space<vmem>>[vector<16xi32>, vector<16xi32>], vector<16xf32>,
          %gather3A_280 = tpu.vector_load_idx %arg6[%add3A_19, %add3A_277] : memref<64x256xf32, #tpu.memory_space<vmem>>[vector<16xi32>, vector<16xi32>], vector<16xf32>,
          tpu.vector_store_idx %arg8[%add3A_277, %add3A_19], %gather3A_280 : memref<256x128xf32, #tpu.memory_space<vmem>>[vector<16xi32>, vector<16xi32>], vector<16xf32>,
          %gather3A_281 = tpu.vector_load_idx %arg6[%add3A_23, %add3A_277] : memref<64x256xf32, #tpu.memory_space<vmem>>[vector<16xi32>, vector<16xi32>], vector<16xf32>,
          tpu.vector_store_idx %arg8[%add3A_277, %add3A_23], %gather3A_281 : memref<256x128xf32, #tpu.memory_space<vmem>>[vector<16xi32>, vector<16xi32>], vector<16xf32>,
          %add3A_282 = vector.broadcast %mul3A_252 : i32 to vector<16xi32>
          %add3A_283 = arith.addi %add3A_282, %rem3A_63 : vector<16xi32>
          %gather3A_284 = tpu.vector_load_idx %arg6[%add3A_11, %add3A_283] : memref<64x256xf32, #tpu.memory_space<vmem>>[vector<16xi32>, vector<16xi32>], vector<16xf32>,
          tpu.vector_store_idx %arg8[%add3A_283, %add3A_11], %gather3A_284 : memref<256x128xf32, #tpu.memory_space<vmem>>[vector<16xi32>, vector<16xi32>], vector<16xf32>,
          %gather3A_285 = tpu.vector_load_idx %arg6[%add3A_15, %add3A_283] : memref<64x256xf32, #tpu.memory_space<vmem>>[vector<16xi32>, vector<16xi32>], vector<16xf32>,
          tpu.vector_store_idx %arg8[%add3A_283, %add3A_15], %gather3A_285 : memref<256x128xf32, #tpu.memory_space<vmem>>[vector<16xi32>, vector<16xi32>], vector<16xf32>,
          %gather3A_286 = tpu.vector_load_idx %arg6[%add3A_19, %add3A_283] : memref<64x256xf32, #tpu.memory_space<vmem>>[vector<16xi32>, vector<16xi32>], vector<16xf32>,
          tpu.vector_store_idx %arg8[%add3A_283, %add3A_19], %gather3A_286 : memref<256x128xf32, #tpu.memory_space<vmem>>[vector<16xi32>, vector<16xi32>], vector<16xf32>,
          %gather3A_287 = tpu.vector_load_idx %arg6[%add3A_23, %add3A_283] : memref<64x256xf32, #tpu.memory_space<vmem>>[vector<16xi32>, vector<16xi32>], vector<16xf32>,
          tpu.vector_store_idx %arg8[%add3A_283, %add3A_23], %gather3A_287 : memref<256x128xf32, #tpu.memory_space<vmem>>[vector<16xi32>, vector<16xi32>], vector<16xf32>,
          %add3A_288 = vector.broadcast %mul3A_252 : i32 to vector<16xi32>
          %add3A_289 = arith.addi %add3A_288, %rem3A_70 : vector<16xi32>
          %gather3A_290 = tpu.vector_load_idx %arg6[%add3A_11, %add3A_289] : memref<64x256xf32, #tpu.memory_space<vmem>>[vector<16xi32>, vector<16xi32>], vector<16xf32>,
          tpu.vector_store_idx %arg8[%add3A_289, %add3A_11], %gather3A_290 : memref<256x128xf32, #tpu.memory_space<vmem>>[vector<16xi32>, vector<16xi32>], vector<16xf32>,
          %gather3A_291 = tpu.vector_load_idx %arg6[%add3A_15, %add3A_289] : memref<64x256xf32, #tpu.memory_space<vmem>>[vector<16xi32>, vector<16xi32>], vector<16xf32>,
          tpu.vector_store_idx %arg8[%add3A_289, %add3A_15], %gather3A_291 : memref<256x128xf32, #tpu.memory_space<vmem>>[vector<16xi32>, vector<16xi32>], vector<16xf32>,
          %gather3A_292 = tpu.vector_load_idx %arg6[%add3A_19, %add3A_289] : memref<64x256xf32, #tpu.memory_space<vmem>>[vector<16xi32>, vector<16xi32>], vector<16xf32>,
          tpu.vector_store_idx %arg8[%add3A_289, %add3A_19], %gather3A_292 : memref<256x128xf32, #tpu.memory_space<vmem>>[vector<16xi32>, vector<16xi32>], vector<16xf32>,
          %gather3A_293 = tpu.vector_load_idx %arg6[%add3A_23, %add3A_289] : memref<64x256xf32, #tpu.memory_space<vmem>>[vector<16xi32>, vector<16xi32>], vector<16xf32>,
          tpu.vector_store_idx %arg8[%add3A_289, %add3A_23], %gather3A_293 : memref<256x128xf32, #tpu.memory_space<vmem>>[vector<16xi32>, vector<16xi32>], vector<16xf32>,
          %add3A_294 = vector.broadcast %mul3A_252 : i32 to vector<16xi32>
          %add3A_295 = arith.addi %add3A_294, %rem3A_77 : vector<16xi32>
          %gather3A_296 = tpu.vector_load_idx %arg6[%add3A_11, %add3A_295] : memref<64x256xf32, #tpu.memory_space<vmem>>[vector<16xi32>, vector<16xi32>], vector<16xf32>,
          tpu.vector_store_idx %arg8[%add3A_295, %add3A_11], %gather3A_296 : memref<256x128xf32, #tpu.memory_space<vmem>>[vector<16xi32>, vector<16xi32>], vector<16xf32>,
          %gather3A_297 = tpu.vector_load_idx %arg6[%add3A_15, %add3A_295] : memref<64x256xf32, #tpu.memory_space<vmem>>[vector<16xi32>, vector<16xi32>], vector<16xf32>,
          tpu.vector_store_idx %arg8[%add3A_295, %add3A_15], %gather3A_297 : memref<256x128xf32, #tpu.memory_space<vmem>>[vector<16xi32>, vector<16xi32>], vector<16xf32>,
          %gather3A_298 = tpu.vector_load_idx %arg6[%add3A_19, %add3A_295] : memref<64x256xf32, #tpu.memory_space<vmem>>[vector<16xi32>, vector<16xi32>], vector<16xf32>,
          tpu.vector_store_idx %arg8[%add3A_295, %add3A_19], %gather3A_298 : memref<256x128xf32, #tpu.memory_space<vmem>>[vector<16xi32>, vector<16xi32>], vector<16xf32>,
          %gather3A_299 = tpu.vector_load_idx %arg6[%add3A_23, %add3A_295] : memref<64x256xf32, #tpu.memory_space<vmem>>[vector<16xi32>, vector<16xi32>], vector<16xf32>,
          tpu.vector_store_idx %arg8[%add3A_295, %add3A_23], %gather3A_299 : memref<256x128xf32, #tpu.memory_space<vmem>>[vector<16xi32>, vector<16xi32>], vector<16xf32>,
          %add3A_300 = vector.broadcast %mul3A_252 : i32 to vector<16xi32>
          %add3A_301 = arith.addi %add3A_300, %rem3A_84 : vector<16xi32>
          %gather3A_302 = tpu.vector_load_idx %arg6[%add3A_11, %add3A_301] : memref<64x256xf32, #tpu.memory_space<vmem>>[vector<16xi32>, vector<16xi32>], vector<16xf32>,
          tpu.vector_store_idx %arg8[%add3A_301, %add3A_11], %gather3A_302 : memref<256x128xf32, #tpu.memory_space<vmem>>[vector<16xi32>, vector<16xi32>], vector<16xf32>,
          %gather3A_303 = tpu.vector_load_idx %arg6[%add3A_15, %add3A_301] : memref<64x256xf32, #tpu.memory_space<vmem>>[vector<16xi32>, vector<16xi32>], vector<16xf32>,
          tpu.vector_store_idx %arg8[%add3A_301, %add3A_15], %gather3A_303 : memref<256x128xf32, #tpu.memory_space<vmem>>[vector<16xi32>, vector<16xi32>], vector<16xf32>,
          %gather3A_304 = tpu.vector_load_idx %arg6[%add3A_19, %add3A_301] : memref<64x256xf32, #tpu.memory_space<vmem>>[vector<16xi32>, vector<16xi32>], vector<16xf32>,
          tpu.vector_store_idx %arg8[%add3A_301, %add3A_19], %gather3A_304 : memref<256x128xf32, #tpu.memory_space<vmem>>[vector<16xi32>, vector<16xi32>], vector<16xf32>,
          %gather3A_305 = tpu.vector_load_idx %arg6[%add3A_23, %add3A_301] : memref<64x256xf32, #tpu.memory_space<vmem>>[vector<16xi32>, vector<16xi32>], vector<16xf32>,
          tpu.vector_store_idx %arg8[%add3A_301, %add3A_23], %gather3A_305 : memref<256x128xf32, #tpu.memory_space<vmem>>[vector<16xi32>, vector<16xi32>], vector<16xf32>,
          %add3A_306 = vector.broadcast %mul3A_252 : i32 to vector<16xi32>
          %add3A_307 = arith.addi %add3A_306, %rem3A_91 : vector<16xi32>
          %gather3A_308 = tpu.vector_load_idx %arg6[%add3A_11, %add3A_307] : memref<64x256xf32, #tpu.memory_space<vmem>>[vector<16xi32>, vector<16xi32>], vector<16xf32>,
          tpu.vector_store_idx %arg8[%add3A_307, %add3A_11], %gather3A_308 : memref<256x128xf32, #tpu.memory_space<vmem>>[vector<16xi32>, vector<16xi32>], vector<16xf32>,
          %gather3A_309 = tpu.vector_load_idx %arg6[%add3A_15, %add3A_307] : memref<64x256xf32, #tpu.memory_space<vmem>>[vector<16xi32>, vector<16xi32>], vector<16xf32>,
          tpu.vector_store_idx %arg8[%add3A_307, %add3A_15], %gather3A_309 : memref<256x128xf32, #tpu.memory_space<vmem>>[vector<16xi32>, vector<16xi32>], vector<16xf32>,
          %gather3A_310 = tpu.vector_load_idx %arg6[%add3A_19, %add3A_307] : memref<64x256xf32, #tpu.memory_space<vmem>>[vector<16xi32>, vector<16xi32>], vector<16xf32>,
          tpu.vector_store_idx %arg8[%add3A_307, %add3A_19], %gather3A_310 : memref<256x128xf32, #tpu.memory_space<vmem>>[vector<16xi32>, vector<16xi32>], vector<16xf32>,
          %gather3A_311 = tpu.vector_load_idx %arg6[%add3A_23, %add3A_307] : memref<64x256xf32, #tpu.memory_space<vmem>>[vector<16xi32>, vector<16xi32>], vector<16xf32>,
          tpu.vector_store_idx %arg8[%add3A_307, %add3A_23], %gather3A_311 : memref<256x128xf32, #tpu.memory_space<vmem>>[vector<16xi32>, vector<16xi32>], vector<16xf32>,
          %add3A_312 = vector.broadcast %mul3A_252 : i32 to vector<16xi32>
          %add3A_313 = arith.addi %add3A_312, %rem3A_98 : vector<16xi32>
          %gather3A_314 = tpu.vector_load_idx %arg6[%add3A_11, %add3A_313] : memref<64x256xf32, #tpu.memory_space<vmem>>[vector<16xi32>, vector<16xi32>], vector<16xf32>,
          tpu.vector_store_idx %arg8[%add3A_313, %add3A_11], %gather3A_314 : memref<256x128xf32, #tpu.memory_space<vmem>>[vector<16xi32>, vector<16xi32>], vector<16xf32>,
          %gather3A_315 = tpu.vector_load_idx %arg6[%add3A_15, %add3A_313] : memref<64x256xf32, #tpu.memory_space<vmem>>[vector<16xi32>, vector<16xi32>], vector<16xf32>,
          tpu.vector_store_idx %arg8[%add3A_313, %add3A_15], %gather3A_315 : memref<256x128xf32, #tpu.memory_space<vmem>>[vector<16xi32>, vector<16xi32>], vector<16xf32>,
          %gather3A_316 = tpu.vector_load_idx %arg6[%add3A_19, %add3A_313] : memref<64x256xf32, #tpu.memory_space<vmem>>[vector<16xi32>, vector<16xi32>], vector<16xf32>,
          tpu.vector_store_idx %arg8[%add3A_313, %add3A_19], %gather3A_316 : memref<256x128xf32, #tpu.memory_space<vmem>>[vector<16xi32>, vector<16xi32>], vector<16xf32>,
          %gather3A_317 = tpu.vector_load_idx %arg6[%add3A_23, %add3A_313] : memref<64x256xf32, #tpu.memory_space<vmem>>[vector<16xi32>, vector<16xi32>], vector<16xf32>,
          tpu.vector_store_idx %arg8[%add3A_313, %add3A_23], %gather3A_317 : memref<256x128xf32, #tpu.memory_space<vmem>>[vector<16xi32>, vector<16xi32>], vector<16xf32>,
          %add3A_318 = vector.broadcast %mul3A_252 : i32 to vector<16xi32>
          %add3A_319 = arith.addi %add3A_318, %rem3A_105 : vector<16xi32>
          %gather3A_320 = tpu.vector_load_idx %arg6[%add3A_11, %add3A_319] : memref<64x256xf32, #tpu.memory_space<vmem>>[vector<16xi32>, vector<16xi32>], vector<16xf32>,
          tpu.vector_store_idx %arg8[%add3A_319, %add3A_11], %gather3A_320 : memref<256x128xf32, #tpu.memory_space<vmem>>[vector<16xi32>, vector<16xi32>], vector<16xf32>,
          %gather3A_321 = tpu.vector_load_idx %arg6[%add3A_15, %add3A_319] : memref<64x256xf32, #tpu.memory_space<vmem>>[vector<16xi32>, vector<16xi32>], vector<16xf32>,
          tpu.vector_store_idx %arg8[%add3A_319, %add3A_15], %gather3A_321 : memref<256x128xf32, #tpu.memory_space<vmem>>[vector<16xi32>, vector<16xi32>], vector<16xf32>,
          %gather3A_322 = tpu.vector_load_idx %arg6[%add3A_19, %add3A_319] : memref<64x256xf32, #tpu.memory_space<vmem>>[vector<16xi32>, vector<16xi32>], vector<16xf32>,
          tpu.vector_store_idx %arg8[%add3A_319, %add3A_19], %gather3A_322 : memref<256x128xf32, #tpu.memory_space<vmem>>[vector<16xi32>, vector<16xi32>], vector<16xf32>,
          %gather3A_323 = tpu.vector_load_idx %arg6[%add3A_23, %add3A_319] : memref<64x256xf32, #tpu.memory_space<vmem>>[vector<16xi32>, vector<16xi32>], vector<16xf32>,
          tpu.vector_store_idx %arg8[%add3A_319, %add3A_23], %gather3A_323 : memref<256x128xf32, #tpu.memory_space<vmem>>[vector<16xi32>, vector<16xi32>], vector<16xf32>,
          %add3A_324 = vector.broadcast %mul3A_252 : i32 to vector<16xi32>
          %add3A_325 = arith.addi %add3A_324, %rem3A_112 : vector<16xi32>
          %gather3A_326 = tpu.vector_load_idx %arg6[%add3A_11, %add3A_325] : memref<64x256xf32, #tpu.memory_space<vmem>>[vector<16xi32>, vector<16xi32>], vector<16xf32>,
          tpu.vector_store_idx %arg8[%add3A_325, %add3A_11], %gather3A_326 : memref<256x128xf32, #tpu.memory_space<vmem>>[vector<16xi32>, vector<16xi32>], vector<16xf32>,
          %gather3A_327 = tpu.vector_load_idx %arg6[%add3A_15, %add3A_325] : memref<64x256xf32, #tpu.memory_space<vmem>>[vector<16xi32>, vector<16xi32>], vector<16xf32>,
          tpu.vector_store_idx %arg8[%add3A_325, %add3A_15], %gather3A_327 : memref<256x128xf32, #tpu.memory_space<vmem>>[vector<16xi32>, vector<16xi32>], vector<16xf32>,
          %gather3A_328 = tpu.vector_load_idx %arg6[%add3A_19, %add3A_325] : memref<64x256xf32, #tpu.memory_space<vmem>>[vector<16xi32>, vector<16xi32>], vector<16xf32>,
          tpu.vector_store_idx %arg8[%add3A_325, %add3A_19], %gather3A_328 : memref<256x128xf32, #tpu.memory_space<vmem>>[vector<16xi32>, vector<16xi32>], vector<16xf32>,
          %gather3A_329 = tpu.vector_load_idx %arg6[%add3A_23, %add3A_325] : memref<64x256xf32, #tpu.memory_space<vmem>>[vector<16xi32>, vector<16xi32>], vector<16xf32>,
          tpu.vector_store_idx %arg8[%add3A_325, %add3A_23], %gather3A_329 : memref<256x128xf32, #tpu.memory_space<vmem>>[vector<16xi32>, vector<16xi32>], vector<16xf32>,
          %add3A_330 = vector.broadcast %mul3A_252 : i32 to vector<16xi32>
          %add3A_331 = arith.addi %add3A_330, %rem3A_119 : vector<16xi32>
          %gather3A_332 = tpu.vector_load_idx %arg6[%add3A_11, %add3A_331] : memref<64x256xf32, #tpu.memory_space<vmem>>[vector<16xi32>, vector<16xi32>], vector<16xf32>,
          tpu.vector_store_idx %arg8[%add3A_331, %add3A_11], %gather3A_332 : memref<256x128xf32, #tpu.memory_space<vmem>>[vector<16xi32>, vector<16xi32>], vector<16xf32>,
          %gather3A_333 = tpu.vector_load_idx %arg6[%add3A_15, %add3A_331] : memref<64x256xf32, #tpu.memory_space<vmem>>[vector<16xi32>, vector<16xi32>], vector<16xf32>,
          tpu.vector_store_idx %arg8[%add3A_331, %add3A_15], %gather3A_333 : memref<256x128xf32, #tpu.memory_space<vmem>>[vector<16xi32>, vector<16xi32>], vector<16xf32>,
          %gather3A_334 = tpu.vector_load_idx %arg6[%add3A_19, %add3A_331] : memref<64x256xf32, #tpu.memory_space<vmem>>[vector<16xi32>, vector<16xi32>], vector<16xf32>,
          tpu.vector_store_idx %arg8[%add3A_331, %add3A_19], %gather3A_334 : memref<256x128xf32, #tpu.memory_space<vmem>>[vector<16xi32>, vector<16xi32>], vector<16xf32>,
          %gather3A_335 = tpu.vector_load_idx %arg6[%add3A_23, %add3A_331] : memref<64x256xf32, #tpu.memory_space<vmem>>[vector<16xi32>, vector<16xi32>], vector<16xf32>,
          tpu.vector_store_idx %arg8[%add3A_331, %add3A_23], %gather3A_335 : memref<256x128xf32, #tpu.memory_space<vmem>>[vector<16xi32>, vector<16xi32>], vector<16xf32>,
          %add3A_336 = vector.broadcast %mul3A_252 : i32 to vector<16xi32>
          %add3A_337 = arith.addi %add3A_336, %rem3A_126 : vector<16xi32>
          %gather3A_338 = tpu.vector_load_idx %arg6[%add3A_11, %add3A_337] : memref<64x256xf32, #tpu.memory_space<vmem>>[vector<16xi32>, vector<16xi32>], vector<16xf32>,
          tpu.vector_store_idx %arg8[%add3A_337, %add3A_11], %gather3A_338 : memref<256x128xf32, #tpu.memory_space<vmem>>[vector<16xi32>, vector<16xi32>], vector<16xf32>,
          %gather3A_339 = tpu.vector_load_idx %arg6[%add3A_15, %add3A_337] : memref<64x256xf32, #tpu.memory_space<vmem>>[vector<16xi32>, vector<16xi32>], vector<16xf32>,
          tpu.vector_store_idx %arg8[%add3A_337, %add3A_15], %gather3A_339 : memref<256x128xf32, #tpu.memory_space<vmem>>[vector<16xi32>, vector<16xi32>], vector<16xf32>,
          %gather3A_340 = tpu.vector_load_idx %arg6[%add3A_19, %add3A_337] : memref<64x256xf32, #tpu.memory_space<vmem>>[vector<16xi32>, vector<16xi32>], vector<16xf32>,
          tpu.vector_store_idx %arg8[%add3A_337, %add3A_19], %gather3A_340 : memref<256x128xf32, #tpu.memory_space<vmem>>[vector<16xi32>, vector<16xi32>], vector<16xf32>,
          %gather3A_341 = tpu.vector_load_idx %arg6[%add3A_23, %add3A_337] : memref<64x256xf32, #tpu.memory_space<vmem>>[vector<16xi32>, vector<16xi32>], vector<16xf32>,
          tpu.vector_store_idx %arg8[%add3A_337, %add3A_23], %gather3A_341 : memref<256x128xf32, #tpu.memory_space<vmem>>[vector<16xi32>, vector<16xi32>], vector<16xf32>,
          %add3A_342 = vector.broadcast %mul3A_252 : i32 to vector<16xi32>
          %add3A_343 = arith.addi %add3A_342, %rem3A_133 : vector<16xi32>
          %gather3A_344 = tpu.vector_load_idx %arg6[%add3A_11, %add3A_343] : memref<64x256xf32, #tpu.memory_space<vmem>>[vector<16xi32>, vector<16xi32>], vector<16xf32>,
          tpu.vector_store_idx %arg8[%add3A_343, %add3A_11], %gather3A_344 : memref<256x128xf32, #tpu.memory_space<vmem>>[vector<16xi32>, vector<16xi32>], vector<16xf32>,
          %gather3A_345 = tpu.vector_load_idx %arg6[%add3A_15, %add3A_343] : memref<64x256xf32, #tpu.memory_space<vmem>>[vector<16xi32>, vector<16xi32>], vector<16xf32>,
          tpu.vector_store_idx %arg8[%add3A_343, %add3A_15], %gather3A_345 : memref<256x128xf32, #tpu.memory_space<vmem>>[vector<16xi32>, vector<16xi32>], vector<16xf32>,
          %gather3A_346 = tpu.vector_load_idx %arg6[%add3A_19, %add3A_343] : memref<64x256xf32, #tpu.memory_space<vmem>>[vector<16xi32>, vector<16xi32>], vector<16xf32>,
          tpu.vector_store_idx %arg8[%add3A_343, %add3A_19], %gather3A_346 : memref<256x128xf32, #tpu.memory_space<vmem>>[vector<16xi32>, vector<16xi32>], vector<16xf32>,
          %gather3A_347 = tpu.vector_load_idx %arg6[%add3A_23, %add3A_343] : memref<64x256xf32, #tpu.memory_space<vmem>>[vector<16xi32>, vector<16xi32>], vector<16xf32>,
          tpu.vector_store_idx %arg8[%add3A_343, %add3A_23], %gather3A_347 : memref<256x128xf32, #tpu.memory_space<vmem>>[vector<16xi32>, vector<16xi32>], vector<16xf32>,
        }
        %scan3A_235 = arith.constant 16 : i32
        %add3A_236 = arith.addi %add3A_4, %while3A_206 : i32
        %mul3A_237 = arith.constant 256 : i32
        %mul3A_238 = arith.muli %add3A_236, %mul3A_237 : i32
        %dma_start3A = arith.constant 0 : i32
        %dma_start3A_239 = tpu.memref_slice %arg4[%mul3A_238, %dma_start3A] : memref<1000000x128xf32, #tpu.memory_space<hbm>> -> memref<256x128xf32, #tpu.memory_space<hbm>>
        %dma_start3A_240 = arith.constant 0 : i32
        %dma_start3A_241 = tpu.memref_slice %arg4[%mul3A_238, %dma_start3A_240] : memref<1000000x128xf32, #tpu.memory_space<hbm>> -> memref<256x128xf32, #tpu.memory_space<hbm>>
        tpu.enqueue_dma source(%arg8 : memref<256x128xf32, #tpu.memory_space<vmem>>) target(%dma_start3A_241 : memref<256x128xf32, #tpu.memory_space<hbm>>) target_semaphore(%arg13 : memref<!tpu.dma_semaphore, #tpu.memory_space<semaphore_mem>>)
        %add3A_242 = arith.constant 2 : i32
        %add3A_243 = arith.addi %while3A_206, %add3A_242 : i32
        %lt3A_244 = arith.cmpi slt, %add3A_243, %add3A_8 : i32
        %add3A_245 = arith.constant 2 : i32
        %add3A_246 = arith.addi %while3A_206, %add3A_245 : i32
        %convert_element_type3A_247 = arith.extui %lt3A_244 : i1 to i32
        %cond3A_248 = arith.constant 0 : i32
        %cond3A_249 = arith.cmpi ne, %convert_element_type3A_247, %cond3A_248 : i32
        scf.if %cond3A_249 {
          %add3A_250 = arith.addi %add3A_4, %add3A_246 : i32
          %mul3A_251 = arith.constant 256 : i32
          %mul3A_252 = arith.muli %add3A_250, %mul3A_251 : i32
          %dma_start3A_253 = arith.constant 0 : i32
          %dma_start3A_254 = tpu.memref_slice %arg2[%dma_start3A_253, %mul3A_252] : memref<64x1000000xf32, #tpu.memory_space<hbm>> -> memref<64x256xf32, #tpu.memory_space<hbm>>
          %dma_start3A_255 = arith.constant 0 : i32
          %dma_start3A_256 = tpu.memref_slice %arg2[%dma_start3A_255, %mul3A_252] : memref<64x1000000xf32, #tpu.memory_space<hbm>> -> memref<64x256xf32, #tpu.memory_space<hbm>>
          tpu.enqueue_dma source(%dma_start3A_256 : memref<64x256xf32, #tpu.memory_space<hbm>>) target(%arg6 : memref<64x256xf32, #tpu.memory_space<vmem>>) target_semaphore(%arg11 : memref<!tpu.dma_semaphore, #tpu.memory_space<semaphore_mem>>)
        } else {
        }
      } else {
      }
    }
    %ge3A = arith.constant 2 : i32
    %ge3A_149 = arith.cmpi sge, %add3A_8, %ge3A : i32
    %sub3A = arith.constant 2 : i32
    %sub3A_150 = arith.subi %add3A_8, %sub3A : i32
    %rem3A_151 = arith.constant 2 : i32
    %rem3A_152 = arith.remsi %sub3A_150, %rem3A_151 : i32
    %eq3A = arith.constant 0 : i32
    %eq3A_153 = arith.cmpi eq, %rem3A_152, %eq3A : i32
    %and3A = arith.andi %ge3A_149, %eq3A_153 : i1
    %sub3A_154 = arith.constant 2 : i32
    %sub3A_155 = arith.subi %add3A_8, %sub3A_154 : i32
    %convert_element_type3A_156 = arith.extui %and3A : i1 to i32
    %cond3A_157 = arith.constant 0 : i32
    %cond3A_158 = arith.cmpi ne, %convert_element_type3A_156, %cond3A_157 : i32
    scf.if %cond3A_158 {
      %add3A_206 = arith.addi %add3A_4, %sub3A_155 : i32
      %mul3A_207 = arith.constant 256 : i32
      %mul3A_208 = arith.muli %add3A_206, %mul3A_207 : i32
      %dma_wait3A = arith.constant 0 : i32
      %dma_wait3A_209 = tpu.memref_slice %arg4[%mul3A_208, %dma_wait3A] : memref<1000000x128xf32, #tpu.memory_space<hbm>> -> memref<256x128xf32, #tpu.memory_space<hbm>>
      %dma_wait3A_210 = arith.constant 0 : i32
      %dma_wait3A_211 = tpu.memref_slice %arg4[%mul3A_208, %dma_wait3A_210] : memref<1000000x128xf32, #tpu.memory_space<hbm>> -> memref<256x128xf32, #tpu.memory_space<hbm>>
      tpu.wait_dma2 semaphore(%arg12 : memref<!tpu.dma_semaphore, #tpu.memory_space<semaphore_mem>>) src(%arg7 : memref<256x128xf32, #tpu.memory_space<vmem>>) dst(%dma_wait3A_211 : memref<256x128xf32, #tpu.memory_space<hbm>>)
    } else {
    }
    %ge3A_159 = arith.constant 1 : i32
    %ge3A_160 = arith.cmpi sge, %add3A_8, %ge3A_159 : i32
    %sub3A_161 = arith.constant 1 : i32
    %sub3A_162 = arith.subi %add3A_8, %sub3A_161 : i32
    %rem3A_163 = arith.constant 2 : i32
    %rem3A_164 = arith.remsi %sub3A_162, %rem3A_163 : i32
    %eq3A_165 = arith.constant 0 : i32
    %eq3A_166 = arith.cmpi eq, %rem3A_164, %eq3A_165 : i32
    %and3A_167 = arith.andi %ge3A_160, %eq3A_166 : i1
    %sub3A_168 = arith.constant 1 : i32
    %sub3A_169 = arith.subi %add3A_8, %sub3A_168 : i32
    %convert_element_type3A_170 = arith.extui %and3A_167 : i1 to i32
    %cond3A_171 = arith.constant 0 : i32
    %cond3A_172 = arith.cmpi ne, %convert_element_type3A_170, %cond3A_171 : i32
    scf.if %cond3A_172 {
      %add3A_206 = arith.addi %add3A_4, %sub3A_169 : i32
      %mul3A_207 = arith.constant 256 : i32
      %mul3A_208 = arith.muli %add3A_206, %mul3A_207 : i32
      %dma_wait3A = arith.constant 0 : i32
      %dma_wait3A_209 = tpu.memref_slice %arg4[%mul3A_208, %dma_wait3A] : memref<1000000x128xf32, #tpu.memory_space<hbm>> -> memref<256x128xf32, #tpu.memory_space<hbm>>
      %dma_wait3A_210 = arith.constant 0 : i32
      %dma_wait3A_211 = tpu.memref_slice %arg4[%mul3A_208, %dma_wait3A_210] : memref<1000000x128xf32, #tpu.memory_space<hbm>> -> memref<256x128xf32, #tpu.memory_space<hbm>>
      tpu.wait_dma2 semaphore(%arg12 : memref<!tpu.dma_semaphore, #tpu.memory_space<semaphore_mem>>) src(%arg7 : memref<256x128xf32, #tpu.memory_space<vmem>>) dst(%dma_wait3A_211 : memref<256x128xf32, #tpu.memory_space<hbm>>)
    } else {
    }
    %ge3A_173 = arith.constant 2 : i32
    %ge3A_174 = arith.cmpi sge, %add3A_8, %ge3A_173 : i32
    %sub3A_175 = arith.constant 2 : i32
    %sub3A_176 = arith.subi %add3A_8, %sub3A_175 : i32
    %rem3A_177 = arith.constant 2 : i32
    %rem3A_178 = arith.remsi %sub3A_176, %rem3A_177 : i32
    %eq3A_179 = arith.constant 1 : i32
    %eq3A_180 = arith.cmpi eq, %rem3A_178, %eq3A_179 : i32
    %and3A_181 = arith.andi %ge3A_174, %eq3A_180 : i1
    %sub3A_182 = arith.constant 2 : i32
    %sub3A_183 = arith.subi %add3A_8, %sub3A_182 : i32
    %convert_element_type3A_184 = arith.extui %and3A_181 : i1 to i32
    %cond3A_185 = arith.constant 0 : i32
    %cond3A_186 = arith.cmpi ne, %convert_element_type3A_184, %cond3A_185 : i32
    scf.if %cond3A_186 {
      %add3A_206 = arith.addi %add3A_4, %sub3A_183 : i32
      %mul3A_207 = arith.constant 256 : i32
      %mul3A_208 = arith.muli %add3A_206, %mul3A_207 : i32
      %dma_wait3A = arith.constant 0 : i32
      %dma_wait3A_209 = tpu.memref_slice %arg4[%mul3A_208, %dma_wait3A] : memref<1000000x128xf32, #tpu.memory_space<hbm>> -> memref<256x128xf32, #tpu.memory_space<hbm>>
      %dma_wait3A_210 = arith.constant 0 : i32
      %dma_wait3A_211 = tpu.memref_slice %arg4[%mul3A_208, %dma_wait3A_210] : memref<1000000x128xf32, #tpu.memory_space<hbm>> -> memref<256x128xf32, #tpu.memory_space<hbm>>
      tpu.wait_dma2 semaphore(%arg13 : memref<!tpu.dma_semaphore, #tpu.memory_space<semaphore_mem>>) src(%arg8 : memref<256x128xf32, #tpu.memory_space<vmem>>) dst(%dma_wait3A_211 : memref<256x128xf32, #tpu.memory_space<hbm>>)
    } else {
    }
    %ge3A_187 = arith.constant 1 : i32
    %ge3A_188 = arith.cmpi sge, %add3A_8, %ge3A_187 : i32
    %sub3A_189 = arith.constant 1 : i32
    %sub3A_190 = arith.subi %add3A_8, %sub3A_189 : i32
    %rem3A_191 = arith.constant 2 : i32
    %rem3A_192 = arith.remsi %sub3A_190, %rem3A_191 : i32
    %eq3A_193 = arith.constant 1 : i32
    %eq3A_194 = arith.cmpi eq, %rem3A_192, %eq3A_193 : i32
    %and3A_195 = arith.andi %ge3A_188, %eq3A_194 : i1
    %sub3A_196 = arith.constant 1 : i32
    %sub3A_197 = arith.subi %add3A_8, %sub3A_196 : i32
    %convert_element_type3A_198 = arith.extui %and3A_195 : i1 to i32
    %cond3A_199 = arith.constant 0 : i32
    %cond3A_200 = arith.cmpi ne, %convert_element_type3A_198, %cond3A_199 : i32
    scf.if %cond3A_200 {
      %add3A_206 = arith.addi %add3A_4, %sub3A_197 : i32
      %mul3A_207 = arith.constant 256 : i32
      %mul3A_208 = arith.muli %add3A_206, %mul3A_207 : i32
      %dma_wait3A = arith.constant 0 : i32
      %dma_wait3A_209 = tpu.memref_slice %arg4[%mul3A_208, %dma_wait3A] : memref<1000000x128xf32, #tpu.memory_space<hbm>> -> memref<256x128xf32, #tpu.memory_space<hbm>>
      %dma_wait3A_210 = arith.constant 0 : i32
      %dma_wait3A_211 = tpu.memref_slice %arg4[%mul3A_208, %dma_wait3A_210] : memref<1000000x128xf32, #tpu.memory_space<hbm>> -> memref<256x128xf32, #tpu.memory_space<hbm>>
      tpu.wait_dma2 semaphore(%arg13 : memref<!tpu.dma_semaphore, #tpu.memory_space<semaphore_mem>>) src(%arg8 : memref<256x128xf32, #tpu.memory_space<vmem>>) dst(%dma_wait3A_211 : memref<256x128xf32, #tpu.memory_space<hbm>>)
    } else {
    }
    %eq3A_201 = arith.constant 31 : i32
    %eq3A_202 = arith.cmpi eq, %add3A, %eq3A_201 : i32
    %convert_element_type3A_203 = arith.extui %eq3A_202 : i1 to i32
    %cond3A_204 = arith.constant 0 : i32
    %cond3A_205 = arith.cmpi ne, %convert_element_type3A_203, %cond3A_204 : i32
    scf.if %cond3A_205 {
      "tpu.region"() ({
        %run_scoped3A = tpu.sem_alloc : memref<!tpu.dma_semaphore, #tpu.memory_space<semaphore_mem>>
        tpu.enqueue_dma source(%arg3 : memref<64x128xf32, #tpu.memory_space<hbm>>) target(%arg9 : memref<64x128xf32, #tpu.memory_space<vmem>>) target_semaphore(%run_scoped3A : memref<!tpu.dma_semaphore, #tpu.memory_space<semaphore_mem>>)
        tpu.wait_dma2 semaphore(%run_scoped3A : memref<!tpu.dma_semaphore, #tpu.memory_space<semaphore_mem>>) src(%arg3 : memref<64x128xf32, #tpu.memory_space<hbm>>) dst(%arg9 : memref<64x128xf32, #tpu.memory_space<vmem>>)
        tpu.yield
      }) : () -> ()
      %scan3A = arith.constant 0 : i32
      %scan3A_206 = arith.constant 64 : i32
      %scan3A_207 = arith.addi %scan3A, %scan3A_206 : i32
      %scan3A_208 = arith.constant 1 : i32
      scf.for %scan3A_210 = %scan3A to %scan3A_207 step %scan3A_208  : i32 {
        %get3A = arith.index_cast %scan3A_210 : i32 to index
        %get3A_211 = arith.constant 0 : index
        %get3A_212 = tpu.vector_load %arg9[%get3A, %get3A_211] {strides = array<i32>} : memref<64x128xf32, #tpu.memory_space<vmem>>, vector<16xf32>,
        %swap3A = arith.index_cast %scan3A_210 : i32 to index
        %swap3A_213 = arith.constant 0 : index
        %swap3A_214 = tpu.vector_load %arg7[%swap3A, %swap3A_213] {strides = array<i32>} : memref<256x128xf32, #tpu.memory_space<vmem>>, vector<16xf32>,
        tpu.vector_store %arg7[%swap3A, %swap3A_213], %get3A_212 {strides = array<i32>} : memref<256x128xf32, #tpu.memory_space<vmem>>, vector<16xf32>,
        %get3A_215 = arith.index_cast %scan3A_210 : i32 to index
        %get3A_216 = arith.constant 16 : index
        %get3A_217 = tpu.vector_load %arg9[%get3A_215, %get3A_216] {strides = array<i32>} : memref<64x128xf32, #tpu.memory_space<vmem>>, vector<16xf32>,
        %swap3A_218 = arith.index_cast %scan3A_210 : i32 to index
        %swap3A_219 = arith.constant 16 : index
        %swap3A_220 = tpu.vector_load %arg7[%swap3A_218, %swap3A_219] {strides = array<i32>} : memref<256x128xf32, #tpu.memory_space<vmem>>, vector<16xf32>,
        tpu.vector_store %arg7[%swap3A_218, %swap3A_219], %get3A_217 {strides = array<i32>} : memref<256x128xf32, #tpu.memory_space<vmem>>, vector<16xf32>,
        %get3A_221 = arith.index_cast %scan3A_210 : i32 to index
        %get3A_222 = arith.constant 32 : index
        %get3A_223 = tpu.vector_load %arg9[%get3A_221, %get3A_222] {strides = array<i32>} : memref<64x128xf32, #tpu.memory_space<vmem>>, vector<16xf32>,
        %swap3A_224 = arith.index_cast %scan3A_210 : i32 to index
        %swap3A_225 = arith.constant 32 : index
        %swap3A_226 = tpu.vector_load %arg7[%swap3A_224, %swap3A_225] {strides = array<i32>} : memref<256x128xf32, #tpu.memory_space<vmem>>, vector<16xf32>,
        tpu.vector_store %arg7[%swap3A_224, %swap3A_225], %get3A_223 {strides = array<i32>} : memref<256x128xf32, #tpu.memory_space<vmem>>, vector<16xf32>,
        %get3A_227 = arith.index_cast %scan3A_210 : i32 to index
        %get3A_228 = arith.constant 48 : index
        %get3A_229 = tpu.vector_load %arg9[%get3A_227, %get3A_228] {strides = array<i32>} : memref<64x128xf32, #tpu.memory_space<vmem>>, vector<16xf32>,
        %swap3A_230 = arith.index_cast %scan3A_210 : i32 to index
        %swap3A_231 = arith.constant 48 : index
        %swap3A_232 = tpu.vector_load %arg7[%swap3A_230, %swap3A_231] {strides = array<i32>} : memref<256x128xf32, #tpu.memory_space<vmem>>, vector<16xf32>,
        tpu.vector_store %arg7[%swap3A_230, %swap3A_231], %get3A_229 {strides = array<i32>} : memref<256x128xf32, #tpu.memory_space<vmem>>, vector<16xf32>,
      }
      %scan3A_209 = arith.constant 64 : i32
      "tpu.region"() ({
        %run_scoped3A = tpu.sem_alloc : memref<!tpu.dma_semaphore, #tpu.memory_space<semaphore_mem>>
        %dma_start3A = arith.constant 0 : i32
        %dma_start3A_210 = arith.constant 0 : i32
        %dma_start3A_211 = tpu.memref_slice %arg7[%dma_start3A, %dma_start3A_210] : memref<256x128xf32, #tpu.memory_space<vmem>> -> memref<64x128xf32, #tpu.memory_space<vmem>>
        %dma_start3A_212 = arith.constant 999936 : i32
        %dma_start3A_213 = arith.constant 0 : i32
        %dma_start3A_214 = tpu.memref_slice %arg4[%dma_start3A_212, %dma_start3A_213] : memref<1000000x128xf32, #tpu.memory_space<hbm>> -> memref<64x128xf32, #tpu.memory_space<hbm>>
        %dma_start3A_215 = arith.constant 999936 : i32
        %dma_start3A_216 = arith.constant 0 : i32
        %dma_start3A_217 = tpu.memref_slice %arg4[%dma_start3A_215, %dma_start3A_216] : memref<1000000x128xf32, #tpu.memory_space<hbm>> -> memref<64x128xf32, #tpu.memory_space<hbm>>
        %dma_start3A_218 = arith.constant 0 : i32
        %dma_start3A_219 = arith.constant 0 : i32
        %dma_start3A_220 = tpu.memref_slice %arg7[%dma_start3A_218, %dma_start3A_219] : memref<256x128xf32, #tpu.memory_space<vmem>> -> memref<64x128xf32, #tpu.memory_space<vmem>>
        tpu.enqueue_dma source(%dma_start3A_220 : memref<64x128xf32, #tpu.memory_space<vmem>>) target(%dma_start3A_217 : memref<64x128xf32, #tpu.memory_space<hbm>>) target_semaphore(%run_scoped3A : memref<!tpu.dma_semaphore, #tpu.memory_space<semaphore_mem>>)
        %dma_wait3A = arith.constant 0 : i32
        %dma_wait3A_221 = arith.constant 0 : i32
        %dma_wait3A_222 = tpu.memref_slice %arg7[%dma_wait3A, %dma_wait3A_221] : memref<256x128xf32, #tpu.memory_space<vmem>> -> memref<64x128xf32, #tpu.memory_space<vmem>>
        %dma_wait3A_223 = arith.constant 999936 : i32
        %dma_wait3A_224 = arith.constant 0 : i32
        %dma_wait3A_225 = tpu.memref_slice %arg4[%dma_wait3A_223, %dma_wait3A_224] : memref<1000000x128xf32, #tpu.memory_space<hbm>> -> memref<64x128xf32, #tpu.memory_space<hbm>>
        %dma_wait3A_226 = arith.constant 999936 : i32
        %dma_wait3A_227 = arith.constant 0 : i32
        %dma_wait3A_228 = tpu.memref_slice %arg4[%dma_wait3A_226, %dma_wait3A_227] : memref<1000000x128xf32, #tpu.memory_space<hbm>> -> memref<64x128xf32, #tpu.memory_space<hbm>>
        %dma_wait3A_229 = arith.constant 0 : i32
        %dma_wait3A_230 = arith.constant 0 : i32
        %dma_wait3A_231 = tpu.memref_slice %arg7[%dma_wait3A_229, %dma_wait3A_230] : memref<256x128xf32, #tpu.memory_space<vmem>> -> memref<64x128xf32, #tpu.memory_space<vmem>>
        tpu.wait_dma2 semaphore(%run_scoped3A : memref<!tpu.dma_semaphore, #tpu.memory_space<semaphore_mem>>) src(%dma_wait3A_231 : memref<64x128xf32, #tpu.memory_space<vmem>>) dst(%dma_wait3A_228 : memref<64x128xf32, #tpu.memory_space<hbm>>)
        tpu.yield
      }) : () -> ()
    } else {
    }
    return
  }
}

</mosaic_0001>

<sc_bundles>
// kernel: kernel.4.cloned.1.call-start
scs
__scs_entry_jumppad:
0x0: {  	(pc) =	sbr.rel $0x88, $3  }
0x1: {  	(tag) =	ssettag $0x0;
	lr =	simm.s32 $0x1  }
0x2: {  	[smem:$0x3F9F] =	sst lr;
	_ =	strace $0xD0000000  }
0x3: {  	_ = 	snop  }
0x4: {  	_ = 	snop  }
0x5: {  	_ = 	snop  }
0x6: {  	_ = 	snop  }
0x7: {  	_ = 	snop  }
__scs_overlays_trampoline_lowered:
0x8: {  	[smem:$0x3FAE] =	sst s0  }
0x9: {  	[smem:$0x3FAF] =	sst s1  }
0xa: {  	[smem:$0x3FB0] =	sst s2  }
0xb: {  	[smem:$0x3FB1] =	sst s3  }
0xc: {  	[smem:$0x3FB2] =	sst s4  }
0xd: {  	[smem:$0x3FB3] =	sst s5  }
0xe: {  	[smem:$0x3FB4] =	sst s6  }
0xf: {  	[smem:$0x3FB5] =	sst s7  }
0x10: {  	[smem:$0x3FB6] =	sst s8  }
0x11: {  	[smem:$0x3FB7] =	sst s9;
	s0 =	simm.s32 @!p0 $0x0  }
0x12: {  	s1 =	sld [smem:$0x3F9D];
	s0 =	simm.s32 @p0 $0x1  }
0x13: {  	[smem:$0x3FB8] =	sst s0;
	s0 =	simm.s32 @!p1 $0x0  }
0x14: {  	s2 =	sld [smem:$0x3F9C];
	s0 =	simm.s32 @p1 $0x1  }
0x15: {  	[smem:$0x3FB9] =	sst s0;
	s0 =	simm.s32 @!p2 $0x0  }
0x16: {  	s3 =	sld [smem:$0x3FDB];
	s0 =	simm.s32 @p2 $0x1  }
0x17: {  	s4 =	simm.s32 $0x1BF5;
	[smem:$0x3FBB] =	sst s0  }
0x18: {  	s0 =	sld [smem:$0x3F9E];
	_ =	swait.ge [sflag:s4], $0x0  }
0x19: {  	s7 =	sld [smem:$0x3F9F]  }
0x1a: {  	s8 =	sadd.s32 $0xFFFFE003, lr  }
0x1b: {  	s9 =	sadd.s32 $0xFFFFFEF7, lr;
	s5 =	simm.s32 $0xFFFFFFFF;
	p2 =	slt.u32 s8, $0xFFFFF086  }
0x1c: {  	p1 =	slt.u32 s9, $0xF7A;
	s5 =	simm.s32 @!p2 $0x0  }
0x1d: {  	s5 =	simm.s32 @p1 $0x1;
	p0 =	seq.s32 s7, s2  }
0x1e: {  	s7 =	smul.u32 @!p0 $0xF7A, s2;
	p2 =	seq.s32 @!p0 s5, $0x0  }
0x1f: {  	s9 =	smul.u32 $0xF7A, s1;
	s8 =	simm.s32 @!p0 $0x1BF5;
	p2 =	por !p2, p0  }
0x20: {  	[sflag:s8] =	ssyncset.s32 @!p0 $0xFFFFF086;
	s6 =	sadd.s32 @!p0 s3, s7;
	s7 =	simm.s32 @!p0 $0x108  }
0x21: {  	s3 =	sadd.s32 s3, s9;
	s6 =	sadd.s32 @!p0 $0x88, s6;
	s7 =	simm.s32 @p2 $0x1082  }
0x22: {  	[simem:s7], [sflag:s8] =	dma.local @!p0 [hbm:s6], $0xF7A  }
0x23: {  	s9 =	sor.u32 $0xD0000000, s2;
	s6 =	simm.s32 $0x108;
	_ =	swait.ge @!p0 [sflag:s8], $0x0  }
0x24: {  	s3 =	sadd.s32 $0x88, s3;
	s6 =	simm.s32 @!p1 $0x1082;
	[sflag:s4] =	ssyncset.s32 $0xFFFFF086  }
0x25: {  	[simem:s6], [sflag:s4] =	dma.local [hbm:s3], $0xF7A  }
0x26: {  	[smem:$0x3F9F] =	sst s1;
	(tag) =	ssettag s2;
	_ =	strace s9  }
0x27: {  	s1 =	sld [smem:$0x3FAF]  }
0x28: {  	s2 =	sld [smem:$0x3FB0]  }
0x29: {  	s4 =	sld [smem:$0x3FB2]  }
0x2a: {  	p0 =	seq.s32 s5, $0x0;
	s5 =	sld [smem:$0x3FB3]  }
0x2b: {  	s6 =	sld [smem:$0x3FB4]  }
0x2c: {  	s7 =	sld [smem:$0x3FB5]  }
0x2d: {  	s3 =	simm.s32 $0x108;
	s8 =	sld [smem:$0x3FB6]  }
0x2e: {  	s3 =	simm.s32 @!p0 $0x1082;
	s9 =	sld [smem:$0x3FB7]  }
0x2f: {  	lr =	sadd.s32 s0, s3;
	s0 =	sld [smem:$0x3FAE]  }
0x30: {  	s3 =	sld [smem:$0x3FB1]  }
0x31: {  	[smem:$0x3FBA] =	sst s10  }
0x32: {  	s10 =	sld [smem:$0x3FB8];
	_ =	sdelay $0x3  }
0x33: {  	p0 =	seq.s32 s10, $0x1;
	s10 =	sld [smem:$0x3FBA];
	_ =	sdelay $0x3  }
0x34: {  	[smem:$0x3FBA] =	sst s10  }
0x35: {  	s10 =	sld [smem:$0x3FB9];
	_ =	sdelay $0x3  }
0x36: {  	p1 =	seq.s32 s10, $0x1;
	s10 =	sld [smem:$0x3FBA];
	_ =	sdelay $0x3  }
0x37: {  	[smem:$0x3FBA] =	sst s10  }
0x38: {  	s10 =	sld [smem:$0x3FBB]  }
0x39: {  	_ = 	snop;
	(pc) =	sbr.ind lr, $3  }
0x3a: {  	_ = 	snop  }
0x3b: {  	_ = 	snop  }
0x3c: {  	p2 =	seq.s32 s10, $0x1;
	s10 =	sld [smem:$0x3FBA]  }
0x3d: {  	_ =	shalt  }
0x3e: {  	_ =	shalt  }
0x3f: {  	_ =	shalt  }
0x40: {  	_ =	shalt  }
0x41: {  	_ =	shalt  }
0x42: {  	_ =	shalt  }
0x43: {  	_ =	shalt  }
0x44: {  	_ =	shalt  }
0x45: {  	_ =	shalt  }
0x46: {  	_ =	shalt  }
0x47: {  	_ =	shalt  }
0x48: {  	_ =	shalt  }
0x49: {  	_ =	shalt  }
0x4a: {  	_ =	shalt  }
0x4b: {  	_ =	shalt  }
0x4c: {  	_ =	shalt  }
0x4d: {  	_ =	shalt  }
0x4e: {  	_ =	shalt  }
0x4f: {  	_ =	shalt  }
0x50: {  	_ =	shalt  }
0x51: {  	_ =	shalt  }
0x52: {  	_ =	shalt  }
0x53: {  	_ =	shalt  }
0x54: {  	_ =	shalt  }
0x55: {  	_ =	shalt  }
0x56: {  	_ =	shalt  }
0x57: {  	_ =	shalt  }
0x58: {  	_ =	shalt  }
0x59: {  	_ =	shalt  }
0x5a: {  	_ =	shalt  }
0x5b: {  	_ =	shalt  }
0x5c: {  	_ =	shalt  }
0x5d: {  	_ =	shalt  }
0x5e: {  	_ =	shalt  }
0x5f: {  	_ =	shalt  }
0x60: {  	_ =	shalt  }
0x61: {  	_ =	shalt  }
0x62: {  	_ =	shalt  }
0x63: {  	_ =	shalt  }
0x64: {  	_ =	shalt  }
0x65: {  	_ =	shalt  }
0x66: {  	_ =	shalt  }
0x67: {  	_ =	shalt  }
0x68: {  	_ =	shalt  }
0x69: {  	_ =	shalt  }
0x6a: {  	_ =	shalt  }
0x6b: {  	_ =	shalt  }
0x6c: {  	_ =	shalt  }
0x6d: {  	_ =	shalt  }
0x6e: {  	_ =	shalt  }
0x6f: {  	_ =	shalt  }
0x70: {  	_ =	shalt  }
0x71: {  	_ =	shalt  }
0x72: {  	_ =	shalt  }
0x73: {  	_ =	shalt  }
0x74: {  	_ =	shalt  }
0x75: {  	_ =	shalt  }
0x76: {  	_ =	shalt  }
0x77: {  	_ =	shalt  }
0x78: {  	_ =	shalt  }
0x79: {  	_ =	shalt  }
0x7a: {  	_ =	shalt  }
0x7b: {  	_ =	shalt  }
0x7c: {  	_ =	shalt  }
0x7d: {  	_ =	shalt  }
0x7e: {  	_ =	shalt  }
0x7f: {  	_ =	shalt  }
0x80: {  	_ =	shalt  }
0x81: {  	_ =	shalt  }
0x82: {  	_ =	shalt  }
0x83: {  	_ =	shalt  }
0x84: {  	_ =	shalt  }
0x85: {  	_ =	shalt  }
0x86: {  	_ =	shalt  }
0x87: {  	_ =	shalt  }
.Lfunc_end0:
.L_simem_size_0:
called_computation.1_lowered:
.L_overlay_start_0:
0x88: {  	s2 =	sld [smem:$0x3FD9]  }
0x89: {  	s3 =	sld [smem:$0x3FFE];
	_ =	sdelay $0x1  }
0x8a: {  	s1 =	srdreg.scid  }
0x8b: {  	s0 =	sand.u32 $0x1, s1  }
0x8c: {  	s17 =	sshll.u32 s0, $0xA;
	s2 =	sadd.s32 s3, s2  }
0x8d: {  	s2 =	sadd.s32 s2, s17  }
0x8e: {  	[smem:$0x3FC6] =	sst s2  }
0x8f: {  	_ = 	snop  }
0x90: {  	s2 =	sld [smem:$0x3FC8];
	(tm) =	ssettm $0x1  }
0x91: {  	s18 =	sld [smem:$0x3FFB];
	_ =	sdelay $0x3  }
0x92: {  	_ =	strace s18  }
0x93: {  	s3 =	sld [smem:$0x3FFC];
	_ =	sdelay $0x3  }
0x94: {  	_ =	strace s3  }
0x95: {  	s3 =	sld [smem:$0x3FFD];
	_ =	sdelay $0x3  }
0x96: {  	_ =	strace s3  }
0x97: {  	_ =	strace $0x8FFFFFFF  }
0x98: {  	s19 =	sld [smem:$0x3FDB];
	_ =	sdelay $0x1  }
0x99: {  	s4 =	simm.s32 $_scs_section_size  }
0x9a: {  	s5 =	simm.s32 $_size__tile_overlayer_lowered;
	s6 =	simm.s32 $_tile_overlayer_lowered  }
0x9b: {  	s22 =	simm.s32 $0x1BFF;
	s21 =	sshll.u32 s6, $0x1;
	s3 =	sadd.s32 s4, s19  }
0x9c: {  	s7 =	simm.s32 $0x0;
	s20 =	sshll.u32 s5, $0x1;
	s5 =	sadd.s32 s21, s3  }
0x9d: {  	[timem:s7], [sflag:s22] =	dma.local [hbm:s5], s20  }
0x9e: {  	_ =	swait.ge [sflag:s22], s20  }
0x9f: {  	s4 =	ssub.s32 $0x0, s20;
	[sflag:s22] =	ssyncset.done $0x0  }
0xa0: {  	[sflag:s22] =	ssyncadd.s32 s4;
	_ =	sdelay $0x1  }
0xa1: {  	s23 =	simm.s32 $0x1B8B  }
0xa2: {  	_ =	swait.ge [sflag:s23], $0x1  }
0xa3: {  	[sflag:s23] =	ssyncset.done $0x0  }
0xa4: {  	s25 =	simm.s32 $0x1B8E;
	s24 =	sld [smem:$0x3FFE];
	[sflag:s23] =	ssyncadd.s32 $0xFFFFFFFF  }
0xa5: {  	s26 =	simm.s32 $execute0_lowered;
	[smem:$0x3FD2] =	sst s25  }
0xa6: {  	s5 =	sshll.u32 s26, $0x1;
	_ =	strace $0x80000046;
	[dreg:$0x1] =	wrdreg $0xFFFFFFFF  }
0xa7: {  	s28 =	simm.s32 $_size_execute0_lowered;
	s3 =	sadd.s32 s3, s5;
	[dreg:$0x0] =	wrdreg $0x0  }
0xa8: {  	s5 =	sshll.u32 s28, $0x1;
	[dreg:$0x2] =	wrdreg s3  }
0xa9: {  	[dreg:$0x3] =	wrdreg s5  }
0xaa: {  	[dreg:$0x4] =	wrdreg $0xC0  }
0xab: {  	_ =	task [dreg:s7], $0x5FFFF  }
0xac: {  	[dreg:$0x1] =	wrdreg $0xFFFFFFFF  }
0xad: {  	[dreg:$0x0] =	wrdreg $0x60  }
0xae: {  	[dreg:$0x2] =	wrdreg s2  }
0xaf: {  	[dreg:$0x3] =	wrdreg s24  }
0xb0: {  	[dreg:$0x4] =	wrdreg $0x9  }
0xb1: {  	_ =	task.clear_ibuf [dreg:s7], $0x5FFFF;
	_ =	strace $0x90000046  }
0xb2: {  	s29 =	simm.s32 $0x9;
	_ =	strace $0x80000048  }
0xb3: {  	_ =	swait.ge [sflag:s29], $0x1  }
0xb4: {  	[sflag:s29] =	ssyncadd.s32 $0xFFFFFFFF  }
0xb5: {  	_ =	strace $0x90000048  }
0xb6: {  	_ =	sfence  }
0xb7: {  	s30 =	sld [smem:$0x0];
	_ =	sdelay $0x2  }
0xb8: {  	s31 =	sshll.u32 s1, $0xD;
	s1 =	sshrl.u32 s1, $0x2  }
0xb9: {  	s3 =	sand.u32 $0x4000, s31;
	s1 =	sadd.s32 s1, s30  }
0xba: {  	s0 =	sor.u32 s3, s0;
	s1 =	sshll.u32 s1, $0x11  }
0xbb: {  	s0 =	sor.u32 s1, s0  }
0xbc: {  	s0 =	sadd.s32 $0x8F2B, s0  }
0xbd: {  	[sflag:s0] =	ssyncadd.remote.s32 $0x1  }
0xbe: {  	_ =	sfence.sel $0xFFFF  }
0xbf: {  	[dreg:$0x0] =	wrdreg $0xFFFFFFFF;
	(pc) =	sbr.abs _section_cstart, $3  }
0xc0: {  	[dreg:$0x1] =	wrdreg $0xFFFFFFFF  }
0xc1: {  	_ =	task.clear_ibuf [dreg:s7], $0x2FFFF;
	_ =	strace $0x9FFFFFFF  }
0xc2: {  	(tm) =	ssettm $0x7FFFFFFF  }
0xc3: {  	_ =	shalt  }
tec
execute0_lowered:
.L_overlay_start_1:
0x0: {  	(tag) =	ssettag $0x1  }
0x1: {  	v0 =	vimm.s32 $0xB80;
	vm14 =	vcmask $0x300  }
0x2: {  	vm13 =	vcmask $0x704;
	vm12 =	vcmask $0xB08;
	vm11 =	vcmask $0xF0C  }
0x3: {  	vm10 =	vcmask $0x1310;
	vm9 =	vcmask $0x1714;
	vm8 =	vcmask $0x1B18  }
0x4: {  	vm7 =	vcmask $0x1F1C;
	vm6 =	vcmask $0x2320;
	vm4 =	vcmask $0x2724  }
0x5: {  	vm3 =	vcmask $0x2B28;
	vm1 =	vcmask $0x2F2C;
	vm2 =	vcmask $0x3330  }
0x6: {  	vm0 =	vcmask $0x3734;
	v2 =	vimm.s32 $0x1B80;
	vm5 =	vcmask $0x3B38  }
0x7: {  	v3 =	vimm.s32 $0x2B80;
	v4 =	vimm.s32 $0x3B80;
	v7 =	vimm.s32 $0xFEDCBA9  }
0x8: {  	v9 =	vimm.s32 $0x87654321;
	v10 =	vimm.s32 $0x98765432;
	v11 =	vimm.s32 $0x210FEDCB  }
0x9: {  	v12 =	vimm.s32 $0xA9876543;
	v22 =	vimm.s32 $0xCBA98765;
	v24 =	vimm.s32 $0x6543210F  }
0xa: {  	v25 =	vimm.s32 $0xEDCBA987;
	v26 =	vimm.s32 $0xFEDCBA98;
	v27 =	vimm.s32 $0x76543210  }
0xb: {  	v0 =	vsel vm14, $0x0, v0;
	v2 =	vsel vm14, $0x1000, v2;
	v3 =	vsel vm14, $0x2000, v3  }
0xc: {  	v4 =	vsel vm14, $0x3000, v4;
	v8 =	vunpack.c.l.s4.s8 v7;
	v10 =	vunpack.c.l.s4.s8 v10  }
0xd: {  	v11 =	vunpack.c.l.s4.s8 v11;
	v24 =	vunpack.c.l.s4.s8 v24;
	v25 =	vunpack.c.l.s4.s8 v25  }
0xe: {  	v26 =	vunpack.c.l.s4.s8 v26;
	v0 =	vsel vm13, $0x80, v0;
	v2 =	vsel vm13, $0x1080, v2  }
0xf: {  	v3 =	vsel vm13, $0x2080, v3;
	v4 =	vsel vm13, $0x3080, v4;
	v0 =	vsel vm12, $0x100, v0  }
0x10: {  	v2 =	vsel vm12, $0x1100, v2;
	v3 =	vsel vm12, $0x2100, v3;
	v4 =	vsel vm12, $0x3100, v4  }
0x11: {  	v14 =	vunpack.c.0.s8.s32 v8;
	v8 =	vunpack.c.l.s4.s8 v9;
	v9 =	vimm.s32 $0x10FEDCBA  }
0x12: {  	v17 =	vunpack.c.0.s8.s32 v10;
	v18 =	vunpack.c.0.s8.s32 v11;
	v24 =	vunpack.c.0.s8.s32 v24  }
0x13: {  	v25 =	vunpack.c.0.s8.s32 v25;
	v26 =	vunpack.c.0.s8.s32 v26;
	v0 =	vsel vm11, $0x180, v0  }
0x14: {  	v2 =	vsel vm11, $0x1180, v2;
	v3 =	vsel vm11, $0x2180, v3;
	v4 =	vsel vm11, $0x3180, v4  }
0x15: {  	v9 =	vunpack.c.l.s4.s8 v9;
	v0 =	vsel vm10, $0x200, v0;
	v2 =	vsel vm10, $0x1200, v2  }
0x16: {  	v3 =	vsel vm10, $0x2200, v3;
	v4 =	vsel vm10, $0x3200, v4;
	v15 =	vunpack.c.0.s8.s32 v8  }
0x17: {  	v8 =	vunpack.c.l.s4.s8 v12;
	v30 =	vcombine.low v25, v24;
	v26 =	vand.u32 $0xF, v26  }
0x18: {  	v0 =	vsel vm9, $0x280, v0;
	v2 =	vsel vm9, $0x1280, v2;
	v3 =	vsel vm9, $0x2280, v3  }
0x19: {  	v4 =	vsel vm9, $0x3280, v4;
	v16 =	vunpack.c.0.s8.s32 v9;
	v9 =	vimm.s32 $0x3210FEDC  }
0x1a: {  	v0 =	vsel vm8, $0x300, v0;
	v2 =	vsel vm8, $0x1300, v2;
	v3 =	vsel vm8, $0x2300, v3  }
0x1b: {  	v4 =	vsel vm8, $0x3300, v4;
	v19 =	vunpack.c.0.s8.s32 v8;
	v8 =	vunpack.c.l.s4.s8 v9  }
0x1c: {  	v9 =	vimm.s32 $0xBA987654;
	v10 =	vcombine.low v15, v14;
	v63 =	vcombine.low v14, v15  }
0x1d: {  	v15 =	vand.u32 $0xF, v30;
	v0 =	vsel vm7, $0x380, v0;
	v2 =	vsel vm7, $0x1380, v2  }
0x1e: {  	v3 =	vsel vm7, $0x2380, v3;
	v4 =	vsel vm7, $0x3380, v4;
	v11 =	vcombine.low v17, v16  }
0x1f: {  	v9 =	vunpack.c.l.s4.s8 v9;
	v17 =	vcombine.low v16, v17;
	v0 =	vsel vm6, $0x800, v0  }
0x20: {  	v2 =	vsel vm6, $0x1800, v2;
	v3 =	vsel vm6, $0x2800, v3;
	v4 =	vsel vm6, $0x3800, v4  }
0x21: {  	v12 =	vcombine.low v19, v18;
	v20 =	vunpack.c.0.s8.s32 v8;
	v8 =	vimm.s32 $0x43210FED  }
0x22: {  	v18 =	vcombine.low v18, v19;
	v16 =	vand.u32 $0xF, v63;
	v0 =	vsel vm4, $0x880, v0  }
0x23: {  	v2 =	vsel vm4, $0x1880, v2;
	v3 =	vsel vm4, $0x2880, v3;
	v4 =	vsel vm4, $0x3880, v4  }
0x24: {  	v21 =	vunpack.c.0.s8.s32 v9;
	v13 =	vunpack.c.l.s4.s8 v8;
	v8 =	vand.u32 $0xF, v10  }
0x25: {  	v9 =	vand.u32 $0xF, v11;
	v11 =	vunpack.c.l.s4.s8 v22;
	v17 =	vand.u32 $0xF, v17  }
0x26: {  	v0 =	vsel vm3, $0x900, v0;
	v2 =	vsel vm3, $0x1900, v2;
	v3 =	vsel vm3, $0x2900, v3  }
0x27: {  	v4 =	vsel vm3, $0x3900, v4;
	v10 =	vand.u32 $0xF, v12;
	v18 =	vand.u32 $0xF, v18  }
0x28: {  	v0 =	vsel vm1, $0x980, v0;
	v2 =	vsel vm1, $0x1980, v2;
	v3 =	vsel vm1, $0x2980, v3  }
0x29: {  	s0 =	rddreg [dreg:$0x0];
	s2 =	srdreg.scid;
	v6 =	vsel vm1, $0x3980, v4;
	v12 =	vcombine.low v21, v20;
	v22 =	vunpack.c.0.s8.s32 v13  }
0x2a: {  	s1 =	stileid.u32;
	s10 =	rddreg [dreg:$0x1];
	s3 =	simm.s32 $0x0;
	v23 =	vunpack.c.0.s8.s32 v11;
	v11 =	vimm.s32 $0x543210FE;
	v13 =	vimm.s32 $0xDCBA9876  }
0x2b: {  	s12 =	simm.s32 $0x800;
	s13 =	simm.s32 $0x7A1400;
	s14 =	simm.s32 $0x4000;
	v19 =	vcombine.low v20, v21;
	v1 =	vsel vm2, $0xA00, v0;
	v0 =	vlaneseq.u32  }
0x2c: {  	s15 =	simm.s32 $0x2;
	s16 =	simm.s32 $0x10000;
	s18 =	simm.s32 $0x4;
	v2 =	vsel vm2, $0x1A00, v2;
	v5 =	vsel vm2, $0x2A00, v3;
	v6 =	vsel vm2, $0x3A00, v6  }
0x2d: {  	s19 =	simm.s32 $0x18000;
	s20 =	simm.s32 $0x5;
	s21 =	simm.s32 $0x8000;
	v11 =	vunpack.c.l.s4.s8 v11;
	v13 =	vunpack.c.l.s4.s8 v13;
	v1 =	vsel vm0, $0xA80, v1  }
0x2e: {  	s22 =	simm.s32 $0x1;
	s5 =	sand.u32 $0x1, s2;
	s2 =	rddreg [dreg:$0x2];
	v2 =	vsel vm0, $0x1A80, v2;
	v3 =	vor.u32 $0x10, v0;
	v5 =	vsel vm0, $0x2A80, v5  }
0x2f: {  	s23 =	simm.s32 $0x0;
	s4 =	sshll.u32 s1, $0x1;
	[smem:$0x7FF] =	sst s3;
	v6 =	vsel vm0, $0x3A80, v6;
	v7 =	vor.u32 $0x30, v0;
	v20 =	vcombine.low v22, v23  }
0x30: {  	p0 =	seq.s32 s1, $0x0;
	s17 =	sor.u32 s5, s4;
	_ =	strace $0x80000047;
	v19 =	vand.u32 $0xF, v19;
	v1 =	vsel vm5, $0xB00, v1;
	v2 =	vsel vm5, $0x1B00, v2  }
0x31: {  	s4 =	sadd.s32 $0xE00, s10;
	s9 =	ssub.s32 $0x2, s5;
	s6 =	smul.u32 $0x7A, s17;
	v4 =	vsel vm5, $0x2B00, v5;
	v5 =	vor.u32 $0x20, v0;
	v6 =	vsel vm5, $0x3B00, v6  }
.Ltmp0:
0x32: {  	s7 =	smin.u32 s17, $0x2;
	s11 =	sshrl.u32 s9, $0x1;
	v28 =	vunpack.c.0.s8.s32 v11;
	v29 =	vunpack.c.0.s8.s32 v13;
	v13 =	vunpack.c.l.s4.s8 v27;
	(pc) =	sbr.rel .LBB2_1-.Ltmp0, $4  }
0x33: {  	s11 =	ssub.s32 s9, s11;
	s5 =	sadd.s32 s7, s6;
	s6 =	sadd.s32 $0x1200, s10;
	v11 =	vand.u32 $0xF, v12;
	v12 =	vcombine.low v23, v22;
	v22 =	vcombine.low v24, v25  }
0x34: {  	s7 =	simm.s32 $0x7B;
	s10 =	sadd.s32 $0xF43200, s10;
	s8 =	sshll.u32 s5, $0x8;
	v13 =	vunpack.c.0.s8.s32 v13;
	v62 =	vcombine.low v29, v28;
	v21 =	vcombine.low v28, v29  }
0x35: {  	s11 =	smax.u32 s11, $0x1;
	s7 =	simm.s32 @!p0 $0x7A;
	s8 =	sadd.s32 s0, s8;
	v20 =	vand.u32 $0xF, v20;
	v12 =	vand.u32 $0xF, v12;
	v22 =	vand.u32 $0xF, v22  }
0x36: {  	p0 =	sne.s32 s17, $0x1F;
	s17 =	simm.s32 $0x3;
	s9 =	sadd.s32 $0x100, s8;
	v13 =	vcombine.low v26, v13;
	v14 =	vand.u32 $0xF, v62;
	v21 =	vand.u32 $0xF, v21  }
.LBB2_14:
0x37: {  	s23 =	sadd.s32 $0x1, s23  }
0x38: {  	p1 =	sne.s32 s23, s11  }
.Ltmp1:
0x39: {  	_ = 	snop;
	(pc) =	sbr.rel @!p1 .LBB2_15-.Ltmp1, $1  }
0x3a: {  	_ =	sdelay $0x3  }
.LBB2_1:
.Ltmp2:
0x3b: {  	(pc) =	sbr.rel .LBB2_2-.Ltmp2, $4  }
0x3c: {  	_ = 	snop  }
0x3d: {  	[tilespmem:s3], [sflag:$0x1] =	stream.strided.gather [hbm4b:s8+s12], $0x4000, s13, s12, $0x38;
	[tilespmem:$0x1A000] =	vst v63  }
0x3e: {  	s24 =	simm.s32 $0x0  }
0x3f: {  	[tilespmem:s14], [sflag:$0x2] =	stream.strided.gather [hbm4b:s9+s12], $0x4000, s13, s12, $0x38;
	[tilespmem:$0x1A000] =	vst v63  }
.LBB2_5:
0x40: {  	_ =	sdelay $0x2  }
0x41: {  	v26 =	vshll.u32 v26, $0x3  }
0x42: {  	[tilespmem:v25+s21+$0x0] =	vst.idx.msk $0xffff, v24;
	v38 =	vor.u32 s26, v0;
	v26 =	vand.u32 $0x400, v26  }
0x43: {  	v27 =	vor.u32 v7, v27;
	v25 =	vld.idx.msk [tilespmem:v23+s3+$0x0], $0xffff;
	v28 =	vand.u32 $0x7F, v38;
	v23 =	vor.u32 v1, v26  }
0x44: {  	v29 =	vor.u32 v28, v23;
	_ =	sdelay $0x3  }
0x45: {  	v39 =	vshll.u32 v38, $0x7;
	[tilespmem:v27+s21+$0x0] =	vst.idx.msk $0xffff, v25  }
0x46: {  	v40 =	vor.u32 v0, v39;
	v24 =	vor.u32 v2, v26;
	v25 =	vld.idx.msk [tilespmem:v29+s3+$0x0], $0xffff  }
0x47: {  	v30 =	vor.u32 v28, v24;
	_ =	sdelay $0x3  }
0x48: {  	[tilespmem:v40+s21+$0x0] =	vst.idx.msk $0xffff, v25  }
0x49: {  	v41 =	vor.u32 v3, v39;
	v25 =	vor.u32 v4, v26;
	v29 =	vld.idx.msk [tilespmem:v30+s3+$0x0], $0xffff  }
0x4a: {  	v31 =	vor.u32 v28, v25;
	_ =	sdelay $0x3  }
0x4b: {  	[tilespmem:v41+s21+$0x0] =	vst.idx.msk $0xffff, v29  }
0x4c: {  	v42 =	vor.u32 v5, v39;
	v26 =	vor.u32 v6, v26;
	v29 =	vld.idx.msk [tilespmem:v31+s3+$0x0], $0xffff  }
0x4d: {  	v28 =	vor.u32 v28, v26;
	_ =	sdelay $0x3  }
0x4e: {  	v43 =	vor.u32 s26, v8;
	[tilespmem:v42+s21+$0x0] =	vst.idx.msk $0xffff, v29  }
0x4f: {  	v44 =	vand.u32 $0x7F, v43;
	v27 =	vor.u32 v7, v39;
	v28 =	vld.idx.msk [tilespmem:v28+s3+$0x0], $0xffff  }
0x50: {  	v45 =	vor.u32 v44, v23;
	_ =	sdelay $0x3  }
0x51: {  	v46 =	vshll.u32 v43, $0x7;
	[tilespmem:v27+s21+$0x0] =	vst.idx.msk $0xffff, v28  }
0x52: {  	v29 =	vor.u32 v0, v46;
	v28 =	vld.idx.msk [tilespmem:v45+s3+$0x0], $0xffff  }
0x53: {  	v47 =	vor.u32 v44, v24;
	_ =	sdelay $0x3  }
0x54: {  	[tilespmem:v29+s21+$0x0] =	vst.idx.msk $0xffff, v28  }
0x55: {  	v48 =	vor.u32 v3, v46;
	v28 =	vld.idx.msk [tilespmem:v47+s3+$0x0], $0xffff  }
0x56: {  	v49 =	vor.u32 v44, v25;
	_ =	sdelay $0x3  }
0x57: {  	[tilespmem:v48+s21+$0x0] =	vst.idx.msk $0xffff, v28  }
0x58: {  	v50 =	vor.u32 v5, v46;
	v28 =	vld.idx.msk [tilespmem:v49+s3+$0x0], $0xffff  }
0x59: {  	v30 =	vor.u32 v44, v26;
	_ =	sdelay $0x3  }
0x5a: {  	v51 =	vor.u32 s26, v9;
	[tilespmem:v50+s21+$0x0] =	vst.idx.msk $0xffff, v28  }
0x5b: {  	v52 =	vand.u32 $0x7F, v51;
	v27 =	vor.u32 v7, v46;
	v29 =	vld.idx.msk [tilespmem:v30+s3+$0x0], $0xffff  }
0x5c: {  	v53 =	vor.u32 v52, v23;
	_ =	sdelay $0x3  }
0x5d: {  	v54 =	vshll.u32 v51, $0x7;
	[tilespmem:v27+s21+$0x0] =	vst.idx.msk $0xffff, v29  }
0x5e: {  	v56 =	vor.u32 v0, v54;
	v55 =	vld.idx.msk [tilespmem:v53+s3+$0x0], $0xffff  }
0x5f: {  	v57 =	vor.u32 v52, v24;
	_ =	sdelay $0x3  }
0x60: {  	[tilespmem:v56+s21+$0x0] =	vst.idx.msk $0xffff, v55  }
0x61: {  	v58 =	vor.u32 v3, v54;
	v28 =	vld.idx.msk [tilespmem:v57+s3+$0x0], $0xffff  }
0x62: {  	v59 =	vor.u32 v52, v25;
	_ =	sdelay $0x3  }
0x63: {  	[tilespmem:v58+s21+$0x0] =	vst.idx.msk $0xffff, v28  }
0x64: {  	v60 =	vor.u32 v5, v54;
	v28 =	vld.idx.msk [tilespmem:v59+s3+$0x0], $0xffff  }
0x65: {  	v30 =	vor.u32 v52, v26;
	_ =	sdelay $0x3  }
0x66: {  	v61 =	vor.u32 s26, v10;
	[tilespmem:v60+s21+$0x0] =	vst.idx.msk $0xffff, v28  }
0x67: {  	v62 =	vand.u32 $0x7F, v61;
	v27 =	vor.u32 v7, v54;
	v29 =	vld.idx.msk [tilespmem:v30+s3+$0x0], $0xffff  }
0x68: {  	v63 =	vor.u32 v62, v23;
	_ =	sdelay $0x3  }
0x69: {  	v33 =	vshll.u32 v61, $0x7;
	[tilespmem:v27+s21+$0x0] =	vst.idx.msk $0xffff, v29  }
0x6a: {  	v35 =	vor.u32 v0, v33;
	v34 =	vld.idx.msk [tilespmem:v63+s3+$0x0], $0xffff  }
0x6b: {  	v36 =	vor.u32 v62, v24;
	_ =	sdelay $0x3  }
0x6c: {  	[tilespmem:v35+s21+$0x0] =	vst.idx.msk $0xffff, v34  }
0x6d: {  	v37 =	vor.u32 v3, v33;
	v28 =	vld.idx.msk [tilespmem:v36+s3+$0x0], $0xffff  }
0x6e: {  	v38 =	vor.u32 v62, v25;
	_ =	sdelay $0x3  }
0x6f: {  	[tilespmem:v37+s21+$0x0] =	vst.idx.msk $0xffff, v28  }
0x70: {  	v39 =	vor.u32 v5, v33;
	v28 =	vld.idx.msk [tilespmem:v38+s3+$0x0], $0xffff  }
0x71: {  	v30 =	vor.u32 v62, v26;
	_ =	sdelay $0x3  }
0x72: {  	v40 =	vor.u32 s26, v11;
	[tilespmem:v39+s21+$0x0] =	vst.idx.msk $0xffff, v28  }
0x73: {  	v41 =	vand.u32 $0x7F, v40;
	v27 =	vor.u32 v7, v33;
	v29 =	vld.idx.msk [tilespmem:v30+s3+$0x0], $0xffff  }
0x74: {  	v42 =	vor.u32 v41, v23;
	_ =	sdelay $0x3  }
0x75: {  	v43 =	vshll.u32 v40, $0x7;
	[tilespmem:v27+s21+$0x0] =	vst.idx.msk $0xffff, v29  }
0x76: {  	v45 =	vor.u32 v0, v43;
	v44 =	vld.idx.msk [tilespmem:v42+s3+$0x0], $0xffff  }
0x77: {  	v46 =	vor.u32 v41, v24;
	_ =	sdelay $0x3  }
0x78: {  	[tilespmem:v45+s21+$0x0] =	vst.idx.msk $0xffff, v44  }
0x79: {  	v47 =	vor.u32 v3, v43;
	v28 =	vld.idx.msk [tilespmem:v46+s3+$0x0], $0xffff  }
0x7a: {  	v48 =	vor.u32 v41, v25;
	_ =	sdelay $0x3  }
0x7b: {  	[tilespmem:v47+s21+$0x0] =	vst.idx.msk $0xffff, v28  }
0x7c: {  	v49 =	vor.u32 v5, v43;
	v28 =	vld.idx.msk [tilespmem:v48+s3+$0x0], $0xffff  }
0x7d: {  	v30 =	vor.u32 v41, v26;
	_ =	sdelay $0x3  }
0x7e: {  	v50 =	vor.u32 s26, v12;
	[tilespmem:v49+s21+$0x0] =	vst.idx.msk $0xffff, v28  }
0x7f: {  	v51 =	vand.u32 $0x7F, v50;
	v27 =	vor.u32 v7, v43;
	v29 =	vld.idx.msk [tilespmem:v30+s3+$0x0], $0xffff  }
0x80: {  	v52 =	vor.u32 v51, v23;
	_ =	sdelay $0x3  }
0x81: {  	v53 =	vshll.u32 v50, $0x7;
	[tilespmem:v27+s21+$0x0] =	vst.idx.msk $0xffff, v29  }
0x82: {  	v55 =	vor.u32 v0, v53;
	v54 =	vld.idx.msk [tilespmem:v52+s3+$0x0], $0xffff  }
0x83: {  	v56 =	vor.u32 v51, v24;
	_ =	sdelay $0x3  }
0x84: {  	[tilespmem:v55+s21+$0x0] =	vst.idx.msk $0xffff, v54  }
0x85: {  	v57 =	vor.u32 v3, v53;
	v28 =	vld.idx.msk [tilespmem:v56+s3+$0x0], $0xffff  }
0x86: {  	v58 =	vor.u32 v51, v25;
	_ =	sdelay $0x3  }
0x87: {  	[tilespmem:v57+s21+$0x0] =	vst.idx.msk $0xffff, v28  }
0x88: {  	v59 =	vor.u32 v5, v53;
	v28 =	vld.idx.msk [tilespmem:v58+s3+$0x0], $0xffff  }
0x89: {  	v30 =	vor.u32 v51, v26;
	_ =	sdelay $0x3  }
0x8a: {  	v60 =	vor.u32 s26, v14;
	[tilespmem:v59+s21+$0x0] =	vst.idx.msk $0xffff, v28  }
0x8b: {  	v61 =	vand.u32 $0x7F, v60;
	v27 =	vor.u32 v7, v53;
	v29 =	vld.idx.msk [tilespmem:v30+s3+$0x0], $0xffff  }
0x8c: {  	v62 =	vor.u32 v61, v23;
	_ =	sdelay $0x3  }
0x8d: {  	v63 =	vshll.u32 v60, $0x7;
	[tilespmem:v27+s21+$0x0] =	vst.idx.msk $0xffff, v29  }
0x8e: {  	v34 =	vor.u32 v0, v63;
	v33 =	vld.idx.msk [tilespmem:v62+s3+$0x0], $0xffff  }
0x8f: {  	v35 =	vor.u32 v61, v24;
	_ =	sdelay $0x3  }
0x90: {  	[tilespmem:v34+s21+$0x0] =	vst.idx.msk $0xffff, v33  }
0x91: {  	v36 =	vor.u32 v3, v63;
	v28 =	vld.idx.msk [tilespmem:v35+s3+$0x0], $0xffff  }
0x92: {  	v37 =	vor.u32 v61, v25;
	_ =	sdelay $0x3  }
0x93: {  	[tilespmem:v36+s21+$0x0] =	vst.idx.msk $0xffff, v28  }
0x94: {  	v38 =	vor.u32 v5, v63;
	v28 =	vld.idx.msk [tilespmem:v37+s3+$0x0], $0xffff  }
0x95: {  	v30 =	vor.u32 v61, v26;
	_ =	sdelay $0x3  }
0x96: {  	v39 =	vor.u32 s26, v15;
	[tilespmem:v38+s21+$0x0] =	vst.idx.msk $0xffff, v28  }
0x97: {  	v40 =	vand.u32 $0x7F, v39;
	v27 =	vor.u32 v7, v63;
	v29 =	vld.idx.msk [tilespmem:v30+s3+$0x0], $0xffff  }
0x98: {  	v41 =	vor.u32 v40, v23;
	_ =	sdelay $0x3  }
0x99: {  	v42 =	vshll.u32 v39, $0x7;
	[tilespmem:v27+s21+$0x0] =	vst.idx.msk $0xffff, v29  }
0x9a: {  	v44 =	vor.u32 v0, v42;
	v43 =	vld.idx.msk [tilespmem:v41+s3+$0x0], $0xffff  }
0x9b: {  	v45 =	vor.u32 v40, v24;
	_ =	sdelay $0x3  }
0x9c: {  	[tilespmem:v44+s21+$0x0] =	vst.idx.msk $0xffff, v43  }
0x9d: {  	v46 =	vor.u32 v3, v42;
	v28 =	vld.idx.msk [tilespmem:v45+s3+$0x0], $0xffff  }
0x9e: {  	v47 =	vor.u32 v40, v25;
	_ =	sdelay $0x3  }
0x9f: {  	[tilespmem:v46+s21+$0x0] =	vst.idx.msk $0xffff, v28  }
0xa0: {  	v48 =	vor.u32 v5, v42;
	v28 =	vld.idx.msk [tilespmem:v47+s3+$0x0], $0xffff  }
0xa1: {  	v30 =	vor.u32 v40, v26;
	_ =	sdelay $0x3  }
0xa2: {  	v49 =	vor.u32 s26, v13;
	[tilespmem:v48+s21+$0x0] =	vst.idx.msk $0xffff, v28  }
0xa3: {  	v50 =	vand.u32 $0x7F, v49;
	v27 =	vor.u32 v7, v42;
	v29 =	vld.idx.msk [tilespmem:v30+s3+$0x0], $0xffff  }
0xa4: {  	v51 =	vor.u32 v50, v23;
	_ =	sdelay $0x3  }
0xa5: {  	v52 =	vshll.u32 v49, $0x7;
	[tilespmem:v27+s21+$0x0] =	vst.idx.msk $0xffff, v29  }
0xa6: {  	v54 =	vor.u32 v0, v52;
	v53 =	vld.idx.msk [tilespmem:v51+s3+$0x0], $0xffff  }
0xa7: {  	v55 =	vor.u32 v50, v24;
	_ =	sdelay $0x3  }
0xa8: {  	[tilespmem:v54+s21+$0x0] =	vst.idx.msk $0xffff, v53  }
0xa9: {  	v56 =	vor.u32 v3, v52;
	v28 =	vld.idx.msk [tilespmem:v55+s3+$0x0], $0xffff  }
0xaa: {  	v57 =	vor.u32 v50, v25;
	_ =	sdelay $0x3  }
0xab: {  	[tilespmem:v56+s21+$0x0] =	vst.idx.msk $0xffff, v28  }
0xac: {  	v58 =	vor.u32 v5, v52;
	v28 =	vld.idx.msk [tilespmem:v57+s3+$0x0], $0xffff  }
0xad: {  	v30 =	vor.u32 v50, v26;
	_ =	sdelay $0x3  }
0xae: {  	v59 =	vor.u32 s26, v16;
	[tilespmem:v58+s21+$0x0] =	vst.idx.msk $0xffff, v28  }
0xaf: {  	v60 =	vand.u32 $0x7F, v59;
	v27 =	vor.u32 v7, v52;
	v29 =	vld.idx.msk [tilespmem:v30+s3+$0x0], $0xffff  }
0xb0: {  	v61 =	vor.u32 v60, v23;
	_ =	sdelay $0x3  }
0xb1: {  	v62 =	vshll.u32 v59, $0x7;
	[tilespmem:v27+s21+$0x0] =	vst.idx.msk $0xffff, v29  }
0xb2: {  	v33 =	vor.u32 v0, v62;
	v63 =	vld.idx.msk [tilespmem:v61+s3+$0x0], $0xffff  }
0xb3: {  	v34 =	vor.u32 v60, v24;
	_ =	sdelay $0x3  }
0xb4: {  	[tilespmem:v33+s21+$0x0] =	vst.idx.msk $0xffff, v63  }
0xb5: {  	v35 =	vor.u32 v3, v62;
	v28 =	vld.idx.msk [tilespmem:v34+s3+$0x0], $0xffff  }
0xb6: {  	v36 =	vor.u32 v60, v25;
	_ =	sdelay $0x3  }
0xb7: {  	[tilespmem:v35+s21+$0x0] =	vst.idx.msk $0xffff, v28  }
0xb8: {  	v37 =	vor.u32 v5, v62;
	v28 =	vld.idx.msk [tilespmem:v36+s3+$0x0], $0xffff  }
0xb9: {  	v30 =	vor.u32 v60, v26;
	_ =	sdelay $0x3  }
0xba: {  	v38 =	vor.u32 s26, v17;
	[tilespmem:v37+s21+$0x0] =	vst.idx.msk $0xffff, v28  }
0xbb: {  	v39 =	vand.u32 $0x7F, v38;
	v27 =	vor.u32 v7, v62;
	v29 =	vld.idx.msk [tilespmem:v30+s3+$0x0], $0xffff  }
0xbc: {  	v40 =	vor.u32 v39, v23;
	_ =	sdelay $0x3  }
0xbd: {  	v41 =	vshll.u32 v38, $0x7;
	[tilespmem:v27+s21+$0x0] =	vst.idx.msk $0xffff, v29  }
0xbe: {  	v43 =	vor.u32 v0, v41;
	v42 =	vld.idx.msk [tilespmem:v40+s3+$0x0], $0xffff  }
0xbf: {  	v44 =	vor.u32 v39, v24;
	_ =	sdelay $0x3  }
0xc0: {  	[tilespmem:v43+s21+$0x0] =	vst.idx.msk $0xffff, v42  }
0xc1: {  	v45 =	vor.u32 v3, v41;
	v28 =	vld.idx.msk [tilespmem:v44+s3+$0x0], $0xffff  }
0xc2: {  	v46 =	vor.u32 v39, v25;
	_ =	sdelay $0x3  }
0xc3: {  	[tilespmem:v45+s21+$0x0] =	vst.idx.msk $0xffff, v28  }
0xc4: {  	v47 =	vor.u32 v5, v41;
	v28 =	vld.idx.msk [tilespmem:v46+s3+$0x0], $0xffff  }
0xc5: {  	v30 =	vor.u32 v39, v26;
	_ =	sdelay $0x3  }
0xc6: {  	v48 =	vor.u32 s26, v18;
	[tilespmem:v47+s21+$0x0] =	vst.idx.msk $0xffff, v28  }
0xc7: {  	v49 =	vand.u32 $0x7F, v48;
	v27 =	vor.u32 v7, v41;
	v29 =	vld.idx.msk [tilespmem:v30+s3+$0x0], $0xffff  }
0xc8: {  	v50 =	vor.u32 v49, v23;
	_ =	sdelay $0x3  }
0xc9: {  	v51 =	vshll.u32 v48, $0x7;
	[tilespmem:v27+s21+$0x0] =	vst.idx.msk $0xffff, v29  }
0xca: {  	v53 =	vor.u32 v0, v51;
	v52 =	vld.idx.msk [tilespmem:v50+s3+$0x0], $0xffff  }
0xcb: {  	v54 =	vor.u32 v49, v24;
	_ =	sdelay $0x3  }
0xcc: {  	[tilespmem:v53+s21+$0x0] =	vst.idx.msk $0xffff, v52  }
0xcd: {  	v55 =	vor.u32 v3, v51;
	v28 =	vld.idx.msk [tilespmem:v54+s3+$0x0], $0xffff  }
0xce: {  	v56 =	vor.u32 v49, v25;
	_ =	sdelay $0x3  }
0xcf: {  	[tilespmem:v55+s21+$0x0] =	vst.idx.msk $0xffff, v28  }
0xd0: {  	v57 =	vor.u32 v5, v51;
	v28 =	vld.idx.msk [tilespmem:v56+s3+$0x0], $0xffff  }
0xd1: {  	v30 =	vor.u32 v49, v26;
	_ =	sdelay $0x3  }
0xd2: {  	v58 =	vor.u32 s26, v19;
	[tilespmem:v57+s21+$0x0] =	vst.idx.msk $0xffff, v28  }
0xd3: {  	v59 =	vand.u32 $0x7F, v58;
	v27 =	vor.u32 v7, v51;
	v29 =	vld.idx.msk [tilespmem:v30+s3+$0x0], $0xffff  }
0xd4: {  	v60 =	vor.u32 v59, v23;
	_ =	sdelay $0x3  }
0xd5: {  	v61 =	vshll.u32 v58, $0x7;
	[tilespmem:v27+s21+$0x0] =	vst.idx.msk $0xffff, v29  }
0xd6: {  	v63 =	vor.u32 v0, v61;
	v62 =	vld.idx.msk [tilespmem:v60+s3+$0x0], $0xffff  }
0xd7: {  	v33 =	vor.u32 v59, v24;
	_ =	sdelay $0x3  }
0xd8: {  	[tilespmem:v63+s21+$0x0] =	vst.idx.msk $0xffff, v62  }
0xd9: {  	v34 =	vor.u32 v3, v61;
	v28 =	vld.idx.msk [tilespmem:v33+s3+$0x0], $0xffff  }
0xda: {  	v35 =	vor.u32 v59, v25;
	_ =	sdelay $0x3  }
0xdb: {  	[tilespmem:v34+s21+$0x0] =	vst.idx.msk $0xffff, v28  }
0xdc: {  	v36 =	vor.u32 v5, v61;
	v28 =	vld.idx.msk [tilespmem:v35+s3+$0x0], $0xffff  }
0xdd: {  	v30 =	vor.u32 v59, v26;
	_ =	sdelay $0x3  }
0xde: {  	v37 =	vor.u32 s26, v20;
	[tilespmem:v36+s21+$0x0] =	vst.idx.msk $0xffff, v28  }
0xdf: {  	v38 =	vand.u32 $0x7F, v37;
	v27 =	vor.u32 v7, v61;
	v29 =	vld.idx.msk [tilespmem:v30+s3+$0x0], $0xffff  }
0xe0: {  	v39 =	vor.u32 v38, v23;
	_ =	sdelay $0x3  }
0xe1: {  	v40 =	vshll.u32 v37, $0x7;
	[tilespmem:v27+s21+$0x0] =	vst.idx.msk $0xffff, v29  }
0xe2: {  	v42 =	vor.u32 v0, v40;
	v41 =	vld.idx.msk [tilespmem:v39+s3+$0x0], $0xffff  }
0xe3: {  	v43 =	vor.u32 v38, v24;
	_ =	sdelay $0x3  }
0xe4: {  	[tilespmem:v42+s21+$0x0] =	vst.idx.msk $0xffff, v41  }
0xe5: {  	v44 =	vor.u32 v3, v40;
	v28 =	vld.idx.msk [tilespmem:v43+s3+$0x0], $0xffff  }
0xe6: {  	v45 =	vor.u32 v38, v25;
	_ =	sdelay $0x3  }
0xe7: {  	[tilespmem:v44+s21+$0x0] =	vst.idx.msk $0xffff, v28  }
0xe8: {  	v46 =	vor.u32 v5, v40;
	v28 =	vld.idx.msk [tilespmem:v45+s3+$0x0], $0xffff  }
0xe9: {  	v30 =	vor.u32 v38, v26;
	_ =	sdelay $0x3  }
0xea: {  	v47 =	vor.u32 s26, v21;
	[tilespmem:v46+s21+$0x0] =	vst.idx.msk $0xffff, v28  }
0xeb: {  	v48 =	vand.u32 $0x7F, v47;
	v27 =	vor.u32 v7, v40;
	v29 =	vld.idx.msk [tilespmem:v30+s3+$0x0], $0xffff  }
0xec: {  	v49 =	vor.u32 v48, v23;
	_ =	sdelay $0x3  }
0xed: {  	v50 =	vshll.u32 v47, $0x7;
	[tilespmem:v27+s21+$0x0] =	vst.idx.msk $0xffff, v29  }
0xee: {  	v52 =	vor.u32 v0, v50;
	v51 =	vld.idx.msk [tilespmem:v49+s3+$0x0], $0xffff  }
0xef: {  	v53 =	vor.u32 v48, v24;
	_ =	sdelay $0x3  }
0xf0: {  	[tilespmem:v52+s21+$0x0] =	vst.idx.msk $0xffff, v51  }
0xf1: {  	v54 =	vor.u32 v3, v50;
	v28 =	vld.idx.msk [tilespmem:v53+s3+$0x0], $0xffff  }
0xf2: {  	v55 =	vor.u32 v48, v25;
	_ =	sdelay $0x3  }
0xf3: {  	[tilespmem:v54+s21+$0x0] =	vst.idx.msk $0xffff, v28  }
0xf4: {  	v56 =	vor.u32 v5, v50;
	v28 =	vld.idx.msk [tilespmem:v55+s3+$0x0], $0xffff  }
0xf5: {  	v30 =	vor.u32 v48, v26;
	_ =	sdelay $0x3  }
0xf6: {  	v57 =	vor.u32 s26, v22;
	[tilespmem:v56+s21+$0x0] =	vst.idx.msk $0xffff, v28  }
0xf7: {  	v58 =	vand.u32 $0x7F, v57;
	v27 =	vor.u32 v7, v50;
	v29 =	vld.idx.msk [tilespmem:v30+s3+$0x0], $0xffff  }
0xf8: {  	v23 =	vor.u32 v58, v23;
	_ =	sdelay $0x3  }
0xf9: {  	v59 =	vshll.u32 v57, $0x7;
	[tilespmem:v27+s21+$0x0] =	vst.idx.msk $0xffff, v29  }
0xfa: {  	v28 =	vor.u32 v0, v59;
	v23 =	vld.idx.msk [tilespmem:v23+s3+$0x0], $0xffff  }
0xfb: {  	v24 =	vor.u32 v58, v24;
	_ =	sdelay $0x3  }
0xfc: {  	[tilespmem:v28+s21+$0x0] =	vst.idx.msk $0xffff, v23  }
0xfd: {  	v60 =	vor.u32 v3, v59;
	v23 =	vld.idx.msk [tilespmem:v24+s3+$0x0], $0xffff  }
0xfe: {  	v25 =	vor.u32 v58, v25;
	_ =	sdelay $0x3  }
0xff: {  	[tilespmem:v60+s21+$0x0] =	vst.idx.msk $0xffff, v23  }
0x100: {  	v61 =	vor.u32 v5, v59;
	v23 =	vld.idx.msk [tilespmem:v25+s3+$0x0], $0xffff  }
0x101: {  	v62 =	vor.u32 v58, v26;
	_ =	sdelay $0x3  }
0x102: {  	[tilespmem:v61+s21+$0x0] =	vst.idx.msk $0xffff, v23  }
0x103: {  	v63 =	vor.u32 v7, v59;
	v23 =	vld.idx.msk [tilespmem:v62+s3+$0x0], $0xffff;
	_ =	sdelay $0x2  }
0x104: {  	s25 =	sshll.u32 s25, $0xC  }
0x105: {  	s25 =	sand.u32 $0x1FFFF000, s25  }
0x106: {  	s25 =	sadd.s32 s6, s25;
	[tilespmem:v63+s21+$0x0] =	vst.idx.msk $0xffff, v23  }
0x107: {  	[hbm4b:s25+s3] =	stream.linear.scatter [tilespmem:s21], [sflag:$0x3], $0x8000, $0x38;
	[tilespmem:$0x1A000] =	vst v63  }
0x108: {  	s25 =	sadd.s32 $0x2, s24  }
0x109: {  	p1 =	sge.u32 s25, s7  }
0x10a: {  	s25 =	sadd.s32 @!p1 s5, s25  }
0x10b: {  	s25 =	sshll.u32 @!p1 s25, $0x8  }
0x10c: {  	s26 =	simm.s32 @!p1 $0x800;
	s25 =	sand.u32 @!p1 $0x1FFFFF00, s25  }
0x10d: {  	s28 =	simm.s32 @!p1 $0x7A1400;
	s29 =	simm.s32 @!p1 $0x0;
	s25 =	sadd.s32 @!p1 s0, s25  }
0x10e: {  	[tilespmem:s29], [sflag:$0x1] =	stream.strided.gather @!p1 [hbm4b:s25+s26], $0x4000, s28, s26, $0x38;
	[tilespmem:$0x1A000] =	vst v63  }
.LBB2_9:
0x10f: {  	s24 =	sadd.s32 $0x1, s24  }
0x110: {  	p1 =	sne.s32 s24, s7  }
.Ltmp3:
0x111: {  	_ = 	snop;
	(pc) =	sbr.rel @!p1 .LBB2_10-.Ltmp3, $1  }
0x112: {  	_ =	sdelay $0x3  }
.LBB2_2:
0x113: {  	s25 =	sand.u32 $0x1, s24  }
0x114: {  	p2 =	seq.s32 s25, $0x1  }
.Ltmp4:
0x115: {  	_ = 	snop;
	(pc) =	sbr.rel @!p2 .LBB2_3-.Ltmp4, $4  }
0x116: {  	s26 =	simm.s32 $0x0  }
0x117: {  	v23 =	vmov s26  }
0x118: {  	v23 =	vshll.u32 v23, $0x3  }
0x119: {  	p1 =	slt.u32 s24, $0x2;
	s25 =	sadd.s32 s5, s24;
	v24 =	vor.u32 s26, v0;
	v26 =	vand.u32 $0x400, v23  }
0x11a: {  	_ =	swait.ge [sflag:s15], $0x4000;
	v27 =	vand.u32 $0x7F, v24;
	v23 =	vor.u32 v1, v26  }
0x11b: {  	[sflag:s15] =	ssyncset.done $0x0;
	v25 =	vor.u32 v27, v23  }
0x11c: {  	s28 =	simm.s32 @!p1 $0x4;
	[sflag:s15] =	ssyncadd.s32 $0xFFFFC000  }
0x11d: {  	_ =	swait.ge @!p1 [sflag:s28], $0x8000  }
0x11e: {  	[sflag:s28] =	ssyncset.done @!p1 $0x0  }
0x11f: {  	v28 =	vshll.u32 v24, $0x7;
	[sflag:s28] =	ssyncadd.s32 @!p1 $0xFFFF8000  }
0x120: {  	v24 =	vor.u32 v2, v26;
	v29 =	vor.u32 v0, v28;
	v25 =	vld.idx.msk [tilespmem:v25+s14+$0x0], $0xffff  }
0x121: {  	v30 =	vor.u32 v27, v24;
	_ =	sdelay $0x3  }
0x122: {  	[tilespmem:v29+s16+$0x0] =	vst.idx.msk $0xffff, v25  }
0x123: {  	v36 =	vor.u32 v3, v28;
	v25 =	vor.u32 v4, v26;
	v29 =	vld.idx.msk [tilespmem:v30+s14+$0x0], $0xffff  }
0x124: {  	v31 =	vor.u32 v27, v25;
	_ =	sdelay $0x3  }
0x125: {  	[tilespmem:v36+s16+$0x0] =	vst.idx.msk $0xffff, v29  }
0x126: {  	v37 =	vor.u32 v5, v28;
	v26 =	vor.u32 v6, v26;
	v29 =	vld.idx.msk [tilespmem:v31+s14+$0x0], $0xffff  }
0x127: {  	v27 =	vor.u32 v27, v26;
	_ =	sdelay $0x3  }
0x128: {  	[tilespmem:v37+s16+$0x0] =	vst.idx.msk $0xffff, v29;
	v29 =	vor.u32 s26, v8  }
0x129: {  	v28 =	vor.u32 v7, v28;
	v27 =	vld.idx.msk [tilespmem:v27+s14+$0x0], $0xffff;
	v38 =	vand.u32 $0x7F, v29  }
0x12a: {  	v39 =	vor.u32 v38, v23;
	_ =	sdelay $0x3  }
0x12b: {  	[tilespmem:v28+s16+$0x0] =	vst.idx.msk $0xffff, v27;
	v27 =	vshll.u32 v29, $0x7  }
0x12c: {  	v28 =	vld.idx.msk [tilespmem:v39+s14+$0x0], $0xffff;
	v29 =	vor.u32 v0, v27  }
0x12d: {  	v40 =	vor.u32 v38, v24;
	_ =	sdelay $0x3  }
0x12e: {  	[tilespmem:v29+s16+$0x0] =	vst.idx.msk $0xffff, v28  }
0x12f: {  	v29 =	vor.u32 v3, v27;
	v28 =	vld.idx.msk [tilespmem:v40+s14+$0x0], $0xffff  }
0x130: {  	v41 =	vor.u32 v38, v25;
	_ =	sdelay $0x3  }
0x131: {  	[tilespmem:v29+s16+$0x0] =	vst.idx.msk $0xffff, v28  }
0x132: {  	v29 =	vor.u32 v5, v27;
	v28 =	vld.idx.msk [tilespmem:v41+s14+$0x0], $0xffff  }
0x133: {  	v30 =	vor.u32 v38, v26;
	_ =	sdelay $0x3  }
0x134: {  	[tilespmem:v29+s16+$0x0] =	vst.idx.msk $0xffff, v28;
	v28 =	vor.u32 s26, v9  }
0x135: {  	v27 =	vor.u32 v7, v27;
	v29 =	vld.idx.msk [tilespmem:v30+s14+$0x0], $0xffff;
	v42 =	vand.u32 $0x7F, v28  }
0x136: {  	v43 =	vor.u32 v42, v23;
	_ =	sdelay $0x3  }
0x137: {  	[tilespmem:v27+s16+$0x0] =	vst.idx.msk $0xffff, v29;
	v27 =	vshll.u32 v28, $0x7  }
0x138: {  	v28 =	vld.idx.msk [tilespmem:v43+s14+$0x0], $0xffff;
	v29 =	vor.u32 v0, v27  }
0x139: {  	v44 =	vor.u32 v42, v24;
	_ =	sdelay $0x3  }
0x13a: {  	[tilespmem:v29+s16+$0x0] =	vst.idx.msk $0xffff, v28  }
0x13b: {  	v29 =	vor.u32 v3, v27;
	v28 =	vld.idx.msk [tilespmem:v44+s14+$0x0], $0xffff  }
0x13c: {  	v45 =	vor.u32 v42, v25;
	_ =	sdelay $0x3  }
0x13d: {  	[tilespmem:v29+s16+$0x0] =	vst.idx.msk $0xffff, v28  }
0x13e: {  	v29 =	vor.u32 v5, v27;
	v28 =	vld.idx.msk [tilespmem:v45+s14+$0x0], $0xffff  }
0x13f: {  	v30 =	vor.u32 v42, v26;
	_ =	sdelay $0x3  }
0x140: {  	[tilespmem:v29+s16+$0x0] =	vst.idx.msk $0xffff, v28;
	v28 =	vor.u32 s26, v10  }
0x141: {  	v27 =	vor.u32 v7, v27;
	v29 =	vld.idx.msk [tilespmem:v30+s14+$0x0], $0xffff;
	v46 =	vand.u32 $0x7F, v28  }
0x142: {  	v47 =	vor.u32 v46, v23;
	_ =	sdelay $0x3  }
0x143: {  	[tilespmem:v27+s16+$0x0] =	vst.idx.msk $0xffff, v29;
	v27 =	vshll.u32 v28, $0x7  }
0x144: {  	v28 =	vld.idx.msk [tilespmem:v47+s14+$0x0], $0xffff;
	v29 =	vor.u32 v0, v27  }
0x145: {  	v48 =	vor.u32 v46, v24;
	_ =	sdelay $0x3  }
0x146: {  	[tilespmem:v29+s16+$0x0] =	vst.idx.msk $0xffff, v28  }
0x147: {  	v29 =	vor.u32 v3, v27;
	v28 =	vld.idx.msk [tilespmem:v48+s14+$0x0], $0xffff  }
0x148: {  	v49 =	vor.u32 v46, v25;
	_ =	sdelay $0x3  }
0x149: {  	[tilespmem:v29+s16+$0x0] =	vst.idx.msk $0xffff, v28  }
0x14a: {  	v29 =	vor.u32 v5, v27;
	v28 =	vld.idx.msk [tilespmem:v49+s14+$0x0], $0xffff  }
0x14b: {  	v30 =	vor.u32 v46, v26;
	_ =	sdelay $0x3  }
0x14c: {  	[tilespmem:v29+s16+$0x0] =	vst.idx.msk $0xffff, v28;
	v28 =	vor.u32 s26, v11  }
0x14d: {  	v27 =	vor.u32 v7, v27;
	v29 =	vld.idx.msk [tilespmem:v30+s14+$0x0], $0xffff;
	v50 =	vand.u32 $0x7F, v28  }
0x14e: {  	v51 =	vor.u32 v50, v23;
	_ =	sdelay $0x3  }
0x14f: {  	[tilespmem:v27+s16+$0x0] =	vst.idx.msk $0xffff, v29;
	v27 =	vshll.u32 v28, $0x7  }
0x150: {  	v28 =	vld.idx.msk [tilespmem:v51+s14+$0x0], $0xffff;
	v29 =	vor.u32 v0, v27  }
0x151: {  	v52 =	vor.u32 v50, v24;
	_ =	sdelay $0x3  }
0x152: {  	[tilespmem:v29+s16+$0x0] =	vst.idx.msk $0xffff, v28  }
0x153: {  	v29 =	vor.u32 v3, v27;
	v28 =	vld.idx.msk [tilespmem:v52+s14+$0x0], $0xffff  }
0x154: {  	v53 =	vor.u32 v50, v25;
	_ =	sdelay $0x3  }
0x155: {  	[tilespmem:v29+s16+$0x0] =	vst.idx.msk $0xffff, v28  }
0x156: {  	v29 =	vor.u32 v5, v27;
	v28 =	vld.idx.msk [tilespmem:v53+s14+$0x0], $0xffff  }
0x157: {  	v30 =	vor.u32 v50, v26;
	_ =	sdelay $0x3  }
0x158: {  	[tilespmem:v29+s16+$0x0] =	vst.idx.msk $0xffff, v28;
	v28 =	vor.u32 s26, v12  }
0x159: {  	v27 =	vor.u32 v7, v27;
	v29 =	vld.idx.msk [tilespmem:v30+s14+$0x0], $0xffff;
	v54 =	vand.u32 $0x7F, v28  }
0x15a: {  	v55 =	vor.u32 v54, v23;
	_ =	sdelay $0x3  }
0x15b: {  	[tilespmem:v27+s16+$0x0] =	vst.idx.msk $0xffff, v29;
	v27 =	vshll.u32 v28, $0x7  }
0x15c: {  	v28 =	vld.idx.msk [tilespmem:v55+s14+$0x0], $0xffff;
	v29 =	vor.u32 v0, v27  }
0x15d: {  	v56 =	vor.u32 v54, v24;
	_ =	sdelay $0x3  }
0x15e: {  	[tilespmem:v29+s16+$0x0] =	vst.idx.msk $0xffff, v28  }
0x15f: {  	v29 =	vor.u32 v3, v27;
	v28 =	vld.idx.msk [tilespmem:v56+s14+$0x0], $0xffff  }
0x160: {  	v57 =	vor.u32 v54, v25;
	_ =	sdelay $0x3  }
0x161: {  	[tilespmem:v29+s16+$0x0] =	vst.idx.msk $0xffff, v28  }
0x162: {  	v29 =	vor.u32 v5, v27;
	v28 =	vld.idx.msk [tilespmem:v57+s14+$0x0], $0xffff  }
0x163: {  	v30 =	vor.u32 v54, v26;
	_ =	sdelay $0x3  }
0x164: {  	[tilespmem:v29+s16+$0x0] =	vst.idx.msk $0xffff, v28;
	v28 =	vor.u32 s26, v14  }
0x165: {  	v27 =	vor.u32 v7, v27;
	v29 =	vld.idx.msk [tilespmem:v30+s14+$0x0], $0xffff;
	v58 =	vand.u32 $0x7F, v28  }
0x166: {  	v59 =	vor.u32 v58, v23;
	_ =	sdelay $0x3  }
0x167: {  	[tilespmem:v27+s16+$0x0] =	vst.idx.msk $0xffff, v29;
	v27 =	vshll.u32 v28, $0x7  }
0x168: {  	v28 =	vld.idx.msk [tilespmem:v59+s14+$0x0], $0xffff;
	v29 =	vor.u32 v0, v27  }
0x169: {  	v60 =	vor.u32 v58, v24;
	_ =	sdelay $0x3  }
0x16a: {  	[tilespmem:v29+s16+$0x0] =	vst.idx.msk $0xffff, v28  }
0x16b: {  	v29 =	vor.u32 v3, v27;
	v28 =	vld.idx.msk [tilespmem:v60+s14+$0x0], $0xffff  }
0x16c: {  	v61 =	vor.u32 v58, v25;
	_ =	sdelay $0x3  }
0x16d: {  	[tilespmem:v29+s16+$0x0] =	vst.idx.msk $0xffff, v28  }
0x16e: {  	v29 =	vor.u32 v5, v27;
	v28 =	vld.idx.msk [tilespmem:v61+s14+$0x0], $0xffff  }
0x16f: {  	v30 =	vor.u32 v58, v26;
	_ =	sdelay $0x3  }
0x170: {  	[tilespmem:v29+s16+$0x0] =	vst.idx.msk $0xffff, v28;
	v28 =	vor.u32 s26, v15  }
0x171: {  	v27 =	vor.u32 v7, v27;
	v29 =	vld.idx.msk [tilespmem:v30+s14+$0x0], $0xffff;
	v62 =	vand.u32 $0x7F, v28  }
0x172: {  	v63 =	vor.u32 v62, v23;
	_ =	sdelay $0x3  }
0x173: {  	[tilespmem:v27+s16+$0x0] =	vst.idx.msk $0xffff, v29;
	v27 =	vshll.u32 v28, $0x7  }
0x174: {  	v28 =	vld.idx.msk [tilespmem:v63+s14+$0x0], $0xffff;
	v29 =	vor.u32 v0, v27  }
0x175: {  	v33 =	vor.u32 v62, v24;
	_ =	sdelay $0x3  }
0x176: {  	[tilespmem:v29+s16+$0x0] =	vst.idx.msk $0xffff, v28  }
0x177: {  	v29 =	vor.u32 v3, v27;
	v28 =	vld.idx.msk [tilespmem:v33+s14+$0x0], $0xffff  }
0x178: {  	v34 =	vor.u32 v62, v25;
	_ =	sdelay $0x3  }
0x179: {  	[tilespmem:v29+s16+$0x0] =	vst.idx.msk $0xffff, v28  }
0x17a: {  	v29 =	vor.u32 v5, v27;
	v28 =	vld.idx.msk [tilespmem:v34+s14+$0x0], $0xffff  }
0x17b: {  	v30 =	vor.u32 v62, v26;
	_ =	sdelay $0x3  }
0x17c: {  	[tilespmem:v29+s16+$0x0] =	vst.idx.msk $0xffff, v28;
	v28 =	vor.u32 s26, v13  }
0x17d: {  	v27 =	vor.u32 v7, v27;
	v29 =	vld.idx.msk [tilespmem:v30+s14+$0x0], $0xffff;
	v35 =	vand.u32 $0x7F, v28  }
0x17e: {  	v36 =	vor.u32 v35, v23;
	_ =	sdelay $0x3  }
0x17f: {  	[tilespmem:v27+s16+$0x0] =	vst.idx.msk $0xffff, v29;
	v27 =	vshll.u32 v28, $0x7  }
0x180: {  	v28 =	vld.idx.msk [tilespmem:v36+s14+$0x0], $0xffff;
	v29 =	vor.u32 v0, v27  }
0x181: {  	v37 =	vor.u32 v35, v24;
	_ =	sdelay $0x3  }
0x182: {  	[tilespmem:v29+s16+$0x0] =	vst.idx.msk $0xffff, v28  }
0x183: {  	v29 =	vor.u32 v3, v27;
	v28 =	vld.idx.msk [tilespmem:v37+s14+$0x0], $0xffff  }
0x184: {  	v38 =	vor.u32 v35, v25;
	_ =	sdelay $0x3  }
0x185: {  	[tilespmem:v29+s16+$0x0] =	vst.idx.msk $0xffff, v28  }
0x186: {  	v29 =	vor.u32 v5, v27;
	v28 =	vld.idx.msk [tilespmem:v38+s14+$0x0], $0xffff  }
0x187: {  	v30 =	vor.u32 v35, v26;
	_ =	sdelay $0x3  }
0x188: {  	[tilespmem:v29+s16+$0x0] =	vst.idx.msk $0xffff, v28;
	v28 =	vor.u32 s26, v16  }
0x189: {  	v27 =	vor.u32 v7, v27;
	v29 =	vld.idx.msk [tilespmem:v30+s14+$0x0], $0xffff;
	v39 =	vand.u32 $0x7F, v28  }
0x18a: {  	v40 =	vor.u32 v39, v23;
	_ =	sdelay $0x3  }
0x18b: {  	[tilespmem:v27+s16+$0x0] =	vst.idx.msk $0xffff, v29;
	v27 =	vshll.u32 v28, $0x7  }
0x18c: {  	v28 =	vld.idx.msk [tilespmem:v40+s14+$0x0], $0xffff;
	v29 =	vor.u32 v0, v27  }
0x18d: {  	v41 =	vor.u32 v39, v24;
	_ =	sdelay $0x3  }
0x18e: {  	[tilespmem:v29+s16+$0x0] =	vst.idx.msk $0xffff, v28  }
0x18f: {  	v29 =	vor.u32 v3, v27;
	v28 =	vld.idx.msk [tilespmem:v41+s14+$0x0], $0xffff  }
0x190: {  	v42 =	vor.u32 v39, v25;
	_ =	sdelay $0x3  }
0x191: {  	[tilespmem:v29+s16+$0x0] =	vst.idx.msk $0xffff, v28  }
0x192: {  	v29 =	vor.u32 v5, v27;
	v28 =	vld.idx.msk [tilespmem:v42+s14+$0x0], $0xffff  }
0x193: {  	v30 =	vor.u32 v39, v26;
	_ =	sdelay $0x3  }
0x194: {  	[tilespmem:v29+s16+$0x0] =	vst.idx.msk $0xffff, v28;
	v28 =	vor.u32 s26, v17  }
0x195: {  	v27 =	vor.u32 v7, v27;
	v29 =	vld.idx.msk [tilespmem:v30+s14+$0x0], $0xffff;
	v43 =	vand.u32 $0x7F, v28  }
0x196: {  	v44 =	vor.u32 v43, v23;
	_ =	sdelay $0x3  }
0x197: {  	[tilespmem:v27+s16+$0x0] =	vst.idx.msk $0xffff, v29;
	v27 =	vshll.u32 v28, $0x7  }
0x198: {  	v28 =	vld.idx.msk [tilespmem:v44+s14+$0x0], $0xffff;
	v29 =	vor.u32 v0, v27  }
0x199: {  	v45 =	vor.u32 v43, v24;
	_ =	sdelay $0x3  }
0x19a: {  	[tilespmem:v29+s16+$0x0] =	vst.idx.msk $0xffff, v28  }
0x19b: {  	v29 =	vor.u32 v3, v27;
	v28 =	vld.idx.msk [tilespmem:v45+s14+$0x0], $0xffff  }
0x19c: {  	v46 =	vor.u32 v43, v25;
	_ =	sdelay $0x3  }
0x19d: {  	[tilespmem:v29+s16+$0x0] =	vst.idx.msk $0xffff, v28  }
0x19e: {  	v29 =	vor.u32 v5, v27;
	v28 =	vld.idx.msk [tilespmem:v46+s14+$0x0], $0xffff  }
0x19f: {  	v30 =	vor.u32 v43, v26;
	_ =	sdelay $0x3  }
0x1a0: {  	[tilespmem:v29+s16+$0x0] =	vst.idx.msk $0xffff, v28;
	v28 =	vor.u32 s26, v18  }
0x1a1: {  	v27 =	vor.u32 v7, v27;
	v29 =	vld.idx.msk [tilespmem:v30+s14+$0x0], $0xffff;
	v47 =	vand.u32 $0x7F, v28  }
0x1a2: {  	v48 =	vor.u32 v47, v23;
	_ =	sdelay $0x3  }
0x1a3: {  	[tilespmem:v27+s16+$0x0] =	vst.idx.msk $0xffff, v29;
	v27 =	vshll.u32 v28, $0x7  }
0x1a4: {  	v28 =	vld.idx.msk [tilespmem:v48+s14+$0x0], $0xffff;
	v29 =	vor.u32 v0, v27  }
0x1a5: {  	v49 =	vor.u32 v47, v24;
	_ =	sdelay $0x3  }
0x1a6: {  	[tilespmem:v29+s16+$0x0] =	vst.idx.msk $0xffff, v28  }
0x1a7: {  	v29 =	vor.u32 v3, v27;
	v28 =	vld.idx.msk [tilespmem:v49+s14+$0x0], $0xffff  }
0x1a8: {  	v50 =	vor.u32 v47, v25;
	_ =	sdelay $0x3  }
0x1a9: {  	[tilespmem:v29+s16+$0x0] =	vst.idx.msk $0xffff, v28  }
0x1aa: {  	v29 =	vor.u32 v5, v27;
	v28 =	vld.idx.msk [tilespmem:v50+s14+$0x0], $0xffff  }
0x1ab: {  	v30 =	vor.u32 v47, v26;
	_ =	sdelay $0x3  }
0x1ac: {  	[tilespmem:v29+s16+$0x0] =	vst.idx.msk $0xffff, v28;
	v28 =	vor.u32 s26, v19  }
0x1ad: {  	v27 =	vor.u32 v7, v27;
	v29 =	vld.idx.msk [tilespmem:v30+s14+$0x0], $0xffff;
	v51 =	vand.u32 $0x7F, v28  }
0x1ae: {  	v52 =	vor.u32 v51, v23;
	_ =	sdelay $0x3  }
0x1af: {  	[tilespmem:v27+s16+$0x0] =	vst.idx.msk $0xffff, v29;
	v27 =	vshll.u32 v28, $0x7  }
0x1b0: {  	v28 =	vld.idx.msk [tilespmem:v52+s14+$0x0], $0xffff;
	v29 =	vor.u32 v0, v27  }
0x1b1: {  	v53 =	vor.u32 v51, v24;
	_ =	sdelay $0x3  }
0x1b2: {  	[tilespmem:v29+s16+$0x0] =	vst.idx.msk $0xffff, v28  }
0x1b3: {  	v29 =	vor.u32 v3, v27;
	v28 =	vld.idx.msk [tilespmem:v53+s14+$0x0], $0xffff  }
0x1b4: {  	v54 =	vor.u32 v51, v25;
	_ =	sdelay $0x3  }
0x1b5: {  	[tilespmem:v29+s16+$0x0] =	vst.idx.msk $0xffff, v28  }
0x1b6: {  	v29 =	vor.u32 v5, v27;
	v28 =	vld.idx.msk [tilespmem:v54+s14+$0x0], $0xffff  }
0x1b7: {  	v30 =	vor.u32 v51, v26;
	_ =	sdelay $0x3  }
0x1b8: {  	[tilespmem:v29+s16+$0x0] =	vst.idx.msk $0xffff, v28;
	v28 =	vor.u32 s26, v20  }
0x1b9: {  	v27 =	vor.u32 v7, v27;
	v29 =	vld.idx.msk [tilespmem:v30+s14+$0x0], $0xffff;
	v55 =	vand.u32 $0x7F, v28  }
0x1ba: {  	v56 =	vor.u32 v55, v23;
	_ =	sdelay $0x3  }
0x1bb: {  	[tilespmem:v27+s16+$0x0] =	vst.idx.msk $0xffff, v29;
	v27 =	vshll.u32 v28, $0x7  }
0x1bc: {  	v28 =	vld.idx.msk [tilespmem:v56+s14+$0x0], $0xffff;
	v29 =	vor.u32 v0, v27  }
0x1bd: {  	v57 =	vor.u32 v55, v24;
	_ =	sdelay $0x3  }
0x1be: {  	[tilespmem:v29+s16+$0x0] =	vst.idx.msk $0xffff, v28  }
0x1bf: {  	v29 =	vor.u32 v3, v27;
	v28 =	vld.idx.msk [tilespmem:v57+s14+$0x0], $0xffff  }
0x1c0: {  	v58 =	vor.u32 v55, v25;
	_ =	sdelay $0x3  }
0x1c1: {  	[tilespmem:v29+s16+$0x0] =	vst.idx.msk $0xffff, v28  }
0x1c2: {  	v29 =	vor.u32 v5, v27;
	v28 =	vld.idx.msk [tilespmem:v58+s14+$0x0], $0xffff  }
0x1c3: {  	v30 =	vor.u32 v55, v26;
	_ =	sdelay $0x3  }
0x1c4: {  	[tilespmem:v29+s16+$0x0] =	vst.idx.msk $0xffff, v28;
	v28 =	vor.u32 s26, v21  }
0x1c5: {  	v27 =	vor.u32 v7, v27;
	v29 =	vld.idx.msk [tilespmem:v30+s14+$0x0], $0xffff;
	v59 =	vand.u32 $0x7F, v28  }
0x1c6: {  	v60 =	vor.u32 v59, v23;
	_ =	sdelay $0x3  }
0x1c7: {  	[tilespmem:v27+s16+$0x0] =	vst.idx.msk $0xffff, v29;
	v27 =	vshll.u32 v28, $0x7  }
0x1c8: {  	v28 =	vld.idx.msk [tilespmem:v60+s14+$0x0], $0xffff;
	v29 =	vor.u32 v0, v27  }
0x1c9: {  	v61 =	vor.u32 v59, v24;
	_ =	sdelay $0x3  }
0x1ca: {  	[tilespmem:v29+s16+$0x0] =	vst.idx.msk $0xffff, v28  }
0x1cb: {  	v29 =	vor.u32 v3, v27;
	v28 =	vld.idx.msk [tilespmem:v61+s14+$0x0], $0xffff  }
0x1cc: {  	v62 =	vor.u32 v59, v25;
	_ =	sdelay $0x3  }
0x1cd: {  	[tilespmem:v29+s16+$0x0] =	vst.idx.msk $0xffff, v28  }
0x1ce: {  	v29 =	vor.u32 v5, v27;
	v28 =	vld.idx.msk [tilespmem:v62+s14+$0x0], $0xffff  }
0x1cf: {  	v30 =	vor.u32 v59, v26;
	_ =	sdelay $0x3  }
0x1d0: {  	[tilespmem:v29+s16+$0x0] =	vst.idx.msk $0xffff, v28;
	v28 =	vor.u32 s26, v22  }
0x1d1: {  	v27 =	vor.u32 v7, v27;
	v29 =	vld.idx.msk [tilespmem:v30+s14+$0x0], $0xffff;
	v63 =	vand.u32 $0x7F, v28  }
0x1d2: {  	v23 =	vor.u32 v63, v23;
	_ =	sdelay $0x3  }
0x1d3: {  	[tilespmem:v27+s16+$0x0] =	vst.idx.msk $0xffff, v29;
	v27 =	vshll.u32 v28, $0x7  }
0x1d4: {  	v23 =	vld.idx.msk [tilespmem:v23+s14+$0x0], $0xffff;
	v28 =	vor.u32 v0, v27  }
0x1d5: {  	v24 =	vor.u32 v63, v24;
	_ =	sdelay $0x3  }
0x1d6: {  	[tilespmem:v28+s16+$0x0] =	vst.idx.msk $0xffff, v23  }
0x1d7: {  	v23 =	vld.idx.msk [tilespmem:v24+s14+$0x0], $0xffff;
	v24 =	vor.u32 v3, v27  }
0x1d8: {  	v25 =	vor.u32 v63, v25;
	_ =	sdelay $0x3  }
0x1d9: {  	[tilespmem:v24+s16+$0x0] =	vst.idx.msk $0xffff, v23  }
0x1da: {  	v24 =	vld.idx.msk [tilespmem:v25+s14+$0x0], $0xffff;
	v25 =	vor.u32 v5, v27  }
0x1db: {  	v23 =	vor.u32 v63, v26;
	_ =	sdelay $0x1  }
0x1dc: {  	s26 =	simm.s32 $0x10  }
0x1dd: {  	s28 =	simm.s32 $0x20;
	v26 =	vmov s26  }
.LBB2_7:
0x1de: {  	p1 =	sne.s32 s28, $0xF0;
	v26 =	vshll.u32 v26, $0x3;
	[tilespmem:v25+s16+$0x0] =	vst.idx.msk $0xffff, v24  }
0x1df: {  	v24 =	vor.u32 s26, v0;
	v26 =	vand.u32 $0x400, v26;
	v25 =	vld.idx.msk [tilespmem:v23+s14+$0x0], $0xffff  }
0x1e0: {  	v27 =	vor.u32 v7, v27;
	v28 =	vand.u32 $0x7F, v24;
	v23 =	vor.u32 v1, v26  }
0x1e1: {  	v29 =	vor.u32 v28, v23;
	_ =	sdelay $0x3  }
0x1e2: {  	[tilespmem:v27+s16+$0x0] =	vst.idx.msk $0xffff, v25  }
0x1e3: {  	v27 =	vshll.u32 v24, $0x7;
	v25 =	vld.idx.msk [tilespmem:v29+s14+$0x0], $0xffff  }
0x1e4: {  	v24 =	vor.u32 v2, v26;
	v29 =	vor.u32 v0, v27  }
0x1e5: {  	v30 =	vor.u32 v28, v24;
	_ =	sdelay $0x3  }
0x1e6: {  	[tilespmem:v29+s16+$0x0] =	vst.idx.msk $0xffff, v25  }
0x1e7: {  	v29 =	vld.idx.msk [tilespmem:v30+s14+$0x0], $0xffff  }
0x1e8: {  	v25 =	vor.u32 v4, v26;
	v30 =	vor.u32 v3, v27  }
0x1e9: {  	v31 =	vor.u32 v28, v25;
	_ =	sdelay $0x3  }
0x1ea: {  	[tilespmem:v30+s16+$0x0] =	vst.idx.msk $0xffff, v29  }
0x1eb: {  	v29 =	vld.idx.msk [tilespmem:v31+s14+$0x0], $0xffff  }
0x1ec: {  	v26 =	vor.u32 v6, v26;
	v30 =	vor.u32 v5, v27  }
0x1ed: {  	v28 =	vor.u32 v28, v26;
	_ =	sdelay $0x3  }
0x1ee: {  	[tilespmem:v30+s16+$0x0] =	vst.idx.msk $0xffff, v29  }
0x1ef: {  	v29 =	vor.u32 s26, v8;
	v28 =	vld.idx.msk [tilespmem:v28+s14+$0x0], $0xffff  }
0x1f0: {  	v27 =	vor.u32 v7, v27;
	v30 =	vand.u32 $0x7F, v29  }
0x1f1: {  	v31 =	vor.u32 v30, v23;
	_ =	sdelay $0x3  }
0x1f2: {  	[tilespmem:v27+s16+$0x0] =	vst.idx.msk $0xffff, v28  }
0x1f3: {  	v28 =	vshll.u32 v29, $0x7;
	v27 =	vld.idx.msk [tilespmem:v31+s14+$0x0], $0xffff  }
0x1f4: {  	v29 =	vor.u32 v0, v28  }
0x1f5: {  	v31 =	vor.u32 v30, v24;
	_ =	sdelay $0x3  }
0x1f6: {  	[tilespmem:v29+s16+$0x0] =	vst.idx.msk $0xffff, v27  }
0x1f7: {  	v27 =	vld.idx.msk [tilespmem:v31+s14+$0x0], $0xffff  }
0x1f8: {  	v29 =	vor.u32 v3, v28  }
0x1f9: {  	v31 =	vor.u32 v30, v25;
	_ =	sdelay $0x3  }
0x1fa: {  	[tilespmem:v29+s16+$0x0] =	vst.idx.msk $0xffff, v27  }
0x1fb: {  	v27 =	vld.idx.msk [tilespmem:v31+s14+$0x0], $0xffff  }
0x1fc: {  	v29 =	vor.u32 v5, v28  }
0x1fd: {  	v30 =	vor.u32 v30, v26;
	_ =	sdelay $0x3  }
0x1fe: {  	[tilespmem:v29+s16+$0x0] =	vst.idx.msk $0xffff, v27  }
0x1ff: {  	v29 =	vor.u32 s26, v9;
	v27 =	vld.idx.msk [tilespmem:v30+s14+$0x0], $0xffff  }
0x200: {  	v28 =	vor.u32 v7, v28;
	v30 =	vand.u32 $0x7F, v29  }
0x201: {  	v31 =	vor.u32 v30, v23;
	_ =	sdelay $0x3  }
0x202: {  	[tilespmem:v28+s16+$0x0] =	vst.idx.msk $0xffff, v27  }
0x203: {  	v28 =	vshll.u32 v29, $0x7;
	v27 =	vld.idx.msk [tilespmem:v31+s14+$0x0], $0xffff  }
0x204: {  	v29 =	vor.u32 v0, v28  }
0x205: {  	v31 =	vor.u32 v30, v24;
	_ =	sdelay $0x3  }
0x206: {  	[tilespmem:v29+s16+$0x0] =	vst.idx.msk $0xffff, v27  }
0x207: {  	v27 =	vld.idx.msk [tilespmem:v31+s14+$0x0], $0xffff  }
0x208: {  	v29 =	vor.u32 v3, v28  }
0x209: {  	v31 =	vor.u32 v30, v25;
	_ =	sdelay $0x3  }
0x20a: {  	[tilespmem:v29+s16+$0x0] =	vst.idx.msk $0xffff, v27  }
0x20b: {  	v27 =	vld.idx.msk [tilespmem:v31+s14+$0x0], $0xffff  }
0x20c: {  	v29 =	vor.u32 v5, v28  }
0x20d: {  	v30 =	vor.u32 v30, v26;
	_ =	sdelay $0x3  }
0x20e: {  	[tilespmem:v29+s16+$0x0] =	vst.idx.msk $0xffff, v27  }
0x20f: {  	v29 =	vor.u32 s26, v10;
	v27 =	vld.idx.msk [tilespmem:v30+s14+$0x0], $0xffff  }
0x210: {  	v28 =	vor.u32 v7, v28;
	v30 =	vand.u32 $0x7F, v29  }
0x211: {  	v31 =	vor.u32 v30, v23;
	_ =	sdelay $0x3  }
0x212: {  	[tilespmem:v28+s16+$0x0] =	vst.idx.msk $0xffff, v27  }
0x213: {  	v28 =	vshll.u32 v29, $0x7;
	v27 =	vld.idx.msk [tilespmem:v31+s14+$0x0], $0xffff  }
0x214: {  	v29 =	vor.u32 v0, v28  }
0x215: {  	v31 =	vor.u32 v30, v24;
	_ =	sdelay $0x3  }
0x216: {  	[tilespmem:v29+s16+$0x0] =	vst.idx.msk $0xffff, v27  }
0x217: {  	v27 =	vld.idx.msk [tilespmem:v31+s14+$0x0], $0xffff  }
0x218: {  	v29 =	vor.u32 v3, v28  }
0x219: {  	v31 =	vor.u32 v30, v25;
	_ =	sdelay $0x3  }
0x21a: {  	[tilespmem:v29+s16+$0x0] =	vst.idx.msk $0xffff, v27  }
0x21b: {  	v27 =	vld.idx.msk [tilespmem:v31+s14+$0x0], $0xffff  }
0x21c: {  	v29 =	vor.u32 v5, v28  }
0x21d: {  	v30 =	vor.u32 v30, v26;
	_ =	sdelay $0x3  }
0x21e: {  	[tilespmem:v29+s16+$0x0] =	vst.idx.msk $0xffff, v27  }
0x21f: {  	v29 =	vor.u32 s26, v11;
	v27 =	vld.idx.msk [tilespmem:v30+s14+$0x0], $0xffff  }
0x220: {  	v28 =	vor.u32 v7, v28;
	v30 =	vand.u32 $0x7F, v29  }
0x221: {  	v31 =	vor.u32 v30, v23;
	_ =	sdelay $0x3  }
0x222: {  	[tilespmem:v28+s16+$0x0] =	vst.idx.msk $0xffff, v27  }
0x223: {  	v28 =	vshll.u32 v29, $0x7;
	v27 =	vld.idx.msk [tilespmem:v31+s14+$0x0], $0xffff  }
0x224: {  	v29 =	vor.u32 v0, v28  }
0x225: {  	v31 =	vor.u32 v30, v24;
	_ =	sdelay $0x3  }
0x226: {  	[tilespmem:v29+s16+$0x0] =	vst.idx.msk $0xffff, v27  }
0x227: {  	v27 =	vld.idx.msk [tilespmem:v31+s14+$0x0], $0xffff  }
0x228: {  	v29 =	vor.u32 v3, v28  }
0x229: {  	v31 =	vor.u32 v30, v25;
	_ =	sdelay $0x3  }
0x22a: {  	[tilespmem:v29+s16+$0x0] =	vst.idx.msk $0xffff, v27  }
0x22b: {  	v27 =	vld.idx.msk [tilespmem:v31+s14+$0x0], $0xffff  }
0x22c: {  	v29 =	vor.u32 v5, v28  }
0x22d: {  	v30 =	vor.u32 v30, v26;
	_ =	sdelay $0x3  }
0x22e: {  	[tilespmem:v29+s16+$0x0] =	vst.idx.msk $0xffff, v27  }
0x22f: {  	v29 =	vor.u32 s26, v12;
	v27 =	vld.idx.msk [tilespmem:v30+s14+$0x0], $0xffff  }
0x230: {  	v28 =	vor.u32 v7, v28;
	v30 =	vand.u32 $0x7F, v29  }
0x231: {  	v31 =	vor.u32 v30, v23;
	_ =	sdelay $0x3  }
0x232: {  	[tilespmem:v28+s16+$0x0] =	vst.idx.msk $0xffff, v27  }
0x233: {  	v28 =	vshll.u32 v29, $0x7;
	v27 =	vld.idx.msk [tilespmem:v31+s14+$0x0], $0xffff  }
0x234: {  	v29 =	vor.u32 v0, v28  }
0x235: {  	v31 =	vor.u32 v30, v24;
	_ =	sdelay $0x3  }
0x236: {  	[tilespmem:v29+s16+$0x0] =	vst.idx.msk $0xffff, v27  }
0x237: {  	v27 =	vld.idx.msk [tilespmem:v31+s14+$0x0], $0xffff  }
0x238: {  	v29 =	vor.u32 v3, v28  }
0x239: {  	v31 =	vor.u32 v30, v25;
	_ =	sdelay $0x3  }
0x23a: {  	[tilespmem:v29+s16+$0x0] =	vst.idx.msk $0xffff, v27  }
0x23b: {  	v27 =	vld.idx.msk [tilespmem:v31+s14+$0x0], $0xffff  }
0x23c: {  	v29 =	vor.u32 v5, v28  }
0x23d: {  	v30 =	vor.u32 v30, v26;
	_ =	sdelay $0x3  }
0x23e: {  	[tilespmem:v29+s16+$0x0] =	vst.idx.msk $0xffff, v27  }
0x23f: {  	v29 =	vor.u32 s26, v14;
	v27 =	vld.idx.msk [tilespmem:v30+s14+$0x0], $0xffff  }
0x240: {  	v28 =	vor.u32 v7, v28;
	v30 =	vand.u32 $0x7F, v29  }
0x241: {  	v31 =	vor.u32 v30, v23;
	_ =	sdelay $0x3  }
0x242: {  	[tilespmem:v28+s16+$0x0] =	vst.idx.msk $0xffff, v27  }
0x243: {  	v28 =	vshll.u32 v29, $0x7;
	v27 =	vld.idx.msk [tilespmem:v31+s14+$0x0], $0xffff  }
0x244: {  	v29 =	vor.u32 v0, v28  }
0x245: {  	v31 =	vor.u32 v30, v24;
	_ =	sdelay $0x3  }
0x246: {  	[tilespmem:v29+s16+$0x0] =	vst.idx.msk $0xffff, v27  }
0x247: {  	v27 =	vld.idx.msk [tilespmem:v31+s14+$0x0], $0xffff  }
0x248: {  	v29 =	vor.u32 v3, v28  }
0x249: {  	v31 =	vor.u32 v30, v25;
	_ =	sdelay $0x3  }
0x24a: {  	[tilespmem:v29+s16+$0x0] =	vst.idx.msk $0xffff, v27  }
0x24b: {  	v27 =	vld.idx.msk [tilespmem:v31+s14+$0x0], $0xffff  }
0x24c: {  	v29 =	vor.u32 v5, v28  }
0x24d: {  	v30 =	vor.u32 v30, v26;
	_ =	sdelay $0x3  }
0x24e: {  	[tilespmem:v29+s16+$0x0] =	vst.idx.msk $0xffff, v27  }
0x24f: {  	v29 =	vor.u32 s26, v15;
	v27 =	vld.idx.msk [tilespmem:v30+s14+$0x0], $0xffff  }
0x250: {  	v28 =	vor.u32 v7, v28;
	v30 =	vand.u32 $0x7F, v29  }
0x251: {  	v31 =	vor.u32 v30, v23;
	_ =	sdelay $0x3  }
0x252: {  	[tilespmem:v28+s16+$0x0] =	vst.idx.msk $0xffff, v27  }
0x253: {  	v28 =	vshll.u32 v29, $0x7;
	v27 =	vld.idx.msk [tilespmem:v31+s14+$0x0], $0xffff  }
0x254: {  	v29 =	vor.u32 v0, v28  }
0x255: {  	v31 =	vor.u32 v30, v24;
	_ =	sdelay $0x3  }
0x256: {  	[tilespmem:v29+s16+$0x0] =	vst.idx.msk $0xffff, v27  }
0x257: {  	v27 =	vld.idx.msk [tilespmem:v31+s14+$0x0], $0xffff  }
0x258: {  	v29 =	vor.u32 v3, v28  }
0x259: {  	v31 =	vor.u32 v30, v25;
	_ =	sdelay $0x3  }
0x25a: {  	[tilespmem:v29+s16+$0x0] =	vst.idx.msk $0xffff, v27  }
0x25b: {  	v27 =	vld.idx.msk [tilespmem:v31+s14+$0x0], $0xffff  }
0x25c: {  	v29 =	vor.u32 v5, v28  }
0x25d: {  	v30 =	vor.u32 v30, v26;
	_ =	sdelay $0x3  }
0x25e: {  	[tilespmem:v29+s16+$0x0] =	vst.idx.msk $0xffff, v27  }
0x25f: {  	v29 =	vor.u32 s26, v13;
	v27 =	vld.idx.msk [tilespmem:v30+s14+$0x0], $0xffff  }
0x260: {  	v28 =	vor.u32 v7, v28;
	v30 =	vand.u32 $0x7F, v29  }
0x261: {  	v31 =	vor.u32 v30, v23;
	_ =	sdelay $0x3  }
0x262: {  	[tilespmem:v28+s16+$0x0] =	vst.idx.msk $0xffff, v27  }
0x263: {  	v28 =	vshll.u32 v29, $0x7;
	v27 =	vld.idx.msk [tilespmem:v31+s14+$0x0], $0xffff  }
0x264: {  	v29 =	vor.u32 v0, v28  }
0x265: {  	v31 =	vor.u32 v30, v24;
	_ =	sdelay $0x3  }
0x266: {  	[tilespmem:v29+s16+$0x0] =	vst.idx.msk $0xffff, v27  }
0x267: {  	v27 =	vld.idx.msk [tilespmem:v31+s14+$0x0], $0xffff  }
0x268: {  	v29 =	vor.u32 v3, v28  }
0x269: {  	v31 =	vor.u32 v30, v25;
	_ =	sdelay $0x3  }
0x26a: {  	[tilespmem:v29+s16+$0x0] =	vst.idx.msk $0xffff, v27  }
0x26b: {  	v27 =	vld.idx.msk [tilespmem:v31+s14+$0x0], $0xffff  }
0x26c: {  	v29 =	vor.u32 v5, v28  }
0x26d: {  	v30 =	vor.u32 v30, v26;
	_ =	sdelay $0x3  }
0x26e: {  	[tilespmem:v29+s16+$0x0] =	vst.idx.msk $0xffff, v27  }
0x26f: {  	v29 =	vor.u32 s26, v16;
	v27 =	vld.idx.msk [tilespmem:v30+s14+$0x0], $0xffff  }
0x270: {  	v28 =	vor.u32 v7, v28;
	v30 =	vand.u32 $0x7F, v29  }
0x271: {  	v31 =	vor.u32 v30, v23;
	_ =	sdelay $0x3  }
0x272: {  	[tilespmem:v28+s16+$0x0] =	vst.idx.msk $0xffff, v27  }
0x273: {  	v28 =	vshll.u32 v29, $0x7;
	v27 =	vld.idx.msk [tilespmem:v31+s14+$0x0], $0xffff  }
0x274: {  	v29 =	vor.u32 v0, v28  }
0x275: {  	v31 =	vor.u32 v30, v24;
	_ =	sdelay $0x3  }
0x276: {  	[tilespmem:v29+s16+$0x0] =	vst.idx.msk $0xffff, v27  }
0x277: {  	v27 =	vld.idx.msk [tilespmem:v31+s14+$0x0], $0xffff  }
0x278: {  	v29 =	vor.u32 v3, v28  }
0x279: {  	v31 =	vor.u32 v30, v25;
	_ =	sdelay $0x3  }
0x27a: {  	[tilespmem:v29+s16+$0x0] =	vst.idx.msk $0xffff, v27  }
0x27b: {  	v27 =	vld.idx.msk [tilespmem:v31+s14+$0x0], $0xffff  }
0x27c: {  	v29 =	vor.u32 v5, v28  }
0x27d: {  	v30 =	vor.u32 v30, v26;
	_ =	sdelay $0x3  }
0x27e: {  	[tilespmem:v29+s16+$0x0] =	vst.idx.msk $0xffff, v27  }
0x27f: {  	v29 =	vor.u32 s26, v17;
	v27 =	vld.idx.msk [tilespmem:v30+s14+$0x0], $0xffff  }
0x280: {  	v28 =	vor.u32 v7, v28;
	v30 =	vand.u32 $0x7F, v29  }
0x281: {  	v31 =	vor.u32 v30, v23;
	_ =	sdelay $0x3  }
0x282: {  	[tilespmem:v28+s16+$0x0] =	vst.idx.msk $0xffff, v27  }
0x283: {  	v28 =	vshll.u32 v29, $0x7;
	v27 =	vld.idx.msk [tilespmem:v31+s14+$0x0], $0xffff  }
0x284: {  	v29 =	vor.u32 v0, v28  }
0x285: {  	v31 =	vor.u32 v30, v24;
	_ =	sdelay $0x3  }
0x286: {  	[tilespmem:v29+s16+$0x0] =	vst.idx.msk $0xffff, v27  }
0x287: {  	v27 =	vld.idx.msk [tilespmem:v31+s14+$0x0], $0xffff  }
0x288: {  	v29 =	vor.u32 v3, v28  }
0x289: {  	v31 =	vor.u32 v30, v25;
	_ =	sdelay $0x3  }
0x28a: {  	[tilespmem:v29+s16+$0x0] =	vst.idx.msk $0xffff, v27  }
0x28b: {  	v27 =	vld.idx.msk [tilespmem:v31+s14+$0x0], $0xffff  }
0x28c: {  	v29 =	vor.u32 v5, v28  }
0x28d: {  	v30 =	vor.u32 v30, v26;
	_ =	sdelay $0x3  }
0x28e: {  	[tilespmem:v29+s16+$0x0] =	vst.idx.msk $0xffff, v27  }
0x28f: {  	v29 =	vor.u32 s26, v18;
	v27 =	vld.idx.msk [tilespmem:v30+s14+$0x0], $0xffff  }
0x290: {  	v28 =	vor.u32 v7, v28;
	v30 =	vand.u32 $0x7F, v29  }
0x291: {  	v31 =	vor.u32 v30, v23;
	_ =	sdelay $0x3  }
0x292: {  	[tilespmem:v28+s16+$0x0] =	vst.idx.msk $0xffff, v27  }
0x293: {  	v28 =	vshll.u32 v29, $0x7;
	v27 =	vld.idx.msk [tilespmem:v31+s14+$0x0], $0xffff  }
0x294: {  	v29 =	vor.u32 v0, v28  }
0x295: {  	v31 =	vor.u32 v30, v24;
	_ =	sdelay $0x3  }
0x296: {  	[tilespmem:v29+s16+$0x0] =	vst.idx.msk $0xffff, v27  }
0x297: {  	v27 =	vld.idx.msk [tilespmem:v31+s14+$0x0], $0xffff  }
0x298: {  	v29 =	vor.u32 v3, v28  }
0x299: {  	v31 =	vor.u32 v30, v25;
	_ =	sdelay $0x3  }
0x29a: {  	[tilespmem:v29+s16+$0x0] =	vst.idx.msk $0xffff, v27  }
0x29b: {  	v27 =	vld.idx.msk [tilespmem:v31+s14+$0x0], $0xffff  }
0x29c: {  	v29 =	vor.u32 v5, v28  }
0x29d: {  	v30 =	vor.u32 v30, v26;
	_ =	sdelay $0x3  }
0x29e: {  	[tilespmem:v29+s16+$0x0] =	vst.idx.msk $0xffff, v27  }
0x29f: {  	v29 =	vor.u32 s26, v19;
	v27 =	vld.idx.msk [tilespmem:v30+s14+$0x0], $0xffff  }
0x2a0: {  	v28 =	vor.u32 v7, v28;
	v30 =	vand.u32 $0x7F, v29  }
0x2a1: {  	v31 =	vor.u32 v30, v23;
	_ =	sdelay $0x3  }
0x2a2: {  	[tilespmem:v28+s16+$0x0] =	vst.idx.msk $0xffff, v27  }
0x2a3: {  	v28 =	vshll.u32 v29, $0x7;
	v27 =	vld.idx.msk [tilespmem:v31+s14+$0x0], $0xffff  }
0x2a4: {  	v29 =	vor.u32 v0, v28  }
0x2a5: {  	v31 =	vor.u32 v30, v24;
	_ =	sdelay $0x3  }
0x2a6: {  	[tilespmem:v29+s16+$0x0] =	vst.idx.msk $0xffff, v27  }
0x2a7: {  	v27 =	vld.idx.msk [tilespmem:v31+s14+$0x0], $0xffff  }
0x2a8: {  	v29 =	vor.u32 v3, v28  }
0x2a9: {  	v31 =	vor.u32 v30, v25;
	_ =	sdelay $0x3  }
0x2aa: {  	[tilespmem:v29+s16+$0x0] =	vst.idx.msk $0xffff, v27  }
0x2ab: {  	v27 =	vld.idx.msk [tilespmem:v31+s14+$0x0], $0xffff  }
0x2ac: {  	v29 =	vor.u32 v5, v28  }
0x2ad: {  	v30 =	vor.u32 v30, v26;
	_ =	sdelay $0x3  }
0x2ae: {  	[tilespmem:v29+s16+$0x0] =	vst.idx.msk $0xffff, v27  }
0x2af: {  	v29 =	vor.u32 s26, v20;
	v27 =	vld.idx.msk [tilespmem:v30+s14+$0x0], $0xffff  }
0x2b0: {  	v28 =	vor.u32 v7, v28;
	v30 =	vand.u32 $0x7F, v29  }
0x2b1: {  	v31 =	vor.u32 v30, v23;
	_ =	sdelay $0x3  }
0x2b2: {  	[tilespmem:v28+s16+$0x0] =	vst.idx.msk $0xffff, v27  }
0x2b3: {  	v28 =	vshll.u32 v29, $0x7;
	v27 =	vld.idx.msk [tilespmem:v31+s14+$0x0], $0xffff  }
0x2b4: {  	v29 =	vor.u32 v0, v28  }
0x2b5: {  	v31 =	vor.u32 v30, v24;
	_ =	sdelay $0x3  }
0x2b6: {  	[tilespmem:v29+s16+$0x0] =	vst.idx.msk $0xffff, v27  }
0x2b7: {  	v27 =	vld.idx.msk [tilespmem:v31+s14+$0x0], $0xffff  }
0x2b8: {  	v29 =	vor.u32 v3, v28  }
0x2b9: {  	v31 =	vor.u32 v30, v25;
	_ =	sdelay $0x3  }
0x2ba: {  	[tilespmem:v29+s16+$0x0] =	vst.idx.msk $0xffff, v27  }
0x2bb: {  	v27 =	vld.idx.msk [tilespmem:v31+s14+$0x0], $0xffff  }
0x2bc: {  	v29 =	vor.u32 v5, v28  }
0x2bd: {  	v30 =	vor.u32 v30, v26;
	_ =	sdelay $0x3  }
0x2be: {  	[tilespmem:v29+s16+$0x0] =	vst.idx.msk $0xffff, v27  }
0x2bf: {  	v29 =	vor.u32 s26, v21;
	v27 =	vld.idx.msk [tilespmem:v30+s14+$0x0], $0xffff  }
0x2c0: {  	v28 =	vor.u32 v7, v28;
	v30 =	vand.u32 $0x7F, v29  }
0x2c1: {  	v31 =	vor.u32 v30, v23;
	_ =	sdelay $0x3  }
0x2c2: {  	[tilespmem:v28+s16+$0x0] =	vst.idx.msk $0xffff, v27  }
0x2c3: {  	v28 =	vshll.u32 v29, $0x7;
	v27 =	vld.idx.msk [tilespmem:v31+s14+$0x0], $0xffff  }
0x2c4: {  	v29 =	vor.u32 v0, v28  }
0x2c5: {  	v31 =	vor.u32 v30, v24;
	_ =	sdelay $0x3  }
0x2c6: {  	[tilespmem:v29+s16+$0x0] =	vst.idx.msk $0xffff, v27  }
0x2c7: {  	v27 =	vld.idx.msk [tilespmem:v31+s14+$0x0], $0xffff  }
0x2c8: {  	v29 =	vor.u32 v3, v28  }
0x2c9: {  	v31 =	vor.u32 v30, v25;
	_ =	sdelay $0x3  }
0x2ca: {  	[tilespmem:v29+s16+$0x0] =	vst.idx.msk $0xffff, v27  }
0x2cb: {  	v27 =	vld.idx.msk [tilespmem:v31+s14+$0x0], $0xffff  }
0x2cc: {  	v29 =	vor.u32 v5, v28  }
0x2cd: {  	v30 =	vor.u32 v30, v26;
	_ =	sdelay $0x3  }
0x2ce: {  	[tilespmem:v29+s16+$0x0] =	vst.idx.msk $0xffff, v27  }
0x2cf: {  	v29 =	vor.u32 s26, v22;
	s26 =	smov.u32 s28;
	v27 =	vld.idx.msk [tilespmem:v30+s14+$0x0], $0xffff  }
0x2d0: {  	v28 =	vor.u32 v7, v28;
	v30 =	vand.u32 $0x7F, v29  }
0x2d1: {  	v23 =	vor.u32 v30, v23;
	_ =	sdelay $0x3  }
0x2d2: {  	[tilespmem:v28+s16+$0x0] =	vst.idx.msk $0xffff, v27  }
0x2d3: {  	v27 =	vshll.u32 v29, $0x7;
	v23 =	vld.idx.msk [tilespmem:v23+s14+$0x0], $0xffff  }
0x2d4: {  	v28 =	vor.u32 v0, v27  }
0x2d5: {  	v24 =	vor.u32 v30, v24;
	_ =	sdelay $0x3  }
0x2d6: {  	[tilespmem:v28+s16+$0x0] =	vst.idx.msk $0xffff, v23  }
0x2d7: {  	v23 =	vld.idx.msk [tilespmem:v24+s14+$0x0], $0xffff  }
0x2d8: {  	v24 =	vor.u32 v3, v27  }
0x2d9: {  	v25 =	vor.u32 v30, v25;
	_ =	sdelay $0x3  }
0x2da: {  	[tilespmem:v24+s16+$0x0] =	vst.idx.msk $0xffff, v23  }
0x2db: {  	v24 =	vld.idx.msk [tilespmem:v25+s14+$0x0], $0xffff  }
.Ltmp5:
0x2dc: {  	v25 =	vor.u32 v5, v27;
	(pc) =	sbr.rel @p1 .LBB2_7-.Ltmp5, $2  }
0x2dd: {  	v23 =	vor.u32 v30, v26;
	_ =	sdelay $0x2  }
0x2de: {  	s28 =	sadd.s32 $0x10, s28;
	v26 =	vmov s26  }
0x2df: {  	_ =	sdelay $0x2  }
0x2e0: {  	v26 =	vshll.u32 v26, $0x3  }
0x2e1: {  	[tilespmem:v25+s16+$0x0] =	vst.idx.msk $0xffff, v24;
	v38 =	vor.u32 s26, v0;
	v26 =	vand.u32 $0x400, v26  }
0x2e2: {  	v27 =	vor.u32 v7, v27;
	v25 =	vld.idx.msk [tilespmem:v23+s14+$0x0], $0xffff;
	v28 =	vand.u32 $0x7F, v38;
	v23 =	vor.u32 v1, v26  }
0x2e3: {  	v29 =	vor.u32 v28, v23;
	_ =	sdelay $0x3  }
0x2e4: {  	v39 =	vshll.u32 v38, $0x7;
	[tilespmem:v27+s16+$0x0] =	vst.idx.msk $0xffff, v25  }
0x2e5: {  	v40 =	vor.u32 v0, v39;
	v24 =	vor.u32 v2, v26;
	v25 =	vld.idx.msk [tilespmem:v29+s14+$0x0], $0xffff  }
0x2e6: {  	v30 =	vor.u32 v28, v24;
	_ =	sdelay $0x3  }
0x2e7: {  	[tilespmem:v40+s16+$0x0] =	vst.idx.msk $0xffff, v25  }
0x2e8: {  	v41 =	vor.u32 v3, v39;
	v25 =	vor.u32 v4, v26;
	v29 =	vld.idx.msk [tilespmem:v30+s14+$0x0], $0xffff  }
0x2e9: {  	v31 =	vor.u32 v28, v25;
	_ =	sdelay $0x3  }
0x2ea: {  	[tilespmem:v41+s16+$0x0] =	vst.idx.msk $0xffff, v29  }
0x2eb: {  	v42 =	vor.u32 v5, v39;
	v26 =	vor.u32 v6, v26;
	v29 =	vld.idx.msk [tilespmem:v31+s14+$0x0], $0xffff  }
0x2ec: {  	v28 =	vor.u32 v28, v26;
	_ =	sdelay $0x3  }
0x2ed: {  	v43 =	vor.u32 s26, v8;
	[tilespmem:v42+s16+$0x0] =	vst.idx.msk $0xffff, v29  }
0x2ee: {  	v44 =	vand.u32 $0x7F, v43;
	v27 =	vor.u32 v7, v39;
	v28 =	vld.idx.msk [tilespmem:v28+s14+$0x0], $0xffff  }
0x2ef: {  	v45 =	vor.u32 v44, v23;
	_ =	sdelay $0x3  }
0x2f0: {  	v46 =	vshll.u32 v43, $0x7;
	[tilespmem:v27+s16+$0x0] =	vst.idx.msk $0xffff, v28  }
0x2f1: {  	v29 =	vor.u32 v0, v46;
	v28 =	vld.idx.msk [tilespmem:v45+s14+$0x0], $0xffff  }
0x2f2: {  	v47 =	vor.u32 v44, v24;
	_ =	sdelay $0x3  }
0x2f3: {  	[tilespmem:v29+s16+$0x0] =	vst.idx.msk $0xffff, v28  }
0x2f4: {  	v48 =	vor.u32 v3, v46;
	v28 =	vld.idx.msk [tilespmem:v47+s14+$0x0], $0xffff  }
0x2f5: {  	v49 =	vor.u32 v44, v25;
	_ =	sdelay $0x3  }
0x2f6: {  	[tilespmem:v48+s16+$0x0] =	vst.idx.msk $0xffff, v28  }
0x2f7: {  	v50 =	vor.u32 v5, v46;
	v28 =	vld.idx.msk [tilespmem:v49+s14+$0x0], $0xffff  }
0x2f8: {  	v30 =	vor.u32 v44, v26;
	_ =	sdelay $0x3  }
0x2f9: {  	v51 =	vor.u32 s26, v9;
	[tilespmem:v50+s16+$0x0] =	vst.idx.msk $0xffff, v28  }
0x2fa: {  	v52 =	vand.u32 $0x7F, v51;
	v27 =	vor.u32 v7, v46;
	v29 =	vld.idx.msk [tilespmem:v30+s14+$0x0], $0xffff  }
0x2fb: {  	v53 =	vor.u32 v52, v23;
	_ =	sdelay $0x3  }
0x2fc: {  	v54 =	vshll.u32 v51, $0x7;
	[tilespmem:v27+s16+$0x0] =	vst.idx.msk $0xffff, v29  }
0x2fd: {  	v56 =	vor.u32 v0, v54;
	v55 =	vld.idx.msk [tilespmem:v53+s14+$0x0], $0xffff  }
0x2fe: {  	v57 =	vor.u32 v52, v24;
	_ =	sdelay $0x3  }
0x2ff: {  	[tilespmem:v56+s16+$0x0] =	vst.idx.msk $0xffff, v55  }
0x300: {  	v58 =	vor.u32 v3, v54;
	v28 =	vld.idx.msk [tilespmem:v57+s14+$0x0], $0xffff  }
0x301: {  	v59 =	vor.u32 v52, v25;
	_ =	sdelay $0x3  }
0x302: {  	[tilespmem:v58+s16+$0x0] =	vst.idx.msk $0xffff, v28  }
0x303: {  	v60 =	vor.u32 v5, v54;
	v28 =	vld.idx.msk [tilespmem:v59+s14+$0x0], $0xffff  }
0x304: {  	v30 =	vor.u32 v52, v26;
	_ =	sdelay $0x3  }
0x305: {  	v61 =	vor.u32 s26, v10;
	[tilespmem:v60+s16+$0x0] =	vst.idx.msk $0xffff, v28  }
0x306: {  	v62 =	vand.u32 $0x7F, v61;
	v27 =	vor.u32 v7, v54;
	v29 =	vld.idx.msk [tilespmem:v30+s14+$0x0], $0xffff  }
0x307: {  	v63 =	vor.u32 v62, v23;
	_ =	sdelay $0x3  }
0x308: {  	v33 =	vshll.u32 v61, $0x7;
	[tilespmem:v27+s16+$0x0] =	vst.idx.msk $0xffff, v29  }
0x309: {  	v35 =	vor.u32 v0, v33;
	v34 =	vld.idx.msk [tilespmem:v63+s14+$0x0], $0xffff  }
0x30a: {  	v36 =	vor.u32 v62, v24;
	_ =	sdelay $0x3  }
0x30b: {  	[tilespmem:v35+s16+$0x0] =	vst.idx.msk $0xffff, v34  }
0x30c: {  	v37 =	vor.u32 v3, v33;
	v28 =	vld.idx.msk [tilespmem:v36+s14+$0x0], $0xffff  }
0x30d: {  	v38 =	vor.u32 v62, v25;
	_ =	sdelay $0x3  }
0x30e: {  	[tilespmem:v37+s16+$0x0] =	vst.idx.msk $0xffff, v28  }
0x30f: {  	v39 =	vor.u32 v5, v33;
	v28 =	vld.idx.msk [tilespmem:v38+s14+$0x0], $0xffff  }
0x310: {  	v30 =	vor.u32 v62, v26;
	_ =	sdelay $0x3  }
0x311: {  	v40 =	vor.u32 s26, v11;
	[tilespmem:v39+s16+$0x0] =	vst.idx.msk $0xffff, v28  }
0x312: {  	v41 =	vand.u32 $0x7F, v40;
	v27 =	vor.u32 v7, v33;
	v29 =	vld.idx.msk [tilespmem:v30+s14+$0x0], $0xffff  }
0x313: {  	v42 =	vor.u32 v41, v23;
	_ =	sdelay $0x3  }
0x314: {  	v43 =	vshll.u32 v40, $0x7;
	[tilespmem:v27+s16+$0x0] =	vst.idx.msk $0xffff, v29  }
0x315: {  	v45 =	vor.u32 v0, v43;
	v44 =	vld.idx.msk [tilespmem:v42+s14+$0x0], $0xffff  }
0x316: {  	v46 =	vor.u32 v41, v24;
	_ =	sdelay $0x3  }
0x317: {  	[tilespmem:v45+s16+$0x0] =	vst.idx.msk $0xffff, v44  }
0x318: {  	v47 =	vor.u32 v3, v43;
	v28 =	vld.idx.msk [tilespmem:v46+s14+$0x0], $0xffff  }
0x319: {  	v48 =	vor.u32 v41, v25;
	_ =	sdelay $0x3  }
0x31a: {  	[tilespmem:v47+s16+$0x0] =	vst.idx.msk $0xffff, v28  }
0x31b: {  	v49 =	vor.u32 v5, v43;
	v28 =	vld.idx.msk [tilespmem:v48+s14+$0x0], $0xffff  }
0x31c: {  	v30 =	vor.u32 v41, v26;
	_ =	sdelay $0x3  }
0x31d: {  	v50 =	vor.u32 s26, v12;
	[tilespmem:v49+s16+$0x0] =	vst.idx.msk $0xffff, v28  }
0x31e: {  	v51 =	vand.u32 $0x7F, v50;
	v27 =	vor.u32 v7, v43;
	v29 =	vld.idx.msk [tilespmem:v30+s14+$0x0], $0xffff  }
0x31f: {  	v52 =	vor.u32 v51, v23;
	_ =	sdelay $0x3  }
0x320: {  	v53 =	vshll.u32 v50, $0x7;
	[tilespmem:v27+s16+$0x0] =	vst.idx.msk $0xffff, v29  }
0x321: {  	v55 =	vor.u32 v0, v53;
	v54 =	vld.idx.msk [tilespmem:v52+s14+$0x0], $0xffff  }
0x322: {  	v56 =	vor.u32 v51, v24;
	_ =	sdelay $0x3  }
0x323: {  	[tilespmem:v55+s16+$0x0] =	vst.idx.msk $0xffff, v54  }
0x324: {  	v57 =	vor.u32 v3, v53;
	v28 =	vld.idx.msk [tilespmem:v56+s14+$0x0], $0xffff  }
0x325: {  	v58 =	vor.u32 v51, v25;
	_ =	sdelay $0x3  }
0x326: {  	[tilespmem:v57+s16+$0x0] =	vst.idx.msk $0xffff, v28  }
0x327: {  	v59 =	vor.u32 v5, v53;
	v28 =	vld.idx.msk [tilespmem:v58+s14+$0x0], $0xffff  }
0x328: {  	v30 =	vor.u32 v51, v26;
	_ =	sdelay $0x3  }
0x329: {  	v60 =	vor.u32 s26, v14;
	[tilespmem:v59+s16+$0x0] =	vst.idx.msk $0xffff, v28  }
0x32a: {  	v61 =	vand.u32 $0x7F, v60;
	v27 =	vor.u32 v7, v53;
	v29 =	vld.idx.msk [tilespmem:v30+s14+$0x0], $0xffff  }
0x32b: {  	v62 =	vor.u32 v61, v23;
	_ =	sdelay $0x3  }
0x32c: {  	v63 =	vshll.u32 v60, $0x7;
	[tilespmem:v27+s16+$0x0] =	vst.idx.msk $0xffff, v29  }
0x32d: {  	v34 =	vor.u32 v0, v63;
	v33 =	vld.idx.msk [tilespmem:v62+s14+$0x0], $0xffff  }
0x32e: {  	v35 =	vor.u32 v61, v24;
	_ =	sdelay $0x3  }
0x32f: {  	[tilespmem:v34+s16+$0x0] =	vst.idx.msk $0xffff, v33  }
0x330: {  	v36 =	vor.u32 v3, v63;
	v28 =	vld.idx.msk [tilespmem:v35+s14+$0x0], $0xffff  }
0x331: {  	v37 =	vor.u32 v61, v25;
	_ =	sdelay $0x3  }
0x332: {  	[tilespmem:v36+s16+$0x0] =	vst.idx.msk $0xffff, v28  }
0x333: {  	v38 =	vor.u32 v5, v63;
	v28 =	vld.idx.msk [tilespmem:v37+s14+$0x0], $0xffff  }
0x334: {  	v30 =	vor.u32 v61, v26;
	_ =	sdelay $0x3  }
0x335: {  	v39 =	vor.u32 s26, v15;
	[tilespmem:v38+s16+$0x0] =	vst.idx.msk $0xffff, v28  }
0x336: {  	v40 =	vand.u32 $0x7F, v39;
	v27 =	vor.u32 v7, v63;
	v29 =	vld.idx.msk [tilespmem:v30+s14+$0x0], $0xffff  }
0x337: {  	v41 =	vor.u32 v40, v23;
	_ =	sdelay $0x3  }
0x338: {  	v42 =	vshll.u32 v39, $0x7;
	[tilespmem:v27+s16+$0x0] =	vst.idx.msk $0xffff, v29  }
0x339: {  	v44 =	vor.u32 v0, v42;
	v43 =	vld.idx.msk [tilespmem:v41+s14+$0x0], $0xffff  }
0x33a: {  	v45 =	vor.u32 v40, v24;
	_ =	sdelay $0x3  }
0x33b: {  	[tilespmem:v44+s16+$0x0] =	vst.idx.msk $0xffff, v43  }
0x33c: {  	v46 =	vor.u32 v3, v42;
	v28 =	vld.idx.msk [tilespmem:v45+s14+$0x0], $0xffff  }
0x33d: {  	v47 =	vor.u32 v40, v25;
	_ =	sdelay $0x3  }
0x33e: {  	[tilespmem:v46+s16+$0x0] =	vst.idx.msk $0xffff, v28  }
0x33f: {  	v48 =	vor.u32 v5, v42;
	v28 =	vld.idx.msk [tilespmem:v47+s14+$0x0], $0xffff  }
0x340: {  	v30 =	vor.u32 v40, v26;
	_ =	sdelay $0x3  }
0x341: {  	v49 =	vor.u32 s26, v13;
	[tilespmem:v48+s16+$0x0] =	vst.idx.msk $0xffff, v28  }
0x342: {  	v50 =	vand.u32 $0x7F, v49;
	v27 =	vor.u32 v7, v42;
	v29 =	vld.idx.msk [tilespmem:v30+s14+$0x0], $0xffff  }
0x343: {  	v51 =	vor.u32 v50, v23;
	_ =	sdelay $0x3  }
0x344: {  	v52 =	vshll.u32 v49, $0x7;
	[tilespmem:v27+s16+$0x0] =	vst.idx.msk $0xffff, v29  }
0x345: {  	v54 =	vor.u32 v0, v52;
	v53 =	vld.idx.msk [tilespmem:v51+s14+$0x0], $0xffff  }
0x346: {  	v55 =	vor.u32 v50, v24;
	_ =	sdelay $0x3  }
0x347: {  	[tilespmem:v54+s16+$0x0] =	vst.idx.msk $0xffff, v53  }
0x348: {  	v56 =	vor.u32 v3, v52;
	v28 =	vld.idx.msk [tilespmem:v55+s14+$0x0], $0xffff  }
0x349: {  	v57 =	vor.u32 v50, v25;
	_ =	sdelay $0x3  }
0x34a: {  	[tilespmem:v56+s16+$0x0] =	vst.idx.msk $0xffff, v28  }
0x34b: {  	v58 =	vor.u32 v5, v52;
	v28 =	vld.idx.msk [tilespmem:v57+s14+$0x0], $0xffff  }
0x34c: {  	v30 =	vor.u32 v50, v26;
	_ =	sdelay $0x3  }
0x34d: {  	v59 =	vor.u32 s26, v16;
	[tilespmem:v58+s16+$0x0] =	vst.idx.msk $0xffff, v28  }
0x34e: {  	v60 =	vand.u32 $0x7F, v59;
	v27 =	vor.u32 v7, v52;
	v29 =	vld.idx.msk [tilespmem:v30+s14+$0x0], $0xffff  }
0x34f: {  	v61 =	vor.u32 v60, v23;
	_ =	sdelay $0x3  }
0x350: {  	v62 =	vshll.u32 v59, $0x7;
	[tilespmem:v27+s16+$0x0] =	vst.idx.msk $0xffff, v29  }
0x351: {  	v33 =	vor.u32 v0, v62;
	v63 =	vld.idx.msk [tilespmem:v61+s14+$0x0], $0xffff  }
0x352: {  	v34 =	vor.u32 v60, v24;
	_ =	sdelay $0x3  }
0x353: {  	[tilespmem:v33+s16+$0x0] =	vst.idx.msk $0xffff, v63  }
0x354: {  	v35 =	vor.u32 v3, v62;
	v28 =	vld.idx.msk [tilespmem:v34+s14+$0x0], $0xffff  }
0x355: {  	v36 =	vor.u32 v60, v25;
	_ =	sdelay $0x3  }
0x356: {  	[tilespmem:v35+s16+$0x0] =	vst.idx.msk $0xffff, v28  }
0x357: {  	v37 =	vor.u32 v5, v62;
	v28 =	vld.idx.msk [tilespmem:v36+s14+$0x0], $0xffff  }
0x358: {  	v30 =	vor.u32 v60, v26;
	_ =	sdelay $0x3  }
0x359: {  	v38 =	vor.u32 s26, v17;
	[tilespmem:v37+s16+$0x0] =	vst.idx.msk $0xffff, v28  }
0x35a: {  	v39 =	vand.u32 $0x7F, v38;
	v27 =	vor.u32 v7, v62;
	v29 =	vld.idx.msk [tilespmem:v30+s14+$0x0], $0xffff  }
0x35b: {  	v40 =	vor.u32 v39, v23;
	_ =	sdelay $0x3  }
0x35c: {  	v41 =	vshll.u32 v38, $0x7;
	[tilespmem:v27+s16+$0x0] =	vst.idx.msk $0xffff, v29  }
0x35d: {  	v43 =	vor.u32 v0, v41;
	v42 =	vld.idx.msk [tilespmem:v40+s14+$0x0], $0xffff  }
0x35e: {  	v44 =	vor.u32 v39, v24;
	_ =	sdelay $0x3  }
0x35f: {  	[tilespmem:v43+s16+$0x0] =	vst.idx.msk $0xffff, v42  }
0x360: {  	v45 =	vor.u32 v3, v41;
	v28 =	vld.idx.msk [tilespmem:v44+s14+$0x0], $0xffff  }
0x361: {  	v46 =	vor.u32 v39, v25;
	_ =	sdelay $0x3  }
0x362: {  	[tilespmem:v45+s16+$0x0] =	vst.idx.msk $0xffff, v28  }
0x363: {  	v47 =	vor.u32 v5, v41;
	v28 =	vld.idx.msk [tilespmem:v46+s14+$0x0], $0xffff  }
0x364: {  	v30 =	vor.u32 v39, v26;
	_ =	sdelay $0x3  }
0x365: {  	v48 =	vor.u32 s26, v18;
	[tilespmem:v47+s16+$0x0] =	vst.idx.msk $0xffff, v28  }
0x366: {  	v49 =	vand.u32 $0x7F, v48;
	v27 =	vor.u32 v7, v41;
	v29 =	vld.idx.msk [tilespmem:v30+s14+$0x0], $0xffff  }
0x367: {  	v50 =	vor.u32 v49, v23;
	_ =	sdelay $0x3  }
0x368: {  	v51 =	vshll.u32 v48, $0x7;
	[tilespmem:v27+s16+$0x0] =	vst.idx.msk $0xffff, v29  }
0x369: {  	v53 =	vor.u32 v0, v51;
	v52 =	vld.idx.msk [tilespmem:v50+s14+$0x0], $0xffff  }
0x36a: {  	v54 =	vor.u32 v49, v24;
	_ =	sdelay $0x3  }
0x36b: {  	[tilespmem:v53+s16+$0x0] =	vst.idx.msk $0xffff, v52  }
0x36c: {  	v55 =	vor.u32 v3, v51;
	v28 =	vld.idx.msk [tilespmem:v54+s14+$0x0], $0xffff  }
0x36d: {  	v56 =	vor.u32 v49, v25;
	_ =	sdelay $0x3  }
0x36e: {  	[tilespmem:v55+s16+$0x0] =	vst.idx.msk $0xffff, v28  }
0x36f: {  	v57 =	vor.u32 v5, v51;
	v28 =	vld.idx.msk [tilespmem:v56+s14+$0x0], $0xffff  }
0x370: {  	v30 =	vor.u32 v49, v26;
	_ =	sdelay $0x3  }
0x371: {  	v58 =	vor.u32 s26, v19;
	[tilespmem:v57+s16+$0x0] =	vst.idx.msk $0xffff, v28  }
0x372: {  	v59 =	vand.u32 $0x7F, v58;
	v27 =	vor.u32 v7, v51;
	v29 =	vld.idx.msk [tilespmem:v30+s14+$0x0], $0xffff  }
0x373: {  	v60 =	vor.u32 v59, v23;
	_ =	sdelay $0x3  }
0x374: {  	v61 =	vshll.u32 v58, $0x7;
	[tilespmem:v27+s16+$0x0] =	vst.idx.msk $0xffff, v29  }
0x375: {  	v63 =	vor.u32 v0, v61;
	v62 =	vld.idx.msk [tilespmem:v60+s14+$0x0], $0xffff  }
0x376: {  	v33 =	vor.u32 v59, v24;
	_ =	sdelay $0x3  }
0x377: {  	[tilespmem:v63+s16+$0x0] =	vst.idx.msk $0xffff, v62  }
0x378: {  	v34 =	vor.u32 v3, v61;
	v28 =	vld.idx.msk [tilespmem:v33+s14+$0x0], $0xffff  }
0x379: {  	v35 =	vor.u32 v59, v25;
	_ =	sdelay $0x3  }
0x37a: {  	[tilespmem:v34+s16+$0x0] =	vst.idx.msk $0xffff, v28  }
0x37b: {  	v36 =	vor.u32 v5, v61;
	v28 =	vld.idx.msk [tilespmem:v35+s14+$0x0], $0xffff  }
0x37c: {  	v30 =	vor.u32 v59, v26;
	_ =	sdelay $0x3  }
0x37d: {  	v37 =	vor.u32 s26, v20;
	[tilespmem:v36+s16+$0x0] =	vst.idx.msk $0xffff, v28  }
0x37e: {  	v38 =	vand.u32 $0x7F, v37;
	v27 =	vor.u32 v7, v61;
	v29 =	vld.idx.msk [tilespmem:v30+s14+$0x0], $0xffff  }
0x37f: {  	v39 =	vor.u32 v38, v23;
	_ =	sdelay $0x3  }
0x380: {  	v40 =	vshll.u32 v37, $0x7;
	[tilespmem:v27+s16+$0x0] =	vst.idx.msk $0xffff, v29  }
0x381: {  	v42 =	vor.u32 v0, v40;
	v41 =	vld.idx.msk [tilespmem:v39+s14+$0x0], $0xffff  }
0x382: {  	v43 =	vor.u32 v38, v24;
	_ =	sdelay $0x3  }
0x383: {  	[tilespmem:v42+s16+$0x0] =	vst.idx.msk $0xffff, v41  }
0x384: {  	v44 =	vor.u32 v3, v40;
	v28 =	vld.idx.msk [tilespmem:v43+s14+$0x0], $0xffff  }
0x385: {  	v45 =	vor.u32 v38, v25;
	_ =	sdelay $0x3  }
0x386: {  	[tilespmem:v44+s16+$0x0] =	vst.idx.msk $0xffff, v28  }
0x387: {  	v46 =	vor.u32 v5, v40;
	v28 =	vld.idx.msk [tilespmem:v45+s14+$0x0], $0xffff  }
0x388: {  	v30 =	vor.u32 v38, v26;
	_ =	sdelay $0x3  }
0x389: {  	v47 =	vor.u32 s26, v21;
	[tilespmem:v46+s16+$0x0] =	vst.idx.msk $0xffff, v28  }
0x38a: {  	v48 =	vand.u32 $0x7F, v47;
	v27 =	vor.u32 v7, v40;
	v29 =	vld.idx.msk [tilespmem:v30+s14+$0x0], $0xffff  }
0x38b: {  	v49 =	vor.u32 v48, v23;
	_ =	sdelay $0x3  }
0x38c: {  	v50 =	vshll.u32 v47, $0x7;
	[tilespmem:v27+s16+$0x0] =	vst.idx.msk $0xffff, v29  }
0x38d: {  	v52 =	vor.u32 v0, v50;
	v51 =	vld.idx.msk [tilespmem:v49+s14+$0x0], $0xffff  }
0x38e: {  	v53 =	vor.u32 v48, v24;
	_ =	sdelay $0x3  }
0x38f: {  	[tilespmem:v52+s16+$0x0] =	vst.idx.msk $0xffff, v51  }
0x390: {  	v54 =	vor.u32 v3, v50;
	v28 =	vld.idx.msk [tilespmem:v53+s14+$0x0], $0xffff  }
0x391: {  	v55 =	vor.u32 v48, v25;
	_ =	sdelay $0x3  }
0x392: {  	[tilespmem:v54+s16+$0x0] =	vst.idx.msk $0xffff, v28  }
0x393: {  	v56 =	vor.u32 v5, v50;
	v28 =	vld.idx.msk [tilespmem:v55+s14+$0x0], $0xffff  }
0x394: {  	v30 =	vor.u32 v48, v26;
	_ =	sdelay $0x3  }
0x395: {  	v57 =	vor.u32 s26, v22;
	[tilespmem:v56+s16+$0x0] =	vst.idx.msk $0xffff, v28  }
0x396: {  	v58 =	vand.u32 $0x7F, v57;
	v27 =	vor.u32 v7, v50;
	v29 =	vld.idx.msk [tilespmem:v30+s14+$0x0], $0xffff  }
0x397: {  	v23 =	vor.u32 v58, v23;
	_ =	sdelay $0x3  }
0x398: {  	v59 =	vshll.u32 v57, $0x7;
	[tilespmem:v27+s16+$0x0] =	vst.idx.msk $0xffff, v29  }
0x399: {  	v28 =	vor.u32 v0, v59;
	v23 =	vld.idx.msk [tilespmem:v23+s14+$0x0], $0xffff  }
0x39a: {  	v24 =	vor.u32 v58, v24;
	_ =	sdelay $0x3  }
0x39b: {  	[tilespmem:v28+s16+$0x0] =	vst.idx.msk $0xffff, v23  }
0x39c: {  	v60 =	vor.u32 v3, v59;
	v23 =	vld.idx.msk [tilespmem:v24+s14+$0x0], $0xffff  }
0x39d: {  	v25 =	vor.u32 v58, v25;
	_ =	sdelay $0x3  }
0x39e: {  	[tilespmem:v60+s16+$0x0] =	vst.idx.msk $0xffff, v23  }
0x39f: {  	v61 =	vor.u32 v5, v59;
	v23 =	vld.idx.msk [tilespmem:v25+s14+$0x0], $0xffff  }
0x3a0: {  	v62 =	vor.u32 v58, v26;
	_ =	sdelay $0x3  }
0x3a1: {  	[tilespmem:v61+s16+$0x0] =	vst.idx.msk $0xffff, v23  }
0x3a2: {  	v63 =	vor.u32 v7, v59;
	v23 =	vld.idx.msk [tilespmem:v62+s14+$0x0], $0xffff;
	_ =	sdelay $0x2  }
0x3a3: {  	s25 =	sshll.u32 s25, $0xC  }
0x3a4: {  	s25 =	sand.u32 $0x1FFFF000, s25  }
0x3a5: {  	s25 =	sadd.s32 s6, s25;
	[tilespmem:v63+s16+$0x0] =	vst.idx.msk $0xffff, v23  }
0x3a6: {  	[hbm4b:s25+s3] =	stream.linear.scatter [tilespmem:s16], [sflag:$0x4], $0x8000, $0x38;
	[tilespmem:$0x1A000] =	vst v63  }
0x3a7: {  	s25 =	sadd.s32 $0x2, s24  }
0x3a8: {  	p1 =	sge.u32 s25, s7  }
.Ltmp6:
0x3a9: {  	s25 =	sadd.s32 @!p1 s5, s25;
	(pc) =	sbr.rel .LBB2_9-.Ltmp6, $4  }
0x3aa: {  	s25 =	sshll.u32 @!p1 s25, $0x8  }
0x3ab: {  	s26 =	simm.s32 @!p1 $0x800;
	s25 =	sand.u32 @!p1 $0x1FFFFF00, s25  }
0x3ac: {  	s28 =	simm.s32 @!p1 $0x7A1400;
	s29 =	simm.s32 @!p1 $0x4000;
	s25 =	sadd.s32 @!p1 s0, s25  }
0x3ad: {  	[tilespmem:s29], [sflag:$0x2] =	stream.strided.gather @!p1 [hbm4b:s25+s26], $0x4000, s28, s26, $0x38;
	[tilespmem:$0x1A000] =	vst v63  }
.LBB2_3:
0x3ae: {  	_ =	swait.ge [sflag:s22], $0x4000;
	v27 =	vand.u32 $0x7F, v24;
	v23 =	vor.u32 v1, v26  }
0x3af: {  	[sflag:s22] =	ssyncset.done $0x0;
	v25 =	vor.u32 v27, v23  }
0x3b0: {  	s28 =	simm.s32 @!p1 $0x3;
	[sflag:s22] =	ssyncadd.s32 $0xFFFFC000  }
0x3b1: {  	_ =	swait.ge @!p1 [sflag:s28], $0x8000  }
0x3b2: {  	[sflag:s28] =	ssyncset.done @!p1 $0x0  }
0x3b3: {  	v28 =	vshll.u32 v24, $0x7;
	[sflag:s28] =	ssyncadd.s32 @!p1 $0xFFFF8000  }
0x3b4: {  	v24 =	vor.u32 v2, v26;
	v29 =	vor.u32 v0, v28;
	v25 =	vld.idx.msk [tilespmem:v25+s3+$0x0], $0xffff  }
0x3b5: {  	v30 =	vor.u32 v27, v24;
	_ =	sdelay $0x3  }
0x3b6: {  	[tilespmem:v29+s21+$0x0] =	vst.idx.msk $0xffff, v25  }
0x3b7: {  	v36 =	vor.u32 v3, v28;
	v25 =	vor.u32 v4, v26;
	v29 =	vld.idx.msk [tilespmem:v30+s3+$0x0], $0xffff  }
0x3b8: {  	v31 =	vor.u32 v27, v25;
	_ =	sdelay $0x3  }
0x3b9: {  	[tilespmem:v36+s21+$0x0] =	vst.idx.msk $0xffff, v29  }
0x3ba: {  	v37 =	vor.u32 v5, v28;
	v26 =	vor.u32 v6, v26;
	v29 =	vld.idx.msk [tilespmem:v31+s3+$0x0], $0xffff  }
0x3bb: {  	v27 =	vor.u32 v27, v26;
	_ =	sdelay $0x3  }
0x3bc: {  	[tilespmem:v37+s21+$0x0] =	vst.idx.msk $0xffff, v29;
	v29 =	vor.u32 s26, v8  }
0x3bd: {  	v28 =	vor.u32 v7, v28;
	v27 =	vld.idx.msk [tilespmem:v27+s3+$0x0], $0xffff;
	v38 =	vand.u32 $0x7F, v29  }
0x3be: {  	v39 =	vor.u32 v38, v23;
	_ =	sdelay $0x3  }
0x3bf: {  	[tilespmem:v28+s21+$0x0] =	vst.idx.msk $0xffff, v27;
	v27 =	vshll.u32 v29, $0x7  }
0x3c0: {  	v28 =	vld.idx.msk [tilespmem:v39+s3+$0x0], $0xffff;
	v29 =	vor.u32 v0, v27  }
0x3c1: {  	v40 =	vor.u32 v38, v24;
	_ =	sdelay $0x3  }
0x3c2: {  	[tilespmem:v29+s21+$0x0] =	vst.idx.msk $0xffff, v28  }
0x3c3: {  	v29 =	vor.u32 v3, v27;
	v28 =	vld.idx.msk [tilespmem:v40+s3+$0x0], $0xffff  }
0x3c4: {  	v41 =	vor.u32 v38, v25;
	_ =	sdelay $0x3  }
0x3c5: {  	[tilespmem:v29+s21+$0x0] =	vst.idx.msk $0xffff, v28  }
0x3c6: {  	v29 =	vor.u32 v5, v27;
	v28 =	vld.idx.msk [tilespmem:v41+s3+$0x0], $0xffff  }
0x3c7: {  	v30 =	vor.u32 v38, v26;
	_ =	sdelay $0x3  }
0x3c8: {  	[tilespmem:v29+s21+$0x0] =	vst.idx.msk $0xffff, v28;
	v28 =	vor.u32 s26, v9  }
0x3c9: {  	v27 =	vor.u32 v7, v27;
	v29 =	vld.idx.msk [tilespmem:v30+s3+$0x0], $0xffff;
	v42 =	vand.u32 $0x7F, v28  }
0x3ca: {  	v43 =	vor.u32 v42, v23;
	_ =	sdelay $0x3  }
0x3cb: {  	[tilespmem:v27+s21+$0x0] =	vst.idx.msk $0xffff, v29;
	v27 =	vshll.u32 v28, $0x7  }
0x3cc: {  	v28 =	vld.idx.msk [tilespmem:v43+s3+$0x0], $0xffff;
	v29 =	vor.u32 v0, v27  }
0x3cd: {  	v44 =	vor.u32 v42, v24;
	_ =	sdelay $0x3  }
0x3ce: {  	[tilespmem:v29+s21+$0x0] =	vst.idx.msk $0xffff, v28  }
0x3cf: {  	v29 =	vor.u32 v3, v27;
	v28 =	vld.idx.msk [tilespmem:v44+s3+$0x0], $0xffff  }
0x3d0: {  	v45 =	vor.u32 v42, v25;
	_ =	sdelay $0x3  }
0x3d1: {  	[tilespmem:v29+s21+$0x0] =	vst.idx.msk $0xffff, v28  }
0x3d2: {  	v29 =	vor.u32 v5, v27;
	v28 =	vld.idx.msk [tilespmem:v45+s3+$0x0], $0xffff  }
0x3d3: {  	v30 =	vor.u32 v42, v26;
	_ =	sdelay $0x3  }
0x3d4: {  	[tilespmem:v29+s21+$0x0] =	vst.idx.msk $0xffff, v28;
	v28 =	vor.u32 s26, v10  }
0x3d5: {  	v27 =	vor.u32 v7, v27;
	v29 =	vld.idx.msk [tilespmem:v30+s3+$0x0], $0xffff;
	v46 =	vand.u32 $0x7F, v28  }
0x3d6: {  	v47 =	vor.u32 v46, v23;
	_ =	sdelay $0x3  }
0x3d7: {  	[tilespmem:v27+s21+$0x0] =	vst.idx.msk $0xffff, v29;
	v27 =	vshll.u32 v28, $0x7  }
0x3d8: {  	v28 =	vld.idx.msk [tilespmem:v47+s3+$0x0], $0xffff;
	v29 =	vor.u32 v0, v27  }
0x3d9: {  	v48 =	vor.u32 v46, v24;
	_ =	sdelay $0x3  }
0x3da: {  	[tilespmem:v29+s21+$0x0] =	vst.idx.msk $0xffff, v28  }
0x3db: {  	v29 =	vor.u32 v3, v27;
	v28 =	vld.idx.msk [tilespmem:v48+s3+$0x0], $0xffff  }
0x3dc: {  	v49 =	vor.u32 v46, v25;
	_ =	sdelay $0x3  }
0x3dd: {  	[tilespmem:v29+s21+$0x0] =	vst.idx.msk $0xffff, v28  }
0x3de: {  	v29 =	vor.u32 v5, v27;
	v28 =	vld.idx.msk [tilespmem:v49+s3+$0x0], $0xffff  }
0x3df: {  	v30 =	vor.u32 v46, v26;
	_ =	sdelay $0x3  }
0x3e0: {  	[tilespmem:v29+s21+$0x0] =	vst.idx.msk $0xffff, v28;
	v28 =	vor.u32 s26, v11  }
0x3e1: {  	v27 =	vor.u32 v7, v27;
	v29 =	vld.idx.msk [tilespmem:v30+s3+$0x0], $0xffff;
	v50 =	vand.u32 $0x7F, v28  }
0x3e2: {  	v51 =	vor.u32 v50, v23;
	_ =	sdelay $0x3  }
0x3e3: {  	[tilespmem:v27+s21+$0x0] =	vst.idx.msk $0xffff, v29;
	v27 =	vshll.u32 v28, $0x7  }
0x3e4: {  	v28 =	vld.idx.msk [tilespmem:v51+s3+$0x0], $0xffff;
	v29 =	vor.u32 v0, v27  }
0x3e5: {  	v52 =	vor.u32 v50, v24;
	_ =	sdelay $0x3  }
0x3e6: {  	[tilespmem:v29+s21+$0x0] =	vst.idx.msk $0xffff, v28  }
0x3e7: {  	v29 =	vor.u32 v3, v27;
	v28 =	vld.idx.msk [tilespmem:v52+s3+$0x0], $0xffff  }
0x3e8: {  	v53 =	vor.u32 v50, v25;
	_ =	sdelay $0x3  }
0x3e9: {  	[tilespmem:v29+s21+$0x0] =	vst.idx.msk $0xffff, v28  }
0x3ea: {  	v29 =	vor.u32 v5, v27;
	v28 =	vld.idx.msk [tilespmem:v53+s3+$0x0], $0xffff  }
0x3eb: {  	v30 =	vor.u32 v50, v26;
	_ =	sdelay $0x3  }
0x3ec: {  	[tilespmem:v29+s21+$0x0] =	vst.idx.msk $0xffff, v28;
	v28 =	vor.u32 s26, v12  }
0x3ed: {  	v27 =	vor.u32 v7, v27;
	v29 =	vld.idx.msk [tilespmem:v30+s3+$0x0], $0xffff;
	v54 =	vand.u32 $0x7F, v28  }
0x3ee: {  	v55 =	vor.u32 v54, v23;
	_ =	sdelay $0x3  }
0x3ef: {  	[tilespmem:v27+s21+$0x0] =	vst.idx.msk $0xffff, v29;
	v27 =	vshll.u32 v28, $0x7  }
0x3f0: {  	v28 =	vld.idx.msk [tilespmem:v55+s3+$0x0], $0xffff;
	v29 =	vor.u32 v0, v27  }
0x3f1: {  	v56 =	vor.u32 v54, v24;
	_ =	sdelay $0x3  }
0x3f2: {  	[tilespmem:v29+s21+$0x0] =	vst.idx.msk $0xffff, v28  }
0x3f3: {  	v29 =	vor.u32 v3, v27;
	v28 =	vld.idx.msk [tilespmem:v56+s3+$0x0], $0xffff  }
0x3f4: {  	v57 =	vor.u32 v54, v25;
	_ =	sdelay $0x3  }
0x3f5: {  	[tilespmem:v29+s21+$0x0] =	vst.idx.msk $0xffff, v28  }
0x3f6: {  	v29 =	vor.u32 v5, v27;
	v28 =	vld.idx.msk [tilespmem:v57+s3+$0x0], $0xffff  }
0x3f7: {  	v30 =	vor.u32 v54, v26;
	_ =	sdelay $0x3  }
0x3f8: {  	[tilespmem:v29+s21+$0x0] =	vst.idx.msk $0xffff, v28;
	v28 =	vor.u32 s26, v14  }
0x3f9: {  	v27 =	vor.u32 v7, v27;
	v29 =	vld.idx.msk [tilespmem:v30+s3+$0x0], $0xffff;
	v58 =	vand.u32 $0x7F, v28  }
0x3fa: {  	v59 =	vor.u32 v58, v23;
	_ =	sdelay $0x3  }
0x3fb: {  	[tilespmem:v27+s21+$0x0] =	vst.idx.msk $0xffff, v29;
	v27 =	vshll.u32 v28, $0x7  }
0x3fc: {  	v28 =	vld.idx.msk [tilespmem:v59+s3+$0x0], $0xffff;
	v29 =	vor.u32 v0, v27  }
0x3fd: {  	v60 =	vor.u32 v58, v24;
	_ =	sdelay $0x3  }
0x3fe: {  	[tilespmem:v29+s21+$0x0] =	vst.idx.msk $0xffff, v28  }
0x3ff: {  	v29 =	vor.u32 v3, v27;
	v28 =	vld.idx.msk [tilespmem:v60+s3+$0x0], $0xffff  }
0x400: {  	v61 =	vor.u32 v58, v25;
	_ =	sdelay $0x3  }
0x401: {  	[tilespmem:v29+s21+$0x0] =	vst.idx.msk $0xffff, v28  }
0x402: {  	v29 =	vor.u32 v5, v27;
	v28 =	vld.idx.msk [tilespmem:v61+s3+$0x0], $0xffff  }
0x403: {  	v30 =	vor.u32 v58, v26;
	_ =	sdelay $0x3  }
0x404: {  	[tilespmem:v29+s21+$0x0] =	vst.idx.msk $0xffff, v28;
	v28 =	vor.u32 s26, v15  }
0x405: {  	v27 =	vor.u32 v7, v27;
	v29 =	vld.idx.msk [tilespmem:v30+s3+$0x0], $0xffff;
	v62 =	vand.u32 $0x7F, v28  }
0x406: {  	v63 =	vor.u32 v62, v23;
	_ =	sdelay $0x3  }
0x407: {  	[tilespmem:v27+s21+$0x0] =	vst.idx.msk $0xffff, v29;
	v27 =	vshll.u32 v28, $0x7  }
0x408: {  	v28 =	vld.idx.msk [tilespmem:v63+s3+$0x0], $0xffff;
	v29 =	vor.u32 v0, v27  }
0x409: {  	v33 =	vor.u32 v62, v24;
	_ =	sdelay $0x3  }
0x40a: {  	[tilespmem:v29+s21+$0x0] =	vst.idx.msk $0xffff, v28  }
0x40b: {  	v29 =	vor.u32 v3, v27;
	v28 =	vld.idx.msk [tilespmem:v33+s3+$0x0], $0xffff  }
0x40c: {  	v34 =	vor.u32 v62, v25;
	_ =	sdelay $0x3  }
0x40d: {  	[tilespmem:v29+s21+$0x0] =	vst.idx.msk $0xffff, v28  }
0x40e: {  	v29 =	vor.u32 v5, v27;
	v28 =	vld.idx.msk [tilespmem:v34+s3+$0x0], $0xffff  }
0x40f: {  	v30 =	vor.u32 v62, v26;
	_ =	sdelay $0x3  }
0x410: {  	[tilespmem:v29+s21+$0x0] =	vst.idx.msk $0xffff, v28;
	v28 =	vor.u32 s26, v13  }
0x411: {  	v27 =	vor.u32 v7, v27;
	v29 =	vld.idx.msk [tilespmem:v30+s3+$0x0], $0xffff;
	v35 =	vand.u32 $0x7F, v28  }
0x412: {  	v36 =	vor.u32 v35, v23;
	_ =	sdelay $0x3  }
0x413: {  	[tilespmem:v27+s21+$0x0] =	vst.idx.msk $0xffff, v29;
	v27 =	vshll.u32 v28, $0x7  }
0x414: {  	v28 =	vld.idx.msk [tilespmem:v36+s3+$0x0], $0xffff;
	v29 =	vor.u32 v0, v27  }
0x415: {  	v37 =	vor.u32 v35, v24;
	_ =	sdelay $0x3  }
0x416: {  	[tilespmem:v29+s21+$0x0] =	vst.idx.msk $0xffff, v28  }
0x417: {  	v29 =	vor.u32 v3, v27;
	v28 =	vld.idx.msk [tilespmem:v37+s3+$0x0], $0xffff  }
0x418: {  	v38 =	vor.u32 v35, v25;
	_ =	sdelay $0x3  }
0x419: {  	[tilespmem:v29+s21+$0x0] =	vst.idx.msk $0xffff, v28  }
0x41a: {  	v29 =	vor.u32 v5, v27;
	v28 =	vld.idx.msk [tilespmem:v38+s3+$0x0], $0xffff  }
0x41b: {  	v30 =	vor.u32 v35, v26;
	_ =	sdelay $0x3  }
0x41c: {  	[tilespmem:v29+s21+$0x0] =	vst.idx.msk $0xffff, v28;
	v28 =	vor.u32 s26, v16  }
0x41d: {  	v27 =	vor.u32 v7, v27;
	v29 =	vld.idx.msk [tilespmem:v30+s3+$0x0], $0xffff;
	v39 =	vand.u32 $0x7F, v28  }
0x41e: {  	v40 =	vor.u32 v39, v23;
	_ =	sdelay $0x3  }
0x41f: {  	[tilespmem:v27+s21+$0x0] =	vst.idx.msk $0xffff, v29;
	v27 =	vshll.u32 v28, $0x7  }
0x420: {  	v28 =	vld.idx.msk [tilespmem:v40+s3+$0x0], $0xffff;
	v29 =	vor.u32 v0, v27  }
0x421: {  	v41 =	vor.u32 v39, v24;
	_ =	sdelay $0x3  }
0x422: {  	[tilespmem:v29+s21+$0x0] =	vst.idx.msk $0xffff, v28  }
0x423: {  	v29 =	vor.u32 v3, v27;
	v28 =	vld.idx.msk [tilespmem:v41+s3+$0x0], $0xffff  }
0x424: {  	v42 =	vor.u32 v39, v25;
	_ =	sdelay $0x3  }
0x425: {  	[tilespmem:v29+s21+$0x0] =	vst.idx.msk $0xffff, v28  }
0x426: {  	v29 =	vor.u32 v5, v27;
	v28 =	vld.idx.msk [tilespmem:v42+s3+$0x0], $0xffff  }
0x427: {  	v30 =	vor.u32 v39, v26;
	_ =	sdelay $0x3  }
0x428: {  	[tilespmem:v29+s21+$0x0] =	vst.idx.msk $0xffff, v28;
	v28 =	vor.u32 s26, v17  }
0x429: {  	v27 =	vor.u32 v7, v27;
	v29 =	vld.idx.msk [tilespmem:v30+s3+$0x0], $0xffff;
	v43 =	vand.u32 $0x7F, v28  }
0x42a: {  	v44 =	vor.u32 v43, v23;
	_ =	sdelay $0x3  }
0x42b: {  	[tilespmem:v27+s21+$0x0] =	vst.idx.msk $0xffff, v29;
	v27 =	vshll.u32 v28, $0x7  }
0x42c: {  	v28 =	vld.idx.msk [tilespmem:v44+s3+$0x0], $0xffff;
	v29 =	vor.u32 v0, v27  }
0x42d: {  	v45 =	vor.u32 v43, v24;
	_ =	sdelay $0x3  }
0x42e: {  	[tilespmem:v29+s21+$0x0] =	vst.idx.msk $0xffff, v28  }
0x42f: {  	v29 =	vor.u32 v3, v27;
	v28 =	vld.idx.msk [tilespmem:v45+s3+$0x0], $0xffff  }
0x430: {  	v46 =	vor.u32 v43, v25;
	_ =	sdelay $0x3  }
0x431: {  	[tilespmem:v29+s21+$0x0] =	vst.idx.msk $0xffff, v28  }
0x432: {  	v29 =	vor.u32 v5, v27;
	v28 =	vld.idx.msk [tilespmem:v46+s3+$0x0], $0xffff  }
0x433: {  	v30 =	vor.u32 v43, v26;
	_ =	sdelay $0x3  }
0x434: {  	[tilespmem:v29+s21+$0x0] =	vst.idx.msk $0xffff, v28;
	v28 =	vor.u32 s26, v18  }
0x435: {  	v27 =	vor.u32 v7, v27;
	v29 =	vld.idx.msk [tilespmem:v30+s3+$0x0], $0xffff;
	v47 =	vand.u32 $0x7F, v28  }
0x436: {  	v48 =	vor.u32 v47, v23;
	_ =	sdelay $0x3  }
0x437: {  	[tilespmem:v27+s21+$0x0] =	vst.idx.msk $0xffff, v29;
	v27 =	vshll.u32 v28, $0x7  }
0x438: {  	v28 =	vld.idx.msk [tilespmem:v48+s3+$0x0], $0xffff;
	v29 =	vor.u32 v0, v27  }
0x439: {  	v49 =	vor.u32 v47, v24;
	_ =	sdelay $0x3  }
0x43a: {  	[tilespmem:v29+s21+$0x0] =	vst.idx.msk $0xffff, v28  }
0x43b: {  	v29 =	vor.u32 v3, v27;
	v28 =	vld.idx.msk [tilespmem:v49+s3+$0x0], $0xffff  }
0x43c: {  	v50 =	vor.u32 v47, v25;
	_ =	sdelay $0x3  }
0x43d: {  	[tilespmem:v29+s21+$0x0] =	vst.idx.msk $0xffff, v28  }
0x43e: {  	v29 =	vor.u32 v5, v27;
	v28 =	vld.idx.msk [tilespmem:v50+s3+$0x0], $0xffff  }
0x43f: {  	v30 =	vor.u32 v47, v26;
	_ =	sdelay $0x3  }
0x440: {  	[tilespmem:v29+s21+$0x0] =	vst.idx.msk $0xffff, v28;
	v28 =	vor.u32 s26, v19  }
0x441: {  	v27 =	vor.u32 v7, v27;
	v29 =	vld.idx.msk [tilespmem:v30+s3+$0x0], $0xffff;
	v51 =	vand.u32 $0x7F, v28  }
0x442: {  	v52 =	vor.u32 v51, v23;
	_ =	sdelay $0x3  }
0x443: {  	[tilespmem:v27+s21+$0x0] =	vst.idx.msk $0xffff, v29;
	v27 =	vshll.u32 v28, $0x7  }
0x444: {  	v28 =	vld.idx.msk [tilespmem:v52+s3+$0x0], $0xffff;
	v29 =	vor.u32 v0, v27  }
0x445: {  	v53 =	vor.u32 v51, v24;
	_ =	sdelay $0x3  }
0x446: {  	[tilespmem:v29+s21+$0x0] =	vst.idx.msk $0xffff, v28  }
0x447: {  	v29 =	vor.u32 v3, v27;
	v28 =	vld.idx.msk [tilespmem:v53+s3+$0x0], $0xffff  }
0x448: {  	v54 =	vor.u32 v51, v25;
	_ =	sdelay $0x3  }
0x449: {  	[tilespmem:v29+s21+$0x0] =	vst.idx.msk $0xffff, v28  }
0x44a: {  	v29 =	vor.u32 v5, v27;
	v28 =	vld.idx.msk [tilespmem:v54+s3+$0x0], $0xffff  }
0x44b: {  	v30 =	vor.u32 v51, v26;
	_ =	sdelay $0x3  }
0x44c: {  	[tilespmem:v29+s21+$0x0] =	vst.idx.msk $0xffff, v28;
	v28 =	vor.u32 s26, v20  }
0x44d: {  	v27 =	vor.u32 v7, v27;
	v29 =	vld.idx.msk [tilespmem:v30+s3+$0x0], $0xffff;
	v55 =	vand.u32 $0x7F, v28  }
0x44e: {  	v56 =	vor.u32 v55, v23;
	_ =	sdelay $0x3  }
0x44f: {  	[tilespmem:v27+s21+$0x0] =	vst.idx.msk $0xffff, v29;
	v27 =	vshll.u32 v28, $0x7  }
0x450: {  	v28 =	vld.idx.msk [tilespmem:v56+s3+$0x0], $0xffff;
	v29 =	vor.u32 v0, v27  }
0x451: {  	v57 =	vor.u32 v55, v24;
	_ =	sdelay $0x3  }
0x452: {  	[tilespmem:v29+s21+$0x0] =	vst.idx.msk $0xffff, v28  }
0x453: {  	v29 =	vor.u32 v3, v27;
	v28 =	vld.idx.msk [tilespmem:v57+s3+$0x0], $0xffff  }
0x454: {  	v58 =	vor.u32 v55, v25;
	_ =	sdelay $0x3  }
0x455: {  	[tilespmem:v29+s21+$0x0] =	vst.idx.msk $0xffff, v28  }
0x456: {  	v29 =	vor.u32 v5, v27;
	v28 =	vld.idx.msk [tilespmem:v58+s3+$0x0], $0xffff  }
0x457: {  	v30 =	vor.u32 v55, v26;
	_ =	sdelay $0x3  }
0x458: {  	[tilespmem:v29+s21+$0x0] =	vst.idx.msk $0xffff, v28;
	v28 =	vor.u32 s26, v21  }
0x459: {  	v27 =	vor.u32 v7, v27;
	v29 =	vld.idx.msk [tilespmem:v30+s3+$0x0], $0xffff;
	v59 =	vand.u32 $0x7F, v28  }
0x45a: {  	v60 =	vor.u32 v59, v23;
	_ =	sdelay $0x3  }
0x45b: {  	[tilespmem:v27+s21+$0x0] =	vst.idx.msk $0xffff, v29;
	v27 =	vshll.u32 v28, $0x7  }
0x45c: {  	v28 =	vld.idx.msk [tilespmem:v60+s3+$0x0], $0xffff;
	v29 =	vor.u32 v0, v27  }
0x45d: {  	v61 =	vor.u32 v59, v24;
	_ =	sdelay $0x3  }
0x45e: {  	[tilespmem:v29+s21+$0x0] =	vst.idx.msk $0xffff, v28  }
0x45f: {  	v29 =	vor.u32 v3, v27;
	v28 =	vld.idx.msk [tilespmem:v61+s3+$0x0], $0xffff  }
0x460: {  	v62 =	vor.u32 v59, v25;
	_ =	sdelay $0x3  }
0x461: {  	[tilespmem:v29+s21+$0x0] =	vst.idx.msk $0xffff, v28  }
0x462: {  	v29 =	vor.u32 v5, v27;
	v28 =	vld.idx.msk [tilespmem:v62+s3+$0x0], $0xffff  }
0x463: {  	v30 =	vor.u32 v59, v26;
	_ =	sdelay $0x3  }
0x464: {  	[tilespmem:v29+s21+$0x0] =	vst.idx.msk $0xffff, v28;
	v28 =	vor.u32 s26, v22  }
0x465: {  	v27 =	vor.u32 v7, v27;
	v29 =	vld.idx.msk [tilespmem:v30+s3+$0x0], $0xffff;
	v63 =	vand.u32 $0x7F, v28  }
0x466: {  	v23 =	vor.u32 v63, v23;
	_ =	sdelay $0x3  }
0x467: {  	[tilespmem:v27+s21+$0x0] =	vst.idx.msk $0xffff, v29;
	v27 =	vshll.u32 v28, $0x7  }
0x468: {  	v23 =	vld.idx.msk [tilespmem:v23+s3+$0x0], $0xffff;
	v28 =	vor.u32 v0, v27  }
0x469: {  	v24 =	vor.u32 v63, v24;
	_ =	sdelay $0x3  }
0x46a: {  	[tilespmem:v28+s21+$0x0] =	vst.idx.msk $0xffff, v23  }
0x46b: {  	v23 =	vld.idx.msk [tilespmem:v24+s3+$0x0], $0xffff;
	v24 =	vor.u32 v3, v27  }
0x46c: {  	v25 =	vor.u32 v63, v25;
	_ =	sdelay $0x3  }
0x46d: {  	[tilespmem:v24+s21+$0x0] =	vst.idx.msk $0xffff, v23  }
0x46e: {  	v24 =	vld.idx.msk [tilespmem:v25+s3+$0x0], $0xffff;
	v25 =	vor.u32 v5, v27  }
0x46f: {  	v23 =	vor.u32 v63, v26;
	_ =	sdelay $0x1  }
0x470: {  	s26 =	simm.s32 $0x10  }
0x471: {  	s28 =	simm.s32 $0x20;
	v26 =	vmov s26  }
.LBB2_4:
0x472: {  	p1 =	sne.s32 s28, $0xF0;
	v26 =	vshll.u32 v26, $0x3;
	[tilespmem:v25+s21+$0x0] =	vst.idx.msk $0xffff, v24  }
0x473: {  	v24 =	vor.u32 s26, v0;
	v26 =	vand.u32 $0x400, v26;
	v25 =	vld.idx.msk [tilespmem:v23+s3+$0x0], $0xffff  }
0x474: {  	v27 =	vor.u32 v7, v27;
	v28 =	vand.u32 $0x7F, v24;
	v23 =	vor.u32 v1, v26  }
0x475: {  	v29 =	vor.u32 v28, v23;
	_ =	sdelay $0x3  }
0x476: {  	[tilespmem:v27+s21+$0x0] =	vst.idx.msk $0xffff, v25  }
0x477: {  	v27 =	vshll.u32 v24, $0x7;
	v25 =	vld.idx.msk [tilespmem:v29+s3+$0x0], $0xffff  }
0x478: {  	v24 =	vor.u32 v2, v26;
	v29 =	vor.u32 v0, v27  }
0x479: {  	v30 =	vor.u32 v28, v24;
	_ =	sdelay $0x3  }
0x47a: {  	[tilespmem:v29+s21+$0x0] =	vst.idx.msk $0xffff, v25  }
0x47b: {  	v29 =	vld.idx.msk [tilespmem:v30+s3+$0x0], $0xffff  }
0x47c: {  	v25 =	vor.u32 v4, v26;
	v30 =	vor.u32 v3, v27  }
0x47d: {  	v31 =	vor.u32 v28, v25;
	_ =	sdelay $0x3  }
0x47e: {  	[tilespmem:v30+s21+$0x0] =	vst.idx.msk $0xffff, v29  }
0x47f: {  	v29 =	vld.idx.msk [tilespmem:v31+s3+$0x0], $0xffff  }
0x480: {  	v26 =	vor.u32 v6, v26;
	v30 =	vor.u32 v5, v27  }
0x481: {  	v28 =	vor.u32 v28, v26;
	_ =	sdelay $0x3  }
0x482: {  	[tilespmem:v30+s21+$0x0] =	vst.idx.msk $0xffff, v29  }
0x483: {  	v29 =	vor.u32 s26, v8;
	v28 =	vld.idx.msk [tilespmem:v28+s3+$0x0], $0xffff  }
0x484: {  	v27 =	vor.u32 v7, v27;
	v30 =	vand.u32 $0x7F, v29  }
0x485: {  	v31 =	vor.u32 v30, v23;
	_ =	sdelay $0x3  }
0x486: {  	[tilespmem:v27+s21+$0x0] =	vst.idx.msk $0xffff, v28  }
0x487: {  	v28 =	vshll.u32 v29, $0x7;
	v27 =	vld.idx.msk [tilespmem:v31+s3+$0x0], $0xffff  }
0x488: {  	v29 =	vor.u32 v0, v28  }
0x489: {  	v31 =	vor.u32 v30, v24;
	_ =	sdelay $0x3  }
0x48a: {  	[tilespmem:v29+s21+$0x0] =	vst.idx.msk $0xffff, v27  }
0x48b: {  	v27 =	vld.idx.msk [tilespmem:v31+s3+$0x0], $0xffff  }
0x48c: {  	v29 =	vor.u32 v3, v28  }
0x48d: {  	v31 =	vor.u32 v30, v25;
	_ =	sdelay $0x3  }
0x48e: {  	[tilespmem:v29+s21+$0x0] =	vst.idx.msk $0xffff, v27  }
0x48f: {  	v27 =	vld.idx.msk [tilespmem:v31+s3+$0x0], $0xffff  }
0x490: {  	v29 =	vor.u32 v5, v28  }
0x491: {  	v30 =	vor.u32 v30, v26;
	_ =	sdelay $0x3  }
0x492: {  	[tilespmem:v29+s21+$0x0] =	vst.idx.msk $0xffff, v27  }
0x493: {  	v29 =	vor.u32 s26, v9;
	v27 =	vld.idx.msk [tilespmem:v30+s3+$0x0], $0xffff  }
0x494: {  	v28 =	vor.u32 v7, v28;
	v30 =	vand.u32 $0x7F, v29  }
0x495: {  	v31 =	vor.u32 v30, v23;
	_ =	sdelay $0x3  }
0x496: {  	[tilespmem:v28+s21+$0x0] =	vst.idx.msk $0xffff, v27  }
0x497: {  	v28 =	vshll.u32 v29, $0x7;
	v27 =	vld.idx.msk [tilespmem:v31+s3+$0x0], $0xffff  }
0x498: {  	v29 =	vor.u32 v0, v28  }
0x499: {  	v31 =	vor.u32 v30, v24;
	_ =	sdelay $0x3  }
0x49a: {  	[tilespmem:v29+s21+$0x0] =	vst.idx.msk $0xffff, v27  }
0x49b: {  	v27 =	vld.idx.msk [tilespmem:v31+s3+$0x0], $0xffff  }
0x49c: {  	v29 =	vor.u32 v3, v28  }
0x49d: {  	v31 =	vor.u32 v30, v25;
	_ =	sdelay $0x3  }
0x49e: {  	[tilespmem:v29+s21+$0x0] =	vst.idx.msk $0xffff, v27  }
0x49f: {  	v27 =	vld.idx.msk [tilespmem:v31+s3+$0x0], $0xffff  }
0x4a0: {  	v29 =	vor.u32 v5, v28  }
0x4a1: {  	v30 =	vor.u32 v30, v26;
	_ =	sdelay $0x3  }
0x4a2: {  	[tilespmem:v29+s21+$0x0] =	vst.idx.msk $0xffff, v27  }
0x4a3: {  	v29 =	vor.u32 s26, v10;
	v27 =	vld.idx.msk [tilespmem:v30+s3+$0x0], $0xffff  }
0x4a4: {  	v28 =	vor.u32 v7, v28;
	v30 =	vand.u32 $0x7F, v29  }
0x4a5: {  	v31 =	vor.u32 v30, v23;
	_ =	sdelay $0x3  }
0x4a6: {  	[tilespmem:v28+s21+$0x0] =	vst.idx.msk $0xffff, v27  }
0x4a7: {  	v28 =	vshll.u32 v29, $0x7;
	v27 =	vld.idx.msk [tilespmem:v31+s3+$0x0], $0xffff  }
0x4a8: {  	v29 =	vor.u32 v0, v28  }
0x4a9: {  	v31 =	vor.u32 v30, v24;
	_ =	sdelay $0x3  }
0x4aa: {  	[tilespmem:v29+s21+$0x0] =	vst.idx.msk $0xffff, v27  }
0x4ab: {  	v27 =	vld.idx.msk [tilespmem:v31+s3+$0x0], $0xffff  }
0x4ac: {  	v29 =	vor.u32 v3, v28  }
0x4ad: {  	v31 =	vor.u32 v30, v25;
	_ =	sdelay $0x3  }
0x4ae: {  	[tilespmem:v29+s21+$0x0] =	vst.idx.msk $0xffff, v27  }
0x4af: {  	v27 =	vld.idx.msk [tilespmem:v31+s3+$0x0], $0xffff  }
0x4b0: {  	v29 =	vor.u32 v5, v28  }
0x4b1: {  	v30 =	vor.u32 v30, v26;
	_ =	sdelay $0x3  }
0x4b2: {  	[tilespmem:v29+s21+$0x0] =	vst.idx.msk $0xffff, v27  }
0x4b3: {  	v29 =	vor.u32 s26, v11;
	v27 =	vld.idx.msk [tilespmem:v30+s3+$0x0], $0xffff  }
0x4b4: {  	v28 =	vor.u32 v7, v28;
	v30 =	vand.u32 $0x7F, v29  }
0x4b5: {  	v31 =	vor.u32 v30, v23;
	_ =	sdelay $0x3  }
0x4b6: {  	[tilespmem:v28+s21+$0x0] =	vst.idx.msk $0xffff, v27  }
0x4b7: {  	v28 =	vshll.u32 v29, $0x7;
	v27 =	vld.idx.msk [tilespmem:v31+s3+$0x0], $0xffff  }
0x4b8: {  	v29 =	vor.u32 v0, v28  }
0x4b9: {  	v31 =	vor.u32 v30, v24;
	_ =	sdelay $0x3  }
0x4ba: {  	[tilespmem:v29+s21+$0x0] =	vst.idx.msk $0xffff, v27  }
0x4bb: {  	v27 =	vld.idx.msk [tilespmem:v31+s3+$0x0], $0xffff  }
0x4bc: {  	v29 =	vor.u32 v3, v28  }
0x4bd: {  	v31 =	vor.u32 v30, v25;
	_ =	sdelay $0x3  }
0x4be: {  	[tilespmem:v29+s21+$0x0] =	vst.idx.msk $0xffff, v27  }
0x4bf: {  	v27 =	vld.idx.msk [tilespmem:v31+s3+$0x0], $0xffff  }
0x4c0: {  	v29 =	vor.u32 v5, v28  }
0x4c1: {  	v30 =	vor.u32 v30, v26;
	_ =	sdelay $0x3  }
0x4c2: {  	[tilespmem:v29+s21+$0x0] =	vst.idx.msk $0xffff, v27  }
0x4c3: {  	v29 =	vor.u32 s26, v12;
	v27 =	vld.idx.msk [tilespmem:v30+s3+$0x0], $0xffff  }
0x4c4: {  	v28 =	vor.u32 v7, v28;
	v30 =	vand.u32 $0x7F, v29  }
0x4c5: {  	v31 =	vor.u32 v30, v23;
	_ =	sdelay $0x3  }
0x4c6: {  	[tilespmem:v28+s21+$0x0] =	vst.idx.msk $0xffff, v27  }
0x4c7: {  	v28 =	vshll.u32 v29, $0x7;
	v27 =	vld.idx.msk [tilespmem:v31+s3+$0x0], $0xffff  }
0x4c8: {  	v29 =	vor.u32 v0, v28  }
0x4c9: {  	v31 =	vor.u32 v30, v24;
	_ =	sdelay $0x3  }
0x4ca: {  	[tilespmem:v29+s21+$0x0] =	vst.idx.msk $0xffff, v27  }
0x4cb: {  	v27 =	vld.idx.msk [tilespmem:v31+s3+$0x0], $0xffff  }
0x4cc: {  	v29 =	vor.u32 v3, v28  }
0x4cd: {  	v31 =	vor.u32 v30, v25;
	_ =	sdelay $0x3  }
0x4ce: {  	[tilespmem:v29+s21+$0x0] =	vst.idx.msk $0xffff, v27  }
0x4cf: {  	v27 =	vld.idx.msk [tilespmem:v31+s3+$0x0], $0xffff  }
0x4d0: {  	v29 =	vor.u32 v5, v28  }
0x4d1: {  	v30 =	vor.u32 v30, v26;
	_ =	sdelay $0x3  }
0x4d2: {  	[tilespmem:v29+s21+$0x0] =	vst.idx.msk $0xffff, v27  }
0x4d3: {  	v29 =	vor.u32 s26, v14;
	v27 =	vld.idx.msk [tilespmem:v30+s3+$0x0], $0xffff  }
0x4d4: {  	v28 =	vor.u32 v7, v28;
	v30 =	vand.u32 $0x7F, v29  }
0x4d5: {  	v31 =	vor.u32 v30, v23;
	_ =	sdelay $0x3  }
0x4d6: {  	[tilespmem:v28+s21+$0x0] =	vst.idx.msk $0xffff, v27  }
0x4d7: {  	v28 =	vshll.u32 v29, $0x7;
	v27 =	vld.idx.msk [tilespmem:v31+s3+$0x0], $0xffff  }
0x4d8: {  	v29 =	vor.u32 v0, v28  }
0x4d9: {  	v31 =	vor.u32 v30, v24;
	_ =	sdelay $0x3  }
0x4da: {  	[tilespmem:v29+s21+$0x0] =	vst.idx.msk $0xffff, v27  }
0x4db: {  	v27 =	vld.idx.msk [tilespmem:v31+s3+$0x0], $0xffff  }
0x4dc: {  	v29 =	vor.u32 v3, v28  }
0x4dd: {  	v31 =	vor.u32 v30, v25;
	_ =	sdelay $0x3  }
0x4de: {  	[tilespmem:v29+s21+$0x0] =	vst.idx.msk $0xffff, v27  }
0x4df: {  	v27 =	vld.idx.msk [tilespmem:v31+s3+$0x0], $0xffff  }
0x4e0: {  	v29 =	vor.u32 v5, v28  }
0x4e1: {  	v30 =	vor.u32 v30, v26;
	_ =	sdelay $0x3  }
0x4e2: {  	[tilespmem:v29+s21+$0x0] =	vst.idx.msk $0xffff, v27  }
0x4e3: {  	v29 =	vor.u32 s26, v15;
	v27 =	vld.idx.msk [tilespmem:v30+s3+$0x0], $0xffff  }
0x4e4: {  	v28 =	vor.u32 v7, v28;
	v30 =	vand.u32 $0x7F, v29  }
0x4e5: {  	v31 =	vor.u32 v30, v23;
	_ =	sdelay $0x3  }
0x4e6: {  	[tilespmem:v28+s21+$0x0] =	vst.idx.msk $0xffff, v27  }
0x4e7: {  	v28 =	vshll.u32 v29, $0x7;
	v27 =	vld.idx.msk [tilespmem:v31+s3+$0x0], $0xffff  }
0x4e8: {  	v29 =	vor.u32 v0, v28  }
0x4e9: {  	v31 =	vor.u32 v30, v24;
	_ =	sdelay $0x3  }
0x4ea: {  	[tilespmem:v29+s21+$0x0] =	vst.idx.msk $0xffff, v27  }
0x4eb: {  	v27 =	vld.idx.msk [tilespmem:v31+s3+$0x0], $0xffff  }
0x4ec: {  	v29 =	vor.u32 v3, v28  }
0x4ed: {  	v31 =	vor.u32 v30, v25;
	_ =	sdelay $0x3  }
0x4ee: {  	[tilespmem:v29+s21+$0x0] =	vst.idx.msk $0xffff, v27  }
0x4ef: {  	v27 =	vld.idx.msk [tilespmem:v31+s3+$0x0], $0xffff  }
0x4f0: {  	v29 =	vor.u32 v5, v28  }
0x4f1: {  	v30 =	vor.u32 v30, v26;
	_ =	sdelay $0x3  }
0x4f2: {  	[tilespmem:v29+s21+$0x0] =	vst.idx.msk $0xffff, v27  }
0x4f3: {  	v29 =	vor.u32 s26, v13;
	v27 =	vld.idx.msk [tilespmem:v30+s3+$0x0], $0xffff  }
0x4f4: {  	v28 =	vor.u32 v7, v28;
	v30 =	vand.u32 $0x7F, v29  }
0x4f5: {  	v31 =	vor.u32 v30, v23;
	_ =	sdelay $0x3  }
0x4f6: {  	[tilespmem:v28+s21+$0x0] =	vst.idx.msk $0xffff, v27  }
0x4f7: {  	v28 =	vshll.u32 v29, $0x7;
	v27 =	vld.idx.msk [tilespmem:v31+s3+$0x0], $0xffff  }
0x4f8: {  	v29 =	vor.u32 v0, v28  }
0x4f9: {  	v31 =	vor.u32 v30, v24;
	_ =	sdelay $0x3  }
0x4fa: {  	[tilespmem:v29+s21+$0x0] =	vst.idx.msk $0xffff, v27  }
0x4fb: {  	v27 =	vld.idx.msk [tilespmem:v31+s3+$0x0], $0xffff  }
0x4fc: {  	v29 =	vor.u32 v3, v28  }
0x4fd: {  	v31 =	vor.u32 v30, v25;
	_ =	sdelay $0x3  }
0x4fe: {  	[tilespmem:v29+s21+$0x0] =	vst.idx.msk $0xffff, v27  }
0x4ff: {  	v27 =	vld.idx.msk [tilespmem:v31+s3+$0x0], $0xffff  }
0x500: {  	v29 =	vor.u32 v5, v28  }
0x501: {  	v30 =	vor.u32 v30, v26;
	_ =	sdelay $0x3  }
0x502: {  	[tilespmem:v29+s21+$0x0] =	vst.idx.msk $0xffff, v27  }
0x503: {  	v29 =	vor.u32 s26, v16;
	v27 =	vld.idx.msk [tilespmem:v30+s3+$0x0], $0xffff  }
0x504: {  	v28 =	vor.u32 v7, v28;
	v30 =	vand.u32 $0x7F, v29  }
0x505: {  	v31 =	vor.u32 v30, v23;
	_ =	sdelay $0x3  }
0x506: {  	[tilespmem:v28+s21+$0x0] =	vst.idx.msk $0xffff, v27  }
0x507: {  	v28 =	vshll.u32 v29, $0x7;
	v27 =	vld.idx.msk [tilespmem:v31+s3+$0x0], $0xffff  }
0x508: {  	v29 =	vor.u32 v0, v28  }
0x509: {  	v31 =	vor.u32 v30, v24;
	_ =	sdelay $0x3  }
0x50a: {  	[tilespmem:v29+s21+$0x0] =	vst.idx.msk $0xffff, v27  }
0x50b: {  	v27 =	vld.idx.msk [tilespmem:v31+s3+$0x0], $0xffff  }
0x50c: {  	v29 =	vor.u32 v3, v28  }
0x50d: {  	v31 =	vor.u32 v30, v25;
	_ =	sdelay $0x3  }
0x50e: {  	[tilespmem:v29+s21+$0x0] =	vst.idx.msk $0xffff, v27  }
0x50f: {  	v27 =	vld.idx.msk [tilespmem:v31+s3+$0x0], $0xffff  }
0x510: {  	v29 =	vor.u32 v5, v28  }
0x511: {  	v30 =	vor.u32 v30, v26;
	_ =	sdelay $0x3  }
0x512: {  	[tilespmem:v29+s21+$0x0] =	vst.idx.msk $0xffff, v27  }
0x513: {  	v29 =	vor.u32 s26, v17;
	v27 =	vld.idx.msk [tilespmem:v30+s3+$0x0], $0xffff  }
0x514: {  	v28 =	vor.u32 v7, v28;
	v30 =	vand.u32 $0x7F, v29  }
0x515: {  	v31 =	vor.u32 v30, v23;
	_ =	sdelay $0x3  }
0x516: {  	[tilespmem:v28+s21+$0x0] =	vst.idx.msk $0xffff, v27  }
0x517: {  	v28 =	vshll.u32 v29, $0x7;
	v27 =	vld.idx.msk [tilespmem:v31+s3+$0x0], $0xffff  }
0x518: {  	v29 =	vor.u32 v0, v28  }
0x519: {  	v31 =	vor.u32 v30, v24;
	_ =	sdelay $0x3  }
0x51a: {  	[tilespmem:v29+s21+$0x0] =	vst.idx.msk $0xffff, v27  }
0x51b: {  	v27 =	vld.idx.msk [tilespmem:v31+s3+$0x0], $0xffff  }
0x51c: {  	v29 =	vor.u32 v3, v28  }
0x51d: {  	v31 =	vor.u32 v30, v25;
	_ =	sdelay $0x3  }
0x51e: {  	[tilespmem:v29+s21+$0x0] =	vst.idx.msk $0xffff, v27  }
0x51f: {  	v27 =	vld.idx.msk [tilespmem:v31+s3+$0x0], $0xffff  }
0x520: {  	v29 =	vor.u32 v5, v28  }
0x521: {  	v30 =	vor.u32 v30, v26;
	_ =	sdelay $0x3  }
0x522: {  	[tilespmem:v29+s21+$0x0] =	vst.idx.msk $0xffff, v27  }
0x523: {  	v29 =	vor.u32 s26, v18;
	v27 =	vld.idx.msk [tilespmem:v30+s3+$0x0], $0xffff  }
0x524: {  	v28 =	vor.u32 v7, v28;
	v30 =	vand.u32 $0x7F, v29  }
0x525: {  	v31 =	vor.u32 v30, v23;
	_ =	sdelay $0x3  }
0x526: {  	[tilespmem:v28+s21+$0x0] =	vst.idx.msk $0xffff, v27  }
0x527: {  	v28 =	vshll.u32 v29, $0x7;
	v27 =	vld.idx.msk [tilespmem:v31+s3+$0x0], $0xffff  }
0x528: {  	v29 =	vor.u32 v0, v28  }
0x529: {  	v31 =	vor.u32 v30, v24;
	_ =	sdelay $0x3  }
0x52a: {  	[tilespmem:v29+s21+$0x0] =	vst.idx.msk $0xffff, v27  }
0x52b: {  	v27 =	vld.idx.msk [tilespmem:v31+s3+$0x0], $0xffff  }
0x52c: {  	v29 =	vor.u32 v3, v28  }
0x52d: {  	v31 =	vor.u32 v30, v25;
	_ =	sdelay $0x3  }
0x52e: {  	[tilespmem:v29+s21+$0x0] =	vst.idx.msk $0xffff, v27  }
0x52f: {  	v27 =	vld.idx.msk [tilespmem:v31+s3+$0x0], $0xffff  }
0x530: {  	v29 =	vor.u32 v5, v28  }
0x531: {  	v30 =	vor.u32 v30, v26;
	_ =	sdelay $0x3  }
0x532: {  	[tilespmem:v29+s21+$0x0] =	vst.idx.msk $0xffff, v27  }
0x533: {  	v29 =	vor.u32 s26, v19;
	v27 =	vld.idx.msk [tilespmem:v30+s3+$0x0], $0xffff  }
0x534: {  	v28 =	vor.u32 v7, v28;
	v30 =	vand.u32 $0x7F, v29  }
0x535: {  	v31 =	vor.u32 v30, v23;
	_ =	sdelay $0x3  }
0x536: {  	[tilespmem:v28+s21+$0x0] =	vst.idx.msk $0xffff, v27  }
0x537: {  	v28 =	vshll.u32 v29, $0x7;
	v27 =	vld.idx.msk [tilespmem:v31+s3+$0x0], $0xffff  }
0x538: {  	v29 =	vor.u32 v0, v28  }
0x539: {  	v31 =	vor.u32 v30, v24;
	_ =	sdelay $0x3  }
0x53a: {  	[tilespmem:v29+s21+$0x0] =	vst.idx.msk $0xffff, v27  }
0x53b: {  	v27 =	vld.idx.msk [tilespmem:v31+s3+$0x0], $0xffff  }
0x53c: {  	v29 =	vor.u32 v3, v28  }
0x53d: {  	v31 =	vor.u32 v30, v25;
	_ =	sdelay $0x3  }
0x53e: {  	[tilespmem:v29+s21+$0x0] =	vst.idx.msk $0xffff, v27  }
0x53f: {  	v27 =	vld.idx.msk [tilespmem:v31+s3+$0x0], $0xffff  }
0x540: {  	v29 =	vor.u32 v5, v28  }
0x541: {  	v30 =	vor.u32 v30, v26;
	_ =	sdelay $0x3  }
0x542: {  	[tilespmem:v29+s21+$0x0] =	vst.idx.msk $0xffff, v27  }
0x543: {  	v29 =	vor.u32 s26, v20;
	v27 =	vld.idx.msk [tilespmem:v30+s3+$0x0], $0xffff  }
0x544: {  	v28 =	vor.u32 v7, v28;
	v30 =	vand.u32 $0x7F, v29  }
0x545: {  	v31 =	vor.u32 v30, v23;
	_ =	sdelay $0x3  }
0x546: {  	[tilespmem:v28+s21+$0x0] =	vst.idx.msk $0xffff, v27  }
0x547: {  	v28 =	vshll.u32 v29, $0x7;
	v27 =	vld.idx.msk [tilespmem:v31+s3+$0x0], $0xffff  }
0x548: {  	v29 =	vor.u32 v0, v28  }
0x549: {  	v31 =	vor.u32 v30, v24;
	_ =	sdelay $0x3  }
0x54a: {  	[tilespmem:v29+s21+$0x0] =	vst.idx.msk $0xffff, v27  }
0x54b: {  	v27 =	vld.idx.msk [tilespmem:v31+s3+$0x0], $0xffff  }
0x54c: {  	v29 =	vor.u32 v3, v28  }
0x54d: {  	v31 =	vor.u32 v30, v25;
	_ =	sdelay $0x3  }
0x54e: {  	[tilespmem:v29+s21+$0x0] =	vst.idx.msk $0xffff, v27  }
0x54f: {  	v27 =	vld.idx.msk [tilespmem:v31+s3+$0x0], $0xffff  }
0x550: {  	v29 =	vor.u32 v5, v28  }
0x551: {  	v30 =	vor.u32 v30, v26;
	_ =	sdelay $0x3  }
0x552: {  	[tilespmem:v29+s21+$0x0] =	vst.idx.msk $0xffff, v27  }
0x553: {  	v29 =	vor.u32 s26, v21;
	v27 =	vld.idx.msk [tilespmem:v30+s3+$0x0], $0xffff  }
0x554: {  	v28 =	vor.u32 v7, v28;
	v30 =	vand.u32 $0x7F, v29  }
0x555: {  	v31 =	vor.u32 v30, v23;
	_ =	sdelay $0x3  }
0x556: {  	[tilespmem:v28+s21+$0x0] =	vst.idx.msk $0xffff, v27  }
0x557: {  	v28 =	vshll.u32 v29, $0x7;
	v27 =	vld.idx.msk [tilespmem:v31+s3+$0x0], $0xffff  }
0x558: {  	v29 =	vor.u32 v0, v28  }
0x559: {  	v31 =	vor.u32 v30, v24;
	_ =	sdelay $0x3  }
0x55a: {  	[tilespmem:v29+s21+$0x0] =	vst.idx.msk $0xffff, v27  }
0x55b: {  	v27 =	vld.idx.msk [tilespmem:v31+s3+$0x0], $0xffff  }
0x55c: {  	v29 =	vor.u32 v3, v28  }
0x55d: {  	v31 =	vor.u32 v30, v25;
	_ =	sdelay $0x3  }
0x55e: {  	[tilespmem:v29+s21+$0x0] =	vst.idx.msk $0xffff, v27  }
0x55f: {  	v27 =	vld.idx.msk [tilespmem:v31+s3+$0x0], $0xffff  }
0x560: {  	v29 =	vor.u32 v5, v28  }
0x561: {  	v30 =	vor.u32 v30, v26;
	_ =	sdelay $0x3  }
0x562: {  	[tilespmem:v29+s21+$0x0] =	vst.idx.msk $0xffff, v27  }
0x563: {  	v29 =	vor.u32 s26, v22;
	s26 =	smov.u32 s28;
	v27 =	vld.idx.msk [tilespmem:v30+s3+$0x0], $0xffff  }
0x564: {  	v28 =	vor.u32 v7, v28;
	v30 =	vand.u32 $0x7F, v29  }
0x565: {  	v23 =	vor.u32 v30, v23;
	_ =	sdelay $0x3  }
0x566: {  	[tilespmem:v28+s21+$0x0] =	vst.idx.msk $0xffff, v27  }
0x567: {  	v27 =	vshll.u32 v29, $0x7;
	v23 =	vld.idx.msk [tilespmem:v23+s3+$0x0], $0xffff  }
0x568: {  	v28 =	vor.u32 v0, v27  }
0x569: {  	v24 =	vor.u32 v30, v24;
	_ =	sdelay $0x3  }
0x56a: {  	[tilespmem:v28+s21+$0x0] =	vst.idx.msk $0xffff, v23  }
0x56b: {  	v23 =	vld.idx.msk [tilespmem:v24+s3+$0x0], $0xffff  }
0x56c: {  	v24 =	vor.u32 v3, v27  }
0x56d: {  	v25 =	vor.u32 v30, v25;
	_ =	sdelay $0x3  }
0x56e: {  	[tilespmem:v24+s21+$0x0] =	vst.idx.msk $0xffff, v23  }
0x56f: {  	v24 =	vld.idx.msk [tilespmem:v25+s3+$0x0], $0xffff  }
.Ltmp7:
0x570: {  	v25 =	vor.u32 v5, v27;
	(pc) =	sbr.rel @p1 .LBB2_4-.Ltmp7, $2  }
0x571: {  	v23 =	vor.u32 v30, v26;
	_ =	sdelay $0x2  }
0x572: {  	s28 =	sadd.s32 $0x10, s28;
	v26 =	vmov s26  }
.Ltmp8:
0x573: {  	_ = 	snop;
	(pc) =	sbr.rel .LBB2_5-.Ltmp8, $1  }
0x574: {  	_ =	sdelay $0x3  }
.LBB2_10:
0x575: {  	_ =	swait.ge [sflag:s17], $0x8000  }
.Ltmp9:
0x576: {  	[sflag:s17] =	ssyncset.done $0x0;
	(pc) =	sbr.rel @p0 .LBB2_14-.Ltmp9, $4  }
0x577: {  	[sflag:s17] =	ssyncadd.s32 $0xFFFF8000  }
0x578: {  	_ =	swait.ge [sflag:s18], $0x8000  }
0x579: {  	[sflag:s18] =	ssyncset.done $0x0  }
0x57a: {  	[sflag:s18] =	ssyncadd.s32 $0xFFFF8000  }
0x57b: {  	s24 =	simm.s32 $0x0  }
0x57c: {  	[tilespmem:s19], [sflag:$0x5] =	stream.linear.gather [hbm4b:s4+s24], $0x2000, $0x38;
	[tilespmem:$0x1A000] =	vst v63  }
0x57d: {  	_ =	swait.ge [sflag:s20], $0x2000  }
0x57e: {  	[sflag:s20] =	ssyncset.done $0x0  }
0x57f: {  	s24 =	simm.s32 $0x0;
	[sflag:s20] =	ssyncadd.s32 $0xFFFFE000  }
0x580: {  	v23 =	vld [tilespmem:s24+$0x18030]  }
0x581: {  	v24 =	vld [tilespmem:s24+$0x18000]  }
0x582: {  	v25 =	vld [tilespmem:s24+$0x18010]  }
0x583: {  	s25 =	simm.s32 $0x200;
	v26 =	vld [tilespmem:s24+$0x18020]  }
.LBB2_12:
0x584: {  	p1 =	sne.s32 s25, $0x7E00  }
.Ltmp10:
0x585: {  	s26 =	sshra.s32 s25, $0x2;
	s25 =	sadd.s32 $0x200, s25;
	[tilespmem:s24+$0x8030] =	vst v23;
	(pc) =	sbr.rel @p1 .LBB2_12-.Ltmp10, $4  }
0x586: {  	v23 =	vld [tilespmem:s26+$0x18030];
	[tilespmem:s24+$0x8000] =	vst v24  }
0x587: {  	v24 =	vld [tilespmem:s26+$0x18000];
	[tilespmem:s24+$0x8010] =	vst v25  }
0x588: {  	v25 =	vld [tilespmem:s26+$0x18010];
	[tilespmem:s24+$0x8020] =	vst v26;
	s24 =	smov.u32 s26  }
0x589: {  	v26 =	vld [tilespmem:s24+$0x18020]  }
0x58a: {  	_ = 	snop  }
0x58b: {  	[tilespmem:s24+$0x8030] =	vst v23  }
0x58c: {  	[tilespmem:s24+$0x8000] =	vst v24  }
0x58d: {  	[tilespmem:s24+$0x8010] =	vst v25  }
.Ltmp11:
0x58e: {  	[tilespmem:s24+$0x8020] =	vst v26;
	(pc) =	sbr.rel .LBB2_14-.Ltmp11, $4  }
0x58f: {  	[hbm4b:s10+s3] =	stream.linear.scatter [tilespmem:s21], [sflag:$0x5], $0x2000, $0x38;
	[tilespmem:$0x1A000] =	vst v63  }
0x590: {  	_ =	swait.ge [sflag:s20], $0x2000  }
0x591: {  	[sflag:s20] =	ssyncset.done $0x0  }
0x592: {  	[sflag:s20] =	ssyncadd.s32 $0xFFFFE000  }
.LBB2_15:
0x593: {  	_ =	sfence.sel $0x180000  }
0x594: {  	[bflag:$0x0] =	sbarrier.arrive $0xFFFF  }
0x595: {  	p0 =	sne.s32 s1, $0x0;
	_ =	strace $0x90000047  }
0x596: {  	s0 =	sadd.s32 @!p0 $0x100000, s2;
	[bflag:$0x2] =	sbarrier.arrive $0xFFFF  }
0x597: {  	[sflag:s0] =	ssyncadd.tile.s32 @!p0 $0x1;
	_ =	shalt  }
.Lfunc_end2:
_tile_overlayer_lowered:
.L_overlay_start_2:
0x598: {  	(tag) =	ssettag $0x2  }
0x599: {  	s0 =	rddreg [dreg:$0x0];
	s2 =	stileid.u32  }
0x59a: {  	s1 =	rddreg [dreg:$0x1];
	p0 =	sne.s32 s2, $0x0  }
0x59b: {  	s3 =	rddreg [dreg:$0x2];
	[bflag:$0x3] =	sbarrier.arrive $0xFFFF;
	s2 =	simm.s32 @!p0 $0x1C05  }
0x59c: {  	[timem:s3], [sflag:s2] =	dma.local @!p0 [hbm:s0], s1  }
0x59d: {  	s0 =	simm.s32 @!p0 $0x5  }
0x59e: {  	_ =	swait.ge @!p0 [sflag:s0], s1  }
0x59f: {  	s1 =	ssub.s32 @!p0 $0x0, s1;
	[sflag:s0] =	ssyncset.done @!p0 $0x0  }
0x5a0: {  	[sflag:s0] =	ssyncadd.s32 @!p0 s1  }
0x5a1: {  	[bflag:$0x3] =	sbarrier.arrive $0xFFFF  }
0x5a2: {  	_ =	shalt  }

// kernel: kernel.7.cloned.1.call-start
scs
__scs_entry_jumppad:
0x0: {  	(pc) =	sbr.rel $0x88, $3  }
0x1: {  	(tag) =	ssettag $0x0;
	lr =	simm.s32 $0x1  }
0x2: {  	[smem:$0x3F9F] =	sst lr;
	_ =	strace $0xD0000000  }
0x3: {  	_ = 	snop  }
0x4: {  	_ = 	snop  }
0x5: {  	_ = 	snop  }
0x6: {  	_ = 	snop  }
0x7: {  	_ = 	snop  }
__scs_overlays_trampoline_lowered:
0x8: {  	[smem:$0x3FAE] =	sst s0  }
0x9: {  	[smem:$0x3FAF] =	sst s1  }
0xa: {  	[smem:$0x3FB0] =	sst s2  }
0xb: {  	[smem:$0x3FB1] =	sst s3  }
0xc: {  	[smem:$0x3FB2] =	sst s4  }
0xd: {  	[smem:$0x3FB3] =	sst s5  }
0xe: {  	[smem:$0x3FB4] =	sst s6  }
0xf: {  	[smem:$0x3FB5] =	sst s7  }
0x10: {  	[smem:$0x3FB6] =	sst s8  }
0x11: {  	[smem:$0x3FB7] =	sst s9;
	s0 =	simm.s32 @!p0 $0x0  }
0x12: {  	s1 =	sld [smem:$0x3F9D];
	s0 =	simm.s32 @p0 $0x1  }
0x13: {  	[smem:$0x3FB8] =	sst s0;
	s0 =	simm.s32 @!p1 $0x0  }
0x14: {  	s2 =	sld [smem:$0x3F9C];
	s0 =	simm.s32 @p1 $0x1  }
0x15: {  	[smem:$0x3FB9] =	sst s0;
	s0 =	simm.s32 @!p2 $0x0  }
0x16: {  	s3 =	sld [smem:$0x3FDB];
	s0 =	simm.s32 @p2 $0x1  }
0x17: {  	s4 =	simm.s32 $0x1BF5;
	[smem:$0x3FBB] =	sst s0  }
0x18: {  	s0 =	sld [smem:$0x3F9E];
	_ =	swait.ge [sflag:s4], $0x0  }
0x19: {  	s7 =	sld [smem:$0x3F9F]  }
0x1a: {  	s8 =	sadd.s32 $0xFFFFE003, lr  }
0x1b: {  	s9 =	sadd.s32 $0xFFFFFEF7, lr;
	s5 =	simm.s32 $0xFFFFFFFF;
	p2 =	slt.u32 s8, $0xFFFFF086  }
0x1c: {  	p1 =	slt.u32 s9, $0xF7A;
	s5 =	simm.s32 @!p2 $0x0  }
0x1d: {  	s5 =	simm.s32 @p1 $0x1;
	p0 =	seq.s32 s7, s2  }
0x1e: {  	s7 =	smul.u32 @!p0 $0xF7A, s2;
	p2 =	seq.s32 @!p0 s5, $0x0  }
0x1f: {  	s9 =	smul.u32 $0xF7A, s1;
	s8 =	simm.s32 @!p0 $0x1BF5;
	p2 =	por !p2, p0  }
0x20: {  	[sflag:s8] =	ssyncset.s32 @!p0 $0xFFFFF086;
	s6 =	sadd.s32 @!p0 s3, s7;
	s7 =	simm.s32 @!p0 $0x108  }
0x21: {  	s3 =	sadd.s32 s3, s9;
	s6 =	sadd.s32 @!p0 $0x88, s6;
	s7 =	simm.s32 @p2 $0x1082  }
0x22: {  	[simem:s7], [sflag:s8] =	dma.local @!p0 [hbm:s6], $0xF7A  }
0x23: {  	s9 =	sor.u32 $0xD0000000, s2;
	s6 =	simm.s32 $0x108;
	_ =	swait.ge @!p0 [sflag:s8], $0x0  }
0x24: {  	s3 =	sadd.s32 $0x88, s3;
	s6 =	simm.s32 @!p1 $0x1082;
	[sflag:s4] =	ssyncset.s32 $0xFFFFF086  }
0x25: {  	[simem:s6], [sflag:s4] =	dma.local [hbm:s3], $0xF7A  }
0x26: {  	[smem:$0x3F9F] =	sst s1;
	(tag) =	ssettag s2;
	_ =	strace s9  }
0x27: {  	s1 =	sld [smem:$0x3FAF]  }
0x28: {  	s2 =	sld [smem:$0x3FB0]  }
0x29: {  	s4 =	sld [smem:$0x3FB2]  }
0x2a: {  	p0 =	seq.s32 s5, $0x0;
	s5 =	sld [smem:$0x3FB3]  }
0x2b: {  	s6 =	sld [smem:$0x3FB4]  }
0x2c: {  	s7 =	sld [smem:$0x3FB5]  }
0x2d: {  	s3 =	simm.s32 $0x108;
	s8 =	sld [smem:$0x3FB6]  }
0x2e: {  	s3 =	simm.s32 @!p0 $0x1082;
	s9 =	sld [smem:$0x3FB7]  }
0x2f: {  	lr =	sadd.s32 s0, s3;
	s0 =	sld [smem:$0x3FAE]  }
0x30: {  	s3 =	sld [smem:$0x3FB1]  }
0x31: {  	[smem:$0x3FBA] =	sst s10  }
0x32: {  	s10 =	sld [smem:$0x3FB8];
	_ =	sdelay $0x3  }
0x33: {  	p0 =	seq.s32 s10, $0x1;
	s10 =	sld [smem:$0x3FBA];
	_ =	sdelay $0x3  }
0x34: {  	[smem:$0x3FBA] =	sst s10  }
0x35: {  	s10 =	sld [smem:$0x3FB9];
	_ =	sdelay $0x3  }
0x36: {  	p1 =	seq.s32 s10, $0x1;
	s10 =	sld [smem:$0x3FBA];
	_ =	sdelay $0x3  }
0x37: {  	[smem:$0x3FBA] =	sst s10  }
0x38: {  	s10 =	sld [smem:$0x3FBB]  }
0x39: {  	_ = 	snop;
	(pc) =	sbr.ind lr, $3  }
0x3a: {  	_ = 	snop  }
0x3b: {  	_ = 	snop  }
0x3c: {  	p2 =	seq.s32 s10, $0x1;
	s10 =	sld [smem:$0x3FBA]  }
0x3d: {  	_ =	shalt  }
0x3e: {  	_ =	shalt  }
0x3f: {  	_ =	shalt  }
0x40: {  	_ =	shalt  }
0x41: {  	_ =	shalt  }
0x42: {  	_ =	shalt  }
0x43: {  	_ =	shalt  }
0x44: {  	_ =	shalt  }
0x45: {  	_ =	shalt  }
0x46: {  	_ =	shalt  }
0x47: {  	_ =	shalt  }
0x48: {  	_ =	shalt  }
0x49: {  	_ =	shalt  }
0x4a: {  	_ =	shalt  }
0x4b: {  	_ =	shalt  }
0x4c: {  	_ =	shalt  }
0x4d: {  	_ =	shalt  }
0x4e: {  	_ =	shalt  }
0x4f: {  	_ =	shalt  }
0x50: {  	_ =	shalt  }
0x51: {  	_ =	shalt  }
0x52: {  	_ =	shalt  }
0x53: {  	_ =	shalt  }
0x54: {  	_ =	shalt  }
0x55: {  	_ =	shalt  }
0x56: {  	_ =	shalt  }
0x57: {  	_ =	shalt  }
0x58: {  	_ =	shalt  }
0x59: {  	_ =	shalt  }
0x5a: {  	_ =	shalt  }
0x5b: {  	_ =	shalt  }
0x5c: {  	_ =	shalt  }
0x5d: {  	_ =	shalt  }
0x5e: {  	_ =	shalt  }
0x5f: {  	_ =	shalt  }
0x60: {  	_ =	shalt  }
0x61: {  	_ =	shalt  }
0x62: {  	_ =	shalt  }
0x63: {  	_ =	shalt  }
0x64: {  	_ =	shalt  }
0x65: {  	_ =	shalt  }
0x66: {  	_ =	shalt  }
0x67: {  	_ =	shalt  }
0x68: {  	_ =	shalt  }
0x69: {  	_ =	shalt  }
0x6a: {  	_ =	shalt  }
0x6b: {  	_ =	shalt  }
0x6c: {  	_ =	shalt  }
0x6d: {  	_ =	shalt  }
0x6e: {  	_ =	shalt  }
0x6f: {  	_ =	shalt  }
0x70: {  	_ =	shalt  }
0x71: {  	_ =	shalt  }
0x72: {  	_ =	shalt  }
0x73: {  	_ =	shalt  }
0x74: {  	_ =	shalt  }
0x75: {  	_ =	shalt  }
0x76: {  	_ =	shalt  }
0x77: {  	_ =	shalt  }
0x78: {  	_ =	shalt  }
0x79: {  	_ =	shalt  }
0x7a: {  	_ =	shalt  }
0x7b: {  	_ =	shalt  }
0x7c: {  	_ =	shalt  }
0x7d: {  	_ =	shalt  }
0x7e: {  	_ =	shalt  }
0x7f: {  	_ =	shalt  }
0x80: {  	_ =	shalt  }
0x81: {  	_ =	shalt  }
0x82: {  	_ =	shalt  }
0x83: {  	_ =	shalt  }
0x84: {  	_ =	shalt  }
0x85: {  	_ =	shalt  }
0x86: {  	_ =	shalt  }
0x87: {  	_ =	shalt  }
.Lfunc_end0:
.L_simem_size_0:
called_computation.2_lowered:
.L_overlay_start_0:
0x88: {  	s2 =	sld [smem:$0x3FD9]  }
0x89: {  	s3 =	sld [smem:$0x3FFE];
	_ =	sdelay $0x1  }
0x8a: {  	s1 =	srdreg.scid  }
0x8b: {  	s0 =	sand.u32 $0x1, s1  }
0x8c: {  	s17 =	sshll.u32 s0, $0xA;
	s2 =	sadd.s32 s3, s2  }
0x8d: {  	s2 =	sadd.s32 s2, s17  }
0x8e: {  	[smem:$0x3FC6] =	sst s2  }
0x8f: {  	_ = 	snop  }
0x90: {  	s2 =	sld [smem:$0x3FD0];
	(tm) =	ssettm $0x1  }
0x91: {  	s18 =	sld [smem:$0x3FFB];
	_ =	sdelay $0x3  }
0x92: {  	_ =	strace s18  }
0x93: {  	s3 =	sld [smem:$0x3FFC];
	_ =	sdelay $0x3  }
0x94: {  	_ =	strace s3  }
0x95: {  	s3 =	sld [smem:$0x3FFD];
	_ =	sdelay $0x3  }
0x96: {  	_ =	strace s3  }
0x97: {  	_ =	strace $0x8FFFFFFF  }
0x98: {  	s19 =	sld [smem:$0x3FDB];
	_ =	sdelay $0x1  }
0x99: {  	s4 =	simm.s32 $_scs_section_size  }
0x9a: {  	s5 =	simm.s32 $_size__tile_overlayer_lowered;
	s6 =	simm.s32 $_tile_overlayer_lowered  }
0x9b: {  	s22 =	simm.s32 $0x1BFF;
	s21 =	sshll.u32 s6, $0x1;
	s3 =	sadd.s32 s4, s19  }
0x9c: {  	s7 =	simm.s32 $0x0;
	s20 =	sshll.u32 s5, $0x1;
	s5 =	sadd.s32 s21, s3  }
0x9d: {  	[timem:s7], [sflag:s22] =	dma.local [hbm:s5], s20  }
0x9e: {  	_ =	swait.ge [sflag:s22], s20  }
0x9f: {  	s4 =	ssub.s32 $0x0, s20;
	[sflag:s22] =	ssyncset.done $0x0  }
0xa0: {  	[sflag:s22] =	ssyncadd.s32 s4;
	_ =	sdelay $0x1  }
0xa1: {  	s23 =	simm.s32 $0x1B8B  }
0xa2: {  	_ =	swait.ge [sflag:s23], $0x1  }
0xa3: {  	[sflag:s23] =	ssyncset.done $0x0  }
0xa4: {  	s25 =	simm.s32 $0x1B8E;
	s24 =	sld [smem:$0x3FFE];
	[sflag:s23] =	ssyncadd.s32 $0xFFFFFFFF  }
0xa5: {  	s26 =	simm.s32 $execute0_lowered;
	[smem:$0x3FD2] =	sst s25  }
0xa6: {  	s5 =	sshll.u32 s26, $0x1;
	_ =	strace $0x80000049;
	[dreg:$0x1] =	wrdreg $0xFFFFFFFF  }
0xa7: {  	s28 =	simm.s32 $_size_execute0_lowered;
	s3 =	sadd.s32 s3, s5;
	[dreg:$0x0] =	wrdreg $0x0  }
0xa8: {  	s5 =	sshll.u32 s28, $0x1;
	[dreg:$0x2] =	wrdreg s3  }
0xa9: {  	[dreg:$0x3] =	wrdreg s5  }
0xaa: {  	[dreg:$0x4] =	wrdreg $0xC0  }
0xab: {  	_ =	task [dreg:s7], $0x5FFFF  }
0xac: {  	[dreg:$0x1] =	wrdreg $0xFFFFFFFF  }
0xad: {  	[dreg:$0x0] =	wrdreg $0x60  }
0xae: {  	[dreg:$0x2] =	wrdreg s24  }
0xaf: {  	[dreg:$0x3] =	wrdreg s2  }
0xb0: {  	[dreg:$0x4] =	wrdreg $0x9  }
0xb1: {  	_ =	task.clear_ibuf [dreg:s7], $0x5FFFF;
	_ =	strace $0x90000049  }
0xb2: {  	s29 =	simm.s32 $0x9;
	_ =	strace $0x8000004B  }
0xb3: {  	_ =	swait.ge [sflag:s29], $0x1  }
0xb4: {  	[sflag:s29] =	ssyncadd.s32 $0xFFFFFFFF  }
0xb5: {  	_ =	strace $0x9000004B  }
0xb6: {  	_ =	sfence  }
0xb7: {  	s30 =	sld [smem:$0x0];
	_ =	sdelay $0x2  }
0xb8: {  	s31 =	sshll.u32 s1, $0xD;
	s1 =	sshrl.u32 s1, $0x2  }
0xb9: {  	s3 =	sand.u32 $0x4000, s31;
	s1 =	sadd.s32 s1, s30  }
0xba: {  	s0 =	sor.u32 s3, s0;
	s1 =	sshll.u32 s1, $0x11  }
0xbb: {  	s0 =	sor.u32 s1, s0  }
0xbc: {  	s0 =	sadd.s32 $0x8F2B, s0  }
0xbd: {  	[sflag:s0] =	ssyncadd.remote.s32 $0x1  }
0xbe: {  	_ =	sfence.sel $0xFFFF  }
0xbf: {  	[dreg:$0x0] =	wrdreg $0xFFFFFFFF;
	(pc) =	sbr.abs _section_cstart, $3  }
0xc0: {  	[dreg:$0x1] =	wrdreg $0xFFFFFFFF  }
0xc1: {  	_ =	task.clear_ibuf [dreg:s7], $0x2FFFF;
	_ =	strace $0x9FFFFFFF  }
0xc2: {  	(tm) =	ssettm $0x7FFFFFFF  }
0xc3: {  	_ =	shalt  }
tec
execute0_lowered:
.L_overlay_start_1:
0x0: {  	(tag) =	ssettag $0x1  }
0x1: {  	s1 =	rddreg [dreg:$0x0];
	s2 =	srdreg.scid  }
0x2: {  	s0 =	stileid.u32;
	s6 =	rddreg [dreg:$0x1];
	s10 =	simm.s32 $0x7  }
0x3: {  	s11 =	simm.s32 $0x80;
	s12 =	simm.s32 $0x6400;
	s13 =	simm.s32 $0xA400  }
0x4: {  	s14 =	simm.s32 $0x100;
	s15 =	simm.s32 $0xE400;
	s16 =	simm.s32 $0x1  }
0x5: {  	s17 =	simm.s32 $0x16400;
	s18 =	simm.s32 $0x12400;
	s19 =	simm.s32 $0x2  }
0x6: {  	s20 =	simm.s32 $0x1A400;
	s21 =	simm.s32 $0x3;
	s22 =	simm.s32 $0x5  }
0x7: {  	s23 =	simm.s32 $0x4;
	s24 =	simm.s32 $0x6;
	s25 =	simm.s32 $0x0  }
0x8: {  	s3 =	sand.u32 $0x1, s2;
	s4 =	sshll.u32 s0, $0x1;
	s2 =	simm.s32 $0x0  }
.Ltmp0:
0x9: {  	s5 =	sadd.s32 $0xF43600, s1;
	s4 =	sor.u32 s3, s4;
	(pc) =	sbr.rel .LBB2_1-.Ltmp0, $4  }
0xa: {  	[smem:$0x7FF] =	sst s2;
	s8 =	ssub.s32 $0x2, s3;
	s7 =	smul.u32 $0xC80, s4  }
0xb: {  	_ =	strace $0x8000004A;
	s3 =	smul.u32 $0xC8, s4;
	s31 =	sshrl.u32 s8, $0x1  }
0xc: {  	s4 =	sadd.s32 $0x1200, s1;
	s1 =	ssub.s32 s8, s31;
	s6 =	sadd.s32 s6, s7  }
0xd: {  	s7 =	sor.u32 $0x1, s3;
	s8 =	sor.u32 $0x2, s3;
	s9 =	smax.u32 s1, $0x1  }
.LBB2_12:
0xe: {  	s25 =	sadd.s32 $0x1, s25  }
0xf: {  	_ =	swait.ge [sflag:s22], $0x4000;
	p0 =	sne.s32 s25, s9  }
.Ltmp1:
0x10: {  	[sflag:s22] =	ssyncset.done $0x0;
	(pc) =	sbr.rel @!p0 .LBB2_13-.Ltmp1, $4  }
0x11: {  	[sflag:s22] =	ssyncadd.s32 $0xFFFFC000  }
0x12: {  	_ =	swait.ge [sflag:s24], $0x4000  }
0x13: {  	[sflag:s24] =	ssyncset.done $0x0  }
0x14: {  	[sflag:s24] =	ssyncadd.s32 $0xFFFFC000  }
.LBB2_1:
0x15: {  	[tilespmem:s2], [sflag:$0x7] =	stream.linear.gather [hbm4b:s6+s2], $0x6400, $0x38;
	[tilespmem:$0x1E400] =	vst v63  }
0x16: {  	_ =	swait.ge [sflag:s10], $0x6400  }
0x17: {  	[sflag:s10] =	ssyncset.done $0x0  }
0x18: {  	[sflag:s10] =	ssyncadd.s32 $0xFFFF9C00  }
0x19: {  	[tilespmem:s12], [sflag:$0x1] =	stream.indirect.gather [hbm4b:s4+s11], $0x80, s2, s11, $0xb8;
	[tilespmem:$0x1E400] =	vst v63  }
0x1a: {  	_ = 	snop  }
0x1b: {  	[tilespmem:s13], [sflag:$0x2] =	stream.indirect.gather [hbm4b:s4+s11], $0x80, s11, s11, $0xb8;
	[tilespmem:$0x1E400] =	vst v63  }
0x1c: {  	s26 =	simm.s32 $0x0  }
0x1d: {  	[tilespmem:s15], [sflag:$0x3] =	stream.indirect.gather [hbm4b:s4+s11], $0x80, s14, s11, $0xb8;
	[tilespmem:$0x1E400] =	vst v63  }
.LBB2_2:
0x1e: {  	_ =	swait.ge [sflag:s16], $0x4000  }
0x1f: {  	p0 =	seq.s32 s26, $0x0;
	[sflag:s16] =	ssyncset.done $0x0  }
0x20: {  	s1 =	simm.s32 @!p0 $0x5;
	[sflag:s16] =	ssyncadd.s32 $0xFFFFC000  }
0x21: {  	_ =	swait.ge @!p0 [sflag:s1], $0x4000  }
0x22: {  	[sflag:s1] =	ssyncset.done @!p0 $0x0  }
0x23: {  	s28 =	simm.s32 $0x0;
	[sflag:s1] =	ssyncadd.s32 @!p0 $0xFFFFC000  }
0x24: {  	v1 =	vld [tilespmem:s28+$0x6430]  }
0x25: {  	v2 =	vld [tilespmem:s28+$0x6400]  }
0x26: {  	v0 =	vld [tilespmem:s28+$0x6410]  }
0x27: {  	s29 =	sshll.u32 s26, $0x2;
	s30 =	simm.s32 $0x200;
	v3 =	vld [tilespmem:s28+$0x6420]  }
.LBB2_3:
0x28: {  	p1 =	sne.s32 s30, $0xFE00  }
.Ltmp2:
0x29: {  	s1 =	sshra.s32 s30, $0x2;
	s30 =	sadd.s32 $0x200, s30;
	[tilespmem:s28+$0x16430] =	vst v1;
	(pc) =	sbr.rel @p1 .LBB2_3-.Ltmp2, $4  }
0x2a: {  	v1 =	vld [tilespmem:s1+$0x6430];
	[tilespmem:s28+$0x16400] =	vst v2  }
0x2b: {  	v2 =	vld [tilespmem:s1+$0x6400];
	[tilespmem:s28+$0x16410] =	vst v0  }
0x2c: {  	v0 =	vld [tilespmem:s1+$0x6410];
	[tilespmem:s28+$0x16420] =	vst v3;
	s28 =	smov.u32 s1  }
0x2d: {  	v3 =	vld [tilespmem:s28+$0x6420]  }
0x2e: {  	_ = 	snop  }
0x2f: {  	[tilespmem:s28+$0x16430] =	vst v1  }
0x30: {  	s1 =	sadd.s32 s3, s29;
	[tilespmem:s28+$0x16400] =	vst v2  }
0x31: {  	s1 =	sshll.u32 s1, $0xB;
	[tilespmem:s28+$0x16410] =	vst v0  }
0x32: {  	s1 =	sadd.s32 s5, s1;
	[tilespmem:s28+$0x16420] =	vst v3;
	s28 =	sor.u32 $0x3, s29  }
0x33: {  	[hbm4b:s1+s2] =	stream.linear.scatter [tilespmem:s17], [sflag:$0x5], $0x4000, $0x38;
	[tilespmem:$0x1E400] =	vst v63  }
0x34: {  	s0 =	sshll.u32 s28, $0x7  }
0x35: {  	s1 =	sand.u32 $0x3FFFFF80, s0  }
0x36: {  	[tilespmem:s18], [sflag:$0x4] =	stream.indirect.gather [hbm4b:s4+s11], $0x80, s1, s11, $0xb8;
	[tilespmem:$0x1E400] =	vst v63  }
0x37: {  	_ =	swait.ge [sflag:s19], $0x4000  }
0x38: {  	[sflag:s19] =	ssyncset.done $0x0  }
0x39: {  	s1 =	simm.s32 @!p0 $0x6;
	[sflag:s19] =	ssyncadd.s32 $0xFFFFC000  }
0x3a: {  	_ =	swait.ge @!p0 [sflag:s1], $0x4000  }
0x3b: {  	[sflag:s1] =	ssyncset.done @!p0 $0x0  }
0x3c: {  	s30 =	simm.s32 $0x0;
	[sflag:s1] =	ssyncadd.s32 @!p0 $0xFFFFC000  }
0x3d: {  	v3 =	vld [tilespmem:s30+$0xA430]  }
0x3e: {  	v1 =	vld [tilespmem:s30+$0xA400]  }
0x3f: {  	v0 =	vld [tilespmem:s30+$0xA410]  }
0x40: {  	s31 =	simm.s32 $0x200;
	v2 =	vld [tilespmem:s30+$0xA420]  }
.LBB2_5:
0x41: {  	p0 =	sne.s32 s31, $0xFE00  }
.Ltmp3:
0x42: {  	s1 =	sshra.s32 s31, $0x2;
	s31 =	sadd.s32 $0x200, s31;
	[tilespmem:s30+$0x1A430] =	vst v3;
	(pc) =	sbr.rel @p0 .LBB2_5-.Ltmp3, $4  }
0x43: {  	v3 =	vld [tilespmem:s1+$0xA430];
	[tilespmem:s30+$0x1A400] =	vst v1  }
0x44: {  	v1 =	vld [tilespmem:s1+$0xA400];
	[tilespmem:s30+$0x1A410] =	vst v0  }
0x45: {  	v0 =	vld [tilespmem:s1+$0xA410];
	[tilespmem:s30+$0x1A420] =	vst v2;
	s30 =	smov.u32 s1  }
0x46: {  	v2 =	vld [tilespmem:s30+$0xA420]  }
0x47: {  	_ = 	snop  }
0x48: {  	s1 =	sadd.s32 s29, s7;
	[tilespmem:s30+$0x1A430] =	vst v3  }
0x49: {  	s1 =	sshll.u32 s1, $0xB;
	[tilespmem:s30+$0x1A400] =	vst v1  }
0x4a: {  	s1 =	sand.u32 $0x1FFFE800, s1;
	[tilespmem:s30+$0x1A410] =	vst v0  }
0x4b: {  	p0 =	seq.s32 s26, $0x31;
	s1 =	sadd.s32 s5, s1;
	[tilespmem:s30+$0x1A420] =	vst v2  }
0x4c: {  	[hbm4b:s1+s2] =	stream.linear.scatter [tilespmem:s20], [sflag:$0x6], $0x4000, $0x38;
	[tilespmem:$0x1E400] =	vst v63  }
0x4d: {  	s1 =	sshll.u32 @!p0 s26, $0x9  }
0x4e: {  	s30 =	sand.u32 @!p0 $0x3FFFFE00, s1  }
0x4f: {  	s31 =	simm.s32 @!p0 $0x80;
	s0 =	simm.s32 @!p0 $0x6400;
	s1 =	sadd.s32 @!p0 $0x200, s30  }
0x50: {  	[tilespmem:s0], [sflag:$0x1] =	stream.indirect.gather @!p0 [hbm4b:s4+s31], $0x80, s1, s31, $0xb8;
	[tilespmem:$0x1E400] =	vst v63  }
0x51: {  	_ =	swait.ge [sflag:s21], $0x4000  }
0x52: {  	[sflag:s21] =	ssyncset.done $0x0  }
0x53: {  	[sflag:s21] =	ssyncadd.s32 $0xFFFFC000  }
0x54: {  	_ =	swait.ge [sflag:s22], $0x4000  }
0x55: {  	[sflag:s22] =	ssyncset.done $0x0  }
0x56: {  	s31 =	simm.s32 $0x0;
	[sflag:s22] =	ssyncadd.s32 $0xFFFFC000  }
0x57: {  	v3 =	vld [tilespmem:s31+$0xE430]  }
0x58: {  	v1 =	vld [tilespmem:s31+$0xE400]  }
0x59: {  	v0 =	vld [tilespmem:s31+$0xE410]  }
0x5a: {  	s1 =	simm.s32 $0x200;
	v2 =	vld [tilespmem:s31+$0xE420]  }
.LBB2_7:
0x5b: {  	p1 =	sne.s32 s1, $0xFE00  }
.Ltmp4:
0x5c: {  	s0 =	sshra.s32 s1, $0x2;
	s1 =	sadd.s32 $0x200, s1;
	[tilespmem:s31+$0x16430] =	vst v3;
	(pc) =	sbr.rel @p1 .LBB2_7-.Ltmp4, $4  }
0x5d: {  	v3 =	vld [tilespmem:s0+$0xE430];
	[tilespmem:s31+$0x16400] =	vst v1  }
0x5e: {  	v1 =	vld [tilespmem:s0+$0xE400];
	[tilespmem:s31+$0x16410] =	vst v0  }
0x5f: {  	v0 =	vld [tilespmem:s0+$0xE410];
	[tilespmem:s31+$0x16420] =	vst v2;
	s31 =	smov.u32 s0  }
0x60: {  	v2 =	vld [tilespmem:s31+$0xE420]  }
0x61: {  	_ = 	snop  }
0x62: {  	s0 =	sadd.s32 s29, s8;
	[tilespmem:s31+$0x16430] =	vst v3  }
0x63: {  	s0 =	sshll.u32 s0, $0xB;
	[tilespmem:s31+$0x16400] =	vst v1  }
0x64: {  	s0 =	sand.u32 $0x1FFFF000, s0;
	[tilespmem:s31+$0x16410] =	vst v0  }
0x65: {  	s0 =	sadd.s32 s5, s0;
	[tilespmem:s31+$0x16420] =	vst v2  }
0x66: {  	[hbm4b:s0+s2] =	stream.linear.scatter [tilespmem:s17], [sflag:$0x5], $0x4000, $0x38;
	[tilespmem:$0x1E400] =	vst v63  }
0x67: {  	s1 =	simm.s32 @!p0 $0x80;
	s29 =	simm.s32 @!p0 $0xA400;
	s0 =	sadd.s32 @!p0 $0x280, s30  }
0x68: {  	[tilespmem:s29], [sflag:$0x2] =	stream.indirect.gather @!p0 [hbm4b:s4+s1], $0x80, s0, s1, $0xb8;
	[tilespmem:$0x1E400] =	vst v63  }
0x69: {  	_ =	swait.ge [sflag:s23], $0x4000  }
0x6a: {  	[sflag:s23] =	ssyncset.done $0x0  }
0x6b: {  	[sflag:s23] =	ssyncadd.s32 $0xFFFFC000  }
0x6c: {  	_ =	swait.ge [sflag:s24], $0x4000  }
0x6d: {  	[sflag:s24] =	ssyncset.done $0x0  }
0x6e: {  	s29 =	simm.s32 $0x0;
	[sflag:s24] =	ssyncadd.s32 $0xFFFFC000  }
0x6f: {  	v3 =	vld [tilespmem:s29+$0x12430]  }
0x70: {  	v1 =	vld [tilespmem:s29+$0x12400]  }
0x71: {  	v0 =	vld [tilespmem:s29+$0x12410]  }
0x72: {  	s1 =	simm.s32 $0x200;
	v2 =	vld [tilespmem:s29+$0x12420]  }
.LBB2_9:
0x73: {  	p1 =	sne.s32 s1, $0xFE00  }
.Ltmp5:
0x74: {  	s0 =	sshra.s32 s1, $0x2;
	s1 =	sadd.s32 $0x200, s1;
	[tilespmem:s29+$0x1A430] =	vst v3;
	(pc) =	sbr.rel @p1 .LBB2_9-.Ltmp5, $4  }
0x75: {  	v3 =	vld [tilespmem:s0+$0x12430];
	[tilespmem:s29+$0x1A400] =	vst v1  }
0x76: {  	v1 =	vld [tilespmem:s0+$0x12400];
	[tilespmem:s29+$0x1A410] =	vst v0  }
0x77: {  	v0 =	vld [tilespmem:s0+$0x12410];
	[tilespmem:s29+$0x1A420] =	vst v2;
	s29 =	smov.u32 s0  }
0x78: {  	v2 =	vld [tilespmem:s29+$0x12420]  }
0x79: {  	_ = 	snop  }
.Ltmp6:
0x7a: {  	s0 =	sadd.s32 s3, s28;
	[tilespmem:s29+$0x1A430] =	vst v3;
	(pc) =	sbr.rel @p0 .LBB2_12-.Ltmp6, $4  }
0x7b: {  	s0 =	sshll.u32 s0, $0xB;
	[tilespmem:s29+$0x1A400] =	vst v1  }
0x7c: {  	s0 =	sand.u32 $0x1FFFF800, s0;
	[tilespmem:s29+$0x1A410] =	vst v0  }
0x7d: {  	s0 =	sadd.s32 s5, s0;
	[tilespmem:s29+$0x1A420] =	vst v2  }
0x7e: {  	[hbm4b:s0+s2] =	stream.linear.scatter [tilespmem:s20], [sflag:$0x6], $0x4000, $0x38;
	[tilespmem:$0x1E400] =	vst v63  }
.Ltmp7:
0x7f: {  	(pc) =	sbr.rel .LBB2_2-.Ltmp7, $4  }
0x80: {  	s0 =	sshll.u32 s26, $0x9  }
0x81: {  	s0 =	sand.u32 $0x3FFFFE00, s0  }
0x82: {  	s26 =	sadd.s32 $0x1, s26;
	s0 =	sadd.s32 $0x300, s0  }
0x83: {  	[tilespmem:s15], [sflag:$0x3] =	stream.indirect.gather [hbm4b:s4+s11], $0x80, s0, s11, $0xb8;
	[tilespmem:$0x1E400] =	vst v63  }
.LBB2_13:
0x84: {  	_ =	sfence.sel $0x180000  }
0x85: {  	[bflag:$0x0] =	sbarrier.arrive $0xFFFF  }
0x86: {  	_ =	strace $0x9000004A  }
0x87: {  	s0 =	stileid.u32;
	[bflag:$0x2] =	sbarrier.arrive $0xFFFF  }
0x88: {  	p0 =	sne.s32 s0, $0x0;
	s0 =	rddreg [dreg:$0x2]  }
0x89: {  	s0 =	sadd.s32 @!p0 $0x100000, s0  }
0x8a: {  	[sflag:s0] =	ssyncadd.tile.s32 @!p0 $0x1;
	_ =	shalt  }
.Lfunc_end2:
_tile_overlayer_lowered:
.L_overlay_start_2:
0x8b: {  	(tag) =	ssettag $0x2  }
0x8c: {  	s0 =	rddreg [dreg:$0x0];
	s2 =	stileid.u32  }
0x8d: {  	s1 =	rddreg [dreg:$0x1];
	p0 =	sne.s32 s2, $0x0  }
0x8e: {  	s3 =	rddreg [dreg:$0x2];
	[bflag:$0x3] =	sbarrier.arrive $0xFFFF;
	s2 =	simm.s32 @!p0 $0x1C07  }
0x8f: {  	[timem:s3], [sflag:s2] =	dma.local @!p0 [hbm:s0], s1  }
0x90: {  	s0 =	simm.s32 @!p0 $0x7  }
0x91: {  	_ =	swait.ge @!p0 [sflag:s0], s1  }
0x92: {  	s1 =	ssub.s32 @!p0 $0x0, s1;
	[sflag:s0] =	ssyncset.done @!p0 $0x0  }
0x93: {  	[sflag:s0] =	ssyncadd.s32 @!p0 s1  }
0x94: {  	[bflag:$0x3] =	sbarrier.arrive $0xFFFF  }
0x95: {  	_ =	shalt  }

// kernel: sparse-core-data-format-call.cloned.1.call-start
scs
called_computation_lowered:
.L_overlay_start_0:
0x0: {  	s2 =	sld [smem:$0x3FD9]  }
0x1: {  	s3 =	sld [smem:$0x3FFE];
	_ =	sdelay $0x1  }
0x2: {  	s1 =	srdreg.scid  }
0x3: {  	s0 =	sand.u32 $0x1, s1  }
0x4: {  	s18 =	sshll.u32 s0, $0xA;
	s2 =	sadd.s32 s3, s2  }
0x5: {  	s2 =	sadd.s32 s2, s18  }
0x6: {  	[smem:$0x3FC6] =	sst s2  }
0x7: {  	_ = 	snop  }
0x8: {  	s2 =	sld [smem:$0x3FD0];
	(tm) =	ssettm $0x1  }
0x9: {  	s19 =	sld [smem:$0x3FFB];
	_ =	sdelay $0x3  }
0xa: {  	_ =	strace s19  }
0xb: {  	s3 =	sld [smem:$0x3FFC];
	_ =	sdelay $0x3  }
0xc: {  	_ =	strace s3  }
0xd: {  	s3 =	sld [smem:$0x3FFD];
	_ =	sdelay $0x3  }
0xe: {  	_ =	strace s3  }
0xf: {  	_ =	strace $0x8FFFFFFF  }
0x10: {  	s20 =	sld [smem:$0x3FDB];
	_ =	sdelay $0x1  }
0x11: {  	s4 =	simm.s32 $_scs_section_size  }
0x12: {  	s5 =	simm.s32 $_size__tile_overlayer_lowered;
	s6 =	simm.s32 $_tile_overlayer_lowered  }
0x13: {  	s23 =	simm.s32 $0x1BFF;
	s22 =	sshll.u32 s6, $0x1;
	s3 =	sadd.s32 s4, s20  }
0x14: {  	s7 =	simm.s32 $0x0;
	s21 =	sshll.u32 s5, $0x1;
	s5 =	sadd.s32 s22, s3  }
0x15: {  	[timem:s7], [sflag:s23] =	dma.local [hbm:s5], s21  }
0x16: {  	_ =	swait.ge [sflag:s23], s21  }
0x17: {  	s4 =	ssub.s32 $0x0, s21;
	[sflag:s23] =	ssyncset.done $0x0  }
0x18: {  	[sflag:s23] =	ssyncadd.s32 s4;
	_ =	sdelay $0x1  }
0x19: {  	s24 =	simm.s32 $0x1B8B  }
0x1a: {  	_ =	swait.ge [sflag:s24], $0x1  }
0x1b: {  	[sflag:s24] =	ssyncset.done $0x0  }
0x1c: {  	s26 =	simm.s32 $0x1B8E;
	s25 =	sld [smem:$0x3FFE];
	[sflag:s24] =	ssyncadd.s32 $0xFFFFFFFF  }
0x1d: {  	s27 =	simm.s32 $execute0_lowered;
	[smem:$0x3FD2] =	sst s26  }
0x1e: {  	s5 =	sshll.u32 s27, $0x1;
	_ =	strace $0x8000004C;
	[dreg:$0x1] =	wrdreg $0xFFFFFFFF  }
0x1f: {  	s28 =	simm.s32 $_size_execute0_lowered;
	s3 =	sadd.s32 s3, s5;
	[dreg:$0x0] =	wrdreg $0x0  }
0x20: {  	s5 =	sshll.u32 s28, $0x1;
	[dreg:$0x2] =	wrdreg s3  }
0x21: {  	[dreg:$0x3] =	wrdreg s5  }
0x22: {  	[dreg:$0x4] =	wrdreg $0xC0  }
0x23: {  	_ =	task [dreg:s7], $0x5FFFF  }
0x24: {  	[dreg:$0x1] =	wrdreg $0xFFFFFFFF  }
0x25: {  	[dreg:$0x0] =	wrdreg $0x60  }
0x26: {  	[dreg:$0x2] =	wrdreg s25  }
0x27: {  	[dreg:$0x3] =	wrdreg s2  }
0x28: {  	[dreg:$0x4] =	wrdreg $0x9  }
0x29: {  	_ =	task.clear_ibuf [dreg:s7], $0x5FFFF;
	_ =	strace $0x9000004C  }
0x2a: {  	s29 =	simm.s32 $0x9;
	_ =	strace $0x8000004E  }
0x2b: {  	_ =	swait.ge [sflag:s29], $0x1  }
0x2c: {  	[sflag:s29] =	ssyncadd.s32 $0xFFFFFFFF  }
0x2d: {  	_ =	strace $0x9000004E  }
0x2e: {  	_ =	sfence  }
0x2f: {  	s30 =	sld [smem:$0x0];
	_ =	sdelay $0x2  }
0x30: {  	s31 =	sshll.u32 s1, $0xD;
	s1 =	sshrl.u32 s1, $0x2  }
0x31: {  	s3 =	sand.u32 $0x4000, s31;
	s1 =	sadd.s32 s1, s30  }
0x32: {  	s0 =	sor.u32 s3, s0;
	s1 =	sshll.u32 s1, $0x11  }
0x33: {  	s0 =	sor.u32 s1, s0  }
0x34: {  	s0 =	sadd.s32 $0x8F2B, s0  }
0x35: {  	[sflag:s0] =	ssyncadd.remote.s32 $0x1  }
0x36: {  	_ =	sfence.sel $0xFFFF  }
0x37: {  	[dreg:$0x0] =	wrdreg $0xFFFFFFFF;
	(pc) =	sbr.abs _section_cstart, $3  }
0x38: {  	[dreg:$0x1] =	wrdreg $0xFFFFFFFF  }
0x39: {  	_ =	task.clear_ibuf [dreg:s7], $0x2FFFF;
	_ =	strace $0x9FFFFFFF  }
0x3a: {  	(tm) =	ssettm $0x7FFFFFFF  }
0x3b: {  	_ =	shalt  }
tec
execute0_lowered:
.L_overlay_start_1:
0x0: {  	(tag) =	ssettag $0x1  }
0x1: {  	s0 =	srdreg.scid  }
0x2: {  	s1 =	sshll.u32 s0, $0x4  }
0x3: {  	s0 =	stileid.u32;
	s1 =	sand.u32 $0x10, s1  }
0x4: {  	s1 =	sor.u32 s0, s1  }
0x5: {  	s6 =	rddreg [dreg:$0x0];
	s4 =	simm.s32 $0x1;
	s2 =	sshll.u32 s1, $0x7  }
0x6: {  	s7 =	simm.s32 $0x2;
	s12 =	simm.s32 $0x0;
	s1 =	ssub.s32 $0x1000, s2  }
0x7: {  	s8 =	simm.s32 $0x8000;
	s13 =	simm.s32 $0x0;
	s3 =	sand.u32 $0xF80, s1  }
0x8: {  	s9 =	simm.s32 $0x0;
	s5 =	sshrl.u32 s1, $0xC;
	p0 =	sne.s32 s3, $0x0  }
.Ltmp0:
0x9: {  	s1 =	rddreg [dreg:$0x2];
	s4 =	simm.s32 @!p0 $0x0;
	(pc) =	sbr.rel .LBB1_1-.Ltmp0, $4  }
0xa: {  	s11 =	simm.s32 $0x0;
	s3 =	rddreg [dreg:$0x1];
	s5 =	sadd.s32 s4, s5  }
0xb: {  	_ =	strace $0x8000004D;
	s4 =	simm.s32 $0x1;
	s5 =	smul.u32 $0xC8, s5  }
0xc: {  	s6 =	sadd.s32 $0xF43600, s6;
	s10 =	smov.u32 s2;
	[sflag:s4] =	ssyncpa.u1 $0x0  }
0xd: {  	p0 =	por $0x0, $0x0;
	[sflag:s7] =	ssyncpa.u1 $0x0;
	s7 =	sor.u32 $0x1, s5  }
.LBB1_4:
0xe: {  	s16 =	sshll.u32 s13, $0x3;
	s17 =	sand.u32 $0x78, s13  }
0xf: {  	s30 =	sand.u32 $0x7E00, s13;
	s12 =	sshll.u32 s12, $0xF;
	s16 =	sand.u32 $0xC00, s16  }
0x10: {  	[tilespmem:s15+$0x810 ss:$0x81] =	vst.msk $0xffff, v2;
	s31 =	sand.u32 $0x7, s13;
	s16 =	sor.u32 s17, s16;
	s17 =	sadd.s32 s3, s30  }
0x11: {  	[tilespmem:s15+$0x1020 ss:$0x81] =	vst.msk $0xffff, v0;
	s13 =	sshll.u32 s31, $0x12;
	s12 =	sadd.s32 s12, s17;
	s16 =	sshrl.u32 s16, $0x3  }
0x12: {  	[tilespmem:s15+$0x0 ss:$0x81] =	vst.msk $0xffff, v1;
	s13 =	sor.u32 $0x400, s13;
	s12 =	sadd.s32 s16, s12  }
0x13: {  	[hbm4b:s12+s13] =	stream.strided.scatter [tilespmem:s14], [sflag:$0x2], $0x2000, s8, s13, $0x20;
	[tilespmem:$0x8080] =	vst v63  }
.LBB1_5:
0x14: {  	s14 =	sadd.s32 $0x1, s9  }
0x15: {  	s12 =	sadd.s32 $0x1000, s10;
	s16 =	smov.u32 s10;
	p2 =	sgt.s32 s14, $0xC7  }
0x16: {  	s16 =	smov.u32 @p2 s12  }
0x17: {  	s14 =	simm.s32 @p2 $0x0;
	p2 =	sgt.s32 s16, $0xFFF  }
0x18: {  	s16 =	smov.u32 @p2 s2;
	p2 =	sne.s32 s11, s7  }
.Ltmp1:
0x19: {  	p1 =	slt.u32 s11, $0x2;
	(pc) =	sbr.rel @!p2 .LBB1_6-.Ltmp1, $4  }
0x1a: {  	s15 =	simm.s32 @!p1 $0x2  }
0x1b: {  	s13 =	smov.u32 s10;
	p0 =	por !p0, !p0;
	_ =	swait.ge @!p1 [sflag:s15], $0x2000  }
0x1c: {  	s12 =	smov.u32 s9;
	[sflag:s15] =	ssyncset.done @!p1 $0x0;
	s9 =	smov.u32 s14  }
0x1d: {  	s11 =	sadd.s32 $0x1, s11;
	[sflag:s15] =	ssyncadd.s32 @!p1 $0xFFFFE000;
	s10 =	smov.u32 s16  }
.LBB1_1:
0x1e: {  	p1 =	sge.u32 s11, s5  }
0x1f: {  	s14 =	sand.u32 @!p1 $0x1FFFFFF, s9  }
0x20: {  	s15 =	smulhi.u32 @!p1 $0x147AE15, s14;
	_ =	sdelay $0x1  }
0x21: {  	s15 =	smul.u32 @!p1 $0xC8, s15  }
0x22: {  	s16 =	sxor.u32 @!p1 $0xFFFFFFFF, s11;
	s17 =	smul.u32 @!p1 $0xC80, s10  }
0x23: {  	s31 =	sadd.s32 $0xFFFFFFFF, s11;
	s16 =	sshll.u32 @!p1 s16, $0xD;
	s14 =	ssub.s32 @!p1 s14, s15  }
0x24: {  	s15 =	sand.u32 @!p1 $0x2000, s16;
	s16 =	sadd.s32 @!p1 s6, s17;
	s14 =	sshll.u32 @!p1 s14, $0x4  }
0x25: {  	s17 =	simm.s32 @!p1 $0x6400;
	s14 =	sadd.s32 @!p1 s14, s16;
	s16 =	simm.s32 @!p1 $0x40  }
0x26: {  	[tilespmem:s15], [sflag:$0x1] =	stream.strided.gather @!p1 [hbm4b:s14+s16], $0x2000, s17, s16, $0x38;
	[tilespmem:$0x8080] =	vst v63  }
0x27: {  	p1 =	sge.u32 s31, s5  }
.Ltmp2:
0x28: {  	_ = 	snop;
	(pc) =	sbr.rel @p1 .LBB1_5-.Ltmp2, $1  }
0x29: {  	_ =	sdelay $0x3  }
0x2a: {  	s14 =	simm.s32 $0x1  }
0x2b: {  	_ =	swait.ge [sflag:s4], $0x2000;
	s14 =	simm.s32 @!p0 $0x0  }
0x2c: {  	[sflag:s4] =	ssyncset.done $0x0;
	s15 =	sshll.u32 s14, $0xD  }
0x2d: {  	[sflag:s4] =	ssyncadd.s32 $0xFFFFE000;
	s18 =	sor.u32 $0x20, s15  }
0x2e: {  	s14 =	smul.u32 $0x8100, s14;
	v3 =	vld [tilespmem:s18+$0x10]  }
0x2f: {  	s30 =	sand.u32 $0x1, s11;
	v2 =	vld [tilespmem:s18+$0xFFFFFFF0]  }
0x30: {  	s15 =	smul.u32 $0x8100, s30;
	s14 =	sshrl.u32 s14, $0x2;
	v0 =	vld [tilespmem:s18+$0x0]  }
0x31: {  	v1 =	vld [tilespmem:s18+$0xFFFFFFE0];
	s16 =	sor.u32 $0x4000, s14  }
0x32: {  	s31 =	sshrl.u32 s15, $0x2;
	s15 =	sadd.s32 $0x0, s16  }
0x33: {  	s17 =	simm.s32 $0x4;
	s18 =	sadd.s32 $0x40, s18;
	s14 =	sor.u32 $0x4000, s31;
	[tilespmem:s15+$0x1830 ss:$0x81] =	vst.msk $0xffff, v3  }
.LBB1_3:
0x34: {  	v3 =	vld [tilespmem:s18+$0x10];
	p1 =	sne.s32 s17, $0x1FC;
	[tilespmem:s15+$0x810 ss:$0x81] =	vst.msk $0xffff, v2;
	s19 =	smov.u32 s17;
	s17 =	sadd.s32 $0x4, s17  }
.Ltmp3:
0x35: {  	v2 =	vld [tilespmem:s18+$0xFFFFFFF0];
	[tilespmem:s15+$0x1020 ss:$0x81] =	vst.msk $0xffff, v0;
	(pc) =	sbr.rel @p1 .LBB1_3-.Ltmp3, $4  }
0x36: {  	v0 =	vld [tilespmem:s18+$0x0];
	[tilespmem:s15+$0x0 ss:$0x81] =	vst.msk $0xffff, v1  }
0x37: {  	s15 =	sshra.s32 s19, $0x2;
	v1 =	vld [tilespmem:s18+$0xFFFFFFE0]  }
0x38: {  	s15 =	sadd.s32 s15, s16  }
0x39: {  	s18 =	sadd.s32 $0x40, s18;
	[tilespmem:s15+$0x1830 ss:$0x81] =	vst.msk $0xffff, v3  }
.Ltmp4:
0x3a: {  	_ = 	snop;
	(pc) =	sbr.rel .LBB1_4-.Ltmp4, $1  }
0x3b: {  	_ =	sdelay $0x3  }
.LBB1_6:
0x3c: {  	_ =	sfence.sel $0x180000  }
0x3d: {  	s2 =	simm.s32 $0x1;
	[bflag:$0x0] =	sbarrier.arrive $0xFFFF  }
0x3e: {  	s31 =	simm.s32 $0x2;
	[sflag:s2] =	ssyncpa.u1 $0x1  }
0x3f: {  	[sflag:s31] =	ssyncpa.u1 $0x1  }
0x40: {  	p0 =	sne.s32 s0, $0x0;
	_ =	strace $0x9000004D  }
0x41: {  	s0 =	sadd.s32 @!p0 $0x100000, s1;
	[bflag:$0x2] =	sbarrier.arrive $0xFFFF  }
0x42: {  	[sflag:s0] =	ssyncadd.tile.s32 @!p0 $0x1;
	_ =	shalt  }
.Lfunc_end1:
_tile_overlayer_lowered:
.L_overlay_start_2:
0x43: {  	(tag) =	ssettag $0x2  }
0x44: {  	s0 =	rddreg [dreg:$0x0];
	s2 =	stileid.u32  }
0x45: {  	s1 =	rddreg [dreg:$0x1];
	p0 =	sne.s32 s2, $0x0  }
0x46: {  	s3 =	rddreg [dreg:$0x2];
	[bflag:$0x3] =	sbarrier.arrive $0xFFFF;
	s2 =	simm.s32 @!p0 $0x1C01  }
0x47: {  	[timem:s3], [sflag:s2] =	dma.local @!p0 [hbm:s0], s1  }
0x48: {  	s0 =	simm.s32 @!p0 $0x1  }
0x49: {  	_ =	swait.ge @!p0 [sflag:s0], s1  }
0x4a: {  	s1 =	ssub.s32 @!p0 $0x0, s1;
	[sflag:s0] =	ssyncset.done @!p0 $0x0  }
0x4b: {  	[sflag:s0] =	ssyncadd.s32 @!p0 s1  }
0x4c: {  	[bflag:$0x3] =	sbarrier.arrive $0xFFFF  }
0x4d: {  	_ =	shalt  }

</sc_bundles>
